<compile_context>
chip_gen: v7x
topology: tpu7x:2x2x1
jax: 0.10.2.dev20260603
libtpu: 0.0.44.dev20260713+nightly
codegen_flags: <defaults>
</compile_context>

<pallas_src>
import functools

import jax
import jax.numpy as jnp
from jax import lax
from jax.experimental import pallas as pl
from jax.experimental.pallas import tpu as pltpu
from jax.experimental.pallas import tpu_sc as plsc

N = 10000
E = 320000
IN_DIM = 128
HID = 128
OUT = 64
HALF = 32
K = 10
ALPHA = 0.1

NPAD = 10240
RT = NPAD // 16
CH = 160
EPT = CH * 128
E_PAD = 16 * EPT
DEG_CH = E_PAD // (32 * 128)

_f32 = jnp.float32


def _mlp_body(feats_ref, w1_ref, b1_ref, w2_ref, b2_ref, h1_ref, h_ref):
    a = jnp.dot(feats_ref[...], w1_ref[...],
                preferred_element_type=_f32) + b1_ref[...]
    h1_ref[...] = a
    h_ref[...] = jnp.dot(jnp.maximum(a, 0.0), w2_ref[...],
                         preferred_element_type=_f32) + b2_ref[...]


def _mlp(feats, W1, b1, W2, b2):
    RB = 2000
    grid = (N // RB,)
    return pl.pallas_call(
        _mlp_body,
        grid=grid,
        in_specs=[
            pl.BlockSpec((RB, IN_DIM), lambda i: (i, 0)),
            pl.BlockSpec((IN_DIM, HID), lambda i: (0, 0)),
            pl.BlockSpec((1, HID), lambda i: (0, 0)),
            pl.BlockSpec((HID, OUT), lambda i: (0, 0)),
            pl.BlockSpec((1, OUT), lambda i: (0, 0)),
        ],
        out_specs=[
            pl.BlockSpec((RB, HID), lambda i: (i, 0)),
            pl.BlockSpec((RB, OUT), lambda i: (i, 0)),
        ],
        out_shape=[
            jax.ShapeDtypeStruct((N, HID), _f32),
            jax.ShapeDtypeStruct((N, OUT), _f32),
        ],
    )(feats, W1.astype(_f32), b1.reshape(1, HID), W2.astype(_f32),
      b2.reshape(1, OUT))


def _deg_body(dst_hbm, deg_out, idx_v, ones_v, zb_v, deg_sh):
    c = lax.axis_index("core")
    s = lax.axis_index("subcore")
    wid = c * 16 + s

    @pl.loop(0, 8)
    def _(i):
        ones_v[pl.ds(i * 16, 16)] = jnp.full((16,), 1.0, _f32)
        zb_v[pl.ds(i * 16, 16)] = jnp.zeros((16,), _f32)

    @pl.loop(0, 5)
    def _(z):
        pltpu.sync_copy(zb_v, deg_sh.at[pl.ds(s * RT + z * 128, 128)])

    pltpu.sync_copy(dst_hbm.at[wid], idx_v)
    plsc.subcore_barrier()

    @pl.loop(0, DEG_CH)
    def _(j):
        pltpu.sync_copy(ones_v, deg_sh.at[idx_v.at[j]], add=True)

    plsc.subcore_barrier()

    @pl.when(s == 0)
    def _():
        pltpu.sync_copy(deg_sh, deg_out.at[c])


def _degree(dst_deg):
    mesh = plsc.VectorSubcoreMesh(core_axis_name="core",
                                  subcore_axis_name="subcore")
    f = pl.kernel(
        _deg_body,
        out_type=jax.ShapeDtypeStruct((2, NPAD), _f32),
        mesh=mesh,
        scratch_types=[
            pltpu.VMEM((DEG_CH, 128), jnp.int32),
            pltpu.VMEM((128,), _f32),
            pltpu.VMEM((128,), _f32),
            pltpu.VMEM_SHARED((NPAD,), _f32),
        ],
    )
    return f(dst_deg)


def _prep_body(deg_ref, h_ref, c1_ref, g0_ref, c2_ref, invx_ref):
    i = pl.program_id(0)
    rb = deg_ref.shape[0]
    rows = i * rb + lax.broadcasted_iota(jnp.int32, (rb, 1), 0)
    valid = rows < N
    d = jnp.maximum(deg_ref[...], 1.0)
    norm = jnp.where(valid, lax.rsqrt(d), 0.0)
    inv = jnp.where(valid, jnp.sqrt(d), 0.0)
    h = h_ref[...]
    g0lo = norm * h[:, :HALF]
    g0hi = norm * h[:, HALF:]
    g0_ref[0] = g0lo
    g0_ref[1] = g0hi
    c2_ref[0] = ALPHA * g0lo
    c2_ref[1] = ALPHA * g0hi
    ones = jnp.ones((1, HALF), _f32)
    c1_ref[...] = ((1.0 - ALPHA) * norm * norm) * ones
    invx_ref[0] = inv * ones
    invx_ref[1] = inv * ones


def _prep(deg_col, h_pad):
    RB = 2560
    grid = (NPAD // RB,)
    return pl.pallas_call(
        _prep_body,
        grid=grid,
        in_specs=[
            pl.BlockSpec((RB, 1), lambda i: (i, 0)),
            pl.BlockSpec((RB, OUT), lambda i: (i, 0)),
        ],
        out_specs=[
            pl.BlockSpec((RB, HALF), lambda i: (i, 0)),
            pl.BlockSpec((2, RB, HALF), lambda i: (0, i, 0)),
            pl.BlockSpec((2, RB, HALF), lambda i: (0, i, 0)),
            pl.BlockSpec((2, RB, HALF), lambda i: (0, i, 0)),
        ],
        out_shape=[
            jax.ShapeDtypeStruct((NPAD, HALF), _f32),
            jax.ShapeDtypeStruct((2, NPAD, HALF), _f32),
            jax.ShapeDtypeStruct((2, NPAD, HALF), _f32),
            jax.ShapeDtypeStruct((2, NPAD, HALF), _f32),
        ],
    )(deg_col, h_pad)


CHUNK = 64
CCH = EPT // CHUNK
BLK = 80
NBLK = CCH // BLK
NSLOT = 8
STAG = 4
EW = RT // 2


def _prop_body(src_hbm, dst_hbm, c1_hbm, c2_hbm, g0_hbm, gk_out,
               sidx, didx, rows, c1_b, c2_b, nbuf, zbuf, gs, ss, g_sh, agg_sh):
    c = lax.axis_index("core")
    s = lax.axis_index("subcore")
    rowbase = s * RT
    hrowbase = c * NPAD + rowbase
    chunkbase = s * CCH

    pltpu.sync_copy(c1_hbm.at[pl.ds(rowbase, RT)], c1_b)
    pltpu.sync_copy(c2_hbm.at[pl.ds(hrowbase, RT)], c2_b)
    pltpu.sync_copy(g0_hbm.at[pl.ds(hrowbase, RT)], g_sh.at[pl.ds(rowbase, RT)])

    @pl.loop(0, 32)
    def _(i):
        zbuf[i, pl.ds(0, 16)] = jnp.zeros((16,), _f32)
        zbuf[i, pl.ds(16, 16)] = jnp.zeros((16,), _f32)

    @pl.loop(0, 20)
    def _(z):
        pltpu.sync_copy(zbuf, agg_sh.at[pl.ds(rowbase + z * 32, 32)])

    plsc.subcore_barrier()

    def wait_gather(j, m):
        pltpu.make_async_copy(g_sh.at[sidx.at[j]], rows.at[m],
                              gs.at[m]).wait()

    def wait_scatter(j, m):
        pltpu.make_async_copy(rows.at[m], agg_sh.at[didx.at[j]],
                              ss.at[m]).wait()

    def fire_gather(j, m):
        pltpu.async_copy(g_sh.at[sidx.at[j]], rows.at[m], gs.at[m])

    def fire_scatter(j, m):
        pltpu.async_copy(rows.at[m], agg_sh.at[didx.at[j]], ss.at[m],
                         add=True)

    @pl.loop(0, K)
    def _(t):
        @pl.loop(0, NBLK)
        def _(b):
            pltpu.sync_copy(src_hbm.at[pl.ds(chunkbase + b * BLK, BLK)], sidx)
            pltpu.sync_copy(dst_hbm.at[pl.ds(chunkbase + b * BLK, BLK)], didx)

            @pl.loop(0, BLK, step=NSLOT)
            def _(j0):
                for cc in range(NSLOT):
                    j = j0 + cc
                    mS = (cc + NSLOT - STAG) % NSLOT

                    @pl.when(j >= NSLOT)
                    def _():
                        wait_scatter(j - NSLOT, cc)

                    fire_gather(j, cc)

                    @pl.when(j >= STAG)
                    def _():
                        wait_gather(j - STAG, mS)
                        fire_scatter(j - STAG, mS)

            for j in range(BLK - STAG, BLK):
                wait_gather(j, j % NSLOT)
                fire_scatter(j, j % NSLOT)
            for j in range(BLK - NSLOT, BLK):
                wait_scatter(j, j % NSLOT)

        plsc.subcore_barrier()

        for half in (0, 1):
            hb = half * EW
            pltpu.sync_copy(agg_sh.at[pl.ds(rowbase + hb, EW)], nbuf)

            @pl.loop(0, EW, unroll=8)
            def _(i):
                lo = pl.ds(0, 16)
                hi = pl.ds(16, 16)
                nbuf[i, lo] = c1_b[hb + i, lo] * nbuf[i, lo] + c2_b[hb + i, lo]
                nbuf[i, hi] = c1_b[hb + i, hi] * nbuf[i, hi] + c2_b[hb + i, hi]

            pltpu.sync_copy(nbuf, g_sh.at[pl.ds(rowbase + hb, EW)])

        @pl.loop(0, 20)
        def _(z):
            pltpu.sync_copy(zbuf, agg_sh.at[pl.ds(rowbase + z * 32, 32)])

        plsc.subcore_barrier()

    pltpu.sync_copy(g_sh.at[pl.ds(rowbase, RT)], gk_out.at[pl.ds(hrowbase, RT)])


def _propagate(src_idx, dst_idx, c1x, c2f, g0f):
    mesh = plsc.VectorSubcoreMesh(core_axis_name="core",
                                  subcore_axis_name="subcore")
    f = pl.kernel(
        _prop_body,
        out_type=jax.ShapeDtypeStruct((2 * NPAD, HALF), _f32),
        mesh=mesh,
        compiler_params=pltpu.CompilerParams(use_tc_tiling_on_sc=False),
        scratch_types=[
            pltpu.VMEM((BLK, CHUNK), jnp.int32),
            pltpu.VMEM((BLK, CHUNK), jnp.int32),
            pltpu.VMEM((NSLOT, CHUNK, HALF), _f32),
            pltpu.VMEM((RT, HALF), _f32),
            pltpu.VMEM((RT, HALF), _f32),
            pltpu.VMEM((EW, HALF), _f32),
            pltpu.VMEM((32, HALF), _f32),
            pltpu.SemaphoreType.DMA((NSLOT,)),
            pltpu.SemaphoreType.DMA((NSLOT,)),
            pltpu.VMEM_SHARED((NPAD, HALF), _f32),
            pltpu.VMEM_SHARED((NPAD, HALF), _f32),
        ],
    )
    return f(src_idx, dst_idx, c1x, c2f, g0f)


def _final_body(gk_ref, invx_ref, h_ref):
    h_ref[...] = jnp.concatenate(
        [gk_ref[0] * invx_ref[0], gk_ref[1] * invx_ref[1]], axis=1)


def _final(gk, invx):
    RB = 2000
    grid = (N // RB,)
    return pl.pallas_call(
        _final_body,
        grid=grid,
        in_specs=[
            pl.BlockSpec((2, RB, HALF), lambda i: (0, i, 0)),
            pl.BlockSpec((2, RB, HALF), lambda i: (0, i, 0)),
        ],
        out_specs=pl.BlockSpec((RB, OUT), lambda i: (i, 0)),
        out_shape=jax.ShapeDtypeStruct((N, OUT), _f32),
    )(gk, invx)


@jax.jit
def kernel(feats, edge_index, W1, b1, W2, b2):
    src = edge_index[0]
    dst = edge_index[1]
    pad = E_PAD - E
    src_p = jnp.concatenate([src, jnp.full((pad,), N, jnp.int32)])
    dst_p = jnp.concatenate([dst, jnp.full((pad,), N, jnp.int32)])
    src_idx = src_p.reshape(16 * CCH, CHUNK)
    dst_idx = dst_p.reshape(16 * CCH, CHUNK)
    dst_deg = dst_p.reshape(32, DEG_CH, 128)

    h1, h = _mlp(feats, W1, b1, W2, b2)
    deg2 = _degree(dst_deg)
    deg_col = (deg2[0] + deg2[1]).reshape(NPAD, 1)
    h_pad = jnp.pad(h, ((0, NPAD - N), (0, 0)))
    c1x, g0, c2, invx = _prep(deg_col, h_pad)
    gk = _propagate(src_idx, dst_idx, c1x,
                    c2.reshape(2 * NPAD, HALF), g0.reshape(2 * NPAD, HALF))
    hout = _final(gk.reshape(2, NPAD, HALF), invx)
    return (h1, hout)

# --- scband reference (transcript-rebuilt; emitter-appended) ---
"""Pipeline reference for scband-model-33088428048398 (READ-ONLY COPY).

The authoritative reference and input builder live on the scoring server;
editing this copy changes nothing except your own understanding.
"""

import jax, jax.numpy as jnp
import numpy as np

N = 10000
E = 320000
IN_DIM = 128
HID = 128
OUT = 64
K = 10
ALPHA = 0.1


def setup_inputs(seed: int = 0) -> dict:
    key = jax.random.key(seed)
    k1, k2, k3, k4 = jax.random.split(key, 4)
    feats = jax.random.normal(k1, (N, IN_DIM), dtype=jnp.float32)
    edge_index = jax.random.randint(k2, (2, E), 0, N, dtype=jnp.int32)
    W1 = jax.random.normal(k3, (IN_DIM, HID), dtype=jnp.float32) * (1.0 / np.sqrt(IN_DIM))
    b1 = jnp.zeros((HID,), dtype=jnp.float32)
    W2 = jax.random.normal(k4, (HID, OUT), dtype=jnp.float32) * (1.0 / np.sqrt(HID))
    b2 = jnp.zeros((OUT,), dtype=jnp.float32)
    return {"feats": feats, "edge_index": edge_index, "W1": W1, "b1": b1, "W2": W2, "b2": b2}


def reference(feats, edge_index, W1, b1, W2, b2):
    # MLP part (eval mode: dropout is identity, norm_type='none')
    h1 = feats @ W1 + b1           # first layer output, appended to h_list
    h = jax.nn.relu(h1)
    h = h @ W2 + b2                # logits, shape [N, OUT]

    # APPNPConv propagation (DGL semantics, eval mode: edge_drop inactive)
    src = edge_index[0]
    dst = edge_index[1]
    deg = jnp.zeros((N,), dtype=jnp.float32).at[dst].add(1.0)
    deg = jnp.clip(deg, 1.0, None)
    norm = deg ** -0.5
    h0 = h
    for _ in range(K):
        m = (h * norm[:, None])[src]                       # gather src features (pre-normalized)
        agg = jnp.zeros((N, OUT), dtype=jnp.float32).at[dst].add(m)  # scatter-add to dst
        h = agg * norm[:, None]
        h = (1.0 - ALPHA) * h + ALPHA * h0
    # original forward returns (h_list, h); h_list == [h1]
    return (h1, h)

if __name__ == "__main__":
    import jax
    _d = setup_inputs()
    print(jax.jit(kernel)(*tuple(_d.values())))

</pallas_src>

<mosaic_0001>
#map = affine_map<(d0, d1) -> (0, 0)>
module attributes {stable_mosaic.version = 14 : i64} {
  func.func @_prop_body(%arg0: i32, %arg1: i32, %arg2: memref<5120x64xi32, #tpu.memory_space<hbm>>, %arg3: memref<5120x64xi32, #tpu.memory_space<hbm>>, %arg4: memref<10240x32xf32, #tpu.memory_space<hbm>>, %arg5: memref<20480x32xf32, #tpu.memory_space<hbm>>, %arg6: memref<20480x32xf32, #tpu.memory_space<hbm>>, %arg7: memref<20480x32xf32, #tpu.memory_space<hbm>>, %arg8: memref<80x64xi32, #tpu.memory_space<vmem>>, %arg9: memref<80x64xi32, #tpu.memory_space<vmem>>, %arg10: memref<8x64x32xf32, #tpu.memory_space<vmem>>, %arg11: memref<640x32xf32, #tpu.memory_space<vmem>>, %arg12: memref<640x32xf32, #tpu.memory_space<vmem>>, %arg13: memref<320x32xf32, #tpu.memory_space<vmem>>, %arg14: memref<32x32xf32, #tpu.memory_space<vmem>>, %arg15: memref<8x!tpu.dma_semaphore, #tpu.memory_space<semaphore_mem>>, %arg16: memref<8x!tpu.dma_semaphore, #tpu.memory_space<semaphore_mem>>, %arg17: memref<10240x32xf32, #tpu.memory_space<vmem_shared>>, %arg18: memref<10240x32xf32, #tpu.memory_space<vmem_shared>>) attributes {dimension_semantics = [#tpu.dimension_semantics<core_parallel>, #tpu.dimension_semantics<subcore_parallel>], iteration_bounds = array<i64: 2, 16>, scalar_prefetch = 0 : i64, scratch_operands = 11 : i64, tpu.core_type = #tpu.core_type<sc_vector_subcore>, window_params = [{transform_indices = #map}, {transform_indices = #map}, {transform_indices = #map}, {transform_indices = #map}, {transform_indices = #map}, {transform_indices = #map}]} {
    %mul3A = arith.constant 640 : i32
    %mul3A_0 = arith.muli %arg1, %mul3A : i32
    %mul3A_1 = arith.constant 10240 : i32
    %mul3A_2 = arith.muli %arg0, %mul3A_1 : i32
    %add3A = arith.addi %mul3A_2, %mul3A_0 : i32
    %mul3A_3 = arith.constant 320 : i32
    %mul3A_4 = arith.muli %arg1, %mul3A_3 : i32
    "tpu.region"() ({
      %run_scoped3A = tpu.sem_alloc : memref<!tpu.dma_semaphore, #tpu.memory_space<semaphore_mem>>
      %dma_start3A = arith.constant 0 : i32
      %dma_start3A_19 = tpu.memref_slice %arg4[%mul3A_0, %dma_start3A] : memref<10240x32xf32, #tpu.memory_space<hbm>> -> memref<640x32xf32, #tpu.memory_space<hbm>>
      %dma_start3A_20 = arith.constant 0 : i32
      %dma_start3A_21 = tpu.memref_slice %arg4[%mul3A_0, %dma_start3A_20] : memref<10240x32xf32, #tpu.memory_space<hbm>> -> memref<640x32xf32, #tpu.memory_space<hbm>>
      tpu.enqueue_dma source(%dma_start3A_21 : memref<640x32xf32, #tpu.memory_space<hbm>>) target(%arg11 : memref<640x32xf32, #tpu.memory_space<vmem>>) target_semaphore(%run_scoped3A : memref<!tpu.dma_semaphore, #tpu.memory_space<semaphore_mem>>)
      %dma_wait3A = arith.constant 0 : i32
      %dma_wait3A_22 = tpu.memref_slice %arg4[%mul3A_0, %dma_wait3A] : memref<10240x32xf32, #tpu.memory_space<hbm>> -> memref<640x32xf32, #tpu.memory_space<hbm>>
      %dma_wait3A_23 = arith.constant 0 : i32
      %dma_wait3A_24 = tpu.memref_slice %arg4[%mul3A_0, %dma_wait3A_23] : memref<10240x32xf32, #tpu.memory_space<hbm>> -> memref<640x32xf32, #tpu.memory_space<hbm>>
      tpu.wait_dma2 semaphore(%run_scoped3A : memref<!tpu.dma_semaphore, #tpu.memory_space<semaphore_mem>>) src(%dma_wait3A_24 : memref<640x32xf32, #tpu.memory_space<hbm>>) dst(%arg11 : memref<640x32xf32, #tpu.memory_space<vmem>>)
      tpu.yield
    }) : () -> ()
    "tpu.region"() ({
      %run_scoped3A = tpu.sem_alloc : memref<!tpu.dma_semaphore, #tpu.memory_space<semaphore_mem>>
      %dma_start3A = arith.constant 0 : i32
      %dma_start3A_19 = tpu.memref_slice %arg5[%add3A, %dma_start3A] : memref<20480x32xf32, #tpu.memory_space<hbm>> -> memref<640x32xf32, #tpu.memory_space<hbm>>
      %dma_start3A_20 = arith.constant 0 : i32
      %dma_start3A_21 = tpu.memref_slice %arg5[%add3A, %dma_start3A_20] : memref<20480x32xf32, #tpu.memory_space<hbm>> -> memref<640x32xf32, #tpu.memory_space<hbm>>
      tpu.enqueue_dma source(%dma_start3A_21 : memref<640x32xf32, #tpu.memory_space<hbm>>) target(%arg12 : memref<640x32xf32, #tpu.memory_space<vmem>>) target_semaphore(%run_scoped3A : memref<!tpu.dma_semaphore, #tpu.memory_space<semaphore_mem>>)
      %dma_wait3A = arith.constant 0 : i32
      %dma_wait3A_22 = tpu.memref_slice %arg5[%add3A, %dma_wait3A] : memref<20480x32xf32, #tpu.memory_space<hbm>> -> memref<640x32xf32, #tpu.memory_space<hbm>>
      %dma_wait3A_23 = arith.constant 0 : i32
      %dma_wait3A_24 = tpu.memref_slice %arg5[%add3A, %dma_wait3A_23] : memref<20480x32xf32, #tpu.memory_space<hbm>> -> memref<640x32xf32, #tpu.memory_space<hbm>>
      tpu.wait_dma2 semaphore(%run_scoped3A : memref<!tpu.dma_semaphore, #tpu.memory_space<semaphore_mem>>) src(%dma_wait3A_24 : memref<640x32xf32, #tpu.memory_space<hbm>>) dst(%arg12 : memref<640x32xf32, #tpu.memory_space<vmem>>)
      tpu.yield
    }) : () -> ()
    "tpu.region"() ({
      %run_scoped3A = tpu.sem_alloc : memref<!tpu.dma_semaphore, #tpu.memory_space<semaphore_mem>>
      %dma_start3A = arith.constant 0 : i32
      %dma_start3A_19 = tpu.memref_slice %arg17[%mul3A_0, %dma_start3A] : memref<10240x32xf32, #tpu.memory_space<vmem_shared>> -> memref<640x32xf32, #tpu.memory_space<vmem_shared>>
      %dma_start3A_20 = arith.constant 0 : i32
      %dma_start3A_21 = tpu.memref_slice %arg6[%add3A, %dma_start3A_20] : memref<20480x32xf32, #tpu.memory_space<hbm>> -> memref<640x32xf32, #tpu.memory_space<hbm>>
      tpu.enqueue_dma source(%dma_start3A_21 : memref<640x32xf32, #tpu.memory_space<hbm>>) target(%dma_start3A_19 : memref<640x32xf32, #tpu.memory_space<vmem_shared>>) target_semaphore(%run_scoped3A : memref<!tpu.dma_semaphore, #tpu.memory_space<semaphore_mem>>)
      %dma_wait3A = arith.constant 0 : i32
      %dma_wait3A_22 = tpu.memref_slice %arg17[%mul3A_0, %dma_wait3A] : memref<10240x32xf32, #tpu.memory_space<vmem_shared>> -> memref<640x32xf32, #tpu.memory_space<vmem_shared>>
      %dma_wait3A_23 = arith.constant 0 : i32
      %dma_wait3A_24 = tpu.memref_slice %arg6[%add3A, %dma_wait3A_23] : memref<20480x32xf32, #tpu.memory_space<hbm>> -> memref<640x32xf32, #tpu.memory_space<hbm>>
      tpu.wait_dma2 semaphore(%run_scoped3A : memref<!tpu.dma_semaphore, #tpu.memory_space<semaphore_mem>>) src(%dma_wait3A_24 : memref<640x32xf32, #tpu.memory_space<hbm>>) dst(%dma_wait3A_22 : memref<640x32xf32, #tpu.memory_space<vmem_shared>>)
      tpu.yield
    }) : () -> ()
    %scan3A = arith.constant 0 : i32
    %scan3A_5 = arith.constant 32 : i32
    %scan3A_6 = arith.addi %scan3A, %scan3A_5 : i32
    %scan3A_7 = arith.constant 1 : i32
    scf.for %scan3A_19 = %scan3A to %scan3A_6 step %scan3A_7  : i32 {
      %mul3A_20 = arith.constant 1 : i32
      %mul3A_21 = arith.muli %scan3A_19, %mul3A_20 : i32
      %add3A_22 = arith.constant 0 : i32
      %add3A_23 = arith.addi %add3A_22, %mul3A_21 : i32
      %broadcast_in_dim3A = arith.constant 0.000000e+00 : f32
      %broadcast_in_dim3A_24 = vector.broadcast %broadcast_in_dim3A : f32 to vector<16xf32>
      %swap3A = arith.index_cast %add3A_23 : i32 to index
      %swap3A_25 = arith.constant 0 : index
      %swap3A_26 = tpu.vector_load %arg14[%swap3A, %swap3A_25] {strides = array<i32>} : memref<32x32xf32, #tpu.memory_space<vmem>>, vector<1x16xf32>,
      %swap3A_27 = vector.shape_cast %swap3A_26 : vector<1x16xf32> to vector<16xf32>
      %swap3A_28 = vector.shape_cast %broadcast_in_dim3A_24 : vector<16xf32> to vector<1x16xf32>
      tpu.vector_store %arg14[%swap3A, %swap3A_25], %swap3A_28 {strides = array<i32>} : memref<32x32xf32, #tpu.memory_space<vmem>>, vector<1x16xf32>,
      %broadcast_in_dim3A_29 = arith.constant 0.000000e+00 : f32
      %broadcast_in_dim3A_30 = vector.broadcast %broadcast_in_dim3A_29 : f32 to vector<16xf32>
      %swap3A_31 = arith.index_cast %add3A_23 : i32 to index
      %swap3A_32 = arith.constant 16 : index
      %swap3A_33 = tpu.vector_load %arg14[%swap3A_31, %swap3A_32] {strides = array<i32>} : memref<32x32xf32, #tpu.memory_space<vmem>>, vector<1x16xf32>,
      %swap3A_34 = vector.shape_cast %swap3A_33 : vector<1x16xf32> to vector<16xf32>
      %swap3A_35 = vector.shape_cast %broadcast_in_dim3A_30 : vector<16xf32> to vector<1x16xf32>
      tpu.vector_store %arg14[%swap3A_31, %swap3A_32], %swap3A_35 {strides = array<i32>} : memref<32x32xf32, #tpu.memory_space<vmem>>, vector<1x16xf32>,
    }
    %scan3A_8 = arith.constant 32 : i32
    %scan3A_9 = arith.constant 0 : i32
    %scan3A_10 = arith.constant 20 : i32
    %scan3A_11 = arith.addi %scan3A_9, %scan3A_10 : i32
    %scan3A_12 = arith.constant 1 : i32
    scf.for %scan3A_19 = %scan3A_9 to %scan3A_11 step %scan3A_12  : i32 {
      %mul3A_20 = arith.constant 1 : i32
      %mul3A_21 = arith.muli %scan3A_19, %mul3A_20 : i32
      %add3A_22 = arith.constant 0 : i32
      %add3A_23 = arith.addi %add3A_22, %mul3A_21 : i32
      %mul3A_24 = arith.constant 32 : i32
      %mul3A_25 = arith.muli %add3A_23, %mul3A_24 : i32
      %add3A_26 = arith.addi %mul3A_0, %mul3A_25 : i32
      "tpu.region"() ({
        %run_scoped3A = tpu.sem_alloc : memref<!tpu.dma_semaphore, #tpu.memory_space<semaphore_mem>>
        %dma_start3A = arith.constant 0 : i32
        %dma_start3A_27 = tpu.memref_slice %arg18[%add3A_26, %dma_start3A] : memref<10240x32xf32, #tpu.memory_space<vmem_shared>> -> memref<32x32xf32, #tpu.memory_space<vmem_shared>>
        %dma_start3A_28 = arith.constant 0 : i32
        %dma_start3A_29 = tpu.memref_slice %arg18[%add3A_26, %dma_start3A_28] : memref<10240x32xf32, #tpu.memory_space<vmem_shared>> -> memref<32x32xf32, #tpu.memory_space<vmem_shared>>
        tpu.enqueue_dma source(%arg14 : memref<32x32xf32, #tpu.memory_space<vmem>>) target(%dma_start3A_29 : memref<32x32xf32, #tpu.memory_space<vmem_shared>>) target_semaphore(%run_scoped3A : memref<!tpu.dma_semaphore, #tpu.memory_space<semaphore_mem>>)
        %dma_wait3A = arith.constant 0 : i32
        %dma_wait3A_30 = tpu.memref_slice %arg18[%add3A_26, %dma_wait3A] : memref<10240x32xf32, #tpu.memory_space<vmem_shared>> -> memref<32x32xf32, #tpu.memory_space<vmem_shared>>
        %dma_wait3A_31 = arith.constant 0 : i32
        %dma_wait3A_32 = tpu.memref_slice %arg18[%add3A_26, %dma_wait3A_31] : memref<10240x32xf32, #tpu.memory_space<vmem_shared>> -> memref<32x32xf32, #tpu.memory_space<vmem_shared>>
        tpu.wait_dma2 semaphore(%run_scoped3A : memref<!tpu.dma_semaphore, #tpu.memory_space<semaphore_mem>>) src(%arg14 : memref<32x32xf32, #tpu.memory_space<vmem>>) dst(%dma_wait3A_32 : memref<32x32xf32, #tpu.memory_space<vmem_shared>>)
        tpu.yield
      }) : () -> ()
    }
    %scan3A_13 = arith.constant 20 : i32
    %barrier3A = arith.constant 0 : index
    tpu.barrier barrier_id(%barrier3A)
    %scan3A_14 = arith.constant 0 : i32
    %scan3A_15 = arith.constant 10 : i32
    %scan3A_16 = arith.addi %scan3A_14, %scan3A_15 : i32
    %scan3A_17 = arith.constant 1 : i32
    scf.for %scan3A_19 = %scan3A_14 to %scan3A_16 step %scan3A_17  : i32 {
      %mul3A_20 = arith.constant 1 : i32
      %mul3A_21 = arith.muli %scan3A_19, %mul3A_20 : i32
      %add3A_22 = arith.constant 0 : i32
      %add3A_23 = arith.addi %add3A_22, %mul3A_21 : i32
      %scan3A_24 = arith.constant 0 : i32
      %scan3A_25 = arith.constant 4 : i32
      %scan3A_26 = arith.addi %scan3A_24, %scan3A_25 : i32
      %scan3A_27 = arith.constant 1 : i32
      scf.for %scan3A_54 = %scan3A_24 to %scan3A_26 step %scan3A_27  : i32 {
        %mul3A_55 = arith.constant 1 : i32
        %mul3A_56 = arith.muli %scan3A_54, %mul3A_55 : i32
        %add3A_57 = arith.constant 0 : i32
        %add3A_58 = arith.addi %add3A_57, %mul3A_56 : i32
        %mul3A_59 = arith.constant 80 : i32
        %mul3A_60 = arith.muli %add3A_58, %mul3A_59 : i32
        %add3A_61 = arith.addi %mul3A_4, %mul3A_60 : i32
        "tpu.region"() ({
          %run_scoped3A = tpu.sem_alloc : memref<!tpu.dma_semaphore, #tpu.memory_space<semaphore_mem>>
          %dma_start3A_308 = arith.constant 0 : i32
          %dma_start3A_309 = tpu.memref_slice %arg2[%add3A_61, %dma_start3A_308] : memref<5120x64xi32, #tpu.memory_space<hbm>> -> memref<80x64xi32, #tpu.memory_space<hbm>>
          %dma_start3A_310 = arith.constant 0 : i32
          %dma_start3A_311 = tpu.memref_slice %arg2[%add3A_61, %dma_start3A_310] : memref<5120x64xi32, #tpu.memory_space<hbm>> -> memref<80x64xi32, #tpu.memory_space<hbm>>
          tpu.enqueue_dma source(%dma_start3A_311 : memref<80x64xi32, #tpu.memory_space<hbm>>) target(%arg8 : memref<80x64xi32, #tpu.memory_space<vmem>>) target_semaphore(%run_scoped3A : memref<!tpu.dma_semaphore, #tpu.memory_space<semaphore_mem>>)
          %dma_wait3A_312 = arith.constant 0 : i32
          %dma_wait3A_313 = tpu.memref_slice %arg2[%add3A_61, %dma_wait3A_312] : memref<5120x64xi32, #tpu.memory_space<hbm>> -> memref<80x64xi32, #tpu.memory_space<hbm>>
          %dma_wait3A_314 = arith.constant 0 : i32
          %dma_wait3A_315 = tpu.memref_slice %arg2[%add3A_61, %dma_wait3A_314] : memref<5120x64xi32, #tpu.memory_space<hbm>> -> memref<80x64xi32, #tpu.memory_space<hbm>>
          tpu.wait_dma2 semaphore(%run_scoped3A : memref<!tpu.dma_semaphore, #tpu.memory_space<semaphore_mem>>) src(%dma_wait3A_315 : memref<80x64xi32, #tpu.memory_space<hbm>>) dst(%arg8 : memref<80x64xi32, #tpu.memory_space<vmem>>)
          tpu.yield
        }) : () -> ()
        %mul3A_62 = arith.constant 80 : i32
        %mul3A_63 = arith.muli %add3A_58, %mul3A_62 : i32
        %add3A_64 = arith.addi %mul3A_4, %mul3A_63 : i32
        "tpu.region"() ({
          %run_scoped3A = tpu.sem_alloc : memref<!tpu.dma_semaphore, #tpu.memory_space<semaphore_mem>>
          %dma_start3A_308 = arith.constant 0 : i32
          %dma_start3A_309 = tpu.memref_slice %arg3[%add3A_64, %dma_start3A_308] : memref<5120x64xi32, #tpu.memory_space<hbm>> -> memref<80x64xi32, #tpu.memory_space<hbm>>
          %dma_start3A_310 = arith.constant 0 : i32
          %dma_start3A_311 = tpu.memref_slice %arg3[%add3A_64, %dma_start3A_310] : memref<5120x64xi32, #tpu.memory_space<hbm>> -> memref<80x64xi32, #tpu.memory_space<hbm>>
          tpu.enqueue_dma source(%dma_start3A_311 : memref<80x64xi32, #tpu.memory_space<hbm>>) target(%arg9 : memref<80x64xi32, #tpu.memory_space<vmem>>) target_semaphore(%run_scoped3A : memref<!tpu.dma_semaphore, #tpu.memory_space<semaphore_mem>>)
          %dma_wait3A_312 = arith.constant 0 : i32
          %dma_wait3A_313 = tpu.memref_slice %arg3[%add3A_64, %dma_wait3A_312] : memref<5120x64xi32, #tpu.memory_space<hbm>> -> memref<80x64xi32, #tpu.memory_space<hbm>>
          %dma_wait3A_314 = arith.constant 0 : i32
          %dma_wait3A_315 = tpu.memref_slice %arg3[%add3A_64, %dma_wait3A_314] : memref<5120x64xi32, #tpu.memory_space<hbm>> -> memref<80x64xi32, #tpu.memory_space<hbm>>
          tpu.wait_dma2 semaphore(%run_scoped3A : memref<!tpu.dma_semaphore, #tpu.memory_space<semaphore_mem>>) src(%dma_wait3A_315 : memref<80x64xi32, #tpu.memory_space<hbm>>) dst(%arg9 : memref<80x64xi32, #tpu.memory_space<vmem>>)
          tpu.yield
        }) : () -> ()
        %scan3A_65 = arith.constant 0 : i32
        %scan3A_66 = arith.constant 10 : i32
        %scan3A_67 = arith.addi %scan3A_65, %scan3A_66 : i32
        %scan3A_68 = arith.constant 1 : i32
        scf.for %scan3A_308 = %scan3A_65 to %scan3A_67 step %scan3A_68  : i32 {
          %mul3A_309 = arith.constant 8 : i32
          %mul3A_310 = arith.muli %scan3A_308, %mul3A_309 : i32
          %add3A_311 = arith.constant 0 : i32
          %add3A_312 = arith.addi %add3A_311, %mul3A_310 : i32
          %add3A_313 = arith.constant 0 : i32
          %add3A_314 = arith.addi %add3A_312, %add3A_313 : i32
          %ge3A = arith.constant 8 : i32
          %ge3A_315 = arith.cmpi sge, %add3A_314, %ge3A : i32
          %convert_element_type3A = arith.extui %ge3A_315 : i1 to i32
          %cond3A = arith.constant 0 : i32
          %cond3A_316 = arith.cmpi ne, %convert_element_type3A, %cond3A : i32
          scf.if %cond3A_316 {
            %sub3A = arith.constant 8 : i32
            %sub3A_518 = arith.subi %add3A_314, %sub3A : i32
            %dma_wait3A_519 = arith.constant 0 : i32
            %dma_wait3A_520 = arith.constant 0 : i32
            %dma_wait3A_521 = arith.constant 0 : i32
            %dma_wait3A_522 = arith.constant 0 : i32
            %dma_wait3A_523 = tpu.memref_slice %arg10[%dma_wait3A_519, %dma_wait3A_521, %dma_wait3A_522] : memref<8x64x32xf32, #tpu.memory_space<vmem>> -> memref<1x64x32xf32, #tpu.memory_space<vmem>>
            %dma_wait3A_524 = tpu.memref_squeeze %dma_wait3A_523 : memref<1x64x32xf32, #tpu.memory_space<vmem>> -> memref<64x32xf32, #tpu.memory_space<vmem>>
            %dma_wait3A_525 = arith.constant 0 : i32
            %dma_wait3A_526 = tpu.memref_slice %arg9[%sub3A_518, %dma_wait3A_525] : memref<80x64xi32, #tpu.memory_space<vmem>> -> memref<1x64xi32, #tpu.memory_space<vmem>>
            %dma_wait3A_527 = tpu.memref_squeeze %dma_wait3A_526 : memref<1x64xi32, #tpu.memory_space<vmem>> -> memref<64xi32, #tpu.memory_space<vmem>>
            %dma_wait3A_528 = arith.constant 0 : i32
            %dma_wait3A_529 = arith.constant 0 : i32
            %dma_wait3A_530 = tpu.memref_slice %arg18[%dma_wait3A_528, %dma_wait3A_529] : memref<10240x32xf32, #tpu.memory_space<vmem_shared>> -> memref<10240x32xf32, #tpu.memory_space<vmem_shared>>
            %dma_wait3A_531 = tpu.memref_slice %arg16[%dma_wait3A_520] : memref<8x!tpu.dma_semaphore, #tpu.memory_space<semaphore_mem>> -> memref<1x!tpu.dma_semaphore, #tpu.memory_space<semaphore_mem>>
            %dma_wait3A_532 = tpu.memref_squeeze %dma_wait3A_531 : memref<1x!tpu.dma_semaphore, #tpu.memory_space<semaphore_mem>> -> memref<!tpu.dma_semaphore, #tpu.memory_space<semaphore_mem>>
            tpu.wait_indirect_dma semaphore(%dma_wait3A_532 : memref<!tpu.dma_semaphore, #tpu.memory_space<semaphore_mem>>) src(%dma_wait3A_524 : memref<64x32xf32, #tpu.memory_space<vmem>>) dst(%dma_wait3A_530 : memref<10240x32xf32, #tpu.memory_space<vmem_shared>>)
          } else {
          }
          %dma_start3A_317 = arith.constant 0 : i32
          %dma_start3A_318 = arith.constant 0 : i32
          %dma_start3A_319 = arith.constant 0 : i32
          %dma_start3A_320 = arith.constant 0 : i32
          %dma_start3A_321 = tpu.memref_slice %arg10[%dma_start3A_317, %dma_start3A_319, %dma_start3A_320] : memref<8x64x32xf32, #tpu.memory_space<vmem>> -> memref<1x64x32xf32, #tpu.memory_space<vmem>>
          %dma_start3A_322 = tpu.memref_squeeze %dma_start3A_321 : memref<1x64x32xf32, #tpu.memory_space<vmem>> -> memref<64x32xf32, #tpu.memory_space<vmem>>
          %dma_start3A_323 = arith.constant 0 : i32
          %dma_start3A_324 = tpu.memref_slice %arg8[%add3A_314, %dma_start3A_323] : memref<80x64xi32, #tpu.memory_space<vmem>> -> memref<1x64xi32, #tpu.memory_space<vmem>>
          %dma_start3A_325 = tpu.memref_squeeze %dma_start3A_324 : memref<1x64xi32, #tpu.memory_space<vmem>> -> memref<64xi32, #tpu.memory_space<vmem>>
          %dma_start3A_326 = arith.constant 0 : i32
          %dma_start3A_327 = arith.constant 0 : i32
          %dma_start3A_328 = tpu.memref_slice %arg17[%dma_start3A_326, %dma_start3A_327] : memref<10240x32xf32, #tpu.memory_space<vmem_shared>> -> memref<10240x32xf32, #tpu.memory_space<vmem_shared>>
          %dma_start3A_329 = tpu.memref_slice %arg15[%dma_start3A_318] : memref<8x!tpu.dma_semaphore, #tpu.memory_space<semaphore_mem>> -> memref<1x!tpu.dma_semaphore, #tpu.memory_space<semaphore_mem>>
          %dma_start3A_330 = tpu.memref_squeeze %dma_start3A_329 : memref<1x!tpu.dma_semaphore, #tpu.memory_space<semaphore_mem>> -> memref<!tpu.dma_semaphore, #tpu.memory_space<semaphore_mem>>
          tpu.enqueue_indirect_dma source(%dma_start3A_328 : memref<10240x32xf32, #tpu.memory_space<vmem_shared>>) target(%dma_start3A_322 : memref<64x32xf32, #tpu.memory_space<vmem>>) offsets(%dma_start3A_325 : memref<64xi32, #tpu.memory_space<vmem>>) semaphore(%dma_start3A_330 : memref<!tpu.dma_semaphore, #tpu.memory_space<semaphore_mem>>)
          %ge3A_331 = arith.constant 4 : i32
          %ge3A_332 = arith.cmpi sge, %add3A_314, %ge3A_331 : i32
          %convert_element_type3A_333 = arith.extui %ge3A_332 : i1 to i32
          %cond3A_334 = arith.constant 0 : i32
          %cond3A_335 = arith.cmpi ne, %convert_element_type3A_333, %cond3A_334 : i32
          scf.if %cond3A_335 {
            %sub3A = arith.constant 4 : i32
            %sub3A_518 = arith.subi %add3A_314, %sub3A : i32
            %dma_wait3A_519 = arith.constant 4 : i32
            %dma_wait3A_520 = arith.constant 4 : i32
            %dma_wait3A_521 = arith.constant 0 : i32
            %dma_wait3A_522 = arith.constant 0 : i32
            %dma_wait3A_523 = tpu.memref_slice %arg10[%dma_wait3A_519, %dma_wait3A_521, %dma_wait3A_522] : memref<8x64x32xf32, #tpu.memory_space<vmem>> -> memref<1x64x32xf32, #tpu.memory_space<vmem>>
            %dma_wait3A_524 = tpu.memref_squeeze %dma_wait3A_523 : memref<1x64x32xf32, #tpu.memory_space<vmem>> -> memref<64x32xf32, #tpu.memory_space<vmem>>
            %dma_wait3A_525 = arith.constant 0 : i32
            %dma_wait3A_526 = tpu.memref_slice %arg8[%sub3A_518, %dma_wait3A_525] : memref<80x64xi32, #tpu.memory_space<vmem>> -> memref<1x64xi32, #tpu.memory_space<vmem>>
            %dma_wait3A_527 = tpu.memref_squeeze %dma_wait3A_526 : memref<1x64xi32, #tpu.memory_space<vmem>> -> memref<64xi32, #tpu.memory_space<vmem>>
            %dma_wait3A_528 = arith.constant 0 : i32
            %dma_wait3A_529 = arith.constant 0 : i32
            %dma_wait3A_530 = tpu.memref_slice %arg17[%dma_wait3A_528, %dma_wait3A_529] : memref<10240x32xf32, #tpu.memory_space<vmem_shared>> -> memref<10240x32xf32, #tpu.memory_space<vmem_shared>>
            %dma_wait3A_531 = tpu.memref_slice %arg15[%dma_wait3A_520] : memref<8x!tpu.dma_semaphore, #tpu.memory_space<semaphore_mem>> -> memref<1x!tpu.dma_semaphore, #tpu.memory_space<semaphore_mem>>
            %dma_wait3A_532 = tpu.memref_squeeze %dma_wait3A_531 : memref<1x!tpu.dma_semaphore, #tpu.memory_space<semaphore_mem>> -> memref<!tpu.dma_semaphore, #tpu.memory_space<semaphore_mem>>
            tpu.wait_indirect_dma semaphore(%dma_wait3A_532 : memref<!tpu.dma_semaphore, #tpu.memory_space<semaphore_mem>>) src(%dma_wait3A_530 : memref<10240x32xf32, #tpu.memory_space<vmem_shared>>) dst(%dma_wait3A_524 : memref<64x32xf32, #tpu.memory_space<vmem>>)
            %sub3A_533 = arith.constant 4 : i32
            %sub3A_534 = arith.subi %add3A_314, %sub3A_533 : i32
            %dma_start3A_535 = arith.constant 4 : i32
            %dma_start3A_536 = arith.constant 4 : i32
            %dma_start3A_537 = arith.constant 0 : i32
            %dma_start3A_538 = arith.constant 0 : i32
            %dma_start3A_539 = tpu.memref_slice %arg10[%dma_start3A_535, %dma_start3A_537, %dma_start3A_538] : memref<8x64x32xf32, #tpu.memory_space<vmem>> -> memref<1x64x32xf32, #tpu.memory_space<vmem>>
            %dma_start3A_540 = tpu.memref_squeeze %dma_start3A_539 : memref<1x64x32xf32, #tpu.memory_space<vmem>> -> memref<64x32xf32, #tpu.memory_space<vmem>>
            %dma_start3A_541 = arith.constant 0 : i32
            %dma_start3A_542 = tpu.memref_slice %arg9[%sub3A_534, %dma_start3A_541] : memref<80x64xi32, #tpu.memory_space<vmem>> -> memref<1x64xi32, #tpu.memory_space<vmem>>
            %dma_start3A_543 = tpu.memref_squeeze %dma_start3A_542 : memref<1x64xi32, #tpu.memory_space<vmem>> -> memref<64xi32, #tpu.memory_space<vmem>>
            %dma_start3A_544 = arith.constant 0 : i32
            %dma_start3A_545 = arith.constant 0 : i32
            %dma_start3A_546 = tpu.memref_slice %arg18[%dma_start3A_544, %dma_start3A_545] : memref<10240x32xf32, #tpu.memory_space<vmem_shared>> -> memref<10240x32xf32, #tpu.memory_space<vmem_shared>>
            %dma_start3A_547 = tpu.memref_slice %arg16[%dma_start3A_536] : memref<8x!tpu.dma_semaphore, #tpu.memory_space<semaphore_mem>> -> memref<1x!tpu.dma_semaphore, #tpu.memory_space<semaphore_mem>>
            %dma_start3A_548 = tpu.memref_squeeze %dma_start3A_547 : memref<1x!tpu.dma_semaphore, #tpu.memory_space<semaphore_mem>> -> memref<!tpu.dma_semaphore, #tpu.memory_space<semaphore_mem>>
            tpu.enqueue_indirect_dma source(%dma_start3A_540 : memref<64x32xf32, #tpu.memory_space<vmem>>) target(%dma_start3A_546 : memref<10240x32xf32, #tpu.memory_space<vmem_shared>>) offsets(%dma_start3A_543 : memref<64xi32, #tpu.memory_space<vmem>>) semaphore(%dma_start3A_548 : memref<!tpu.dma_semaphore, #tpu.memory_space<semaphore_mem>>) {add = true}
          } else {
          }
          %add3A_336 = arith.constant 1 : i32
          %add3A_337 = arith.addi %add3A_312, %add3A_336 : i32
          %ge3A_338 = arith.constant 8 : i32
          %ge3A_339 = arith.cmpi sge, %add3A_337, %ge3A_338 : i32
          %convert_element_type3A_340 = arith.extui %ge3A_339 : i1 to i32
          %cond3A_341 = arith.constant 0 : i32
          %cond3A_342 = arith.cmpi ne, %convert_element_type3A_340, %cond3A_341 : i32
          scf.if %cond3A_342 {
            %sub3A = arith.constant 8 : i32
            %sub3A_518 = arith.subi %add3A_337, %sub3A : i32
            %dma_wait3A_519 = arith.constant 1 : i32
            %dma_wait3A_520 = arith.constant 1 : i32
            %dma_wait3A_521 = arith.constant 0 : i32
            %dma_wait3A_522 = arith.constant 0 : i32
            %dma_wait3A_523 = tpu.memref_slice %arg10[%dma_wait3A_519, %dma_wait3A_521, %dma_wait3A_522] : memref<8x64x32xf32, #tpu.memory_space<vmem>> -> memref<1x64x32xf32, #tpu.memory_space<vmem>>
            %dma_wait3A_524 = tpu.memref_squeeze %dma_wait3A_523 : memref<1x64x32xf32, #tpu.memory_space<vmem>> -> memref<64x32xf32, #tpu.memory_space<vmem>>
            %dma_wait3A_525 = arith.constant 0 : i32
            %dma_wait3A_526 = tpu.memref_slice %arg9[%sub3A_518, %dma_wait3A_525] : memref<80x64xi32, #tpu.memory_space<vmem>> -> memref<1x64xi32, #tpu.memory_space<vmem>>
            %dma_wait3A_527 = tpu.memref_squeeze %dma_wait3A_526 : memref<1x64xi32, #tpu.memory_space<vmem>> -> memref<64xi32, #tpu.memory_space<vmem>>
            %dma_wait3A_528 = arith.constant 0 : i32
            %dma_wait3A_529 = arith.constant 0 : i32
            %dma_wait3A_530 = tpu.memref_slice %arg18[%dma_wait3A_528, %dma_wait3A_529] : memref<10240x32xf32, #tpu.memory_space<vmem_shared>> -> memref<10240x32xf32, #tpu.memory_space<vmem_shared>>
            %dma_wait3A_531 = tpu.memref_slice %arg16[%dma_wait3A_520] : memref<8x!tpu.dma_semaphore, #tpu.memory_space<semaphore_mem>> -> memref<1x!tpu.dma_semaphore, #tpu.memory_space<semaphore_mem>>
            %dma_wait3A_532 = tpu.memref_squeeze %dma_wait3A_531 : memref<1x!tpu.dma_semaphore, #tpu.memory_space<semaphore_mem>> -> memref<!tpu.dma_semaphore, #tpu.memory_space<semaphore_mem>>
            tpu.wait_indirect_dma semaphore(%dma_wait3A_532 : memref<!tpu.dma_semaphore, #tpu.memory_space<semaphore_mem>>) src(%dma_wait3A_524 : memref<64x32xf32, #tpu.memory_space<vmem>>) dst(%dma_wait3A_530 : memref<10240x32xf32, #tpu.memory_space<vmem_shared>>)
          } else {
          }
          %dma_start3A_343 = arith.constant 1 : i32
          %dma_start3A_344 = arith.constant 1 : i32
          %dma_start3A_345 = arith.constant 0 : i32
          %dma_start3A_346 = arith.constant 0 : i32
          %dma_start3A_347 = tpu.memref_slice %arg10[%dma_start3A_343, %dma_start3A_345, %dma_start3A_346] : memref<8x64x32xf32, #tpu.memory_space<vmem>> -> memref<1x64x32xf32, #tpu.memory_space<vmem>>
          %dma_start3A_348 = tpu.memref_squeeze %dma_start3A_347 : memref<1x64x32xf32, #tpu.memory_space<vmem>> -> memref<64x32xf32, #tpu.memory_space<vmem>>
          %dma_start3A_349 = arith.constant 0 : i32
          %dma_start3A_350 = tpu.memref_slice %arg8[%add3A_337, %dma_start3A_349] : memref<80x64xi32, #tpu.memory_space<vmem>> -> memref<1x64xi32, #tpu.memory_space<vmem>>
          %dma_start3A_351 = tpu.memref_squeeze %dma_start3A_350 : memref<1x64xi32, #tpu.memory_space<vmem>> -> memref<64xi32, #tpu.memory_space<vmem>>
          %dma_start3A_352 = arith.constant 0 : i32
          %dma_start3A_353 = arith.constant 0 : i32
          %dma_start3A_354 = tpu.memref_slice %arg17[%dma_start3A_352, %dma_start3A_353] : memref<10240x32xf32, #tpu.memory_space<vmem_shared>> -> memref<10240x32xf32, #tpu.memory_space<vmem_shared>>
          %dma_start3A_355 = tpu.memref_slice %arg15[%dma_start3A_344] : memref<8x!tpu.dma_semaphore, #tpu.memory_space<semaphore_mem>> -> memref<1x!tpu.dma_semaphore, #tpu.memory_space<semaphore_mem>>
          %dma_start3A_356 = tpu.memref_squeeze %dma_start3A_355 : memref<1x!tpu.dma_semaphore, #tpu.memory_space<semaphore_mem>> -> memref<!tpu.dma_semaphore, #tpu.memory_space<semaphore_mem>>
          tpu.enqueue_indirect_dma source(%dma_start3A_354 : memref<10240x32xf32, #tpu.memory_space<vmem_shared>>) target(%dma_start3A_348 : memref<64x32xf32, #tpu.memory_space<vmem>>) offsets(%dma_start3A_351 : memref<64xi32, #tpu.memory_space<vmem>>) semaphore(%dma_start3A_356 : memref<!tpu.dma_semaphore, #tpu.memory_space<semaphore_mem>>)
          %ge3A_357 = arith.constant 4 : i32
          %ge3A_358 = arith.cmpi sge, %add3A_337, %ge3A_357 : i32
          %convert_element_type3A_359 = arith.extui %ge3A_358 : i1 to i32
          %cond3A_360 = arith.constant 0 : i32
          %cond3A_361 = arith.cmpi ne, %convert_element_type3A_359, %cond3A_360 : i32
          scf.if %cond3A_361 {
            %sub3A = arith.constant 4 : i32
            %sub3A_518 = arith.subi %add3A_337, %sub3A : i32
            %dma_wait3A_519 = arith.constant 5 : i32
            %dma_wait3A_520 = arith.constant 5 : i32
            %dma_wait3A_521 = arith.constant 0 : i32
            %dma_wait3A_522 = arith.constant 0 : i32
            %dma_wait3A_523 = tpu.memref_slice %arg10[%dma_wait3A_519, %dma_wait3A_521, %dma_wait3A_522] : memref<8x64x32xf32, #tpu.memory_space<vmem>> -> memref<1x64x32xf32, #tpu.memory_space<vmem>>
            %dma_wait3A_524 = tpu.memref_squeeze %dma_wait3A_523 : memref<1x64x32xf32, #tpu.memory_space<vmem>> -> memref<64x32xf32, #tpu.memory_space<vmem>>
            %dma_wait3A_525 = arith.constant 0 : i32
            %dma_wait3A_526 = tpu.memref_slice %arg8[%sub3A_518, %dma_wait3A_525] : memref<80x64xi32, #tpu.memory_space<vmem>> -> memref<1x64xi32, #tpu.memory_space<vmem>>
            %dma_wait3A_527 = tpu.memref_squeeze %dma_wait3A_526 : memref<1x64xi32, #tpu.memory_space<vmem>> -> memref<64xi32, #tpu.memory_space<vmem>>
            %dma_wait3A_528 = arith.constant 0 : i32
            %dma_wait3A_529 = arith.constant 0 : i32
            %dma_wait3A_530 = tpu.memref_slice %arg17[%dma_wait3A_528, %dma_wait3A_529] : memref<10240x32xf32, #tpu.memory_space<vmem_shared>> -> memref<10240x32xf32, #tpu.memory_space<vmem_shared>>
            %dma_wait3A_531 = tpu.memref_slice %arg15[%dma_wait3A_520] : memref<8x!tpu.dma_semaphore, #tpu.memory_space<semaphore_mem>> -> memref<1x!tpu.dma_semaphore, #tpu.memory_space<semaphore_mem>>
            %dma_wait3A_532 = tpu.memref_squeeze %dma_wait3A_531 : memref<1x!tpu.dma_semaphore, #tpu.memory_space<semaphore_mem>> -> memref<!tpu.dma_semaphore, #tpu.memory_space<semaphore_mem>>
            tpu.wait_indirect_dma semaphore(%dma_wait3A_532 : memref<!tpu.dma_semaphore, #tpu.memory_space<semaphore_mem>>) src(%dma_wait3A_530 : memref<10240x32xf32, #tpu.memory_space<vmem_shared>>) dst(%dma_wait3A_524 : memref<64x32xf32, #tpu.memory_space<vmem>>)
            %sub3A_533 = arith.constant 4 : i32
            %sub3A_534 = arith.subi %add3A_337, %sub3A_533 : i32
            %dma_start3A_535 = arith.constant 5 : i32
            %dma_start3A_536 = arith.constant 5 : i32
            %dma_start3A_537 = arith.constant 0 : i32
            %dma_start3A_538 = arith.constant 0 : i32
            %dma_start3A_539 = tpu.memref_slice %arg10[%dma_start3A_535, %dma_start3A_537, %dma_start3A_538] : memref<8x64x32xf32, #tpu.memory_space<vmem>> -> memref<1x64x32xf32, #tpu.memory_space<vmem>>
            %dma_start3A_540 = tpu.memref_squeeze %dma_start3A_539 : memref<1x64x32xf32, #tpu.memory_space<vmem>> -> memref<64x32xf32, #tpu.memory_space<vmem>>
            %dma_start3A_541 = arith.constant 0 : i32
            %dma_start3A_542 = tpu.memref_slice %arg9[%sub3A_534, %dma_start3A_541] : memref<80x64xi32, #tpu.memory_space<vmem>> -> memref<1x64xi32, #tpu.memory_space<vmem>>
            %dma_start3A_543 = tpu.memref_squeeze %dma_start3A_542 : memref<1x64xi32, #tpu.memory_space<vmem>> -> memref<64xi32, #tpu.memory_space<vmem>>
            %dma_start3A_544 = arith.constant 0 : i32
            %dma_start3A_545 = arith.constant 0 : i32
            %dma_start3A_546 = tpu.memref_slice %arg18[%dma_start3A_544, %dma_start3A_545] : memref<10240x32xf32, #tpu.memory_space<vmem_shared>> -> memref<10240x32xf32, #tpu.memory_space<vmem_shared>>
            %dma_start3A_547 = tpu.memref_slice %arg16[%dma_start3A_536] : memref<8x!tpu.dma_semaphore, #tpu.memory_space<semaphore_mem>> -> memref<1x!tpu.dma_semaphore, #tpu.memory_space<semaphore_mem>>
            %dma_start3A_548 = tpu.memref_squeeze %dma_start3A_547 : memref<1x!tpu.dma_semaphore, #tpu.memory_space<semaphore_mem>> -> memref<!tpu.dma_semaphore, #tpu.memory_space<semaphore_mem>>
            tpu.enqueue_indirect_dma source(%dma_start3A_540 : memref<64x32xf32, #tpu.memory_space<vmem>>) target(%dma_start3A_546 : memref<10240x32xf32, #tpu.memory_space<vmem_shared>>) offsets(%dma_start3A_543 : memref<64xi32, #tpu.memory_space<vmem>>) semaphore(%dma_start3A_548 : memref<!tpu.dma_semaphore, #tpu.memory_space<semaphore_mem>>) {add = true}
          } else {
          }
          %add3A_362 = arith.constant 2 : i32
          %add3A_363 = arith.addi %add3A_312, %add3A_362 : i32
          %ge3A_364 = arith.constant 8 : i32
          %ge3A_365 = arith.cmpi sge, %add3A_363, %ge3A_364 : i32
          %convert_element_type3A_366 = arith.extui %ge3A_365 : i1 to i32
          %cond3A_367 = arith.constant 0 : i32
          %cond3A_368 = arith.cmpi ne, %convert_element_type3A_366, %cond3A_367 : i32
          scf.if %cond3A_368 {
            %sub3A = arith.constant 8 : i32
            %sub3A_518 = arith.subi %add3A_363, %sub3A : i32
            %dma_wait3A_519 = arith.constant 2 : i32
            %dma_wait3A_520 = arith.constant 2 : i32
            %dma_wait3A_521 = arith.constant 0 : i32
            %dma_wait3A_522 = arith.constant 0 : i32
            %dma_wait3A_523 = tpu.memref_slice %arg10[%dma_wait3A_519, %dma_wait3A_521, %dma_wait3A_522] : memref<8x64x32xf32, #tpu.memory_space<vmem>> -> memref<1x64x32xf32, #tpu.memory_space<vmem>>
            %dma_wait3A_524 = tpu.memref_squeeze %dma_wait3A_523 : memref<1x64x32xf32, #tpu.memory_space<vmem>> -> memref<64x32xf32, #tpu.memory_space<vmem>>
            %dma_wait3A_525 = arith.constant 0 : i32
            %dma_wait3A_526 = tpu.memref_slice %arg9[%sub3A_518, %dma_wait3A_525] : memref<80x64xi32, #tpu.memory_space<vmem>> -> memref<1x64xi32, #tpu.memory_space<vmem>>
            %dma_wait3A_527 = tpu.memref_squeeze %dma_wait3A_526 : memref<1x64xi32, #tpu.memory_space<vmem>> -> memref<64xi32, #tpu.memory_space<vmem>>
            %dma_wait3A_528 = arith.constant 0 : i32
            %dma_wait3A_529 = arith.constant 0 : i32
            %dma_wait3A_530 = tpu.memref_slice %arg18[%dma_wait3A_528, %dma_wait3A_529] : memref<10240x32xf32, #tpu.memory_space<vmem_shared>> -> memref<10240x32xf32, #tpu.memory_space<vmem_shared>>
            %dma_wait3A_531 = tpu.memref_slice %arg16[%dma_wait3A_520] : memref<8x!tpu.dma_semaphore, #tpu.memory_space<semaphore_mem>> -> memref<1x!tpu.dma_semaphore, #tpu.memory_space<semaphore_mem>>
            %dma_wait3A_532 = tpu.memref_squeeze %dma_wait3A_531 : memref<1x!tpu.dma_semaphore, #tpu.memory_space<semaphore_mem>> -> memref<!tpu.dma_semaphore, #tpu.memory_space<semaphore_mem>>
            tpu.wait_indirect_dma semaphore(%dma_wait3A_532 : memref<!tpu.dma_semaphore, #tpu.memory_space<semaphore_mem>>) src(%dma_wait3A_524 : memref<64x32xf32, #tpu.memory_space<vmem>>) dst(%dma_wait3A_530 : memref<10240x32xf32, #tpu.memory_space<vmem_shared>>)
          } else {
          }
          %dma_start3A_369 = arith.constant 2 : i32
          %dma_start3A_370 = arith.constant 2 : i32
          %dma_start3A_371 = arith.constant 0 : i32
          %dma_start3A_372 = arith.constant 0 : i32
          %dma_start3A_373 = tpu.memref_slice %arg10[%dma_start3A_369, %dma_start3A_371, %dma_start3A_372] : memref<8x64x32xf32, #tpu.memory_space<vmem>> -> memref<1x64x32xf32, #tpu.memory_space<vmem>>
          %dma_start3A_374 = tpu.memref_squeeze %dma_start3A_373 : memref<1x64x32xf32, #tpu.memory_space<vmem>> -> memref<64x32xf32, #tpu.memory_space<vmem>>
          %dma_start3A_375 = arith.constant 0 : i32
          %dma_start3A_376 = tpu.memref_slice %arg8[%add3A_363, %dma_start3A_375] : memref<80x64xi32, #tpu.memory_space<vmem>> -> memref<1x64xi32, #tpu.memory_space<vmem>>
          %dma_start3A_377 = tpu.memref_squeeze %dma_start3A_376 : memref<1x64xi32, #tpu.memory_space<vmem>> -> memref<64xi32, #tpu.memory_space<vmem>>
          %dma_start3A_378 = arith.constant 0 : i32
          %dma_start3A_379 = arith.constant 0 : i32
          %dma_start3A_380 = tpu.memref_slice %arg17[%dma_start3A_378, %dma_start3A_379] : memref<10240x32xf32, #tpu.memory_space<vmem_shared>> -> memref<10240x32xf32, #tpu.memory_space<vmem_shared>>
          %dma_start3A_381 = tpu.memref_slice %arg15[%dma_start3A_370] : memref<8x!tpu.dma_semaphore, #tpu.memory_space<semaphore_mem>> -> memref<1x!tpu.dma_semaphore, #tpu.memory_space<semaphore_mem>>
          %dma_start3A_382 = tpu.memref_squeeze %dma_start3A_381 : memref<1x!tpu.dma_semaphore, #tpu.memory_space<semaphore_mem>> -> memref<!tpu.dma_semaphore, #tpu.memory_space<semaphore_mem>>
          tpu.enqueue_indirect_dma source(%dma_start3A_380 : memref<10240x32xf32, #tpu.memory_space<vmem_shared>>) target(%dma_start3A_374 : memref<64x32xf32, #tpu.memory_space<vmem>>) offsets(%dma_start3A_377 : memref<64xi32, #tpu.memory_space<vmem>>) semaphore(%dma_start3A_382 : memref<!tpu.dma_semaphore, #tpu.memory_space<semaphore_mem>>)
          %ge3A_383 = arith.constant 4 : i32
          %ge3A_384 = arith.cmpi sge, %add3A_363, %ge3A_383 : i32
          %convert_element_type3A_385 = arith.extui %ge3A_384 : i1 to i32
          %cond3A_386 = arith.constant 0 : i32
          %cond3A_387 = arith.cmpi ne, %convert_element_type3A_385, %cond3A_386 : i32
          scf.if %cond3A_387 {
            %sub3A = arith.constant 4 : i32
            %sub3A_518 = arith.subi %add3A_363, %sub3A : i32
            %dma_wait3A_519 = arith.constant 6 : i32
            %dma_wait3A_520 = arith.constant 6 : i32
            %dma_wait3A_521 = arith.constant 0 : i32
            %dma_wait3A_522 = arith.constant 0 : i32
            %dma_wait3A_523 = tpu.memref_slice %arg10[%dma_wait3A_519, %dma_wait3A_521, %dma_wait3A_522] : memref<8x64x32xf32, #tpu.memory_space<vmem>> -> memref<1x64x32xf32, #tpu.memory_space<vmem>>
            %dma_wait3A_524 = tpu.memref_squeeze %dma_wait3A_523 : memref<1x64x32xf32, #tpu.memory_space<vmem>> -> memref<64x32xf32, #tpu.memory_space<vmem>>
            %dma_wait3A_525 = arith.constant 0 : i32
            %dma_wait3A_526 = tpu.memref_slice %arg8[%sub3A_518, %dma_wait3A_525] : memref<80x64xi32, #tpu.memory_space<vmem>> -> memref<1x64xi32, #tpu.memory_space<vmem>>
            %dma_wait3A_527 = tpu.memref_squeeze %dma_wait3A_526 : memref<1x64xi32, #tpu.memory_space<vmem>> -> memref<64xi32, #tpu.memory_space<vmem>>
            %dma_wait3A_528 = arith.constant 0 : i32
            %dma_wait3A_529 = arith.constant 0 : i32
            %dma_wait3A_530 = tpu.memref_slice %arg17[%dma_wait3A_528, %dma_wait3A_529] : memref<10240x32xf32, #tpu.memory_space<vmem_shared>> -> memref<10240x32xf32, #tpu.memory_space<vmem_shared>>
            %dma_wait3A_531 = tpu.memref_slice %arg15[%dma_wait3A_520] : memref<8x!tpu.dma_semaphore, #tpu.memory_space<semaphore_mem>> -> memref<1x!tpu.dma_semaphore, #tpu.memory_space<semaphore_mem>>
            %dma_wait3A_532 = tpu.memref_squeeze %dma_wait3A_531 : memref<1x!tpu.dma_semaphore, #tpu.memory_space<semaphore_mem>> -> memref<!tpu.dma_semaphore, #tpu.memory_space<semaphore_mem>>
            tpu.wait_indirect_dma semaphore(%dma_wait3A_532 : memref<!tpu.dma_semaphore, #tpu.memory_space<semaphore_mem>>) src(%dma_wait3A_530 : memref<10240x32xf32, #tpu.memory_space<vmem_shared>>) dst(%dma_wait3A_524 : memref<64x32xf32, #tpu.memory_space<vmem>>)
            %sub3A_533 = arith.constant 4 : i32
            %sub3A_534 = arith.subi %add3A_363, %sub3A_533 : i32
            %dma_start3A_535 = arith.constant 6 : i32
            %dma_start3A_536 = arith.constant 6 : i32
            %dma_start3A_537 = arith.constant 0 : i32
            %dma_start3A_538 = arith.constant 0 : i32
            %dma_start3A_539 = tpu.memref_slice %arg10[%dma_start3A_535, %dma_start3A_537, %dma_start3A_538] : memref<8x64x32xf32, #tpu.memory_space<vmem>> -> memref<1x64x32xf32, #tpu.memory_space<vmem>>
            %dma_start3A_540 = tpu.memref_squeeze %dma_start3A_539 : memref<1x64x32xf32, #tpu.memory_space<vmem>> -> memref<64x32xf32, #tpu.memory_space<vmem>>
            %dma_start3A_541 = arith.constant 0 : i32
            %dma_start3A_542 = tpu.memref_slice %arg9[%sub3A_534, %dma_start3A_541] : memref<80x64xi32, #tpu.memory_space<vmem>> -> memref<1x64xi32, #tpu.memory_space<vmem>>
            %dma_start3A_543 = tpu.memref_squeeze %dma_start3A_542 : memref<1x64xi32, #tpu.memory_space<vmem>> -> memref<64xi32, #tpu.memory_space<vmem>>
            %dma_start3A_544 = arith.constant 0 : i32
            %dma_start3A_545 = arith.constant 0 : i32
            %dma_start3A_546 = tpu.memref_slice %arg18[%dma_start3A_544, %dma_start3A_545] : memref<10240x32xf32, #tpu.memory_space<vmem_shared>> -> memref<10240x32xf32, #tpu.memory_space<vmem_shared>>
            %dma_start3A_547 = tpu.memref_slice %arg16[%dma_start3A_536] : memref<8x!tpu.dma_semaphore, #tpu.memory_space<semaphore_mem>> -> memref<1x!tpu.dma_semaphore, #tpu.memory_space<semaphore_mem>>
            %dma_start3A_548 = tpu.memref_squeeze %dma_start3A_547 : memref<1x!tpu.dma_semaphore, #tpu.memory_space<semaphore_mem>> -> memref<!tpu.dma_semaphore, #tpu.memory_space<semaphore_mem>>
            tpu.enqueue_indirect_dma source(%dma_start3A_540 : memref<64x32xf32, #tpu.memory_space<vmem>>) target(%dma_start3A_546 : memref<10240x32xf32, #tpu.memory_space<vmem_shared>>) offsets(%dma_start3A_543 : memref<64xi32, #tpu.memory_space<vmem>>) semaphore(%dma_start3A_548 : memref<!tpu.dma_semaphore, #tpu.memory_space<semaphore_mem>>) {add = true}
          } else {
          }
          %add3A_388 = arith.constant 3 : i32
          %add3A_389 = arith.addi %add3A_312, %add3A_388 : i32
          %ge3A_390 = arith.constant 8 : i32
          %ge3A_391 = arith.cmpi sge, %add3A_389, %ge3A_390 : i32
          %convert_element_type3A_392 = arith.extui %ge3A_391 : i1 to i32
          %cond3A_393 = arith.constant 0 : i32
          %cond3A_394 = arith.cmpi ne, %convert_element_type3A_392, %cond3A_393 : i32
          scf.if %cond3A_394 {
            %sub3A = arith.constant 8 : i32
            %sub3A_518 = arith.subi %add3A_389, %sub3A : i32
            %dma_wait3A_519 = arith.constant 3 : i32
            %dma_wait3A_520 = arith.constant 3 : i32
            %dma_wait3A_521 = arith.constant 0 : i32
            %dma_wait3A_522 = arith.constant 0 : i32
            %dma_wait3A_523 = tpu.memref_slice %arg10[%dma_wait3A_519, %dma_wait3A_521, %dma_wait3A_522] : memref<8x64x32xf32, #tpu.memory_space<vmem>> -> memref<1x64x32xf32, #tpu.memory_space<vmem>>
            %dma_wait3A_524 = tpu.memref_squeeze %dma_wait3A_523 : memref<1x64x32xf32, #tpu.memory_space<vmem>> -> memref<64x32xf32, #tpu.memory_space<vmem>>
            %dma_wait3A_525 = arith.constant 0 : i32
            %dma_wait3A_526 = tpu.memref_slice %arg9[%sub3A_518, %dma_wait3A_525] : memref<80x64xi32, #tpu.memory_space<vmem>> -> memref<1x64xi32, #tpu.memory_space<vmem>>
            %dma_wait3A_527 = tpu.memref_squeeze %dma_wait3A_526 : memref<1x64xi32, #tpu.memory_space<vmem>> -> memref<64xi32, #tpu.memory_space<vmem>>
            %dma_wait3A_528 = arith.constant 0 : i32
            %dma_wait3A_529 = arith.constant 0 : i32
            %dma_wait3A_530 = tpu.memref_slice %arg18[%dma_wait3A_528, %dma_wait3A_529] : memref<10240x32xf32, #tpu.memory_space<vmem_shared>> -> memref<10240x32xf32, #tpu.memory_space<vmem_shared>>
            %dma_wait3A_531 = tpu.memref_slice %arg16[%dma_wait3A_520] : memref<8x!tpu.dma_semaphore, #tpu.memory_space<semaphore_mem>> -> memref<1x!tpu.dma_semaphore, #tpu.memory_space<semaphore_mem>>
            %dma_wait3A_532 = tpu.memref_squeeze %dma_wait3A_531 : memref<1x!tpu.dma_semaphore, #tpu.memory_space<semaphore_mem>> -> memref<!tpu.dma_semaphore, #tpu.memory_space<semaphore_mem>>
            tpu.wait_indirect_dma semaphore(%dma_wait3A_532 : memref<!tpu.dma_semaphore, #tpu.memory_space<semaphore_mem>>) src(%dma_wait3A_524 : memref<64x32xf32, #tpu.memory_space<vmem>>) dst(%dma_wait3A_530 : memref<10240x32xf32, #tpu.memory_space<vmem_shared>>)
          } else {
          }
          %dma_start3A_395 = arith.constant 3 : i32
          %dma_start3A_396 = arith.constant 3 : i32
          %dma_start3A_397 = arith.constant 0 : i32
          %dma_start3A_398 = arith.constant 0 : i32
          %dma_start3A_399 = tpu.memref_slice %arg10[%dma_start3A_395, %dma_start3A_397, %dma_start3A_398] : memref<8x64x32xf32, #tpu.memory_space<vmem>> -> memref<1x64x32xf32, #tpu.memory_space<vmem>>
          %dma_start3A_400 = tpu.memref_squeeze %dma_start3A_399 : memref<1x64x32xf32, #tpu.memory_space<vmem>> -> memref<64x32xf32, #tpu.memory_space<vmem>>
          %dma_start3A_401 = arith.constant 0 : i32
          %dma_start3A_402 = tpu.memref_slice %arg8[%add3A_389, %dma_start3A_401] : memref<80x64xi32, #tpu.memory_space<vmem>> -> memref<1x64xi32, #tpu.memory_space<vmem>>
          %dma_start3A_403 = tpu.memref_squeeze %dma_start3A_402 : memref<1x64xi32, #tpu.memory_space<vmem>> -> memref<64xi32, #tpu.memory_space<vmem>>
          %dma_start3A_404 = arith.constant 0 : i32
          %dma_start3A_405 = arith.constant 0 : i32
          %dma_start3A_406 = tpu.memref_slice %arg17[%dma_start3A_404, %dma_start3A_405] : memref<10240x32xf32, #tpu.memory_space<vmem_shared>> -> memref<10240x32xf32, #tpu.memory_space<vmem_shared>>
          %dma_start3A_407 = tpu.memref_slice %arg15[%dma_start3A_396] : memref<8x!tpu.dma_semaphore, #tpu.memory_space<semaphore_mem>> -> memref<1x!tpu.dma_semaphore, #tpu.memory_space<semaphore_mem>>
          %dma_start3A_408 = tpu.memref_squeeze %dma_start3A_407 : memref<1x!tpu.dma_semaphore, #tpu.memory_space<semaphore_mem>> -> memref<!tpu.dma_semaphore, #tpu.memory_space<semaphore_mem>>
          tpu.enqueue_indirect_dma source(%dma_start3A_406 : memref<10240x32xf32, #tpu.memory_space<vmem_shared>>) target(%dma_start3A_400 : memref<64x32xf32, #tpu.memory_space<vmem>>) offsets(%dma_start3A_403 : memref<64xi32, #tpu.memory_space<vmem>>) semaphore(%dma_start3A_408 : memref<!tpu.dma_semaphore, #tpu.memory_space<semaphore_mem>>)
          %ge3A_409 = arith.constant 4 : i32
          %ge3A_410 = arith.cmpi sge, %add3A_389, %ge3A_409 : i32
          %convert_element_type3A_411 = arith.extui %ge3A_410 : i1 to i32
          %cond3A_412 = arith.constant 0 : i32
          %cond3A_413 = arith.cmpi ne, %convert_element_type3A_411, %cond3A_412 : i32
          scf.if %cond3A_413 {
            %sub3A = arith.constant 4 : i32
            %sub3A_518 = arith.subi %add3A_389, %sub3A : i32
            %dma_wait3A_519 = arith.constant 7 : i32
            %dma_wait3A_520 = arith.constant 7 : i32
            %dma_wait3A_521 = arith.constant 0 : i32
            %dma_wait3A_522 = arith.constant 0 : i32
            %dma_wait3A_523 = tpu.memref_slice %arg10[%dma_wait3A_519, %dma_wait3A_521, %dma_wait3A_522] : memref<8x64x32xf32, #tpu.memory_space<vmem>> -> memref<1x64x32xf32, #tpu.memory_space<vmem>>
            %dma_wait3A_524 = tpu.memref_squeeze %dma_wait3A_523 : memref<1x64x32xf32, #tpu.memory_space<vmem>> -> memref<64x32xf32, #tpu.memory_space<vmem>>
            %dma_wait3A_525 = arith.constant 0 : i32
            %dma_wait3A_526 = tpu.memref_slice %arg8[%sub3A_518, %dma_wait3A_525] : memref<80x64xi32, #tpu.memory_space<vmem>> -> memref<1x64xi32, #tpu.memory_space<vmem>>
            %dma_wait3A_527 = tpu.memref_squeeze %dma_wait3A_526 : memref<1x64xi32, #tpu.memory_space<vmem>> -> memref<64xi32, #tpu.memory_space<vmem>>
            %dma_wait3A_528 = arith.constant 0 : i32
            %dma_wait3A_529 = arith.constant 0 : i32
            %dma_wait3A_530 = tpu.memref_slice %arg17[%dma_wait3A_528, %dma_wait3A_529] : memref<10240x32xf32, #tpu.memory_space<vmem_shared>> -> memref<10240x32xf32, #tpu.memory_space<vmem_shared>>
            %dma_wait3A_531 = tpu.memref_slice %arg15[%dma_wait3A_520] : memref<8x!tpu.dma_semaphore, #tpu.memory_space<semaphore_mem>> -> memref<1x!tpu.dma_semaphore, #tpu.memory_space<semaphore_mem>>
            %dma_wait3A_532 = tpu.memref_squeeze %dma_wait3A_531 : memref<1x!tpu.dma_semaphore, #tpu.memory_space<semaphore_mem>> -> memref<!tpu.dma_semaphore, #tpu.memory_space<semaphore_mem>>
            tpu.wait_indirect_dma semaphore(%dma_wait3A_532 : memref<!tpu.dma_semaphore, #tpu.memory_space<semaphore_mem>>) src(%dma_wait3A_530 : memref<10240x32xf32, #tpu.memory_space<vmem_shared>>) dst(%dma_wait3A_524 : memref<64x32xf32, #tpu.memory_space<vmem>>)
            %sub3A_533 = arith.constant 4 : i32
            %sub3A_534 = arith.subi %add3A_389, %sub3A_533 : i32
            %dma_start3A_535 = arith.constant 7 : i32
            %dma_start3A_536 = arith.constant 7 : i32
            %dma_start3A_537 = arith.constant 0 : i32
            %dma_start3A_538 = arith.constant 0 : i32
            %dma_start3A_539 = tpu.memref_slice %arg10[%dma_start3A_535, %dma_start3A_537, %dma_start3A_538] : memref<8x64x32xf32, #tpu.memory_space<vmem>> -> memref<1x64x32xf32, #tpu.memory_space<vmem>>
            %dma_start3A_540 = tpu.memref_squeeze %dma_start3A_539 : memref<1x64x32xf32, #tpu.memory_space<vmem>> -> memref<64x32xf32, #tpu.memory_space<vmem>>
            %dma_start3A_541 = arith.constant 0 : i32
            %dma_start3A_542 = tpu.memref_slice %arg9[%sub3A_534, %dma_start3A_541] : memref<80x64xi32, #tpu.memory_space<vmem>> -> memref<1x64xi32, #tpu.memory_space<vmem>>
            %dma_start3A_543 = tpu.memref_squeeze %dma_start3A_542 : memref<1x64xi32, #tpu.memory_space<vmem>> -> memref<64xi32, #tpu.memory_space<vmem>>
            %dma_start3A_544 = arith.constant 0 : i32
            %dma_start3A_545 = arith.constant 0 : i32
            %dma_start3A_546 = tpu.memref_slice %arg18[%dma_start3A_544, %dma_start3A_545] : memref<10240x32xf32, #tpu.memory_space<vmem_shared>> -> memref<10240x32xf32, #tpu.memory_space<vmem_shared>>
            %dma_start3A_547 = tpu.memref_slice %arg16[%dma_start3A_536] : memref<8x!tpu.dma_semaphore, #tpu.memory_space<semaphore_mem>> -> memref<1x!tpu.dma_semaphore, #tpu.memory_space<semaphore_mem>>
            %dma_start3A_548 = tpu.memref_squeeze %dma_start3A_547 : memref<1x!tpu.dma_semaphore, #tpu.memory_space<semaphore_mem>> -> memref<!tpu.dma_semaphore, #tpu.memory_space<semaphore_mem>>
            tpu.enqueue_indirect_dma source(%dma_start3A_540 : memref<64x32xf32, #tpu.memory_space<vmem>>) target(%dma_start3A_546 : memref<10240x32xf32, #tpu.memory_space<vmem_shared>>) offsets(%dma_start3A_543 : memref<64xi32, #tpu.memory_space<vmem>>) semaphore(%dma_start3A_548 : memref<!tpu.dma_semaphore, #tpu.memory_space<semaphore_mem>>) {add = true}
          } else {
          }
          %add3A_414 = arith.constant 4 : i32
          %add3A_415 = arith.addi %add3A_312, %add3A_414 : i32
          %ge3A_416 = arith.constant 8 : i32
          %ge3A_417 = arith.cmpi sge, %add3A_415, %ge3A_416 : i32
          %convert_element_type3A_418 = arith.extui %ge3A_417 : i1 to i32
          %cond3A_419 = arith.constant 0 : i32
          %cond3A_420 = arith.cmpi ne, %convert_element_type3A_418, %cond3A_419 : i32
          scf.if %cond3A_420 {
            %sub3A = arith.constant 8 : i32
            %sub3A_518 = arith.subi %add3A_415, %sub3A : i32
            %dma_wait3A_519 = arith.constant 4 : i32
            %dma_wait3A_520 = arith.constant 4 : i32
            %dma_wait3A_521 = arith.constant 0 : i32
            %dma_wait3A_522 = arith.constant 0 : i32
            %dma_wait3A_523 = tpu.memref_slice %arg10[%dma_wait3A_519, %dma_wait3A_521, %dma_wait3A_522] : memref<8x64x32xf32, #tpu.memory_space<vmem>> -> memref<1x64x32xf32, #tpu.memory_space<vmem>>
            %dma_wait3A_524 = tpu.memref_squeeze %dma_wait3A_523 : memref<1x64x32xf32, #tpu.memory_space<vmem>> -> memref<64x32xf32, #tpu.memory_space<vmem>>
            %dma_wait3A_525 = arith.constant 0 : i32
            %dma_wait3A_526 = tpu.memref_slice %arg9[%sub3A_518, %dma_wait3A_525] : memref<80x64xi32, #tpu.memory_space<vmem>> -> memref<1x64xi32, #tpu.memory_space<vmem>>
            %dma_wait3A_527 = tpu.memref_squeeze %dma_wait3A_526 : memref<1x64xi32, #tpu.memory_space<vmem>> -> memref<64xi32, #tpu.memory_space<vmem>>
            %dma_wait3A_528 = arith.constant 0 : i32
            %dma_wait3A_529 = arith.constant 0 : i32
            %dma_wait3A_530 = tpu.memref_slice %arg18[%dma_wait3A_528, %dma_wait3A_529] : memref<10240x32xf32, #tpu.memory_space<vmem_shared>> -> memref<10240x32xf32, #tpu.memory_space<vmem_shared>>
            %dma_wait3A_531 = tpu.memref_slice %arg16[%dma_wait3A_520] : memref<8x!tpu.dma_semaphore, #tpu.memory_space<semaphore_mem>> -> memref<1x!tpu.dma_semaphore, #tpu.memory_space<semaphore_mem>>
            %dma_wait3A_532 = tpu.memref_squeeze %dma_wait3A_531 : memref<1x!tpu.dma_semaphore, #tpu.memory_space<semaphore_mem>> -> memref<!tpu.dma_semaphore, #tpu.memory_space<semaphore_mem>>
            tpu.wait_indirect_dma semaphore(%dma_wait3A_532 : memref<!tpu.dma_semaphore, #tpu.memory_space<semaphore_mem>>) src(%dma_wait3A_524 : memref<64x32xf32, #tpu.memory_space<vmem>>) dst(%dma_wait3A_530 : memref<10240x32xf32, #tpu.memory_space<vmem_shared>>)
          } else {
          }
          %dma_start3A_421 = arith.constant 4 : i32
          %dma_start3A_422 = arith.constant 4 : i32
          %dma_start3A_423 = arith.constant 0 : i32
          %dma_start3A_424 = arith.constant 0 : i32
          %dma_start3A_425 = tpu.memref_slice %arg10[%dma_start3A_421, %dma_start3A_423, %dma_start3A_424] : memref<8x64x32xf32, #tpu.memory_space<vmem>> -> memref<1x64x32xf32, #tpu.memory_space<vmem>>
          %dma_start3A_426 = tpu.memref_squeeze %dma_start3A_425 : memref<1x64x32xf32, #tpu.memory_space<vmem>> -> memref<64x32xf32, #tpu.memory_space<vmem>>
          %dma_start3A_427 = arith.constant 0 : i32
          %dma_start3A_428 = tpu.memref_slice %arg8[%add3A_415, %dma_start3A_427] : memref<80x64xi32, #tpu.memory_space<vmem>> -> memref<1x64xi32, #tpu.memory_space<vmem>>
          %dma_start3A_429 = tpu.memref_squeeze %dma_start3A_428 : memref<1x64xi32, #tpu.memory_space<vmem>> -> memref<64xi32, #tpu.memory_space<vmem>>
          %dma_start3A_430 = arith.constant 0 : i32
          %dma_start3A_431 = arith.constant 0 : i32
          %dma_start3A_432 = tpu.memref_slice %arg17[%dma_start3A_430, %dma_start3A_431] : memref<10240x32xf32, #tpu.memory_space<vmem_shared>> -> memref<10240x32xf32, #tpu.memory_space<vmem_shared>>
          %dma_start3A_433 = tpu.memref_slice %arg15[%dma_start3A_422] : memref<8x!tpu.dma_semaphore, #tpu.memory_space<semaphore_mem>> -> memref<1x!tpu.dma_semaphore, #tpu.memory_space<semaphore_mem>>
          %dma_start3A_434 = tpu.memref_squeeze %dma_start3A_433 : memref<1x!tpu.dma_semaphore, #tpu.memory_space<semaphore_mem>> -> memref<!tpu.dma_semaphore, #tpu.memory_space<semaphore_mem>>
          tpu.enqueue_indirect_dma source(%dma_start3A_432 : memref<10240x32xf32, #tpu.memory_space<vmem_shared>>) target(%dma_start3A_426 : memref<64x32xf32, #tpu.memory_space<vmem>>) offsets(%dma_start3A_429 : memref<64xi32, #tpu.memory_space<vmem>>) semaphore(%dma_start3A_434 : memref<!tpu.dma_semaphore, #tpu.memory_space<semaphore_mem>>)
          %ge3A_435 = arith.constant 4 : i32
          %ge3A_436 = arith.cmpi sge, %add3A_415, %ge3A_435 : i32
          %convert_element_type3A_437 = arith.extui %ge3A_436 : i1 to i32
          %cond3A_438 = arith.constant 0 : i32
          %cond3A_439 = arith.cmpi ne, %convert_element_type3A_437, %cond3A_438 : i32
          scf.if %cond3A_439 {
            %sub3A = arith.constant 4 : i32
            %sub3A_518 = arith.subi %add3A_415, %sub3A : i32
            %dma_wait3A_519 = arith.constant 0 : i32
            %dma_wait3A_520 = arith.constant 0 : i32
            %dma_wait3A_521 = arith.constant 0 : i32
            %dma_wait3A_522 = arith.constant 0 : i32
            %dma_wait3A_523 = tpu.memref_slice %arg10[%dma_wait3A_519, %dma_wait3A_521, %dma_wait3A_522] : memref<8x64x32xf32, #tpu.memory_space<vmem>> -> memref<1x64x32xf32, #tpu.memory_space<vmem>>
            %dma_wait3A_524 = tpu.memref_squeeze %dma_wait3A_523 : memref<1x64x32xf32, #tpu.memory_space<vmem>> -> memref<64x32xf32, #tpu.memory_space<vmem>>
            %dma_wait3A_525 = arith.constant 0 : i32
            %dma_wait3A_526 = tpu.memref_slice %arg8[%sub3A_518, %dma_wait3A_525] : memref<80x64xi32, #tpu.memory_space<vmem>> -> memref<1x64xi32, #tpu.memory_space<vmem>>
            %dma_wait3A_527 = tpu.memref_squeeze %dma_wait3A_526 : memref<1x64xi32, #tpu.memory_space<vmem>> -> memref<64xi32, #tpu.memory_space<vmem>>
            %dma_wait3A_528 = arith.constant 0 : i32
            %dma_wait3A_529 = arith.constant 0 : i32
            %dma_wait3A_530 = tpu.memref_slice %arg17[%dma_wait3A_528, %dma_wait3A_529] : memref<10240x32xf32, #tpu.memory_space<vmem_shared>> -> memref<10240x32xf32, #tpu.memory_space<vmem_shared>>
            %dma_wait3A_531 = tpu.memref_slice %arg15[%dma_wait3A_520] : memref<8x!tpu.dma_semaphore, #tpu.memory_space<semaphore_mem>> -> memref<1x!tpu.dma_semaphore, #tpu.memory_space<semaphore_mem>>
            %dma_wait3A_532 = tpu.memref_squeeze %dma_wait3A_531 : memref<1x!tpu.dma_semaphore, #tpu.memory_space<semaphore_mem>> -> memref<!tpu.dma_semaphore, #tpu.memory_space<semaphore_mem>>
            tpu.wait_indirect_dma semaphore(%dma_wait3A_532 : memref<!tpu.dma_semaphore, #tpu.memory_space<semaphore_mem>>) src(%dma_wait3A_530 : memref<10240x32xf32, #tpu.memory_space<vmem_shared>>) dst(%dma_wait3A_524 : memref<64x32xf32, #tpu.memory_space<vmem>>)
            %sub3A_533 = arith.constant 4 : i32
            %sub3A_534 = arith.subi %add3A_415, %sub3A_533 : i32
            %dma_start3A_535 = arith.constant 0 : i32
            %dma_start3A_536 = arith.constant 0 : i32
            %dma_start3A_537 = arith.constant 0 : i32
            %dma_start3A_538 = arith.constant 0 : i32
            %dma_start3A_539 = tpu.memref_slice %arg10[%dma_start3A_535, %dma_start3A_537, %dma_start3A_538] : memref<8x64x32xf32, #tpu.memory_space<vmem>> -> memref<1x64x32xf32, #tpu.memory_space<vmem>>
            %dma_start3A_540 = tpu.memref_squeeze %dma_start3A_539 : memref<1x64x32xf32, #tpu.memory_space<vmem>> -> memref<64x32xf32, #tpu.memory_space<vmem>>
            %dma_start3A_541 = arith.constant 0 : i32
            %dma_start3A_542 = tpu.memref_slice %arg9[%sub3A_534, %dma_start3A_541] : memref<80x64xi32, #tpu.memory_space<vmem>> -> memref<1x64xi32, #tpu.memory_space<vmem>>
            %dma_start3A_543 = tpu.memref_squeeze %dma_start3A_542 : memref<1x64xi32, #tpu.memory_space<vmem>> -> memref<64xi32, #tpu.memory_space<vmem>>
            %dma_start3A_544 = arith.constant 0 : i32
            %dma_start3A_545 = arith.constant 0 : i32
            %dma_start3A_546 = tpu.memref_slice %arg18[%dma_start3A_544, %dma_start3A_545] : memref<10240x32xf32, #tpu.memory_space<vmem_shared>> -> memref<10240x32xf32, #tpu.memory_space<vmem_shared>>
            %dma_start3A_547 = tpu.memref_slice %arg16[%dma_start3A_536] : memref<8x!tpu.dma_semaphore, #tpu.memory_space<semaphore_mem>> -> memref<1x!tpu.dma_semaphore, #tpu.memory_space<semaphore_mem>>
            %dma_start3A_548 = tpu.memref_squeeze %dma_start3A_547 : memref<1x!tpu.dma_semaphore, #tpu.memory_space<semaphore_mem>> -> memref<!tpu.dma_semaphore, #tpu.memory_space<semaphore_mem>>
            tpu.enqueue_indirect_dma source(%dma_start3A_540 : memref<64x32xf32, #tpu.memory_space<vmem>>) target(%dma_start3A_546 : memref<10240x32xf32, #tpu.memory_space<vmem_shared>>) offsets(%dma_start3A_543 : memref<64xi32, #tpu.memory_space<vmem>>) semaphore(%dma_start3A_548 : memref<!tpu.dma_semaphore, #tpu.memory_space<semaphore_mem>>) {add = true}
          } else {
          }
          %add3A_440 = arith.constant 5 : i32
          %add3A_441 = arith.addi %add3A_312, %add3A_440 : i32
          %ge3A_442 = arith.constant 8 : i32
          %ge3A_443 = arith.cmpi sge, %add3A_441, %ge3A_442 : i32
          %convert_element_type3A_444 = arith.extui %ge3A_443 : i1 to i32
          %cond3A_445 = arith.constant 0 : i32
          %cond3A_446 = arith.cmpi ne, %convert_element_type3A_444, %cond3A_445 : i32
          scf.if %cond3A_446 {
            %sub3A = arith.constant 8 : i32
            %sub3A_518 = arith.subi %add3A_441, %sub3A : i32
            %dma_wait3A_519 = arith.constant 5 : i32
            %dma_wait3A_520 = arith.constant 5 : i32
            %dma_wait3A_521 = arith.constant 0 : i32
            %dma_wait3A_522 = arith.constant 0 : i32
            %dma_wait3A_523 = tpu.memref_slice %arg10[%dma_wait3A_519, %dma_wait3A_521, %dma_wait3A_522] : memref<8x64x32xf32, #tpu.memory_space<vmem>> -> memref<1x64x32xf32, #tpu.memory_space<vmem>>
            %dma_wait3A_524 = tpu.memref_squeeze %dma_wait3A_523 : memref<1x64x32xf32, #tpu.memory_space<vmem>> -> memref<64x32xf32, #tpu.memory_space<vmem>>
            %dma_wait3A_525 = arith.constant 0 : i32
            %dma_wait3A_526 = tpu.memref_slice %arg9[%sub3A_518, %dma_wait3A_525] : memref<80x64xi32, #tpu.memory_space<vmem>> -> memref<1x64xi32, #tpu.memory_space<vmem>>
            %dma_wait3A_527 = tpu.memref_squeeze %dma_wait3A_526 : memref<1x64xi32, #tpu.memory_space<vmem>> -> memref<64xi32, #tpu.memory_space<vmem>>
            %dma_wait3A_528 = arith.constant 0 : i32
            %dma_wait3A_529 = arith.constant 0 : i32
            %dma_wait3A_530 = tpu.memref_slice %arg18[%dma_wait3A_528, %dma_wait3A_529] : memref<10240x32xf32, #tpu.memory_space<vmem_shared>> -> memref<10240x32xf32, #tpu.memory_space<vmem_shared>>
            %dma_wait3A_531 = tpu.memref_slice %arg16[%dma_wait3A_520] : memref<8x!tpu.dma_semaphore, #tpu.memory_space<semaphore_mem>> -> memref<1x!tpu.dma_semaphore, #tpu.memory_space<semaphore_mem>>
            %dma_wait3A_532 = tpu.memref_squeeze %dma_wait3A_531 : memref<1x!tpu.dma_semaphore, #tpu.memory_space<semaphore_mem>> -> memref<!tpu.dma_semaphore, #tpu.memory_space<semaphore_mem>>
            tpu.wait_indirect_dma semaphore(%dma_wait3A_532 : memref<!tpu.dma_semaphore, #tpu.memory_space<semaphore_mem>>) src(%dma_wait3A_524 : memref<64x32xf32, #tpu.memory_space<vmem>>) dst(%dma_wait3A_530 : memref<10240x32xf32, #tpu.memory_space<vmem_shared>>)
          } else {
          }
          %dma_start3A_447 = arith.constant 5 : i32
          %dma_start3A_448 = arith.constant 5 : i32
          %dma_start3A_449 = arith.constant 0 : i32
          %dma_start3A_450 = arith.constant 0 : i32
          %dma_start3A_451 = tpu.memref_slice %arg10[%dma_start3A_447, %dma_start3A_449, %dma_start3A_450] : memref<8x64x32xf32, #tpu.memory_space<vmem>> -> memref<1x64x32xf32, #tpu.memory_space<vmem>>
          %dma_start3A_452 = tpu.memref_squeeze %dma_start3A_451 : memref<1x64x32xf32, #tpu.memory_space<vmem>> -> memref<64x32xf32, #tpu.memory_space<vmem>>
          %dma_start3A_453 = arith.constant 0 : i32
          %dma_start3A_454 = tpu.memref_slice %arg8[%add3A_441, %dma_start3A_453] : memref<80x64xi32, #tpu.memory_space<vmem>> -> memref<1x64xi32, #tpu.memory_space<vmem>>
          %dma_start3A_455 = tpu.memref_squeeze %dma_start3A_454 : memref<1x64xi32, #tpu.memory_space<vmem>> -> memref<64xi32, #tpu.memory_space<vmem>>
          %dma_start3A_456 = arith.constant 0 : i32
          %dma_start3A_457 = arith.constant 0 : i32
          %dma_start3A_458 = tpu.memref_slice %arg17[%dma_start3A_456, %dma_start3A_457] : memref<10240x32xf32, #tpu.memory_space<vmem_shared>> -> memref<10240x32xf32, #tpu.memory_space<vmem_shared>>
          %dma_start3A_459 = tpu.memref_slice %arg15[%dma_start3A_448] : memref<8x!tpu.dma_semaphore, #tpu.memory_space<semaphore_mem>> -> memref<1x!tpu.dma_semaphore, #tpu.memory_space<semaphore_mem>>
          %dma_start3A_460 = tpu.memref_squeeze %dma_start3A_459 : memref<1x!tpu.dma_semaphore, #tpu.memory_space<semaphore_mem>> -> memref<!tpu.dma_semaphore, #tpu.memory_space<semaphore_mem>>
          tpu.enqueue_indirect_dma source(%dma_start3A_458 : memref<10240x32xf32, #tpu.memory_space<vmem_shared>>) target(%dma_start3A_452 : memref<64x32xf32, #tpu.memory_space<vmem>>) offsets(%dma_start3A_455 : memref<64xi32, #tpu.memory_space<vmem>>) semaphore(%dma_start3A_460 : memref<!tpu.dma_semaphore, #tpu.memory_space<semaphore_mem>>)
          %ge3A_461 = arith.constant 4 : i32
          %ge3A_462 = arith.cmpi sge, %add3A_441, %ge3A_461 : i32
          %convert_element_type3A_463 = arith.extui %ge3A_462 : i1 to i32
          %cond3A_464 = arith.constant 0 : i32
          %cond3A_465 = arith.cmpi ne, %convert_element_type3A_463, %cond3A_464 : i32
          scf.if %cond3A_465 {
            %sub3A = arith.constant 4 : i32
            %sub3A_518 = arith.subi %add3A_441, %sub3A : i32
            %dma_wait3A_519 = arith.constant 1 : i32
            %dma_wait3A_520 = arith.constant 1 : i32
            %dma_wait3A_521 = arith.constant 0 : i32
            %dma_wait3A_522 = arith.constant 0 : i32
            %dma_wait3A_523 = tpu.memref_slice %arg10[%dma_wait3A_519, %dma_wait3A_521, %dma_wait3A_522] : memref<8x64x32xf32, #tpu.memory_space<vmem>> -> memref<1x64x32xf32, #tpu.memory_space<vmem>>
            %dma_wait3A_524 = tpu.memref_squeeze %dma_wait3A_523 : memref<1x64x32xf32, #tpu.memory_space<vmem>> -> memref<64x32xf32, #tpu.memory_space<vmem>>
            %dma_wait3A_525 = arith.constant 0 : i32
            %dma_wait3A_526 = tpu.memref_slice %arg8[%sub3A_518, %dma_wait3A_525] : memref<80x64xi32, #tpu.memory_space<vmem>> -> memref<1x64xi32, #tpu.memory_space<vmem>>
            %dma_wait3A_527 = tpu.memref_squeeze %dma_wait3A_526 : memref<1x64xi32, #tpu.memory_space<vmem>> -> memref<64xi32, #tpu.memory_space<vmem>>
            %dma_wait3A_528 = arith.constant 0 : i32
            %dma_wait3A_529 = arith.constant 0 : i32
            %dma_wait3A_530 = tpu.memref_slice %arg17[%dma_wait3A_528, %dma_wait3A_529] : memref<10240x32xf32, #tpu.memory_space<vmem_shared>> -> memref<10240x32xf32, #tpu.memory_space<vmem_shared>>
            %dma_wait3A_531 = tpu.memref_slice %arg15[%dma_wait3A_520] : memref<8x!tpu.dma_semaphore, #tpu.memory_space<semaphore_mem>> -> memref<1x!tpu.dma_semaphore, #tpu.memory_space<semaphore_mem>>
            %dma_wait3A_532 = tpu.memref_squeeze %dma_wait3A_531 : memref<1x!tpu.dma_semaphore, #tpu.memory_space<semaphore_mem>> -> memref<!tpu.dma_semaphore, #tpu.memory_space<semaphore_mem>>
            tpu.wait_indirect_dma semaphore(%dma_wait3A_532 : memref<!tpu.dma_semaphore, #tpu.memory_space<semaphore_mem>>) src(%dma_wait3A_530 : memref<10240x32xf32, #tpu.memory_space<vmem_shared>>) dst(%dma_wait3A_524 : memref<64x32xf32, #tpu.memory_space<vmem>>)
            %sub3A_533 = arith.constant 4 : i32
            %sub3A_534 = arith.subi %add3A_441, %sub3A_533 : i32
            %dma_start3A_535 = arith.constant 1 : i32
            %dma_start3A_536 = arith.constant 1 : i32
            %dma_start3A_537 = arith.constant 0 : i32
            %dma_start3A_538 = arith.constant 0 : i32
            %dma_start3A_539 = tpu.memref_slice %arg10[%dma_start3A_535, %dma_start3A_537, %dma_start3A_538] : memref<8x64x32xf32, #tpu.memory_space<vmem>> -> memref<1x64x32xf32, #tpu.memory_space<vmem>>
            %dma_start3A_540 = tpu.memref_squeeze %dma_start3A_539 : memref<1x64x32xf32, #tpu.memory_space<vmem>> -> memref<64x32xf32, #tpu.memory_space<vmem>>
            %dma_start3A_541 = arith.constant 0 : i32
            %dma_start3A_542 = tpu.memref_slice %arg9[%sub3A_534, %dma_start3A_541] : memref<80x64xi32, #tpu.memory_space<vmem>> -> memref<1x64xi32, #tpu.memory_space<vmem>>
            %dma_start3A_543 = tpu.memref_squeeze %dma_start3A_542 : memref<1x64xi32, #tpu.memory_space<vmem>> -> memref<64xi32, #tpu.memory_space<vmem>>
            %dma_start3A_544 = arith.constant 0 : i32
            %dma_start3A_545 = arith.constant 0 : i32
            %dma_start3A_546 = tpu.memref_slice %arg18[%dma_start3A_544, %dma_start3A_545] : memref<10240x32xf32, #tpu.memory_space<vmem_shared>> -> memref<10240x32xf32, #tpu.memory_space<vmem_shared>>
            %dma_start3A_547 = tpu.memref_slice %arg16[%dma_start3A_536] : memref<8x!tpu.dma_semaphore, #tpu.memory_space<semaphore_mem>> -> memref<1x!tpu.dma_semaphore, #tpu.memory_space<semaphore_mem>>
            %dma_start3A_548 = tpu.memref_squeeze %dma_start3A_547 : memref<1x!tpu.dma_semaphore, #tpu.memory_space<semaphore_mem>> -> memref<!tpu.dma_semaphore, #tpu.memory_space<semaphore_mem>>
            tpu.enqueue_indirect_dma source(%dma_start3A_540 : memref<64x32xf32, #tpu.memory_space<vmem>>) target(%dma_start3A_546 : memref<10240x32xf32, #tpu.memory_space<vmem_shared>>) offsets(%dma_start3A_543 : memref<64xi32, #tpu.memory_space<vmem>>) semaphore(%dma_start3A_548 : memref<!tpu.dma_semaphore, #tpu.memory_space<semaphore_mem>>) {add = true}
          } else {
          }
          %add3A_466 = arith.constant 6 : i32
          %add3A_467 = arith.addi %add3A_312, %add3A_466 : i32
          %ge3A_468 = arith.constant 8 : i32
          %ge3A_469 = arith.cmpi sge, %add3A_467, %ge3A_468 : i32
          %convert_element_type3A_470 = arith.extui %ge3A_469 : i1 to i32
          %cond3A_471 = arith.constant 0 : i32
          %cond3A_472 = arith.cmpi ne, %convert_element_type3A_470, %cond3A_471 : i32
          scf.if %cond3A_472 {
            %sub3A = arith.constant 8 : i32
            %sub3A_518 = arith.subi %add3A_467, %sub3A : i32
            %dma_wait3A_519 = arith.constant 6 : i32
            %dma_wait3A_520 = arith.constant 6 : i32
            %dma_wait3A_521 = arith.constant 0 : i32
            %dma_wait3A_522 = arith.constant 0 : i32
            %dma_wait3A_523 = tpu.memref_slice %arg10[%dma_wait3A_519, %dma_wait3A_521, %dma_wait3A_522] : memref<8x64x32xf32, #tpu.memory_space<vmem>> -> memref<1x64x32xf32, #tpu.memory_space<vmem>>
            %dma_wait3A_524 = tpu.memref_squeeze %dma_wait3A_523 : memref<1x64x32xf32, #tpu.memory_space<vmem>> -> memref<64x32xf32, #tpu.memory_space<vmem>>
            %dma_wait3A_525 = arith.constant 0 : i32
            %dma_wait3A_526 = tpu.memref_slice %arg9[%sub3A_518, %dma_wait3A_525] : memref<80x64xi32, #tpu.memory_space<vmem>> -> memref<1x64xi32, #tpu.memory_space<vmem>>
            %dma_wait3A_527 = tpu.memref_squeeze %dma_wait3A_526 : memref<1x64xi32, #tpu.memory_space<vmem>> -> memref<64xi32, #tpu.memory_space<vmem>>
            %dma_wait3A_528 = arith.constant 0 : i32
            %dma_wait3A_529 = arith.constant 0 : i32
            %dma_wait3A_530 = tpu.memref_slice %arg18[%dma_wait3A_528, %dma_wait3A_529] : memref<10240x32xf32, #tpu.memory_space<vmem_shared>> -> memref<10240x32xf32, #tpu.memory_space<vmem_shared>>
            %dma_wait3A_531 = tpu.memref_slice %arg16[%dma_wait3A_520] : memref<8x!tpu.dma_semaphore, #tpu.memory_space<semaphore_mem>> -> memref<1x!tpu.dma_semaphore, #tpu.memory_space<semaphore_mem>>
            %dma_wait3A_532 = tpu.memref_squeeze %dma_wait3A_531 : memref<1x!tpu.dma_semaphore, #tpu.memory_space<semaphore_mem>> -> memref<!tpu.dma_semaphore, #tpu.memory_space<semaphore_mem>>
            tpu.wait_indirect_dma semaphore(%dma_wait3A_532 : memref<!tpu.dma_semaphore, #tpu.memory_space<semaphore_mem>>) src(%dma_wait3A_524 : memref<64x32xf32, #tpu.memory_space<vmem>>) dst(%dma_wait3A_530 : memref<10240x32xf32, #tpu.memory_space<vmem_shared>>)
          } else {
          }
          %dma_start3A_473 = arith.constant 6 : i32
          %dma_start3A_474 = arith.constant 6 : i32
          %dma_start3A_475 = arith.constant 0 : i32
          %dma_start3A_476 = arith.constant 0 : i32
          %dma_start3A_477 = tpu.memref_slice %arg10[%dma_start3A_473, %dma_start3A_475, %dma_start3A_476] : memref<8x64x32xf32, #tpu.memory_space<vmem>> -> memref<1x64x32xf32, #tpu.memory_space<vmem>>
          %dma_start3A_478 = tpu.memref_squeeze %dma_start3A_477 : memref<1x64x32xf32, #tpu.memory_space<vmem>> -> memref<64x32xf32, #tpu.memory_space<vmem>>
          %dma_start3A_479 = arith.constant 0 : i32
          %dma_start3A_480 = tpu.memref_slice %arg8[%add3A_467, %dma_start3A_479] : memref<80x64xi32, #tpu.memory_space<vmem>> -> memref<1x64xi32, #tpu.memory_space<vmem>>
          %dma_start3A_481 = tpu.memref_squeeze %dma_start3A_480 : memref<1x64xi32, #tpu.memory_space<vmem>> -> memref<64xi32, #tpu.memory_space<vmem>>
          %dma_start3A_482 = arith.constant 0 : i32
          %dma_start3A_483 = arith.constant 0 : i32
          %dma_start3A_484 = tpu.memref_slice %arg17[%dma_start3A_482, %dma_start3A_483] : memref<10240x32xf32, #tpu.memory_space<vmem_shared>> -> memref<10240x32xf32, #tpu.memory_space<vmem_shared>>
          %dma_start3A_485 = tpu.memref_slice %arg15[%dma_start3A_474] : memref<8x!tpu.dma_semaphore, #tpu.memory_space<semaphore_mem>> -> memref<1x!tpu.dma_semaphore, #tpu.memory_space<semaphore_mem>>
          %dma_start3A_486 = tpu.memref_squeeze %dma_start3A_485 : memref<1x!tpu.dma_semaphore, #tpu.memory_space<semaphore_mem>> -> memref<!tpu.dma_semaphore, #tpu.memory_space<semaphore_mem>>
          tpu.enqueue_indirect_dma source(%dma_start3A_484 : memref<10240x32xf32, #tpu.memory_space<vmem_shared>>) target(%dma_start3A_478 : memref<64x32xf32, #tpu.memory_space<vmem>>) offsets(%dma_start3A_481 : memref<64xi32, #tpu.memory_space<vmem>>) semaphore(%dma_start3A_486 : memref<!tpu.dma_semaphore, #tpu.memory_space<semaphore_mem>>)
          %ge3A_487 = arith.constant 4 : i32
          %ge3A_488 = arith.cmpi sge, %add3A_467, %ge3A_487 : i32
          %convert_element_type3A_489 = arith.extui %ge3A_488 : i1 to i32
          %cond3A_490 = arith.constant 0 : i32
          %cond3A_491 = arith.cmpi ne, %convert_element_type3A_489, %cond3A_490 : i32
          scf.if %cond3A_491 {
            %sub3A = arith.constant 4 : i32
            %sub3A_518 = arith.subi %add3A_467, %sub3A : i32
            %dma_wait3A_519 = arith.constant 2 : i32
            %dma_wait3A_520 = arith.constant 2 : i32
            %dma_wait3A_521 = arith.constant 0 : i32
            %dma_wait3A_522 = arith.constant 0 : i32
            %dma_wait3A_523 = tpu.memref_slice %arg10[%dma_wait3A_519, %dma_wait3A_521, %dma_wait3A_522] : memref<8x64x32xf32, #tpu.memory_space<vmem>> -> memref<1x64x32xf32, #tpu.memory_space<vmem>>
            %dma_wait3A_524 = tpu.memref_squeeze %dma_wait3A_523 : memref<1x64x32xf32, #tpu.memory_space<vmem>> -> memref<64x32xf32, #tpu.memory_space<vmem>>
            %dma_wait3A_525 = arith.constant 0 : i32
            %dma_wait3A_526 = tpu.memref_slice %arg8[%sub3A_518, %dma_wait3A_525] : memref<80x64xi32, #tpu.memory_space<vmem>> -> memref<1x64xi32, #tpu.memory_space<vmem>>
            %dma_wait3A_527 = tpu.memref_squeeze %dma_wait3A_526 : memref<1x64xi32, #tpu.memory_space<vmem>> -> memref<64xi32, #tpu.memory_space<vmem>>
            %dma_wait3A_528 = arith.constant 0 : i32
            %dma_wait3A_529 = arith.constant 0 : i32
            %dma_wait3A_530 = tpu.memref_slice %arg17[%dma_wait3A_528, %dma_wait3A_529] : memref<10240x32xf32, #tpu.memory_space<vmem_shared>> -> memref<10240x32xf32, #tpu.memory_space<vmem_shared>>
            %dma_wait3A_531 = tpu.memref_slice %arg15[%dma_wait3A_520] : memref<8x!tpu.dma_semaphore, #tpu.memory_space<semaphore_mem>> -> memref<1x!tpu.dma_semaphore, #tpu.memory_space<semaphore_mem>>
            %dma_wait3A_532 = tpu.memref_squeeze %dma_wait3A_531 : memref<1x!tpu.dma_semaphore, #tpu.memory_space<semaphore_mem>> -> memref<!tpu.dma_semaphore, #tpu.memory_space<semaphore_mem>>
            tpu.wait_indirect_dma semaphore(%dma_wait3A_532 : memref<!tpu.dma_semaphore, #tpu.memory_space<semaphore_mem>>) src(%dma_wait3A_530 : memref<10240x32xf32, #tpu.memory_space<vmem_shared>>) dst(%dma_wait3A_524 : memref<64x32xf32, #tpu.memory_space<vmem>>)
            %sub3A_533 = arith.constant 4 : i32
            %sub3A_534 = arith.subi %add3A_467, %sub3A_533 : i32
            %dma_start3A_535 = arith.constant 2 : i32
            %dma_start3A_536 = arith.constant 2 : i32
            %dma_start3A_537 = arith.constant 0 : i32
            %dma_start3A_538 = arith.constant 0 : i32
            %dma_start3A_539 = tpu.memref_slice %arg10[%dma_start3A_535, %dma_start3A_537, %dma_start3A_538] : memref<8x64x32xf32, #tpu.memory_space<vmem>> -> memref<1x64x32xf32, #tpu.memory_space<vmem>>
            %dma_start3A_540 = tpu.memref_squeeze %dma_start3A_539 : memref<1x64x32xf32, #tpu.memory_space<vmem>> -> memref<64x32xf32, #tpu.memory_space<vmem>>
            %dma_start3A_541 = arith.constant 0 : i32
            %dma_start3A_542 = tpu.memref_slice %arg9[%sub3A_534, %dma_start3A_541] : memref<80x64xi32, #tpu.memory_space<vmem>> -> memref<1x64xi32, #tpu.memory_space<vmem>>
            %dma_start3A_543 = tpu.memref_squeeze %dma_start3A_542 : memref<1x64xi32, #tpu.memory_space<vmem>> -> memref<64xi32, #tpu.memory_space<vmem>>
            %dma_start3A_544 = arith.constant 0 : i32
            %dma_start3A_545 = arith.constant 0 : i32
            %dma_start3A_546 = tpu.memref_slice %arg18[%dma_start3A_544, %dma_start3A_545] : memref<10240x32xf32, #tpu.memory_space<vmem_shared>> -> memref<10240x32xf32, #tpu.memory_space<vmem_shared>>
            %dma_start3A_547 = tpu.memref_slice %arg16[%dma_start3A_536] : memref<8x!tpu.dma_semaphore, #tpu.memory_space<semaphore_mem>> -> memref<1x!tpu.dma_semaphore, #tpu.memory_space<semaphore_mem>>
            %dma_start3A_548 = tpu.memref_squeeze %dma_start3A_547 : memref<1x!tpu.dma_semaphore, #tpu.memory_space<semaphore_mem>> -> memref<!tpu.dma_semaphore, #tpu.memory_space<semaphore_mem>>
            tpu.enqueue_indirect_dma source(%dma_start3A_540 : memref<64x32xf32, #tpu.memory_space<vmem>>) target(%dma_start3A_546 : memref<10240x32xf32, #tpu.memory_space<vmem_shared>>) offsets(%dma_start3A_543 : memref<64xi32, #tpu.memory_space<vmem>>) semaphore(%dma_start3A_548 : memref<!tpu.dma_semaphore, #tpu.memory_space<semaphore_mem>>) {add = true}
          } else {
          }
          %add3A_492 = arith.constant 7 : i32
          %add3A_493 = arith.addi %add3A_312, %add3A_492 : i32
          %ge3A_494 = arith.constant 8 : i32
          %ge3A_495 = arith.cmpi sge, %add3A_493, %ge3A_494 : i32
          %convert_element_type3A_496 = arith.extui %ge3A_495 : i1 to i32
          %cond3A_497 = arith.constant 0 : i32
          %cond3A_498 = arith.cmpi ne, %convert_element_type3A_496, %cond3A_497 : i32
          scf.if %cond3A_498 {
            %sub3A = arith.constant 8 : i32
            %sub3A_518 = arith.subi %add3A_493, %sub3A : i32
            %dma_wait3A_519 = arith.constant 7 : i32
            %dma_wait3A_520 = arith.constant 7 : i32
            %dma_wait3A_521 = arith.constant 0 : i32
            %dma_wait3A_522 = arith.constant 0 : i32
            %dma_wait3A_523 = tpu.memref_slice %arg10[%dma_wait3A_519, %dma_wait3A_521, %dma_wait3A_522] : memref<8x64x32xf32, #tpu.memory_space<vmem>> -> memref<1x64x32xf32, #tpu.memory_space<vmem>>
            %dma_wait3A_524 = tpu.memref_squeeze %dma_wait3A_523 : memref<1x64x32xf32, #tpu.memory_space<vmem>> -> memref<64x32xf32, #tpu.memory_space<vmem>>
            %dma_wait3A_525 = arith.constant 0 : i32
            %dma_wait3A_526 = tpu.memref_slice %arg9[%sub3A_518, %dma_wait3A_525] : memref<80x64xi32, #tpu.memory_space<vmem>> -> memref<1x64xi32, #tpu.memory_space<vmem>>
            %dma_wait3A_527 = tpu.memref_squeeze %dma_wait3A_526 : memref<1x64xi32, #tpu.memory_space<vmem>> -> memref<64xi32, #tpu.memory_space<vmem>>
            %dma_wait3A_528 = arith.constant 0 : i32
            %dma_wait3A_529 = arith.constant 0 : i32
            %dma_wait3A_530 = tpu.memref_slice %arg18[%dma_wait3A_528, %dma_wait3A_529] : memref<10240x32xf32, #tpu.memory_space<vmem_shared>> -> memref<10240x32xf32, #tpu.memory_space<vmem_shared>>
            %dma_wait3A_531 = tpu.memref_slice %arg16[%dma_wait3A_520] : memref<8x!tpu.dma_semaphore, #tpu.memory_space<semaphore_mem>> -> memref<1x!tpu.dma_semaphore, #tpu.memory_space<semaphore_mem>>
            %dma_wait3A_532 = tpu.memref_squeeze %dma_wait3A_531 : memref<1x!tpu.dma_semaphore, #tpu.memory_space<semaphore_mem>> -> memref<!tpu.dma_semaphore, #tpu.memory_space<semaphore_mem>>
            tpu.wait_indirect_dma semaphore(%dma_wait3A_532 : memref<!tpu.dma_semaphore, #tpu.memory_space<semaphore_mem>>) src(%dma_wait3A_524 : memref<64x32xf32, #tpu.memory_space<vmem>>) dst(%dma_wait3A_530 : memref<10240x32xf32, #tpu.memory_space<vmem_shared>>)
          } else {
          }
          %dma_start3A_499 = arith.constant 7 : i32
          %dma_start3A_500 = arith.constant 7 : i32
          %dma_start3A_501 = arith.constant 0 : i32
          %dma_start3A_502 = arith.constant 0 : i32
          %dma_start3A_503 = tpu.memref_slice %arg10[%dma_start3A_499, %dma_start3A_501, %dma_start3A_502] : memref<8x64x32xf32, #tpu.memory_space<vmem>> -> memref<1x64x32xf32, #tpu.memory_space<vmem>>
          %dma_start3A_504 = tpu.memref_squeeze %dma_start3A_503 : memref<1x64x32xf32, #tpu.memory_space<vmem>> -> memref<64x32xf32, #tpu.memory_space<vmem>>
          %dma_start3A_505 = arith.constant 0 : i32
          %dma_start3A_506 = tpu.memref_slice %arg8[%add3A_493, %dma_start3A_505] : memref<80x64xi32, #tpu.memory_space<vmem>> -> memref<1x64xi32, #tpu.memory_space<vmem>>
          %dma_start3A_507 = tpu.memref_squeeze %dma_start3A_506 : memref<1x64xi32, #tpu.memory_space<vmem>> -> memref<64xi32, #tpu.memory_space<vmem>>
          %dma_start3A_508 = arith.constant 0 : i32
          %dma_start3A_509 = arith.constant 0 : i32
          %dma_start3A_510 = tpu.memref_slice %arg17[%dma_start3A_508, %dma_start3A_509] : memref<10240x32xf32, #tpu.memory_space<vmem_shared>> -> memref<10240x32xf32, #tpu.memory_space<vmem_shared>>
          %dma_start3A_511 = tpu.memref_slice %arg15[%dma_start3A_500] : memref<8x!tpu.dma_semaphore, #tpu.memory_space<semaphore_mem>> -> memref<1x!tpu.dma_semaphore, #tpu.memory_space<semaphore_mem>>
          %dma_start3A_512 = tpu.memref_squeeze %dma_start3A_511 : memref<1x!tpu.dma_semaphore, #tpu.memory_space<semaphore_mem>> -> memref<!tpu.dma_semaphore, #tpu.memory_space<semaphore_mem>>
          tpu.enqueue_indirect_dma source(%dma_start3A_510 : memref<10240x32xf32, #tpu.memory_space<vmem_shared>>) target(%dma_start3A_504 : memref<64x32xf32, #tpu.memory_space<vmem>>) offsets(%dma_start3A_507 : memref<64xi32, #tpu.memory_space<vmem>>) semaphore(%dma_start3A_512 : memref<!tpu.dma_semaphore, #tpu.memory_space<semaphore_mem>>)
          %ge3A_513 = arith.constant 4 : i32
          %ge3A_514 = arith.cmpi sge, %add3A_493, %ge3A_513 : i32
          %convert_element_type3A_515 = arith.extui %ge3A_514 : i1 to i32
          %cond3A_516 = arith.constant 0 : i32
          %cond3A_517 = arith.cmpi ne, %convert_element_type3A_515, %cond3A_516 : i32
          scf.if %cond3A_517 {
            %sub3A = arith.constant 4 : i32
            %sub3A_518 = arith.subi %add3A_493, %sub3A : i32
            %dma_wait3A_519 = arith.constant 3 : i32
            %dma_wait3A_520 = arith.constant 3 : i32
            %dma_wait3A_521 = arith.constant 0 : i32
            %dma_wait3A_522 = arith.constant 0 : i32
            %dma_wait3A_523 = tpu.memref_slice %arg10[%dma_wait3A_519, %dma_wait3A_521, %dma_wait3A_522] : memref<8x64x32xf32, #tpu.memory_space<vmem>> -> memref<1x64x32xf32, #tpu.memory_space<vmem>>
            %dma_wait3A_524 = tpu.memref_squeeze %dma_wait3A_523 : memref<1x64x32xf32, #tpu.memory_space<vmem>> -> memref<64x32xf32, #tpu.memory_space<vmem>>
            %dma_wait3A_525 = arith.constant 0 : i32
            %dma_wait3A_526 = tpu.memref_slice %arg8[%sub3A_518, %dma_wait3A_525] : memref<80x64xi32, #tpu.memory_space<vmem>> -> memref<1x64xi32, #tpu.memory_space<vmem>>
            %dma_wait3A_527 = tpu.memref_squeeze %dma_wait3A_526 : memref<1x64xi32, #tpu.memory_space<vmem>> -> memref<64xi32, #tpu.memory_space<vmem>>
            %dma_wait3A_528 = arith.constant 0 : i32
            %dma_wait3A_529 = arith.constant 0 : i32
            %dma_wait3A_530 = tpu.memref_slice %arg17[%dma_wait3A_528, %dma_wait3A_529] : memref<10240x32xf32, #tpu.memory_space<vmem_shared>> -> memref<10240x32xf32, #tpu.memory_space<vmem_shared>>
            %dma_wait3A_531 = tpu.memref_slice %arg15[%dma_wait3A_520] : memref<8x!tpu.dma_semaphore, #tpu.memory_space<semaphore_mem>> -> memref<1x!tpu.dma_semaphore, #tpu.memory_space<semaphore_mem>>
            %dma_wait3A_532 = tpu.memref_squeeze %dma_wait3A_531 : memref<1x!tpu.dma_semaphore, #tpu.memory_space<semaphore_mem>> -> memref<!tpu.dma_semaphore, #tpu.memory_space<semaphore_mem>>
            tpu.wait_indirect_dma semaphore(%dma_wait3A_532 : memref<!tpu.dma_semaphore, #tpu.memory_space<semaphore_mem>>) src(%dma_wait3A_530 : memref<10240x32xf32, #tpu.memory_space<vmem_shared>>) dst(%dma_wait3A_524 : memref<64x32xf32, #tpu.memory_space<vmem>>)
            %sub3A_533 = arith.constant 4 : i32
            %sub3A_534 = arith.subi %add3A_493, %sub3A_533 : i32
            %dma_start3A_535 = arith.constant 3 : i32
            %dma_start3A_536 = arith.constant 3 : i32
            %dma_start3A_537 = arith.constant 0 : i32
            %dma_start3A_538 = arith.constant 0 : i32
            %dma_start3A_539 = tpu.memref_slice %arg10[%dma_start3A_535, %dma_start3A_537, %dma_start3A_538] : memref<8x64x32xf32, #tpu.memory_space<vmem>> -> memref<1x64x32xf32, #tpu.memory_space<vmem>>
            %dma_start3A_540 = tpu.memref_squeeze %dma_start3A_539 : memref<1x64x32xf32, #tpu.memory_space<vmem>> -> memref<64x32xf32, #tpu.memory_space<vmem>>
            %dma_start3A_541 = arith.constant 0 : i32
            %dma_start3A_542 = tpu.memref_slice %arg9[%sub3A_534, %dma_start3A_541] : memref<80x64xi32, #tpu.memory_space<vmem>> -> memref<1x64xi32, #tpu.memory_space<vmem>>
            %dma_start3A_543 = tpu.memref_squeeze %dma_start3A_542 : memref<1x64xi32, #tpu.memory_space<vmem>> -> memref<64xi32, #tpu.memory_space<vmem>>
            %dma_start3A_544 = arith.constant 0 : i32
            %dma_start3A_545 = arith.constant 0 : i32
            %dma_start3A_546 = tpu.memref_slice %arg18[%dma_start3A_544, %dma_start3A_545] : memref<10240x32xf32, #tpu.memory_space<vmem_shared>> -> memref<10240x32xf32, #tpu.memory_space<vmem_shared>>
            %dma_start3A_547 = tpu.memref_slice %arg16[%dma_start3A_536] : memref<8x!tpu.dma_semaphore, #tpu.memory_space<semaphore_mem>> -> memref<1x!tpu.dma_semaphore, #tpu.memory_space<semaphore_mem>>
            %dma_start3A_548 = tpu.memref_squeeze %dma_start3A_547 : memref<1x!tpu.dma_semaphore, #tpu.memory_space<semaphore_mem>> -> memref<!tpu.dma_semaphore, #tpu.memory_space<semaphore_mem>>
            tpu.enqueue_indirect_dma source(%dma_start3A_540 : memref<64x32xf32, #tpu.memory_space<vmem>>) target(%dma_start3A_546 : memref<10240x32xf32, #tpu.memory_space<vmem_shared>>) offsets(%dma_start3A_543 : memref<64xi32, #tpu.memory_space<vmem>>) semaphore(%dma_start3A_548 : memref<!tpu.dma_semaphore, #tpu.memory_space<semaphore_mem>>) {add = true}
          } else {
          }
        }
        %scan3A_69 = arith.constant 10 : i32
        %dma_wait3A = arith.constant 76 : i32
        %dma_wait3A_70 = arith.constant 4 : i32
        %dma_wait3A_71 = arith.constant 4 : i32
        %dma_wait3A_72 = arith.constant 0 : i32
        %dma_wait3A_73 = arith.constant 0 : i32
        %dma_wait3A_74 = tpu.memref_slice %arg10[%dma_wait3A_70, %dma_wait3A_72, %dma_wait3A_73] : memref<8x64x32xf32, #tpu.memory_space<vmem>> -> memref<1x64x32xf32, #tpu.memory_space<vmem>>
        %dma_wait3A_75 = tpu.memref_squeeze %dma_wait3A_74 : memref<1x64x32xf32, #tpu.memory_space<vmem>> -> memref<64x32xf32, #tpu.memory_space<vmem>>
        %dma_wait3A_76 = arith.constant 0 : i32
        %dma_wait3A_77 = tpu.memref_slice %arg8[%dma_wait3A, %dma_wait3A_76] : memref<80x64xi32, #tpu.memory_space<vmem>> -> memref<1x64xi32, #tpu.memory_space<vmem>>
        %dma_wait3A_78 = tpu.memref_squeeze %dma_wait3A_77 : memref<1x64xi32, #tpu.memory_space<vmem>> -> memref<64xi32, #tpu.memory_space<vmem>>
        %dma_wait3A_79 = arith.constant 0 : i32
        %dma_wait3A_80 = arith.constant 0 : i32
        %dma_wait3A_81 = tpu.memref_slice %arg17[%dma_wait3A_79, %dma_wait3A_80] : memref<10240x32xf32, #tpu.memory_space<vmem_shared>> -> memref<10240x32xf32, #tpu.memory_space<vmem_shared>>
        %dma_wait3A_82 = tpu.memref_slice %arg15[%dma_wait3A_71] : memref<8x!tpu.dma_semaphore, #tpu.memory_space<semaphore_mem>> -> memref<1x!tpu.dma_semaphore, #tpu.memory_space<semaphore_mem>>
        %dma_wait3A_83 = tpu.memref_squeeze %dma_wait3A_82 : memref<1x!tpu.dma_semaphore, #tpu.memory_space<semaphore_mem>> -> memref<!tpu.dma_semaphore, #tpu.memory_space<semaphore_mem>>
        tpu.wait_indirect_dma semaphore(%dma_wait3A_83 : memref<!tpu.dma_semaphore, #tpu.memory_space<semaphore_mem>>) src(%dma_wait3A_81 : memref<10240x32xf32, #tpu.memory_space<vmem_shared>>) dst(%dma_wait3A_75 : memref<64x32xf32, #tpu.memory_space<vmem>>)
        %dma_start3A = arith.constant 4 : i32
        %dma_start3A_84 = arith.constant 76 : i32
        %dma_start3A_85 = arith.constant 4 : i32
        %dma_start3A_86 = arith.constant 0 : i32
        %dma_start3A_87 = arith.constant 0 : i32
        %dma_start3A_88 = tpu.memref_slice %arg10[%dma_start3A, %dma_start3A_86, %dma_start3A_87] : memref<8x64x32xf32, #tpu.memory_space<vmem>> -> memref<1x64x32xf32, #tpu.memory_space<vmem>>
        %dma_start3A_89 = tpu.memref_squeeze %dma_start3A_88 : memref<1x64x32xf32, #tpu.memory_space<vmem>> -> memref<64x32xf32, #tpu.memory_space<vmem>>
        %dma_start3A_90 = arith.constant 0 : i32
        %dma_start3A_91 = tpu.memref_slice %arg9[%dma_start3A_84, %dma_start3A_90] : memref<80x64xi32, #tpu.memory_space<vmem>> -> memref<1x64xi32, #tpu.memory_space<vmem>>
        %dma_start3A_92 = tpu.memref_squeeze %dma_start3A_91 : memref<1x64xi32, #tpu.memory_space<vmem>> -> memref<64xi32, #tpu.memory_space<vmem>>
        %dma_start3A_93 = arith.constant 0 : i32
        %dma_start3A_94 = arith.constant 0 : i32
        %dma_start3A_95 = tpu.memref_slice %arg18[%dma_start3A_93, %dma_start3A_94] : memref<10240x32xf32, #tpu.memory_space<vmem_shared>> -> memref<10240x32xf32, #tpu.memory_space<vmem_shared>>
        %dma_start3A_96 = tpu.memref_slice %arg16[%dma_start3A_85] : memref<8x!tpu.dma_semaphore, #tpu.memory_space<semaphore_mem>> -> memref<1x!tpu.dma_semaphore, #tpu.memory_space<semaphore_mem>>
        %dma_start3A_97 = tpu.memref_squeeze %dma_start3A_96 : memref<1x!tpu.dma_semaphore, #tpu.memory_space<semaphore_mem>> -> memref<!tpu.dma_semaphore, #tpu.memory_space<semaphore_mem>>
        tpu.enqueue_indirect_dma source(%dma_start3A_89 : memref<64x32xf32, #tpu.memory_space<vmem>>) target(%dma_start3A_95 : memref<10240x32xf32, #tpu.memory_space<vmem_shared>>) offsets(%dma_start3A_92 : memref<64xi32, #tpu.memory_space<vmem>>) semaphore(%dma_start3A_97 : memref<!tpu.dma_semaphore, #tpu.memory_space<semaphore_mem>>) {add = true}
        %dma_wait3A_98 = arith.constant 77 : i32
        %dma_wait3A_99 = arith.constant 5 : i32
        %dma_wait3A_100 = arith.constant 5 : i32
        %dma_wait3A_101 = arith.constant 0 : i32
        %dma_wait3A_102 = arith.constant 0 : i32
        %dma_wait3A_103 = tpu.memref_slice %arg10[%dma_wait3A_99, %dma_wait3A_101, %dma_wait3A_102] : memref<8x64x32xf32, #tpu.memory_space<vmem>> -> memref<1x64x32xf32, #tpu.memory_space<vmem>>
        %dma_wait3A_104 = tpu.memref_squeeze %dma_wait3A_103 : memref<1x64x32xf32, #tpu.memory_space<vmem>> -> memref<64x32xf32, #tpu.memory_space<vmem>>
        %dma_wait3A_105 = arith.constant 0 : i32
        %dma_wait3A_106 = tpu.memref_slice %arg8[%dma_wait3A_98, %dma_wait3A_105] : memref<80x64xi32, #tpu.memory_space<vmem>> -> memref<1x64xi32, #tpu.memory_space<vmem>>
        %dma_wait3A_107 = tpu.memref_squeeze %dma_wait3A_106 : memref<1x64xi32, #tpu.memory_space<vmem>> -> memref<64xi32, #tpu.memory_space<vmem>>
        %dma_wait3A_108 = arith.constant 0 : i32
        %dma_wait3A_109 = arith.constant 0 : i32
        %dma_wait3A_110 = tpu.memref_slice %arg17[%dma_wait3A_108, %dma_wait3A_109] : memref<10240x32xf32, #tpu.memory_space<vmem_shared>> -> memref<10240x32xf32, #tpu.memory_space<vmem_shared>>
        %dma_wait3A_111 = tpu.memref_slice %arg15[%dma_wait3A_100] : memref<8x!tpu.dma_semaphore, #tpu.memory_space<semaphore_mem>> -> memref<1x!tpu.dma_semaphore, #tpu.memory_space<semaphore_mem>>
        %dma_wait3A_112 = tpu.memref_squeeze %dma_wait3A_111 : memref<1x!tpu.dma_semaphore, #tpu.memory_space<semaphore_mem>> -> memref<!tpu.dma_semaphore, #tpu.memory_space<semaphore_mem>>
        tpu.wait_indirect_dma semaphore(%dma_wait3A_112 : memref<!tpu.dma_semaphore, #tpu.memory_space<semaphore_mem>>) src(%dma_wait3A_110 : memref<10240x32xf32, #tpu.memory_space<vmem_shared>>) dst(%dma_wait3A_104 : memref<64x32xf32, #tpu.memory_space<vmem>>)
        %dma_start3A_113 = arith.constant 5 : i32
        %dma_start3A_114 = arith.constant 77 : i32
        %dma_start3A_115 = arith.constant 5 : i32
        %dma_start3A_116 = arith.constant 0 : i32
        %dma_start3A_117 = arith.constant 0 : i32
        %dma_start3A_118 = tpu.memref_slice %arg10[%dma_start3A_113, %dma_start3A_116, %dma_start3A_117] : memref<8x64x32xf32, #tpu.memory_space<vmem>> -> memref<1x64x32xf32, #tpu.memory_space<vmem>>
        %dma_start3A_119 = tpu.memref_squeeze %dma_start3A_118 : memref<1x64x32xf32, #tpu.memory_space<vmem>> -> memref<64x32xf32, #tpu.memory_space<vmem>>
        %dma_start3A_120 = arith.constant 0 : i32
        %dma_start3A_121 = tpu.memref_slice %arg9[%dma_start3A_114, %dma_start3A_120] : memref<80x64xi32, #tpu.memory_space<vmem>> -> memref<1x64xi32, #tpu.memory_space<vmem>>
        %dma_start3A_122 = tpu.memref_squeeze %dma_start3A_121 : memref<1x64xi32, #tpu.memory_space<vmem>> -> memref<64xi32, #tpu.memory_space<vmem>>
        %dma_start3A_123 = arith.constant 0 : i32
        %dma_start3A_124 = arith.constant 0 : i32
        %dma_start3A_125 = tpu.memref_slice %arg18[%dma_start3A_123, %dma_start3A_124] : memref<10240x32xf32, #tpu.memory_space<vmem_shared>> -> memref<10240x32xf32, #tpu.memory_space<vmem_shared>>
        %dma_start3A_126 = tpu.memref_slice %arg16[%dma_start3A_115] : memref<8x!tpu.dma_semaphore, #tpu.memory_space<semaphore_mem>> -> memref<1x!tpu.dma_semaphore, #tpu.memory_space<semaphore_mem>>
        %dma_start3A_127 = tpu.memref_squeeze %dma_start3A_126 : memref<1x!tpu.dma_semaphore, #tpu.memory_space<semaphore_mem>> -> memref<!tpu.dma_semaphore, #tpu.memory_space<semaphore_mem>>
        tpu.enqueue_indirect_dma source(%dma_start3A_119 : memref<64x32xf32, #tpu.memory_space<vmem>>) target(%dma_start3A_125 : memref<10240x32xf32, #tpu.memory_space<vmem_shared>>) offsets(%dma_start3A_122 : memref<64xi32, #tpu.memory_space<vmem>>) semaphore(%dma_start3A_127 : memref<!tpu.dma_semaphore, #tpu.memory_space<semaphore_mem>>) {add = true}
        %dma_wait3A_128 = arith.constant 78 : i32
        %dma_wait3A_129 = arith.constant 6 : i32
        %dma_wait3A_130 = arith.constant 6 : i32
        %dma_wait3A_131 = arith.constant 0 : i32
        %dma_wait3A_132 = arith.constant 0 : i32
        %dma_wait3A_133 = tpu.memref_slice %arg10[%dma_wait3A_129, %dma_wait3A_131, %dma_wait3A_132] : memref<8x64x32xf32, #tpu.memory_space<vmem>> -> memref<1x64x32xf32, #tpu.memory_space<vmem>>
        %dma_wait3A_134 = tpu.memref_squeeze %dma_wait3A_133 : memref<1x64x32xf32, #tpu.memory_space<vmem>> -> memref<64x32xf32, #tpu.memory_space<vmem>>
        %dma_wait3A_135 = arith.constant 0 : i32
        %dma_wait3A_136 = tpu.memref_slice %arg8[%dma_wait3A_128, %dma_wait3A_135] : memref<80x64xi32, #tpu.memory_space<vmem>> -> memref<1x64xi32, #tpu.memory_space<vmem>>
        %dma_wait3A_137 = tpu.memref_squeeze %dma_wait3A_136 : memref<1x64xi32, #tpu.memory_space<vmem>> -> memref<64xi32, #tpu.memory_space<vmem>>
        %dma_wait3A_138 = arith.constant 0 : i32
        %dma_wait3A_139 = arith.constant 0 : i32
        %dma_wait3A_140 = tpu.memref_slice %arg17[%dma_wait3A_138, %dma_wait3A_139] : memref<10240x32xf32, #tpu.memory_space<vmem_shared>> -> memref<10240x32xf32, #tpu.memory_space<vmem_shared>>
        %dma_wait3A_141 = tpu.memref_slice %arg15[%dma_wait3A_130] : memref<8x!tpu.dma_semaphore, #tpu.memory_space<semaphore_mem>> -> memref<1x!tpu.dma_semaphore, #tpu.memory_space<semaphore_mem>>
        %dma_wait3A_142 = tpu.memref_squeeze %dma_wait3A_141 : memref<1x!tpu.dma_semaphore, #tpu.memory_space<semaphore_mem>> -> memref<!tpu.dma_semaphore, #tpu.memory_space<semaphore_mem>>
        tpu.wait_indirect_dma semaphore(%dma_wait3A_142 : memref<!tpu.dma_semaphore, #tpu.memory_space<semaphore_mem>>) src(%dma_wait3A_140 : memref<10240x32xf32, #tpu.memory_space<vmem_shared>>) dst(%dma_wait3A_134 : memref<64x32xf32, #tpu.memory_space<vmem>>)
        %dma_start3A_143 = arith.constant 6 : i32
        %dma_start3A_144 = arith.constant 78 : i32
        %dma_start3A_145 = arith.constant 6 : i32
        %dma_start3A_146 = arith.constant 0 : i32
        %dma_start3A_147 = arith.constant 0 : i32
        %dma_start3A_148 = tpu.memref_slice %arg10[%dma_start3A_143, %dma_start3A_146, %dma_start3A_147] : memref<8x64x32xf32, #tpu.memory_space<vmem>> -> memref<1x64x32xf32, #tpu.memory_space<vmem>>
        %dma_start3A_149 = tpu.memref_squeeze %dma_start3A_148 : memref<1x64x32xf32, #tpu.memory_space<vmem>> -> memref<64x32xf32, #tpu.memory_space<vmem>>
        %dma_start3A_150 = arith.constant 0 : i32
        %dma_start3A_151 = tpu.memref_slice %arg9[%dma_start3A_144, %dma_start3A_150] : memref<80x64xi32, #tpu.memory_space<vmem>> -> memref<1x64xi32, #tpu.memory_space<vmem>>
        %dma_start3A_152 = tpu.memref_squeeze %dma_start3A_151 : memref<1x64xi32, #tpu.memory_space<vmem>> -> memref<64xi32, #tpu.memory_space<vmem>>
        %dma_start3A_153 = arith.constant 0 : i32
        %dma_start3A_154 = arith.constant 0 : i32
        %dma_start3A_155 = tpu.memref_slice %arg18[%dma_start3A_153, %dma_start3A_154] : memref<10240x32xf32, #tpu.memory_space<vmem_shared>> -> memref<10240x32xf32, #tpu.memory_space<vmem_shared>>
        %dma_start3A_156 = tpu.memref_slice %arg16[%dma_start3A_145] : memref<8x!tpu.dma_semaphore, #tpu.memory_space<semaphore_mem>> -> memref<1x!tpu.dma_semaphore, #tpu.memory_space<semaphore_mem>>
        %dma_start3A_157 = tpu.memref_squeeze %dma_start3A_156 : memref<1x!tpu.dma_semaphore, #tpu.memory_space<semaphore_mem>> -> memref<!tpu.dma_semaphore, #tpu.memory_space<semaphore_mem>>
        tpu.enqueue_indirect_dma source(%dma_start3A_149 : memref<64x32xf32, #tpu.memory_space<vmem>>) target(%dma_start3A_155 : memref<10240x32xf32, #tpu.memory_space<vmem_shared>>) offsets(%dma_start3A_152 : memref<64xi32, #tpu.memory_space<vmem>>) semaphore(%dma_start3A_157 : memref<!tpu.dma_semaphore, #tpu.memory_space<semaphore_mem>>) {add = true}
        %dma_wait3A_158 = arith.constant 79 : i32
        %dma_wait3A_159 = arith.constant 7 : i32
        %dma_wait3A_160 = arith.constant 7 : i32
        %dma_wait3A_161 = arith.constant 0 : i32
        %dma_wait3A_162 = arith.constant 0 : i32
        %dma_wait3A_163 = tpu.memref_slice %arg10[%dma_wait3A_159, %dma_wait3A_161, %dma_wait3A_162] : memref<8x64x32xf32, #tpu.memory_space<vmem>> -> memref<1x64x32xf32, #tpu.memory_space<vmem>>
        %dma_wait3A_164 = tpu.memref_squeeze %dma_wait3A_163 : memref<1x64x32xf32, #tpu.memory_space<vmem>> -> memref<64x32xf32, #tpu.memory_space<vmem>>
        %dma_wait3A_165 = arith.constant 0 : i32
        %dma_wait3A_166 = tpu.memref_slice %arg8[%dma_wait3A_158, %dma_wait3A_165] : memref<80x64xi32, #tpu.memory_space<vmem>> -> memref<1x64xi32, #tpu.memory_space<vmem>>
        %dma_wait3A_167 = tpu.memref_squeeze %dma_wait3A_166 : memref<1x64xi32, #tpu.memory_space<vmem>> -> memref<64xi32, #tpu.memory_space<vmem>>
        %dma_wait3A_168 = arith.constant 0 : i32
        %dma_wait3A_169 = arith.constant 0 : i32
        %dma_wait3A_170 = tpu.memref_slice %arg17[%dma_wait3A_168, %dma_wait3A_169] : memref<10240x32xf32, #tpu.memory_space<vmem_shared>> -> memref<10240x32xf32, #tpu.memory_space<vmem_shared>>
        %dma_wait3A_171 = tpu.memref_slice %arg15[%dma_wait3A_160] : memref<8x!tpu.dma_semaphore, #tpu.memory_space<semaphore_mem>> -> memref<1x!tpu.dma_semaphore, #tpu.memory_space<semaphore_mem>>
        %dma_wait3A_172 = tpu.memref_squeeze %dma_wait3A_171 : memref<1x!tpu.dma_semaphore, #tpu.memory_space<semaphore_mem>> -> memref<!tpu.dma_semaphore, #tpu.memory_space<semaphore_mem>>
        tpu.wait_indirect_dma semaphore(%dma_wait3A_172 : memref<!tpu.dma_semaphore, #tpu.memory_space<semaphore_mem>>) src(%dma_wait3A_170 : memref<10240x32xf32, #tpu.memory_space<vmem_shared>>) dst(%dma_wait3A_164 : memref<64x32xf32, #tpu.memory_space<vmem>>)
        %dma_start3A_173 = arith.constant 7 : i32
        %dma_start3A_174 = arith.constant 79 : i32
        %dma_start3A_175 = arith.constant 7 : i32
        %dma_start3A_176 = arith.constant 0 : i32
        %dma_start3A_177 = arith.constant 0 : i32
        %dma_start3A_178 = tpu.memref_slice %arg10[%dma_start3A_173, %dma_start3A_176, %dma_start3A_177] : memref<8x64x32xf32, #tpu.memory_space<vmem>> -> memref<1x64x32xf32, #tpu.memory_space<vmem>>
        %dma_start3A_179 = tpu.memref_squeeze %dma_start3A_178 : memref<1x64x32xf32, #tpu.memory_space<vmem>> -> memref<64x32xf32, #tpu.memory_space<vmem>>
        %dma_start3A_180 = arith.constant 0 : i32
        %dma_start3A_181 = tpu.memref_slice %arg9[%dma_start3A_174, %dma_start3A_180] : memref<80x64xi32, #tpu.memory_space<vmem>> -> memref<1x64xi32, #tpu.memory_space<vmem>>
        %dma_start3A_182 = tpu.memref_squeeze %dma_start3A_181 : memref<1x64xi32, #tpu.memory_space<vmem>> -> memref<64xi32, #tpu.memory_space<vmem>>
        %dma_start3A_183 = arith.constant 0 : i32
        %dma_start3A_184 = arith.constant 0 : i32
        %dma_start3A_185 = tpu.memref_slice %arg18[%dma_start3A_183, %dma_start3A_184] : memref<10240x32xf32, #tpu.memory_space<vmem_shared>> -> memref<10240x32xf32, #tpu.memory_space<vmem_shared>>
        %dma_start3A_186 = tpu.memref_slice %arg16[%dma_start3A_175] : memref<8x!tpu.dma_semaphore, #tpu.memory_space<semaphore_mem>> -> memref<1x!tpu.dma_semaphore, #tpu.memory_space<semaphore_mem>>
        %dma_start3A_187 = tpu.memref_squeeze %dma_start3A_186 : memref<1x!tpu.dma_semaphore, #tpu.memory_space<semaphore_mem>> -> memref<!tpu.dma_semaphore, #tpu.memory_space<semaphore_mem>>
        tpu.enqueue_indirect_dma source(%dma_start3A_179 : memref<64x32xf32, #tpu.memory_space<vmem>>) target(%dma_start3A_185 : memref<10240x32xf32, #tpu.memory_space<vmem_shared>>) offsets(%dma_start3A_182 : memref<64xi32, #tpu.memory_space<vmem>>) semaphore(%dma_start3A_187 : memref<!tpu.dma_semaphore, #tpu.memory_space<semaphore_mem>>) {add = true}
        %dma_wait3A_188 = arith.constant 0 : i32
        %dma_wait3A_189 = arith.constant 72 : i32
        %dma_wait3A_190 = arith.constant 0 : i32
        %dma_wait3A_191 = arith.constant 0 : i32
        %dma_wait3A_192 = arith.constant 0 : i32
        %dma_wait3A_193 = tpu.memref_slice %arg10[%dma_wait3A_188, %dma_wait3A_191, %dma_wait3A_192] : memref<8x64x32xf32, #tpu.memory_space<vmem>> -> memref<1x64x32xf32, #tpu.memory_space<vmem>>
        %dma_wait3A_194 = tpu.memref_squeeze %dma_wait3A_193 : memref<1x64x32xf32, #tpu.memory_space<vmem>> -> memref<64x32xf32, #tpu.memory_space<vmem>>
        %dma_wait3A_195 = arith.constant 0 : i32
        %dma_wait3A_196 = tpu.memref_slice %arg9[%dma_wait3A_189, %dma_wait3A_195] : memref<80x64xi32, #tpu.memory_space<vmem>> -> memref<1x64xi32, #tpu.memory_space<vmem>>
        %dma_wait3A_197 = tpu.memref_squeeze %dma_wait3A_196 : memref<1x64xi32, #tpu.memory_space<vmem>> -> memref<64xi32, #tpu.memory_space<vmem>>
        %dma_wait3A_198 = arith.constant 0 : i32
        %dma_wait3A_199 = arith.constant 0 : i32
        %dma_wait3A_200 = tpu.memref_slice %arg18[%dma_wait3A_198, %dma_wait3A_199] : memref<10240x32xf32, #tpu.memory_space<vmem_shared>> -> memref<10240x32xf32, #tpu.memory_space<vmem_shared>>
        %dma_wait3A_201 = tpu.memref_slice %arg16[%dma_wait3A_190] : memref<8x!tpu.dma_semaphore, #tpu.memory_space<semaphore_mem>> -> memref<1x!tpu.dma_semaphore, #tpu.memory_space<semaphore_mem>>
        %dma_wait3A_202 = tpu.memref_squeeze %dma_wait3A_201 : memref<1x!tpu.dma_semaphore, #tpu.memory_space<semaphore_mem>> -> memref<!tpu.dma_semaphore, #tpu.memory_space<semaphore_mem>>
        tpu.wait_indirect_dma semaphore(%dma_wait3A_202 : memref<!tpu.dma_semaphore, #tpu.memory_space<semaphore_mem>>) src(%dma_wait3A_194 : memref<64x32xf32, #tpu.memory_space<vmem>>) dst(%dma_wait3A_200 : memref<10240x32xf32, #tpu.memory_space<vmem_shared>>)
        %dma_wait3A_203 = arith.constant 1 : i32
        %dma_wait3A_204 = arith.constant 73 : i32
        %dma_wait3A_205 = arith.constant 1 : i32
        %dma_wait3A_206 = arith.constant 0 : i32
        %dma_wait3A_207 = arith.constant 0 : i32
        %dma_wait3A_208 = tpu.memref_slice %arg10[%dma_wait3A_203, %dma_wait3A_206, %dma_wait3A_207] : memref<8x64x32xf32, #tpu.memory_space<vmem>> -> memref<1x64x32xf32, #tpu.memory_space<vmem>>
        %dma_wait3A_209 = tpu.memref_squeeze %dma_wait3A_208 : memref<1x64x32xf32, #tpu.memory_space<vmem>> -> memref<64x32xf32, #tpu.memory_space<vmem>>
        %dma_wait3A_210 = arith.constant 0 : i32
        %dma_wait3A_211 = tpu.memref_slice %arg9[%dma_wait3A_204, %dma_wait3A_210] : memref<80x64xi32, #tpu.memory_space<vmem>> -> memref<1x64xi32, #tpu.memory_space<vmem>>
        %dma_wait3A_212 = tpu.memref_squeeze %dma_wait3A_211 : memref<1x64xi32, #tpu.memory_space<vmem>> -> memref<64xi32, #tpu.memory_space<vmem>>
        %dma_wait3A_213 = arith.constant 0 : i32
        %dma_wait3A_214 = arith.constant 0 : i32
        %dma_wait3A_215 = tpu.memref_slice %arg18[%dma_wait3A_213, %dma_wait3A_214] : memref<10240x32xf32, #tpu.memory_space<vmem_shared>> -> memref<10240x32xf32, #tpu.memory_space<vmem_shared>>
        %dma_wait3A_216 = tpu.memref_slice %arg16[%dma_wait3A_205] : memref<8x!tpu.dma_semaphore, #tpu.memory_space<semaphore_mem>> -> memref<1x!tpu.dma_semaphore, #tpu.memory_space<semaphore_mem>>
        %dma_wait3A_217 = tpu.memref_squeeze %dma_wait3A_216 : memref<1x!tpu.dma_semaphore, #tpu.memory_space<semaphore_mem>> -> memref<!tpu.dma_semaphore, #tpu.memory_space<semaphore_mem>>
        tpu.wait_indirect_dma semaphore(%dma_wait3A_217 : memref<!tpu.dma_semaphore, #tpu.memory_space<semaphore_mem>>) src(%dma_wait3A_209 : memref<64x32xf32, #tpu.memory_space<vmem>>) dst(%dma_wait3A_215 : memref<10240x32xf32, #tpu.memory_space<vmem_shared>>)
        %dma_wait3A_218 = arith.constant 2 : i32
        %dma_wait3A_219 = arith.constant 74 : i32
        %dma_wait3A_220 = arith.constant 2 : i32
        %dma_wait3A_221 = arith.constant 0 : i32
        %dma_wait3A_222 = arith.constant 0 : i32
        %dma_wait3A_223 = tpu.memref_slice %arg10[%dma_wait3A_218, %dma_wait3A_221, %dma_wait3A_222] : memref<8x64x32xf32, #tpu.memory_space<vmem>> -> memref<1x64x32xf32, #tpu.memory_space<vmem>>
        %dma_wait3A_224 = tpu.memref_squeeze %dma_wait3A_223 : memref<1x64x32xf32, #tpu.memory_space<vmem>> -> memref<64x32xf32, #tpu.memory_space<vmem>>
        %dma_wait3A_225 = arith.constant 0 : i32
        %dma_wait3A_226 = tpu.memref_slice %arg9[%dma_wait3A_219, %dma_wait3A_225] : memref<80x64xi32, #tpu.memory_space<vmem>> -> memref<1x64xi32, #tpu.memory_space<vmem>>
        %dma_wait3A_227 = tpu.memref_squeeze %dma_wait3A_226 : memref<1x64xi32, #tpu.memory_space<vmem>> -> memref<64xi32, #tpu.memory_space<vmem>>
        %dma_wait3A_228 = arith.constant 0 : i32
        %dma_wait3A_229 = arith.constant 0 : i32
        %dma_wait3A_230 = tpu.memref_slice %arg18[%dma_wait3A_228, %dma_wait3A_229] : memref<10240x32xf32, #tpu.memory_space<vmem_shared>> -> memref<10240x32xf32, #tpu.memory_space<vmem_shared>>
        %dma_wait3A_231 = tpu.memref_slice %arg16[%dma_wait3A_220] : memref<8x!tpu.dma_semaphore, #tpu.memory_space<semaphore_mem>> -> memref<1x!tpu.dma_semaphore, #tpu.memory_space<semaphore_mem>>
        %dma_wait3A_232 = tpu.memref_squeeze %dma_wait3A_231 : memref<1x!tpu.dma_semaphore, #tpu.memory_space<semaphore_mem>> -> memref<!tpu.dma_semaphore, #tpu.memory_space<semaphore_mem>>
        tpu.wait_indirect_dma semaphore(%dma_wait3A_232 : memref<!tpu.dma_semaphore, #tpu.memory_space<semaphore_mem>>) src(%dma_wait3A_224 : memref<64x32xf32, #tpu.memory_space<vmem>>) dst(%dma_wait3A_230 : memref<10240x32xf32, #tpu.memory_space<vmem_shared>>)
        %dma_wait3A_233 = arith.constant 3 : i32
        %dma_wait3A_234 = arith.constant 75 : i32
        %dma_wait3A_235 = arith.constant 3 : i32
        %dma_wait3A_236 = arith.constant 0 : i32
        %dma_wait3A_237 = arith.constant 0 : i32
        %dma_wait3A_238 = tpu.memref_slice %arg10[%dma_wait3A_233, %dma_wait3A_236, %dma_wait3A_237] : memref<8x64x32xf32, #tpu.memory_space<vmem>> -> memref<1x64x32xf32, #tpu.memory_space<vmem>>
        %dma_wait3A_239 = tpu.memref_squeeze %dma_wait3A_238 : memref<1x64x32xf32, #tpu.memory_space<vmem>> -> memref<64x32xf32, #tpu.memory_space<vmem>>
        %dma_wait3A_240 = arith.constant 0 : i32
        %dma_wait3A_241 = tpu.memref_slice %arg9[%dma_wait3A_234, %dma_wait3A_240] : memref<80x64xi32, #tpu.memory_space<vmem>> -> memref<1x64xi32, #tpu.memory_space<vmem>>
        %dma_wait3A_242 = tpu.memref_squeeze %dma_wait3A_241 : memref<1x64xi32, #tpu.memory_space<vmem>> -> memref<64xi32, #tpu.memory_space<vmem>>
        %dma_wait3A_243 = arith.constant 0 : i32
        %dma_wait3A_244 = arith.constant 0 : i32
        %dma_wait3A_245 = tpu.memref_slice %arg18[%dma_wait3A_243, %dma_wait3A_244] : memref<10240x32xf32, #tpu.memory_space<vmem_shared>> -> memref<10240x32xf32, #tpu.memory_space<vmem_shared>>
        %dma_wait3A_246 = tpu.memref_slice %arg16[%dma_wait3A_235] : memref<8x!tpu.dma_semaphore, #tpu.memory_space<semaphore_mem>> -> memref<1x!tpu.dma_semaphore, #tpu.memory_space<semaphore_mem>>
        %dma_wait3A_247 = tpu.memref_squeeze %dma_wait3A_246 : memref<1x!tpu.dma_semaphore, #tpu.memory_space<semaphore_mem>> -> memref<!tpu.dma_semaphore, #tpu.memory_space<semaphore_mem>>
        tpu.wait_indirect_dma semaphore(%dma_wait3A_247 : memref<!tpu.dma_semaphore, #tpu.memory_space<semaphore_mem>>) src(%dma_wait3A_239 : memref<64x32xf32, #tpu.memory_space<vmem>>) dst(%dma_wait3A_245 : memref<10240x32xf32, #tpu.memory_space<vmem_shared>>)
        %dma_wait3A_248 = arith.constant 4 : i32
        %dma_wait3A_249 = arith.constant 76 : i32
        %dma_wait3A_250 = arith.constant 4 : i32
        %dma_wait3A_251 = arith.constant 0 : i32
        %dma_wait3A_252 = arith.constant 0 : i32
        %dma_wait3A_253 = tpu.memref_slice %arg10[%dma_wait3A_248, %dma_wait3A_251, %dma_wait3A_252] : memref<8x64x32xf32, #tpu.memory_space<vmem>> -> memref<1x64x32xf32, #tpu.memory_space<vmem>>
        %dma_wait3A_254 = tpu.memref_squeeze %dma_wait3A_253 : memref<1x64x32xf32, #tpu.memory_space<vmem>> -> memref<64x32xf32, #tpu.memory_space<vmem>>
        %dma_wait3A_255 = arith.constant 0 : i32
        %dma_wait3A_256 = tpu.memref_slice %arg9[%dma_wait3A_249, %dma_wait3A_255] : memref<80x64xi32, #tpu.memory_space<vmem>> -> memref<1x64xi32, #tpu.memory_space<vmem>>
        %dma_wait3A_257 = tpu.memref_squeeze %dma_wait3A_256 : memref<1x64xi32, #tpu.memory_space<vmem>> -> memref<64xi32, #tpu.memory_space<vmem>>
        %dma_wait3A_258 = arith.constant 0 : i32
        %dma_wait3A_259 = arith.constant 0 : i32
        %dma_wait3A_260 = tpu.memref_slice %arg18[%dma_wait3A_258, %dma_wait3A_259] : memref<10240x32xf32, #tpu.memory_space<vmem_shared>> -> memref<10240x32xf32, #tpu.memory_space<vmem_shared>>
        %dma_wait3A_261 = tpu.memref_slice %arg16[%dma_wait3A_250] : memref<8x!tpu.dma_semaphore, #tpu.memory_space<semaphore_mem>> -> memref<1x!tpu.dma_semaphore, #tpu.memory_space<semaphore_mem>>
        %dma_wait3A_262 = tpu.memref_squeeze %dma_wait3A_261 : memref<1x!tpu.dma_semaphore, #tpu.memory_space<semaphore_mem>> -> memref<!tpu.dma_semaphore, #tpu.memory_space<semaphore_mem>>
        tpu.wait_indirect_dma semaphore(%dma_wait3A_262 : memref<!tpu.dma_semaphore, #tpu.memory_space<semaphore_mem>>) src(%dma_wait3A_254 : memref<64x32xf32, #tpu.memory_space<vmem>>) dst(%dma_wait3A_260 : memref<10240x32xf32, #tpu.memory_space<vmem_shared>>)
        %dma_wait3A_263 = arith.constant 5 : i32
        %dma_wait3A_264 = arith.constant 77 : i32
        %dma_wait3A_265 = arith.constant 5 : i32
        %dma_wait3A_266 = arith.constant 0 : i32
        %dma_wait3A_267 = arith.constant 0 : i32
        %dma_wait3A_268 = tpu.memref_slice %arg10[%dma_wait3A_263, %dma_wait3A_266, %dma_wait3A_267] : memref<8x64x32xf32, #tpu.memory_space<vmem>> -> memref<1x64x32xf32, #tpu.memory_space<vmem>>
        %dma_wait3A_269 = tpu.memref_squeeze %dma_wait3A_268 : memref<1x64x32xf32, #tpu.memory_space<vmem>> -> memref<64x32xf32, #tpu.memory_space<vmem>>
        %dma_wait3A_270 = arith.constant 0 : i32
        %dma_wait3A_271 = tpu.memref_slice %arg9[%dma_wait3A_264, %dma_wait3A_270] : memref<80x64xi32, #tpu.memory_space<vmem>> -> memref<1x64xi32, #tpu.memory_space<vmem>>
        %dma_wait3A_272 = tpu.memref_squeeze %dma_wait3A_271 : memref<1x64xi32, #tpu.memory_space<vmem>> -> memref<64xi32, #tpu.memory_space<vmem>>
        %dma_wait3A_273 = arith.constant 0 : i32
        %dma_wait3A_274 = arith.constant 0 : i32
        %dma_wait3A_275 = tpu.memref_slice %arg18[%dma_wait3A_273, %dma_wait3A_274] : memref<10240x32xf32, #tpu.memory_space<vmem_shared>> -> memref<10240x32xf32, #tpu.memory_space<vmem_shared>>
        %dma_wait3A_276 = tpu.memref_slice %arg16[%dma_wait3A_265] : memref<8x!tpu.dma_semaphore, #tpu.memory_space<semaphore_mem>> -> memref<1x!tpu.dma_semaphore, #tpu.memory_space<semaphore_mem>>
        %dma_wait3A_277 = tpu.memref_squeeze %dma_wait3A_276 : memref<1x!tpu.dma_semaphore, #tpu.memory_space<semaphore_mem>> -> memref<!tpu.dma_semaphore, #tpu.memory_space<semaphore_mem>>
        tpu.wait_indirect_dma semaphore(%dma_wait3A_277 : memref<!tpu.dma_semaphore, #tpu.memory_space<semaphore_mem>>) src(%dma_wait3A_269 : memref<64x32xf32, #tpu.memory_space<vmem>>) dst(%dma_wait3A_275 : memref<10240x32xf32, #tpu.memory_space<vmem_shared>>)
        %dma_wait3A_278 = arith.constant 6 : i32
        %dma_wait3A_279 = arith.constant 78 : i32
        %dma_wait3A_280 = arith.constant 6 : i32
        %dma_wait3A_281 = arith.constant 0 : i32
        %dma_wait3A_282 = arith.constant 0 : i32
        %dma_wait3A_283 = tpu.memref_slice %arg10[%dma_wait3A_278, %dma_wait3A_281, %dma_wait3A_282] : memref<8x64x32xf32, #tpu.memory_space<vmem>> -> memref<1x64x32xf32, #tpu.memory_space<vmem>>
        %dma_wait3A_284 = tpu.memref_squeeze %dma_wait3A_283 : memref<1x64x32xf32, #tpu.memory_space<vmem>> -> memref<64x32xf32, #tpu.memory_space<vmem>>
        %dma_wait3A_285 = arith.constant 0 : i32
        %dma_wait3A_286 = tpu.memref_slice %arg9[%dma_wait3A_279, %dma_wait3A_285] : memref<80x64xi32, #tpu.memory_space<vmem>> -> memref<1x64xi32, #tpu.memory_space<vmem>>
        %dma_wait3A_287 = tpu.memref_squeeze %dma_wait3A_286 : memref<1x64xi32, #tpu.memory_space<vmem>> -> memref<64xi32, #tpu.memory_space<vmem>>
        %dma_wait3A_288 = arith.constant 0 : i32
        %dma_wait3A_289 = arith.constant 0 : i32
        %dma_wait3A_290 = tpu.memref_slice %arg18[%dma_wait3A_288, %dma_wait3A_289] : memref<10240x32xf32, #tpu.memory_space<vmem_shared>> -> memref<10240x32xf32, #tpu.memory_space<vmem_shared>>
        %dma_wait3A_291 = tpu.memref_slice %arg16[%dma_wait3A_280] : memref<8x!tpu.dma_semaphore, #tpu.memory_space<semaphore_mem>> -> memref<1x!tpu.dma_semaphore, #tpu.memory_space<semaphore_mem>>
        %dma_wait3A_292 = tpu.memref_squeeze %dma_wait3A_291 : memref<1x!tpu.dma_semaphore, #tpu.memory_space<semaphore_mem>> -> memref<!tpu.dma_semaphore, #tpu.memory_space<semaphore_mem>>
        tpu.wait_indirect_dma semaphore(%dma_wait3A_292 : memref<!tpu.dma_semaphore, #tpu.memory_space<semaphore_mem>>) src(%dma_wait3A_284 : memref<64x32xf32, #tpu.memory_space<vmem>>) dst(%dma_wait3A_290 : memref<10240x32xf32, #tpu.memory_space<vmem_shared>>)
        %dma_wait3A_293 = arith.constant 7 : i32
        %dma_wait3A_294 = arith.constant 79 : i32
        %dma_wait3A_295 = arith.constant 7 : i32
        %dma_wait3A_296 = arith.constant 0 : i32
        %dma_wait3A_297 = arith.constant 0 : i32
        %dma_wait3A_298 = tpu.memref_slice %arg10[%dma_wait3A_293, %dma_wait3A_296, %dma_wait3A_297] : memref<8x64x32xf32, #tpu.memory_space<vmem>> -> memref<1x64x32xf32, #tpu.memory_space<vmem>>
        %dma_wait3A_299 = tpu.memref_squeeze %dma_wait3A_298 : memref<1x64x32xf32, #tpu.memory_space<vmem>> -> memref<64x32xf32, #tpu.memory_space<vmem>>
        %dma_wait3A_300 = arith.constant 0 : i32
        %dma_wait3A_301 = tpu.memref_slice %arg9[%dma_wait3A_294, %dma_wait3A_300] : memref<80x64xi32, #tpu.memory_space<vmem>> -> memref<1x64xi32, #tpu.memory_space<vmem>>
        %dma_wait3A_302 = tpu.memref_squeeze %dma_wait3A_301 : memref<1x64xi32, #tpu.memory_space<vmem>> -> memref<64xi32, #tpu.memory_space<vmem>>
        %dma_wait3A_303 = arith.constant 0 : i32
        %dma_wait3A_304 = arith.constant 0 : i32
        %dma_wait3A_305 = tpu.memref_slice %arg18[%dma_wait3A_303, %dma_wait3A_304] : memref<10240x32xf32, #tpu.memory_space<vmem_shared>> -> memref<10240x32xf32, #tpu.memory_space<vmem_shared>>
        %dma_wait3A_306 = tpu.memref_slice %arg16[%dma_wait3A_295] : memref<8x!tpu.dma_semaphore, #tpu.memory_space<semaphore_mem>> -> memref<1x!tpu.dma_semaphore, #tpu.memory_space<semaphore_mem>>
        %dma_wait3A_307 = tpu.memref_squeeze %dma_wait3A_306 : memref<1x!tpu.dma_semaphore, #tpu.memory_space<semaphore_mem>> -> memref<!tpu.dma_semaphore, #tpu.memory_space<semaphore_mem>>
        tpu.wait_indirect_dma semaphore(%dma_wait3A_307 : memref<!tpu.dma_semaphore, #tpu.memory_space<semaphore_mem>>) src(%dma_wait3A_299 : memref<64x32xf32, #tpu.memory_space<vmem>>) dst(%dma_wait3A_305 : memref<10240x32xf32, #tpu.memory_space<vmem_shared>>)
      }
      %scan3A_28 = arith.constant 4 : i32
      %barrier3A_29 = arith.constant 0 : index
      tpu.barrier barrier_id(%barrier3A_29)
      %add3A_30 = arith.constant 0 : i32
      %add3A_31 = arith.addi %mul3A_0, %add3A_30 : i32
      "tpu.region"() ({
        %run_scoped3A = tpu.sem_alloc : memref<!tpu.dma_semaphore, #tpu.memory_space<semaphore_mem>>
        %dma_start3A = arith.constant 0 : i32
        %dma_start3A_54 = tpu.memref_slice %arg18[%add3A_31, %dma_start3A] : memref<10240x32xf32, #tpu.memory_space<vmem_shared>> -> memref<320x32xf32, #tpu.memory_space<vmem_shared>>
        %dma_start3A_55 = arith.constant 0 : i32
        %dma_start3A_56 = tpu.memref_slice %arg18[%add3A_31, %dma_start3A_55] : memref<10240x32xf32, #tpu.memory_space<vmem_shared>> -> memref<320x32xf32, #tpu.memory_space<vmem_shared>>
        tpu.enqueue_dma source(%dma_start3A_56 : memref<320x32xf32, #tpu.memory_space<vmem_shared>>) target(%arg13 : memref<320x32xf32, #tpu.memory_space<vmem>>) target_semaphore(%run_scoped3A : memref<!tpu.dma_semaphore, #tpu.memory_space<semaphore_mem>>)
        %dma_wait3A = arith.constant 0 : i32
        %dma_wait3A_57 = tpu.memref_slice %arg18[%add3A_31, %dma_wait3A] : memref<10240x32xf32, #tpu.memory_space<vmem_shared>> -> memref<320x32xf32, #tpu.memory_space<vmem_shared>>
        %dma_wait3A_58 = arith.constant 0 : i32
        %dma_wait3A_59 = tpu.memref_slice %arg18[%add3A_31, %dma_wait3A_58] : memref<10240x32xf32, #tpu.memory_space<vmem_shared>> -> memref<320x32xf32, #tpu.memory_space<vmem_shared>>
        tpu.wait_dma2 semaphore(%run_scoped3A : memref<!tpu.dma_semaphore, #tpu.memory_space<semaphore_mem>>) src(%dma_wait3A_59 : memref<320x32xf32, #tpu.memory_space<vmem_shared>>) dst(%arg13 : memref<320x32xf32, #tpu.memory_space<vmem>>)
        tpu.yield
      }) : () -> ()
      %scan3A_32 = arith.constant 0 : i32
      %scan3A_33 = arith.constant 320 : i32
      %scan3A_34 = arith.addi %scan3A_32, %scan3A_33 : i32
      %scan3A_35 = arith.constant 8 : i32
      scf.for %scan3A_54 = %scan3A_32 to %scan3A_34 step %scan3A_35  : i32 {
        %mul3A_55 = arith.constant 1 : i32
        %mul3A_56 = arith.muli %scan3A_54, %mul3A_55 : i32
        %add3A_57 = arith.constant 0 : i32
        %add3A_58 = arith.addi %add3A_57, %mul3A_56 : i32
        %add3A_59 = arith.constant 0 : i32
        %add3A_60 = arith.addi %add3A_59, %add3A_58 : i32
        %get3A = arith.index_cast %add3A_60 : i32 to index
        %get3A_61 = arith.constant 0 : index
        %get3A_62 = tpu.vector_load %arg11[%get3A, %get3A_61] {strides = array<i32>} : memref<640x32xf32, #tpu.memory_space<vmem>>, vector<1x16xf32>,
        %get3A_63 = vector.shape_cast %get3A_62 : vector<1x16xf32> to vector<16xf32>
        %get3A_64 = arith.index_cast %add3A_58 : i32 to index
        %get3A_65 = arith.constant 0 : index
        %get3A_66 = tpu.vector_load %arg13[%get3A_64, %get3A_65] {strides = array<i32>} : memref<320x32xf32, #tpu.memory_space<vmem>>, vector<1x16xf32>,
        %get3A_67 = vector.shape_cast %get3A_66 : vector<1x16xf32> to vector<16xf32>
        %mul3A_68 = arith.mulf %get3A_63, %get3A_67 : vector<16xf32>
        %add3A_69 = arith.constant 0 : i32
        %add3A_70 = arith.addi %add3A_69, %add3A_58 : i32
        %get3A_71 = arith.index_cast %add3A_70 : i32 to index
        %get3A_72 = arith.constant 0 : index
        %get3A_73 = tpu.vector_load %arg12[%get3A_71, %get3A_72] {strides = array<i32>} : memref<640x32xf32, #tpu.memory_space<vmem>>, vector<1x16xf32>,
        %get3A_74 = vector.shape_cast %get3A_73 : vector<1x16xf32> to vector<16xf32>
        %add3A_75 = arith.addf %mul3A_68, %get3A_74 : vector<16xf32>
        %swap3A = arith.index_cast %add3A_58 : i32 to index
        %swap3A_76 = arith.constant 0 : index
        %swap3A_77 = tpu.vector_load %arg13[%swap3A, %swap3A_76] {strides = array<i32>} : memref<320x32xf32, #tpu.memory_space<vmem>>, vector<1x16xf32>,
        %swap3A_78 = vector.shape_cast %swap3A_77 : vector<1x16xf32> to vector<16xf32>
        %swap3A_79 = vector.shape_cast %add3A_75 : vector<16xf32> to vector<1x16xf32>
        tpu.vector_store %arg13[%swap3A, %swap3A_76], %swap3A_79 {strides = array<i32>} : memref<320x32xf32, #tpu.memory_space<vmem>>, vector<1x16xf32>,
        %add3A_80 = arith.constant 0 : i32
        %add3A_81 = arith.addi %add3A_80, %add3A_58 : i32
        %get3A_82 = arith.index_cast %add3A_81 : i32 to index
        %get3A_83 = arith.constant 16 : index
        %get3A_84 = tpu.vector_load %arg11[%get3A_82, %get3A_83] {strides = array<i32>} : memref<640x32xf32, #tpu.memory_space<vmem>>, vector<1x16xf32>,
        %get3A_85 = vector.shape_cast %get3A_84 : vector<1x16xf32> to vector<16xf32>
        %get3A_86 = arith.index_cast %add3A_58 : i32 to index
        %get3A_87 = arith.constant 16 : index
        %get3A_88 = tpu.vector_load %arg13[%get3A_86, %get3A_87] {strides = array<i32>} : memref<320x32xf32, #tpu.memory_space<vmem>>, vector<1x16xf32>,
        %get3A_89 = vector.shape_cast %get3A_88 : vector<1x16xf32> to vector<16xf32>
        %mul3A_90 = arith.mulf %get3A_85, %get3A_89 : vector<16xf32>
        %add3A_91 = arith.constant 0 : i32
        %add3A_92 = arith.addi %add3A_91, %add3A_58 : i32
        %get3A_93 = arith.index_cast %add3A_92 : i32 to index
        %get3A_94 = arith.constant 16 : index
        %get3A_95 = tpu.vector_load %arg12[%get3A_93, %get3A_94] {strides = array<i32>} : memref<640x32xf32, #tpu.memory_space<vmem>>, vector<1x16xf32>,
        %get3A_96 = vector.shape_cast %get3A_95 : vector<1x16xf32> to vector<16xf32>
        %add3A_97 = arith.addf %mul3A_90, %get3A_96 : vector<16xf32>
        %swap3A_98 = arith.index_cast %add3A_58 : i32 to index
        %swap3A_99 = arith.constant 16 : index
        %swap3A_100 = tpu.vector_load %arg13[%swap3A_98, %swap3A_99] {strides = array<i32>} : memref<320x32xf32, #tpu.memory_space<vmem>>, vector<1x16xf32>,
        %swap3A_101 = vector.shape_cast %swap3A_100 : vector<1x16xf32> to vector<16xf32>
        %swap3A_102 = vector.shape_cast %add3A_97 : vector<16xf32> to vector<1x16xf32>
        tpu.vector_store %arg13[%swap3A_98, %swap3A_99], %swap3A_102 {strides = array<i32>} : memref<320x32xf32, #tpu.memory_space<vmem>>, vector<1x16xf32>,
        %scan3A_103 = arith.constant 1 : i32
        %scan3A_104 = arith.addi %scan3A_54, %scan3A_103 : i32
        %mul3A_105 = arith.constant 1 : i32
        %mul3A_106 = arith.muli %scan3A_104, %mul3A_105 : i32
        %add3A_107 = arith.constant 0 : i32
        %add3A_108 = arith.addi %add3A_107, %mul3A_106 : i32
        %add3A_109 = arith.constant 0 : i32
        %add3A_110 = arith.addi %add3A_109, %add3A_108 : i32
        %get3A_111 = arith.index_cast %add3A_110 : i32 to index
        %get3A_112 = arith.constant 0 : index
        %get3A_113 = tpu.vector_load %arg11[%get3A_111, %get3A_112] {strides = array<i32>} : memref<640x32xf32, #tpu.memory_space<vmem>>, vector<1x16xf32>,
        %get3A_114 = vector.shape_cast %get3A_113 : vector<1x16xf32> to vector<16xf32>
        %get3A_115 = arith.index_cast %add3A_108 : i32 to index
        %get3A_116 = arith.constant 0 : index
        %get3A_117 = tpu.vector_load %arg13[%get3A_115, %get3A_116] {strides = array<i32>} : memref<320x32xf32, #tpu.memory_space<vmem>>, vector<1x16xf32>,
        %get3A_118 = vector.shape_cast %get3A_117 : vector<1x16xf32> to vector<16xf32>
        %mul3A_119 = arith.mulf %get3A_114, %get3A_118 : vector<16xf32>
        %add3A_120 = arith.constant 0 : i32
        %add3A_121 = arith.addi %add3A_120, %add3A_108 : i32
        %get3A_122 = arith.index_cast %add3A_121 : i32 to index
        %get3A_123 = arith.constant 0 : index
        %get3A_124 = tpu.vector_load %arg12[%get3A_122, %get3A_123] {strides = array<i32>} : memref<640x32xf32, #tpu.memory_space<vmem>>, vector<1x16xf32>,
        %get3A_125 = vector.shape_cast %get3A_124 : vector<1x16xf32> to vector<16xf32>
        %add3A_126 = arith.addf %mul3A_119, %get3A_125 : vector<16xf32>
        %swap3A_127 = arith.index_cast %add3A_108 : i32 to index
        %swap3A_128 = arith.constant 0 : index
        %swap3A_129 = tpu.vector_load %arg13[%swap3A_127, %swap3A_128] {strides = array<i32>} : memref<320x32xf32, #tpu.memory_space<vmem>>, vector<1x16xf32>,
        %swap3A_130 = vector.shape_cast %swap3A_129 : vector<1x16xf32> to vector<16xf32>
        %swap3A_131 = vector.shape_cast %add3A_126 : vector<16xf32> to vector<1x16xf32>
        tpu.vector_store %arg13[%swap3A_127, %swap3A_128], %swap3A_131 {strides = array<i32>} : memref<320x32xf32, #tpu.memory_space<vmem>>, vector<1x16xf32>,
        %add3A_132 = arith.constant 0 : i32
        %add3A_133 = arith.addi %add3A_132, %add3A_108 : i32
        %get3A_134 = arith.index_cast %add3A_133 : i32 to index
        %get3A_135 = arith.constant 16 : index
        %get3A_136 = tpu.vector_load %arg11[%get3A_134, %get3A_135] {strides = array<i32>} : memref<640x32xf32, #tpu.memory_space<vmem>>, vector<1x16xf32>,
        %get3A_137 = vector.shape_cast %get3A_136 : vector<1x16xf32> to vector<16xf32>
        %get3A_138 = arith.index_cast %add3A_108 : i32 to index
        %get3A_139 = arith.constant 16 : index
        %get3A_140 = tpu.vector_load %arg13[%get3A_138, %get3A_139] {strides = array<i32>} : memref<320x32xf32, #tpu.memory_space<vmem>>, vector<1x16xf32>,
        %get3A_141 = vector.shape_cast %get3A_140 : vector<1x16xf32> to vector<16xf32>
        %mul3A_142 = arith.mulf %get3A_137, %get3A_141 : vector<16xf32>
        %add3A_143 = arith.constant 0 : i32
        %add3A_144 = arith.addi %add3A_143, %add3A_108 : i32
        %get3A_145 = arith.index_cast %add3A_144 : i32 to index
        %get3A_146 = arith.constant 16 : index
        %get3A_147 = tpu.vector_load %arg12[%get3A_145, %get3A_146] {strides = array<i32>} : memref<640x32xf32, #tpu.memory_space<vmem>>, vector<1x16xf32>,
        %get3A_148 = vector.shape_cast %get3A_147 : vector<1x16xf32> to vector<16xf32>
        %add3A_149 = arith.addf %mul3A_142, %get3A_148 : vector<16xf32>
        %swap3A_150 = arith.index_cast %add3A_108 : i32 to index
        %swap3A_151 = arith.constant 16 : index
        %swap3A_152 = tpu.vector_load %arg13[%swap3A_150, %swap3A_151] {strides = array<i32>} : memref<320x32xf32, #tpu.memory_space<vmem>>, vector<1x16xf32>,
        %swap3A_153 = vector.shape_cast %swap3A_152 : vector<1x16xf32> to vector<16xf32>
        %swap3A_154 = vector.shape_cast %add3A_149 : vector<16xf32> to vector<1x16xf32>
        tpu.vector_store %arg13[%swap3A_150, %swap3A_151], %swap3A_154 {strides = array<i32>} : memref<320x32xf32, #tpu.memory_space<vmem>>, vector<1x16xf32>,
        %scan3A_155 = arith.constant 2 : i32
        %scan3A_156 = arith.addi %scan3A_54, %scan3A_155 : i32
        %mul3A_157 = arith.constant 1 : i32
        %mul3A_158 = arith.muli %scan3A_156, %mul3A_157 : i32
        %add3A_159 = arith.constant 0 : i32
        %add3A_160 = arith.addi %add3A_159, %mul3A_158 : i32
        %add3A_161 = arith.constant 0 : i32
        %add3A_162 = arith.addi %add3A_161, %add3A_160 : i32
        %get3A_163 = arith.index_cast %add3A_162 : i32 to index
        %get3A_164 = arith.constant 0 : index
        %get3A_165 = tpu.vector_load %arg11[%get3A_163, %get3A_164] {strides = array<i32>} : memref<640x32xf32, #tpu.memory_space<vmem>>, vector<1x16xf32>,
        %get3A_166 = vector.shape_cast %get3A_165 : vector<1x16xf32> to vector<16xf32>
        %get3A_167 = arith.index_cast %add3A_160 : i32 to index
        %get3A_168 = arith.constant 0 : index
        %get3A_169 = tpu.vector_load %arg13[%get3A_167, %get3A_168] {strides = array<i32>} : memref<320x32xf32, #tpu.memory_space<vmem>>, vector<1x16xf32>,
        %get3A_170 = vector.shape_cast %get3A_169 : vector<1x16xf32> to vector<16xf32>
        %mul3A_171 = arith.mulf %get3A_166, %get3A_170 : vector<16xf32>
        %add3A_172 = arith.constant 0 : i32
        %add3A_173 = arith.addi %add3A_172, %add3A_160 : i32
        %get3A_174 = arith.index_cast %add3A_173 : i32 to index
        %get3A_175 = arith.constant 0 : index
        %get3A_176 = tpu.vector_load %arg12[%get3A_174, %get3A_175] {strides = array<i32>} : memref<640x32xf32, #tpu.memory_space<vmem>>, vector<1x16xf32>,
        %get3A_177 = vector.shape_cast %get3A_176 : vector<1x16xf32> to vector<16xf32>
        %add3A_178 = arith.addf %mul3A_171, %get3A_177 : vector<16xf32>
        %swap3A_179 = arith.index_cast %add3A_160 : i32 to index
        %swap3A_180 = arith.constant 0 : index
        %swap3A_181 = tpu.vector_load %arg13[%swap3A_179, %swap3A_180] {strides = array<i32>} : memref<320x32xf32, #tpu.memory_space<vmem>>, vector<1x16xf32>,
        %swap3A_182 = vector.shape_cast %swap3A_181 : vector<1x16xf32> to vector<16xf32>
        %swap3A_183 = vector.shape_cast %add3A_178 : vector<16xf32> to vector<1x16xf32>
        tpu.vector_store %arg13[%swap3A_179, %swap3A_180], %swap3A_183 {strides = array<i32>} : memref<320x32xf32, #tpu.memory_space<vmem>>, vector<1x16xf32>,
        %add3A_184 = arith.constant 0 : i32
        %add3A_185 = arith.addi %add3A_184, %add3A_160 : i32
        %get3A_186 = arith.index_cast %add3A_185 : i32 to index
        %get3A_187 = arith.constant 16 : index
        %get3A_188 = tpu.vector_load %arg11[%get3A_186, %get3A_187] {strides = array<i32>} : memref<640x32xf32, #tpu.memory_space<vmem>>, vector<1x16xf32>,
        %get3A_189 = vector.shape_cast %get3A_188 : vector<1x16xf32> to vector<16xf32>
        %get3A_190 = arith.index_cast %add3A_160 : i32 to index
        %get3A_191 = arith.constant 16 : index
        %get3A_192 = tpu.vector_load %arg13[%get3A_190, %get3A_191] {strides = array<i32>} : memref<320x32xf32, #tpu.memory_space<vmem>>, vector<1x16xf32>,
        %get3A_193 = vector.shape_cast %get3A_192 : vector<1x16xf32> to vector<16xf32>
        %mul3A_194 = arith.mulf %get3A_189, %get3A_193 : vector<16xf32>
        %add3A_195 = arith.constant 0 : i32
        %add3A_196 = arith.addi %add3A_195, %add3A_160 : i32
        %get3A_197 = arith.index_cast %add3A_196 : i32 to index
        %get3A_198 = arith.constant 16 : index
        %get3A_199 = tpu.vector_load %arg12[%get3A_197, %get3A_198] {strides = array<i32>} : memref<640x32xf32, #tpu.memory_space<vmem>>, vector<1x16xf32>,
        %get3A_200 = vector.shape_cast %get3A_199 : vector<1x16xf32> to vector<16xf32>
        %add3A_201 = arith.addf %mul3A_194, %get3A_200 : vector<16xf32>
        %swap3A_202 = arith.index_cast %add3A_160 : i32 to index
        %swap3A_203 = arith.constant 16 : index
        %swap3A_204 = tpu.vector_load %arg13[%swap3A_202, %swap3A_203] {strides = array<i32>} : memref<320x32xf32, #tpu.memory_space<vmem>>, vector<1x16xf32>,
        %swap3A_205 = vector.shape_cast %swap3A_204 : vector<1x16xf32> to vector<16xf32>
        %swap3A_206 = vector.shape_cast %add3A_201 : vector<16xf32> to vector<1x16xf32>
        tpu.vector_store %arg13[%swap3A_202, %swap3A_203], %swap3A_206 {strides = array<i32>} : memref<320x32xf32, #tpu.memory_space<vmem>>, vector<1x16xf32>,
        %scan3A_207 = arith.constant 3 : i32
        %scan3A_208 = arith.addi %scan3A_54, %scan3A_207 : i32
        %mul3A_209 = arith.constant 1 : i32
        %mul3A_210 = arith.muli %scan3A_208, %mul3A_209 : i32
        %add3A_211 = arith.constant 0 : i32
        %add3A_212 = arith.addi %add3A_211, %mul3A_210 : i32
        %add3A_213 = arith.constant 0 : i32
        %add3A_214 = arith.addi %add3A_213, %add3A_212 : i32
        %get3A_215 = arith.index_cast %add3A_214 : i32 to index
        %get3A_216 = arith.constant 0 : index
        %get3A_217 = tpu.vector_load %arg11[%get3A_215, %get3A_216] {strides = array<i32>} : memref<640x32xf32, #tpu.memory_space<vmem>>, vector<1x16xf32>,
        %get3A_218 = vector.shape_cast %get3A_217 : vector<1x16xf32> to vector<16xf32>
        %get3A_219 = arith.index_cast %add3A_212 : i32 to index
        %get3A_220 = arith.constant 0 : index
        %get3A_221 = tpu.vector_load %arg13[%get3A_219, %get3A_220] {strides = array<i32>} : memref<320x32xf32, #tpu.memory_space<vmem>>, vector<1x16xf32>,
        %get3A_222 = vector.shape_cast %get3A_221 : vector<1x16xf32> to vector<16xf32>
        %mul3A_223 = arith.mulf %get3A_218, %get3A_222 : vector<16xf32>
        %add3A_224 = arith.constant 0 : i32
        %add3A_225 = arith.addi %add3A_224, %add3A_212 : i32
        %get3A_226 = arith.index_cast %add3A_225 : i32 to index
        %get3A_227 = arith.constant 0 : index
        %get3A_228 = tpu.vector_load %arg12[%get3A_226, %get3A_227] {strides = array<i32>} : memref<640x32xf32, #tpu.memory_space<vmem>>, vector<1x16xf32>,
        %get3A_229 = vector.shape_cast %get3A_228 : vector<1x16xf32> to vector<16xf32>
        %add3A_230 = arith.addf %mul3A_223, %get3A_229 : vector<16xf32>
        %swap3A_231 = arith.index_cast %add3A_212 : i32 to index
        %swap3A_232 = arith.constant 0 : index
        %swap3A_233 = tpu.vector_load %arg13[%swap3A_231, %swap3A_232] {strides = array<i32>} : memref<320x32xf32, #tpu.memory_space<vmem>>, vector<1x16xf32>,
        %swap3A_234 = vector.shape_cast %swap3A_233 : vector<1x16xf32> to vector<16xf32>
        %swap3A_235 = vector.shape_cast %add3A_230 : vector<16xf32> to vector<1x16xf32>
        tpu.vector_store %arg13[%swap3A_231, %swap3A_232], %swap3A_235 {strides = array<i32>} : memref<320x32xf32, #tpu.memory_space<vmem>>, vector<1x16xf32>,
        %add3A_236 = arith.constant 0 : i32
        %add3A_237 = arith.addi %add3A_236, %add3A_212 : i32
        %get3A_238 = arith.index_cast %add3A_237 : i32 to index
        %get3A_239 = arith.constant 16 : index
        %get3A_240 = tpu.vector_load %arg11[%get3A_238, %get3A_239] {strides = array<i32>} : memref<640x32xf32, #tpu.memory_space<vmem>>, vector<1x16xf32>,
        %get3A_241 = vector.shape_cast %get3A_240 : vector<1x16xf32> to vector<16xf32>
        %get3A_242 = arith.index_cast %add3A_212 : i32 to index
        %get3A_243 = arith.constant 16 : index
        %get3A_244 = tpu.vector_load %arg13[%get3A_242, %get3A_243] {strides = array<i32>} : memref<320x32xf32, #tpu.memory_space<vmem>>, vector<1x16xf32>,
        %get3A_245 = vector.shape_cast %get3A_244 : vector<1x16xf32> to vector<16xf32>
        %mul3A_246 = arith.mulf %get3A_241, %get3A_245 : vector<16xf32>
        %add3A_247 = arith.constant 0 : i32
        %add3A_248 = arith.addi %add3A_247, %add3A_212 : i32
        %get3A_249 = arith.index_cast %add3A_248 : i32 to index
        %get3A_250 = arith.constant 16 : index
        %get3A_251 = tpu.vector_load %arg12[%get3A_249, %get3A_250] {strides = array<i32>} : memref<640x32xf32, #tpu.memory_space<vmem>>, vector<1x16xf32>,
        %get3A_252 = vector.shape_cast %get3A_251 : vector<1x16xf32> to vector<16xf32>
        %add3A_253 = arith.addf %mul3A_246, %get3A_252 : vector<16xf32>
        %swap3A_254 = arith.index_cast %add3A_212 : i32 to index
        %swap3A_255 = arith.constant 16 : index
        %swap3A_256 = tpu.vector_load %arg13[%swap3A_254, %swap3A_255] {strides = array<i32>} : memref<320x32xf32, #tpu.memory_space<vmem>>, vector<1x16xf32>,
        %swap3A_257 = vector.shape_cast %swap3A_256 : vector<1x16xf32> to vector<16xf32>
        %swap3A_258 = vector.shape_cast %add3A_253 : vector<16xf32> to vector<1x16xf32>
        tpu.vector_store %arg13[%swap3A_254, %swap3A_255], %swap3A_258 {strides = array<i32>} : memref<320x32xf32, #tpu.memory_space<vmem>>, vector<1x16xf32>,
        %scan3A_259 = arith.constant 4 : i32
        %scan3A_260 = arith.addi %scan3A_54, %scan3A_259 : i32
        %mul3A_261 = arith.constant 1 : i32
        %mul3A_262 = arith.muli %scan3A_260, %mul3A_261 : i32
        %add3A_263 = arith.constant 0 : i32
        %add3A_264 = arith.addi %add3A_263, %mul3A_262 : i32
        %add3A_265 = arith.constant 0 : i32
        %add3A_266 = arith.addi %add3A_265, %add3A_264 : i32
        %get3A_267 = arith.index_cast %add3A_266 : i32 to index
        %get3A_268 = arith.constant 0 : index
        %get3A_269 = tpu.vector_load %arg11[%get3A_267, %get3A_268] {strides = array<i32>} : memref<640x32xf32, #tpu.memory_space<vmem>>, vector<1x16xf32>,
        %get3A_270 = vector.shape_cast %get3A_269 : vector<1x16xf32> to vector<16xf32>
        %get3A_271 = arith.index_cast %add3A_264 : i32 to index
        %get3A_272 = arith.constant 0 : index
        %get3A_273 = tpu.vector_load %arg13[%get3A_271, %get3A_272] {strides = array<i32>} : memref<320x32xf32, #tpu.memory_space<vmem>>, vector<1x16xf32>,
        %get3A_274 = vector.shape_cast %get3A_273 : vector<1x16xf32> to vector<16xf32>
        %mul3A_275 = arith.mulf %get3A_270, %get3A_274 : vector<16xf32>
        %add3A_276 = arith.constant 0 : i32
        %add3A_277 = arith.addi %add3A_276, %add3A_264 : i32
        %get3A_278 = arith.index_cast %add3A_277 : i32 to index
        %get3A_279 = arith.constant 0 : index
        %get3A_280 = tpu.vector_load %arg12[%get3A_278, %get3A_279] {strides = array<i32>} : memref<640x32xf32, #tpu.memory_space<vmem>>, vector<1x16xf32>,
        %get3A_281 = vector.shape_cast %get3A_280 : vector<1x16xf32> to vector<16xf32>
        %add3A_282 = arith.addf %mul3A_275, %get3A_281 : vector<16xf32>
        %swap3A_283 = arith.index_cast %add3A_264 : i32 to index
        %swap3A_284 = arith.constant 0 : index
        %swap3A_285 = tpu.vector_load %arg13[%swap3A_283, %swap3A_284] {strides = array<i32>} : memref<320x32xf32, #tpu.memory_space<vmem>>, vector<1x16xf32>,
        %swap3A_286 = vector.shape_cast %swap3A_285 : vector<1x16xf32> to vector<16xf32>
        %swap3A_287 = vector.shape_cast %add3A_282 : vector<16xf32> to vector<1x16xf32>
        tpu.vector_store %arg13[%swap3A_283, %swap3A_284], %swap3A_287 {strides = array<i32>} : memref<320x32xf32, #tpu.memory_space<vmem>>, vector<1x16xf32>,
        %add3A_288 = arith.constant 0 : i32
        %add3A_289 = arith.addi %add3A_288, %add3A_264 : i32
        %get3A_290 = arith.index_cast %add3A_289 : i32 to index
        %get3A_291 = arith.constant 16 : index
        %get3A_292 = tpu.vector_load %arg11[%get3A_290, %get3A_291] {strides = array<i32>} : memref<640x32xf32, #tpu.memory_space<vmem>>, vector<1x16xf32>,
        %get3A_293 = vector.shape_cast %get3A_292 : vector<1x16xf32> to vector<16xf32>
        %get3A_294 = arith.index_cast %add3A_264 : i32 to index
        %get3A_295 = arith.constant 16 : index
        %get3A_296 = tpu.vector_load %arg13[%get3A_294, %get3A_295] {strides = array<i32>} : memref<320x32xf32, #tpu.memory_space<vmem>>, vector<1x16xf32>,
        %get3A_297 = vector.shape_cast %get3A_296 : vector<1x16xf32> to vector<16xf32>
        %mul3A_298 = arith.mulf %get3A_293, %get3A_297 : vector<16xf32>
        %add3A_299 = arith.constant 0 : i32
        %add3A_300 = arith.addi %add3A_299, %add3A_264 : i32
        %get3A_301 = arith.index_cast %add3A_300 : i32 to index
        %get3A_302 = arith.constant 16 : index
        %get3A_303 = tpu.vector_load %arg12[%get3A_301, %get3A_302] {strides = array<i32>} : memref<640x32xf32, #tpu.memory_space<vmem>>, vector<1x16xf32>,
        %get3A_304 = vector.shape_cast %get3A_303 : vector<1x16xf32> to vector<16xf32>
        %add3A_305 = arith.addf %mul3A_298, %get3A_304 : vector<16xf32>
        %swap3A_306 = arith.index_cast %add3A_264 : i32 to index
        %swap3A_307 = arith.constant 16 : index
        %swap3A_308 = tpu.vector_load %arg13[%swap3A_306, %swap3A_307] {strides = array<i32>} : memref<320x32xf32, #tpu.memory_space<vmem>>, vector<1x16xf32>,
        %swap3A_309 = vector.shape_cast %swap3A_308 : vector<1x16xf32> to vector<16xf32>
        %swap3A_310 = vector.shape_cast %add3A_305 : vector<16xf32> to vector<1x16xf32>
        tpu.vector_store %arg13[%swap3A_306, %swap3A_307], %swap3A_310 {strides = array<i32>} : memref<320x32xf32, #tpu.memory_space<vmem>>, vector<1x16xf32>,
        %scan3A_311 = arith.constant 5 : i32
        %scan3A_312 = arith.addi %scan3A_54, %scan3A_311 : i32
        %mul3A_313 = arith.constant 1 : i32
        %mul3A_314 = arith.muli %scan3A_312, %mul3A_313 : i32
        %add3A_315 = arith.constant 0 : i32
        %add3A_316 = arith.addi %add3A_315, %mul3A_314 : i32
        %add3A_317 = arith.constant 0 : i32
        %add3A_318 = arith.addi %add3A_317, %add3A_316 : i32
        %get3A_319 = arith.index_cast %add3A_318 : i32 to index
        %get3A_320 = arith.constant 0 : index
        %get3A_321 = tpu.vector_load %arg11[%get3A_319, %get3A_320] {strides = array<i32>} : memref<640x32xf32, #tpu.memory_space<vmem>>, vector<1x16xf32>,
        %get3A_322 = vector.shape_cast %get3A_321 : vector<1x16xf32> to vector<16xf32>
        %get3A_323 = arith.index_cast %add3A_316 : i32 to index
        %get3A_324 = arith.constant 0 : index
        %get3A_325 = tpu.vector_load %arg13[%get3A_323, %get3A_324] {strides = array<i32>} : memref<320x32xf32, #tpu.memory_space<vmem>>, vector<1x16xf32>,
        %get3A_326 = vector.shape_cast %get3A_325 : vector<1x16xf32> to vector<16xf32>
        %mul3A_327 = arith.mulf %get3A_322, %get3A_326 : vector<16xf32>
        %add3A_328 = arith.constant 0 : i32
        %add3A_329 = arith.addi %add3A_328, %add3A_316 : i32
        %get3A_330 = arith.index_cast %add3A_329 : i32 to index
        %get3A_331 = arith.constant 0 : index
        %get3A_332 = tpu.vector_load %arg12[%get3A_330, %get3A_331] {strides = array<i32>} : memref<640x32xf32, #tpu.memory_space<vmem>>, vector<1x16xf32>,
        %get3A_333 = vector.shape_cast %get3A_332 : vector<1x16xf32> to vector<16xf32>
        %add3A_334 = arith.addf %mul3A_327, %get3A_333 : vector<16xf32>
        %swap3A_335 = arith.index_cast %add3A_316 : i32 to index
        %swap3A_336 = arith.constant 0 : index
        %swap3A_337 = tpu.vector_load %arg13[%swap3A_335, %swap3A_336] {strides = array<i32>} : memref<320x32xf32, #tpu.memory_space<vmem>>, vector<1x16xf32>,
        %swap3A_338 = vector.shape_cast %swap3A_337 : vector<1x16xf32> to vector<16xf32>
        %swap3A_339 = vector.shape_cast %add3A_334 : vector<16xf32> to vector<1x16xf32>
        tpu.vector_store %arg13[%swap3A_335, %swap3A_336], %swap3A_339 {strides = array<i32>} : memref<320x32xf32, #tpu.memory_space<vmem>>, vector<1x16xf32>,
        %add3A_340 = arith.constant 0 : i32
        %add3A_341 = arith.addi %add3A_340, %add3A_316 : i32
        %get3A_342 = arith.index_cast %add3A_341 : i32 to index
        %get3A_343 = arith.constant 16 : index
        %get3A_344 = tpu.vector_load %arg11[%get3A_342, %get3A_343] {strides = array<i32>} : memref<640x32xf32, #tpu.memory_space<vmem>>, vector<1x16xf32>,
        %get3A_345 = vector.shape_cast %get3A_344 : vector<1x16xf32> to vector<16xf32>
        %get3A_346 = arith.index_cast %add3A_316 : i32 to index
        %get3A_347 = arith.constant 16 : index
        %get3A_348 = tpu.vector_load %arg13[%get3A_346, %get3A_347] {strides = array<i32>} : memref<320x32xf32, #tpu.memory_space<vmem>>, vector<1x16xf32>,
        %get3A_349 = vector.shape_cast %get3A_348 : vector<1x16xf32> to vector<16xf32>
        %mul3A_350 = arith.mulf %get3A_345, %get3A_349 : vector<16xf32>
        %add3A_351 = arith.constant 0 : i32
        %add3A_352 = arith.addi %add3A_351, %add3A_316 : i32
        %get3A_353 = arith.index_cast %add3A_352 : i32 to index
        %get3A_354 = arith.constant 16 : index
        %get3A_355 = tpu.vector_load %arg12[%get3A_353, %get3A_354] {strides = array<i32>} : memref<640x32xf32, #tpu.memory_space<vmem>>, vector<1x16xf32>,
        %get3A_356 = vector.shape_cast %get3A_355 : vector<1x16xf32> to vector<16xf32>
        %add3A_357 = arith.addf %mul3A_350, %get3A_356 : vector<16xf32>
        %swap3A_358 = arith.index_cast %add3A_316 : i32 to index
        %swap3A_359 = arith.constant 16 : index
        %swap3A_360 = tpu.vector_load %arg13[%swap3A_358, %swap3A_359] {strides = array<i32>} : memref<320x32xf32, #tpu.memory_space<vmem>>, vector<1x16xf32>,
        %swap3A_361 = vector.shape_cast %swap3A_360 : vector<1x16xf32> to vector<16xf32>
        %swap3A_362 = vector.shape_cast %add3A_357 : vector<16xf32> to vector<1x16xf32>
        tpu.vector_store %arg13[%swap3A_358, %swap3A_359], %swap3A_362 {strides = array<i32>} : memref<320x32xf32, #tpu.memory_space<vmem>>, vector<1x16xf32>,
        %scan3A_363 = arith.constant 6 : i32
        %scan3A_364 = arith.addi %scan3A_54, %scan3A_363 : i32
        %mul3A_365 = arith.constant 1 : i32
        %mul3A_366 = arith.muli %scan3A_364, %mul3A_365 : i32
        %add3A_367 = arith.constant 0 : i32
        %add3A_368 = arith.addi %add3A_367, %mul3A_366 : i32
        %add3A_369 = arith.constant 0 : i32
        %add3A_370 = arith.addi %add3A_369, %add3A_368 : i32
        %get3A_371 = arith.index_cast %add3A_370 : i32 to index
        %get3A_372 = arith.constant 0 : index
        %get3A_373 = tpu.vector_load %arg11[%get3A_371, %get3A_372] {strides = array<i32>} : memref<640x32xf32, #tpu.memory_space<vmem>>, vector<1x16xf32>,
        %get3A_374 = vector.shape_cast %get3A_373 : vector<1x16xf32> to vector<16xf32>
        %get3A_375 = arith.index_cast %add3A_368 : i32 to index
        %get3A_376 = arith.constant 0 : index
        %get3A_377 = tpu.vector_load %arg13[%get3A_375, %get3A_376] {strides = array<i32>} : memref<320x32xf32, #tpu.memory_space<vmem>>, vector<1x16xf32>,
        %get3A_378 = vector.shape_cast %get3A_377 : vector<1x16xf32> to vector<16xf32>
        %mul3A_379 = arith.mulf %get3A_374, %get3A_378 : vector<16xf32>
        %add3A_380 = arith.constant 0 : i32
        %add3A_381 = arith.addi %add3A_380, %add3A_368 : i32
        %get3A_382 = arith.index_cast %add3A_381 : i32 to index
        %get3A_383 = arith.constant 0 : index
        %get3A_384 = tpu.vector_load %arg12[%get3A_382, %get3A_383] {strides = array<i32>} : memref<640x32xf32, #tpu.memory_space<vmem>>, vector<1x16xf32>,
        %get3A_385 = vector.shape_cast %get3A_384 : vector<1x16xf32> to vector<16xf32>
        %add3A_386 = arith.addf %mul3A_379, %get3A_385 : vector<16xf32>
        %swap3A_387 = arith.index_cast %add3A_368 : i32 to index
        %swap3A_388 = arith.constant 0 : index
        %swap3A_389 = tpu.vector_load %arg13[%swap3A_387, %swap3A_388] {strides = array<i32>} : memref<320x32xf32, #tpu.memory_space<vmem>>, vector<1x16xf32>,
        %swap3A_390 = vector.shape_cast %swap3A_389 : vector<1x16xf32> to vector<16xf32>
        %swap3A_391 = vector.shape_cast %add3A_386 : vector<16xf32> to vector<1x16xf32>
        tpu.vector_store %arg13[%swap3A_387, %swap3A_388], %swap3A_391 {strides = array<i32>} : memref<320x32xf32, #tpu.memory_space<vmem>>, vector<1x16xf32>,
        %add3A_392 = arith.constant 0 : i32
        %add3A_393 = arith.addi %add3A_392, %add3A_368 : i32
        %get3A_394 = arith.index_cast %add3A_393 : i32 to index
        %get3A_395 = arith.constant 16 : index
        %get3A_396 = tpu.vector_load %arg11[%get3A_394, %get3A_395] {strides = array<i32>} : memref<640x32xf32, #tpu.memory_space<vmem>>, vector<1x16xf32>,
        %get3A_397 = vector.shape_cast %get3A_396 : vector<1x16xf32> to vector<16xf32>
        %get3A_398 = arith.index_cast %add3A_368 : i32 to index
        %get3A_399 = arith.constant 16 : index
        %get3A_400 = tpu.vector_load %arg13[%get3A_398, %get3A_399] {strides = array<i32>} : memref<320x32xf32, #tpu.memory_space<vmem>>, vector<1x16xf32>,
        %get3A_401 = vector.shape_cast %get3A_400 : vector<1x16xf32> to vector<16xf32>
        %mul3A_402 = arith.mulf %get3A_397, %get3A_401 : vector<16xf32>
        %add3A_403 = arith.constant 0 : i32
        %add3A_404 = arith.addi %add3A_403, %add3A_368 : i32
        %get3A_405 = arith.index_cast %add3A_404 : i32 to index
        %get3A_406 = arith.constant 16 : index
        %get3A_407 = tpu.vector_load %arg12[%get3A_405, %get3A_406] {strides = array<i32>} : memref<640x32xf32, #tpu.memory_space<vmem>>, vector<1x16xf32>,
        %get3A_408 = vector.shape_cast %get3A_407 : vector<1x16xf32> to vector<16xf32>
        %add3A_409 = arith.addf %mul3A_402, %get3A_408 : vector<16xf32>
        %swap3A_410 = arith.index_cast %add3A_368 : i32 to index
        %swap3A_411 = arith.constant 16 : index
        %swap3A_412 = tpu.vector_load %arg13[%swap3A_410, %swap3A_411] {strides = array<i32>} : memref<320x32xf32, #tpu.memory_space<vmem>>, vector<1x16xf32>,
        %swap3A_413 = vector.shape_cast %swap3A_412 : vector<1x16xf32> to vector<16xf32>
        %swap3A_414 = vector.shape_cast %add3A_409 : vector<16xf32> to vector<1x16xf32>
        tpu.vector_store %arg13[%swap3A_410, %swap3A_411], %swap3A_414 {strides = array<i32>} : memref<320x32xf32, #tpu.memory_space<vmem>>, vector<1x16xf32>,
        %scan3A_415 = arith.constant 7 : i32
        %scan3A_416 = arith.addi %scan3A_54, %scan3A_415 : i32
        %mul3A_417 = arith.constant 1 : i32
        %mul3A_418 = arith.muli %scan3A_416, %mul3A_417 : i32
        %add3A_419 = arith.constant 0 : i32
        %add3A_420 = arith.addi %add3A_419, %mul3A_418 : i32
        %add3A_421 = arith.constant 0 : i32
        %add3A_422 = arith.addi %add3A_421, %add3A_420 : i32
        %get3A_423 = arith.index_cast %add3A_422 : i32 to index
        %get3A_424 = arith.constant 0 : index
        %get3A_425 = tpu.vector_load %arg11[%get3A_423, %get3A_424] {strides = array<i32>} : memref<640x32xf32, #tpu.memory_space<vmem>>, vector<1x16xf32>,
        %get3A_426 = vector.shape_cast %get3A_425 : vector<1x16xf32> to vector<16xf32>
        %get3A_427 = arith.index_cast %add3A_420 : i32 to index
        %get3A_428 = arith.constant 0 : index
        %get3A_429 = tpu.vector_load %arg13[%get3A_427, %get3A_428] {strides = array<i32>} : memref<320x32xf32, #tpu.memory_space<vmem>>, vector<1x16xf32>,
        %get3A_430 = vector.shape_cast %get3A_429 : vector<1x16xf32> to vector<16xf32>
        %mul3A_431 = arith.mulf %get3A_426, %get3A_430 : vector<16xf32>
        %add3A_432 = arith.constant 0 : i32
        %add3A_433 = arith.addi %add3A_432, %add3A_420 : i32
        %get3A_434 = arith.index_cast %add3A_433 : i32 to index
        %get3A_435 = arith.constant 0 : index
        %get3A_436 = tpu.vector_load %arg12[%get3A_434, %get3A_435] {strides = array<i32>} : memref<640x32xf32, #tpu.memory_space<vmem>>, vector<1x16xf32>,
        %get3A_437 = vector.shape_cast %get3A_436 : vector<1x16xf32> to vector<16xf32>
        %add3A_438 = arith.addf %mul3A_431, %get3A_437 : vector<16xf32>
        %swap3A_439 = arith.index_cast %add3A_420 : i32 to index
        %swap3A_440 = arith.constant 0 : index
        %swap3A_441 = tpu.vector_load %arg13[%swap3A_439, %swap3A_440] {strides = array<i32>} : memref<320x32xf32, #tpu.memory_space<vmem>>, vector<1x16xf32>,
        %swap3A_442 = vector.shape_cast %swap3A_441 : vector<1x16xf32> to vector<16xf32>
        %swap3A_443 = vector.shape_cast %add3A_438 : vector<16xf32> to vector<1x16xf32>
        tpu.vector_store %arg13[%swap3A_439, %swap3A_440], %swap3A_443 {strides = array<i32>} : memref<320x32xf32, #tpu.memory_space<vmem>>, vector<1x16xf32>,
        %add3A_444 = arith.constant 0 : i32
        %add3A_445 = arith.addi %add3A_444, %add3A_420 : i32
        %get3A_446 = arith.index_cast %add3A_445 : i32 to index
        %get3A_447 = arith.constant 16 : index
        %get3A_448 = tpu.vector_load %arg11[%get3A_446, %get3A_447] {strides = array<i32>} : memref<640x32xf32, #tpu.memory_space<vmem>>, vector<1x16xf32>,
        %get3A_449 = vector.shape_cast %get3A_448 : vector<1x16xf32> to vector<16xf32>
        %get3A_450 = arith.index_cast %add3A_420 : i32 to index
        %get3A_451 = arith.constant 16 : index
        %get3A_452 = tpu.vector_load %arg13[%get3A_450, %get3A_451] {strides = array<i32>} : memref<320x32xf32, #tpu.memory_space<vmem>>, vector<1x16xf32>,
        %get3A_453 = vector.shape_cast %get3A_452 : vector<1x16xf32> to vector<16xf32>
        %mul3A_454 = arith.mulf %get3A_449, %get3A_453 : vector<16xf32>
        %add3A_455 = arith.constant 0 : i32
        %add3A_456 = arith.addi %add3A_455, %add3A_420 : i32
        %get3A_457 = arith.index_cast %add3A_456 : i32 to index
        %get3A_458 = arith.constant 16 : index
        %get3A_459 = tpu.vector_load %arg12[%get3A_457, %get3A_458] {strides = array<i32>} : memref<640x32xf32, #tpu.memory_space<vmem>>, vector<1x16xf32>,
        %get3A_460 = vector.shape_cast %get3A_459 : vector<1x16xf32> to vector<16xf32>
        %add3A_461 = arith.addf %mul3A_454, %get3A_460 : vector<16xf32>
        %swap3A_462 = arith.index_cast %add3A_420 : i32 to index
        %swap3A_463 = arith.constant 16 : index
        %swap3A_464 = tpu.vector_load %arg13[%swap3A_462, %swap3A_463] {strides = array<i32>} : memref<320x32xf32, #tpu.memory_space<vmem>>, vector<1x16xf32>,
        %swap3A_465 = vector.shape_cast %swap3A_464 : vector<1x16xf32> to vector<16xf32>
        %swap3A_466 = vector.shape_cast %add3A_461 : vector<16xf32> to vector<1x16xf32>
        tpu.vector_store %arg13[%swap3A_462, %swap3A_463], %swap3A_466 {strides = array<i32>} : memref<320x32xf32, #tpu.memory_space<vmem>>, vector<1x16xf32>,
      }
      %scan3A_36 = arith.constant 320 : i32
      %add3A_37 = arith.constant 0 : i32
      %add3A_38 = arith.addi %mul3A_0, %add3A_37 : i32
      "tpu.region"() ({
        %run_scoped3A = tpu.sem_alloc : memref<!tpu.dma_semaphore, #tpu.memory_space<semaphore_mem>>
        %dma_start3A = arith.constant 0 : i32
        %dma_start3A_54 = tpu.memref_slice %arg17[%add3A_38, %dma_start3A] : memref<10240x32xf32, #tpu.memory_space<vmem_shared>> -> memref<320x32xf32, #tpu.memory_space<vmem_shared>>
        %dma_start3A_55 = arith.constant 0 : i32
        %dma_start3A_56 = tpu.memref_slice %arg17[%add3A_38, %dma_start3A_55] : memref<10240x32xf32, #tpu.memory_space<vmem_shared>> -> memref<320x32xf32, #tpu.memory_space<vmem_shared>>
        tpu.enqueue_dma source(%arg13 : memref<320x32xf32, #tpu.memory_space<vmem>>) target(%dma_start3A_56 : memref<320x32xf32, #tpu.memory_space<vmem_shared>>) target_semaphore(%run_scoped3A : memref<!tpu.dma_semaphore, #tpu.memory_space<semaphore_mem>>)
        %dma_wait3A = arith.constant 0 : i32
        %dma_wait3A_57 = tpu.memref_slice %arg17[%add3A_38, %dma_wait3A] : memref<10240x32xf32, #tpu.memory_space<vmem_shared>> -> memref<320x32xf32, #tpu.memory_space<vmem_shared>>
        %dma_wait3A_58 = arith.constant 0 : i32
        %dma_wait3A_59 = tpu.memref_slice %arg17[%add3A_38, %dma_wait3A_58] : memref<10240x32xf32, #tpu.memory_space<vmem_shared>> -> memref<320x32xf32, #tpu.memory_space<vmem_shared>>
        tpu.wait_dma2 semaphore(%run_scoped3A : memref<!tpu.dma_semaphore, #tpu.memory_space<semaphore_mem>>) src(%arg13 : memref<320x32xf32, #tpu.memory_space<vmem>>) dst(%dma_wait3A_59 : memref<320x32xf32, #tpu.memory_space<vmem_shared>>)
        tpu.yield
      }) : () -> ()
      %add3A_39 = arith.constant 320 : i32
      %add3A_40 = arith.addi %mul3A_0, %add3A_39 : i32
      "tpu.region"() ({
        %run_scoped3A = tpu.sem_alloc : memref<!tpu.dma_semaphore, #tpu.memory_space<semaphore_mem>>
        %dma_start3A = arith.constant 0 : i32
        %dma_start3A_54 = tpu.memref_slice %arg18[%add3A_40, %dma_start3A] : memref<10240x32xf32, #tpu.memory_space<vmem_shared>> -> memref<320x32xf32, #tpu.memory_space<vmem_shared>>
        %dma_start3A_55 = arith.constant 0 : i32
        %dma_start3A_56 = tpu.memref_slice %arg18[%add3A_40, %dma_start3A_55] : memref<10240x32xf32, #tpu.memory_space<vmem_shared>> -> memref<320x32xf32, #tpu.memory_space<vmem_shared>>
        tpu.enqueue_dma source(%dma_start3A_56 : memref<320x32xf32, #tpu.memory_space<vmem_shared>>) target(%arg13 : memref<320x32xf32, #tpu.memory_space<vmem>>) target_semaphore(%run_scoped3A : memref<!tpu.dma_semaphore, #tpu.memory_space<semaphore_mem>>)
        %dma_wait3A = arith.constant 0 : i32
        %dma_wait3A_57 = tpu.memref_slice %arg18[%add3A_40, %dma_wait3A] : memref<10240x32xf32, #tpu.memory_space<vmem_shared>> -> memref<320x32xf32, #tpu.memory_space<vmem_shared>>
        %dma_wait3A_58 = arith.constant 0 : i32
        %dma_wait3A_59 = tpu.memref_slice %arg18[%add3A_40, %dma_wait3A_58] : memref<10240x32xf32, #tpu.memory_space<vmem_shared>> -> memref<320x32xf32, #tpu.memory_space<vmem_shared>>
        tpu.wait_dma2 semaphore(%run_scoped3A : memref<!tpu.dma_semaphore, #tpu.memory_space<semaphore_mem>>) src(%dma_wait3A_59 : memref<320x32xf32, #tpu.memory_space<vmem_shared>>) dst(%arg13 : memref<320x32xf32, #tpu.memory_space<vmem>>)
        tpu.yield
      }) : () -> ()
      %scan3A_41 = arith.constant 0 : i32
      %scan3A_42 = arith.constant 320 : i32
      %scan3A_43 = arith.addi %scan3A_41, %scan3A_42 : i32
      %scan3A_44 = arith.constant 8 : i32
      scf.for %scan3A_54 = %scan3A_41 to %scan3A_43 step %scan3A_44  : i32 {
        %mul3A_55 = arith.constant 1 : i32
        %mul3A_56 = arith.muli %scan3A_54, %mul3A_55 : i32
        %add3A_57 = arith.constant 0 : i32
        %add3A_58 = arith.addi %add3A_57, %mul3A_56 : i32
        %add3A_59 = arith.constant 320 : i32
        %add3A_60 = arith.addi %add3A_59, %add3A_58 : i32
        %get3A = arith.index_cast %add3A_60 : i32 to index
        %get3A_61 = arith.constant 0 : index
        %get3A_62 = tpu.vector_load %arg11[%get3A, %get3A_61] {strides = array<i32>} : memref<640x32xf32, #tpu.memory_space<vmem>>, vector<1x16xf32>,
        %get3A_63 = vector.shape_cast %get3A_62 : vector<1x16xf32> to vector<16xf32>
        %get3A_64 = arith.index_cast %add3A_58 : i32 to index
        %get3A_65 = arith.constant 0 : index
        %get3A_66 = tpu.vector_load %arg13[%get3A_64, %get3A_65] {strides = array<i32>} : memref<320x32xf32, #tpu.memory_space<vmem>>, vector<1x16xf32>,
        %get3A_67 = vector.shape_cast %get3A_66 : vector<1x16xf32> to vector<16xf32>
        %mul3A_68 = arith.mulf %get3A_63, %get3A_67 : vector<16xf32>
        %add3A_69 = arith.constant 320 : i32
        %add3A_70 = arith.addi %add3A_69, %add3A_58 : i32
        %get3A_71 = arith.index_cast %add3A_70 : i32 to index
        %get3A_72 = arith.constant 0 : index
        %get3A_73 = tpu.vector_load %arg12[%get3A_71, %get3A_72] {strides = array<i32>} : memref<640x32xf32, #tpu.memory_space<vmem>>, vector<1x16xf32>,
        %get3A_74 = vector.shape_cast %get3A_73 : vector<1x16xf32> to vector<16xf32>
        %add3A_75 = arith.addf %mul3A_68, %get3A_74 : vector<16xf32>
        %swap3A = arith.index_cast %add3A_58 : i32 to index
        %swap3A_76 = arith.constant 0 : index
        %swap3A_77 = tpu.vector_load %arg13[%swap3A, %swap3A_76] {strides = array<i32>} : memref<320x32xf32, #tpu.memory_space<vmem>>, vector<1x16xf32>,
        %swap3A_78 = vector.shape_cast %swap3A_77 : vector<1x16xf32> to vector<16xf32>
        %swap3A_79 = vector.shape_cast %add3A_75 : vector<16xf32> to vector<1x16xf32>
        tpu.vector_store %arg13[%swap3A, %swap3A_76], %swap3A_79 {strides = array<i32>} : memref<320x32xf32, #tpu.memory_space<vmem>>, vector<1x16xf32>,
        %add3A_80 = arith.constant 320 : i32
        %add3A_81 = arith.addi %add3A_80, %add3A_58 : i32
        %get3A_82 = arith.index_cast %add3A_81 : i32 to index
        %get3A_83 = arith.constant 16 : index
        %get3A_84 = tpu.vector_load %arg11[%get3A_82, %get3A_83] {strides = array<i32>} : memref<640x32xf32, #tpu.memory_space<vmem>>, vector<1x16xf32>,
        %get3A_85 = vector.shape_cast %get3A_84 : vector<1x16xf32> to vector<16xf32>
        %get3A_86 = arith.index_cast %add3A_58 : i32 to index
        %get3A_87 = arith.constant 16 : index
        %get3A_88 = tpu.vector_load %arg13[%get3A_86, %get3A_87] {strides = array<i32>} : memref<320x32xf32, #tpu.memory_space<vmem>>, vector<1x16xf32>,
        %get3A_89 = vector.shape_cast %get3A_88 : vector<1x16xf32> to vector<16xf32>
        %mul3A_90 = arith.mulf %get3A_85, %get3A_89 : vector<16xf32>
        %add3A_91 = arith.constant 320 : i32
        %add3A_92 = arith.addi %add3A_91, %add3A_58 : i32
        %get3A_93 = arith.index_cast %add3A_92 : i32 to index
        %get3A_94 = arith.constant 16 : index
        %get3A_95 = tpu.vector_load %arg12[%get3A_93, %get3A_94] {strides = array<i32>} : memref<640x32xf32, #tpu.memory_space<vmem>>, vector<1x16xf32>,
        %get3A_96 = vector.shape_cast %get3A_95 : vector<1x16xf32> to vector<16xf32>
        %add3A_97 = arith.addf %mul3A_90, %get3A_96 : vector<16xf32>
        %swap3A_98 = arith.index_cast %add3A_58 : i32 to index
        %swap3A_99 = arith.constant 16 : index
        %swap3A_100 = tpu.vector_load %arg13[%swap3A_98, %swap3A_99] {strides = array<i32>} : memref<320x32xf32, #tpu.memory_space<vmem>>, vector<1x16xf32>,
        %swap3A_101 = vector.shape_cast %swap3A_100 : vector<1x16xf32> to vector<16xf32>
        %swap3A_102 = vector.shape_cast %add3A_97 : vector<16xf32> to vector<1x16xf32>
        tpu.vector_store %arg13[%swap3A_98, %swap3A_99], %swap3A_102 {strides = array<i32>} : memref<320x32xf32, #tpu.memory_space<vmem>>, vector<1x16xf32>,
        %scan3A_103 = arith.constant 1 : i32
        %scan3A_104 = arith.addi %scan3A_54, %scan3A_103 : i32
        %mul3A_105 = arith.constant 1 : i32
        %mul3A_106 = arith.muli %scan3A_104, %mul3A_105 : i32
        %add3A_107 = arith.constant 0 : i32
        %add3A_108 = arith.addi %add3A_107, %mul3A_106 : i32
        %add3A_109 = arith.constant 320 : i32
        %add3A_110 = arith.addi %add3A_109, %add3A_108 : i32
        %get3A_111 = arith.index_cast %add3A_110 : i32 to index
        %get3A_112 = arith.constant 0 : index
        %get3A_113 = tpu.vector_load %arg11[%get3A_111, %get3A_112] {strides = array<i32>} : memref<640x32xf32, #tpu.memory_space<vmem>>, vector<1x16xf32>,
        %get3A_114 = vector.shape_cast %get3A_113 : vector<1x16xf32> to vector<16xf32>
        %get3A_115 = arith.index_cast %add3A_108 : i32 to index
        %get3A_116 = arith.constant 0 : index
        %get3A_117 = tpu.vector_load %arg13[%get3A_115, %get3A_116] {strides = array<i32>} : memref<320x32xf32, #tpu.memory_space<vmem>>, vector<1x16xf32>,
        %get3A_118 = vector.shape_cast %get3A_117 : vector<1x16xf32> to vector<16xf32>
        %mul3A_119 = arith.mulf %get3A_114, %get3A_118 : vector<16xf32>
        %add3A_120 = arith.constant 320 : i32
        %add3A_121 = arith.addi %add3A_120, %add3A_108 : i32
        %get3A_122 = arith.index_cast %add3A_121 : i32 to index
        %get3A_123 = arith.constant 0 : index
        %get3A_124 = tpu.vector_load %arg12[%get3A_122, %get3A_123] {strides = array<i32>} : memref<640x32xf32, #tpu.memory_space<vmem>>, vector<1x16xf32>,
        %get3A_125 = vector.shape_cast %get3A_124 : vector<1x16xf32> to vector<16xf32>
        %add3A_126 = arith.addf %mul3A_119, %get3A_125 : vector<16xf32>
        %swap3A_127 = arith.index_cast %add3A_108 : i32 to index
        %swap3A_128 = arith.constant 0 : index
        %swap3A_129 = tpu.vector_load %arg13[%swap3A_127, %swap3A_128] {strides = array<i32>} : memref<320x32xf32, #tpu.memory_space<vmem>>, vector<1x16xf32>,
        %swap3A_130 = vector.shape_cast %swap3A_129 : vector<1x16xf32> to vector<16xf32>
        %swap3A_131 = vector.shape_cast %add3A_126 : vector<16xf32> to vector<1x16xf32>
        tpu.vector_store %arg13[%swap3A_127, %swap3A_128], %swap3A_131 {strides = array<i32>} : memref<320x32xf32, #tpu.memory_space<vmem>>, vector<1x16xf32>,
        %add3A_132 = arith.constant 320 : i32
        %add3A_133 = arith.addi %add3A_132, %add3A_108 : i32
        %get3A_134 = arith.index_cast %add3A_133 : i32 to index
        %get3A_135 = arith.constant 16 : index
        %get3A_136 = tpu.vector_load %arg11[%get3A_134, %get3A_135] {strides = array<i32>} : memref<640x32xf32, #tpu.memory_space<vmem>>, vector<1x16xf32>,
        %get3A_137 = vector.shape_cast %get3A_136 : vector<1x16xf32> to vector<16xf32>
        %get3A_138 = arith.index_cast %add3A_108 : i32 to index
        %get3A_139 = arith.constant 16 : index
        %get3A_140 = tpu.vector_load %arg13[%get3A_138, %get3A_139] {strides = array<i32>} : memref<320x32xf32, #tpu.memory_space<vmem>>, vector<1x16xf32>,
        %get3A_141 = vector.shape_cast %get3A_140 : vector<1x16xf32> to vector<16xf32>
        %mul3A_142 = arith.mulf %get3A_137, %get3A_141 : vector<16xf32>
        %add3A_143 = arith.constant 320 : i32
        %add3A_144 = arith.addi %add3A_143, %add3A_108 : i32
        %get3A_145 = arith.index_cast %add3A_144 : i32 to index
        %get3A_146 = arith.constant 16 : index
        %get3A_147 = tpu.vector_load %arg12[%get3A_145, %get3A_146] {strides = array<i32>} : memref<640x32xf32, #tpu.memory_space<vmem>>, vector<1x16xf32>,
        %get3A_148 = vector.shape_cast %get3A_147 : vector<1x16xf32> to vector<16xf32>
        %add3A_149 = arith.addf %mul3A_142, %get3A_148 : vector<16xf32>
        %swap3A_150 = arith.index_cast %add3A_108 : i32 to index
        %swap3A_151 = arith.constant 16 : index
        %swap3A_152 = tpu.vector_load %arg13[%swap3A_150, %swap3A_151] {strides = array<i32>} : memref<320x32xf32, #tpu.memory_space<vmem>>, vector<1x16xf32>,
        %swap3A_153 = vector.shape_cast %swap3A_152 : vector<1x16xf32> to vector<16xf32>
        %swap3A_154 = vector.shape_cast %add3A_149 : vector<16xf32> to vector<1x16xf32>
        tpu.vector_store %arg13[%swap3A_150, %swap3A_151], %swap3A_154 {strides = array<i32>} : memref<320x32xf32, #tpu.memory_space<vmem>>, vector<1x16xf32>,
        %scan3A_155 = arith.constant 2 : i32
        %scan3A_156 = arith.addi %scan3A_54, %scan3A_155 : i32
        %mul3A_157 = arith.constant 1 : i32
        %mul3A_158 = arith.muli %scan3A_156, %mul3A_157 : i32
        %add3A_159 = arith.constant 0 : i32
        %add3A_160 = arith.addi %add3A_159, %mul3A_158 : i32
        %add3A_161 = arith.constant 320 : i32
        %add3A_162 = arith.addi %add3A_161, %add3A_160 : i32
        %get3A_163 = arith.index_cast %add3A_162 : i32 to index
        %get3A_164 = arith.constant 0 : index
        %get3A_165 = tpu.vector_load %arg11[%get3A_163, %get3A_164] {strides = array<i32>} : memref<640x32xf32, #tpu.memory_space<vmem>>, vector<1x16xf32>,
        %get3A_166 = vector.shape_cast %get3A_165 : vector<1x16xf32> to vector<16xf32>
        %get3A_167 = arith.index_cast %add3A_160 : i32 to index
        %get3A_168 = arith.constant 0 : index
        %get3A_169 = tpu.vector_load %arg13[%get3A_167, %get3A_168] {strides = array<i32>} : memref<320x32xf32, #tpu.memory_space<vmem>>, vector<1x16xf32>,
        %get3A_170 = vector.shape_cast %get3A_169 : vector<1x16xf32> to vector<16xf32>
        %mul3A_171 = arith.mulf %get3A_166, %get3A_170 : vector<16xf32>
        %add3A_172 = arith.constant 320 : i32
        %add3A_173 = arith.addi %add3A_172, %add3A_160 : i32
        %get3A_174 = arith.index_cast %add3A_173 : i32 to index
        %get3A_175 = arith.constant 0 : index
        %get3A_176 = tpu.vector_load %arg12[%get3A_174, %get3A_175] {strides = array<i32>} : memref<640x32xf32, #tpu.memory_space<vmem>>, vector<1x16xf32>,
        %get3A_177 = vector.shape_cast %get3A_176 : vector<1x16xf32> to vector<16xf32>
        %add3A_178 = arith.addf %mul3A_171, %get3A_177 : vector<16xf32>
        %swap3A_179 = arith.index_cast %add3A_160 : i32 to index
        %swap3A_180 = arith.constant 0 : index
        %swap3A_181 = tpu.vector_load %arg13[%swap3A_179, %swap3A_180] {strides = array<i32>} : memref<320x32xf32, #tpu.memory_space<vmem>>, vector<1x16xf32>,
        %swap3A_182 = vector.shape_cast %swap3A_181 : vector<1x16xf32> to vector<16xf32>
        %swap3A_183 = vector.shape_cast %add3A_178 : vector<16xf32> to vector<1x16xf32>
        tpu.vector_store %arg13[%swap3A_179, %swap3A_180], %swap3A_183 {strides = array<i32>} : memref<320x32xf32, #tpu.memory_space<vmem>>, vector<1x16xf32>,
        %add3A_184 = arith.constant 320 : i32
        %add3A_185 = arith.addi %add3A_184, %add3A_160 : i32
        %get3A_186 = arith.index_cast %add3A_185 : i32 to index
        %get3A_187 = arith.constant 16 : index
        %get3A_188 = tpu.vector_load %arg11[%get3A_186, %get3A_187] {strides = array<i32>} : memref<640x32xf32, #tpu.memory_space<vmem>>, vector<1x16xf32>,
        %get3A_189 = vector.shape_cast %get3A_188 : vector<1x16xf32> to vector<16xf32>
        %get3A_190 = arith.index_cast %add3A_160 : i32 to index
        %get3A_191 = arith.constant 16 : index
        %get3A_192 = tpu.vector_load %arg13[%get3A_190, %get3A_191] {strides = array<i32>} : memref<320x32xf32, #tpu.memory_space<vmem>>, vector<1x16xf32>,
        %get3A_193 = vector.shape_cast %get3A_192 : vector<1x16xf32> to vector<16xf32>
        %mul3A_194 = arith.mulf %get3A_189, %get3A_193 : vector<16xf32>
        %add3A_195 = arith.constant 320 : i32
        %add3A_196 = arith.addi %add3A_195, %add3A_160 : i32
        %get3A_197 = arith.index_cast %add3A_196 : i32 to index
        %get3A_198 = arith.constant 16 : index
        %get3A_199 = tpu.vector_load %arg12[%get3A_197, %get3A_198] {strides = array<i32>} : memref<640x32xf32, #tpu.memory_space<vmem>>, vector<1x16xf32>,
        %get3A_200 = vector.shape_cast %get3A_199 : vector<1x16xf32> to vector<16xf32>
        %add3A_201 = arith.addf %mul3A_194, %get3A_200 : vector<16xf32>
        %swap3A_202 = arith.index_cast %add3A_160 : i32 to index
        %swap3A_203 = arith.constant 16 : index
        %swap3A_204 = tpu.vector_load %arg13[%swap3A_202, %swap3A_203] {strides = array<i32>} : memref<320x32xf32, #tpu.memory_space<vmem>>, vector<1x16xf32>,
        %swap3A_205 = vector.shape_cast %swap3A_204 : vector<1x16xf32> to vector<16xf32>
        %swap3A_206 = vector.shape_cast %add3A_201 : vector<16xf32> to vector<1x16xf32>
        tpu.vector_store %arg13[%swap3A_202, %swap3A_203], %swap3A_206 {strides = array<i32>} : memref<320x32xf32, #tpu.memory_space<vmem>>, vector<1x16xf32>,
        %scan3A_207 = arith.constant 3 : i32
        %scan3A_208 = arith.addi %scan3A_54, %scan3A_207 : i32
        %mul3A_209 = arith.constant 1 : i32
        %mul3A_210 = arith.muli %scan3A_208, %mul3A_209 : i32
        %add3A_211 = arith.constant 0 : i32
        %add3A_212 = arith.addi %add3A_211, %mul3A_210 : i32
        %add3A_213 = arith.constant 320 : i32
        %add3A_214 = arith.addi %add3A_213, %add3A_212 : i32
        %get3A_215 = arith.index_cast %add3A_214 : i32 to index
        %get3A_216 = arith.constant 0 : index
        %get3A_217 = tpu.vector_load %arg11[%get3A_215, %get3A_216] {strides = array<i32>} : memref<640x32xf32, #tpu.memory_space<vmem>>, vector<1x16xf32>,
        %get3A_218 = vector.shape_cast %get3A_217 : vector<1x16xf32> to vector<16xf32>
        %get3A_219 = arith.index_cast %add3A_212 : i32 to index
        %get3A_220 = arith.constant 0 : index
        %get3A_221 = tpu.vector_load %arg13[%get3A_219, %get3A_220] {strides = array<i32>} : memref<320x32xf32, #tpu.memory_space<vmem>>, vector<1x16xf32>,
        %get3A_222 = vector.shape_cast %get3A_221 : vector<1x16xf32> to vector<16xf32>
        %mul3A_223 = arith.mulf %get3A_218, %get3A_222 : vector<16xf32>
        %add3A_224 = arith.constant 320 : i32
        %add3A_225 = arith.addi %add3A_224, %add3A_212 : i32
        %get3A_226 = arith.index_cast %add3A_225 : i32 to index
        %get3A_227 = arith.constant 0 : index
        %get3A_228 = tpu.vector_load %arg12[%get3A_226, %get3A_227] {strides = array<i32>} : memref<640x32xf32, #tpu.memory_space<vmem>>, vector<1x16xf32>,
        %get3A_229 = vector.shape_cast %get3A_228 : vector<1x16xf32> to vector<16xf32>
        %add3A_230 = arith.addf %mul3A_223, %get3A_229 : vector<16xf32>
        %swap3A_231 = arith.index_cast %add3A_212 : i32 to index
        %swap3A_232 = arith.constant 0 : index
        %swap3A_233 = tpu.vector_load %arg13[%swap3A_231, %swap3A_232] {strides = array<i32>} : memref<320x32xf32, #tpu.memory_space<vmem>>, vector<1x16xf32>,
        %swap3A_234 = vector.shape_cast %swap3A_233 : vector<1x16xf32> to vector<16xf32>
        %swap3A_235 = vector.shape_cast %add3A_230 : vector<16xf32> to vector<1x16xf32>
        tpu.vector_store %arg13[%swap3A_231, %swap3A_232], %swap3A_235 {strides = array<i32>} : memref<320x32xf32, #tpu.memory_space<vmem>>, vector<1x16xf32>,
        %add3A_236 = arith.constant 320 : i32
        %add3A_237 = arith.addi %add3A_236, %add3A_212 : i32
        %get3A_238 = arith.index_cast %add3A_237 : i32 to index
        %get3A_239 = arith.constant 16 : index
        %get3A_240 = tpu.vector_load %arg11[%get3A_238, %get3A_239] {strides = array<i32>} : memref<640x32xf32, #tpu.memory_space<vmem>>, vector<1x16xf32>,
        %get3A_241 = vector.shape_cast %get3A_240 : vector<1x16xf32> to vector<16xf32>
        %get3A_242 = arith.index_cast %add3A_212 : i32 to index
        %get3A_243 = arith.constant 16 : index
        %get3A_244 = tpu.vector_load %arg13[%get3A_242, %get3A_243] {strides = array<i32>} : memref<320x32xf32, #tpu.memory_space<vmem>>, vector<1x16xf32>,
        %get3A_245 = vector.shape_cast %get3A_244 : vector<1x16xf32> to vector<16xf32>
        %mul3A_246 = arith.mulf %get3A_241, %get3A_245 : vector<16xf32>
        %add3A_247 = arith.constant 320 : i32
        %add3A_248 = arith.addi %add3A_247, %add3A_212 : i32
        %get3A_249 = arith.index_cast %add3A_248 : i32 to index
        %get3A_250 = arith.constant 16 : index
        %get3A_251 = tpu.vector_load %arg12[%get3A_249, %get3A_250] {strides = array<i32>} : memref<640x32xf32, #tpu.memory_space<vmem>>, vector<1x16xf32>,
        %get3A_252 = vector.shape_cast %get3A_251 : vector<1x16xf32> to vector<16xf32>
        %add3A_253 = arith.addf %mul3A_246, %get3A_252 : vector<16xf32>
        %swap3A_254 = arith.index_cast %add3A_212 : i32 to index
        %swap3A_255 = arith.constant 16 : index
        %swap3A_256 = tpu.vector_load %arg13[%swap3A_254, %swap3A_255] {strides = array<i32>} : memref<320x32xf32, #tpu.memory_space<vmem>>, vector<1x16xf32>,
        %swap3A_257 = vector.shape_cast %swap3A_256 : vector<1x16xf32> to vector<16xf32>
        %swap3A_258 = vector.shape_cast %add3A_253 : vector<16xf32> to vector<1x16xf32>
        tpu.vector_store %arg13[%swap3A_254, %swap3A_255], %swap3A_258 {strides = array<i32>} : memref<320x32xf32, #tpu.memory_space<vmem>>, vector<1x16xf32>,
        %scan3A_259 = arith.constant 4 : i32
        %scan3A_260 = arith.addi %scan3A_54, %scan3A_259 : i32
        %mul3A_261 = arith.constant 1 : i32
        %mul3A_262 = arith.muli %scan3A_260, %mul3A_261 : i32
        %add3A_263 = arith.constant 0 : i32
        %add3A_264 = arith.addi %add3A_263, %mul3A_262 : i32
        %add3A_265 = arith.constant 320 : i32
        %add3A_266 = arith.addi %add3A_265, %add3A_264 : i32
        %get3A_267 = arith.index_cast %add3A_266 : i32 to index
        %get3A_268 = arith.constant 0 : index
        %get3A_269 = tpu.vector_load %arg11[%get3A_267, %get3A_268] {strides = array<i32>} : memref<640x32xf32, #tpu.memory_space<vmem>>, vector<1x16xf32>,
        %get3A_270 = vector.shape_cast %get3A_269 : vector<1x16xf32> to vector<16xf32>
        %get3A_271 = arith.index_cast %add3A_264 : i32 to index
        %get3A_272 = arith.constant 0 : index
        %get3A_273 = tpu.vector_load %arg13[%get3A_271, %get3A_272] {strides = array<i32>} : memref<320x32xf32, #tpu.memory_space<vmem>>, vector<1x16xf32>,
        %get3A_274 = vector.shape_cast %get3A_273 : vector<1x16xf32> to vector<16xf32>
        %mul3A_275 = arith.mulf %get3A_270, %get3A_274 : vector<16xf32>
        %add3A_276 = arith.constant 320 : i32
        %add3A_277 = arith.addi %add3A_276, %add3A_264 : i32
        %get3A_278 = arith.index_cast %add3A_277 : i32 to index
        %get3A_279 = arith.constant 0 : index
        %get3A_280 = tpu.vector_load %arg12[%get3A_278, %get3A_279] {strides = array<i32>} : memref<640x32xf32, #tpu.memory_space<vmem>>, vector<1x16xf32>,
        %get3A_281 = vector.shape_cast %get3A_280 : vector<1x16xf32> to vector<16xf32>
        %add3A_282 = arith.addf %mul3A_275, %get3A_281 : vector<16xf32>
        %swap3A_283 = arith.index_cast %add3A_264 : i32 to index
        %swap3A_284 = arith.constant 0 : index
        %swap3A_285 = tpu.vector_load %arg13[%swap3A_283, %swap3A_284] {strides = array<i32>} : memref<320x32xf32, #tpu.memory_space<vmem>>, vector<1x16xf32>,
        %swap3A_286 = vector.shape_cast %swap3A_285 : vector<1x16xf32> to vector<16xf32>
        %swap3A_287 = vector.shape_cast %add3A_282 : vector<16xf32> to vector<1x16xf32>
        tpu.vector_store %arg13[%swap3A_283, %swap3A_284], %swap3A_287 {strides = array<i32>} : memref<320x32xf32, #tpu.memory_space<vmem>>, vector<1x16xf32>,
        %add3A_288 = arith.constant 320 : i32
        %add3A_289 = arith.addi %add3A_288, %add3A_264 : i32
        %get3A_290 = arith.index_cast %add3A_289 : i32 to index
        %get3A_291 = arith.constant 16 : index
        %get3A_292 = tpu.vector_load %arg11[%get3A_290, %get3A_291] {strides = array<i32>} : memref<640x32xf32, #tpu.memory_space<vmem>>, vector<1x16xf32>,
        %get3A_293 = vector.shape_cast %get3A_292 : vector<1x16xf32> to vector<16xf32>
        %get3A_294 = arith.index_cast %add3A_264 : i32 to index
        %get3A_295 = arith.constant 16 : index
        %get3A_296 = tpu.vector_load %arg13[%get3A_294, %get3A_295] {strides = array<i32>} : memref<320x32xf32, #tpu.memory_space<vmem>>, vector<1x16xf32>,
        %get3A_297 = vector.shape_cast %get3A_296 : vector<1x16xf32> to vector<16xf32>
        %mul3A_298 = arith.mulf %get3A_293, %get3A_297 : vector<16xf32>
        %add3A_299 = arith.constant 320 : i32
        %add3A_300 = arith.addi %add3A_299, %add3A_264 : i32
        %get3A_301 = arith.index_cast %add3A_300 : i32 to index
        %get3A_302 = arith.constant 16 : index
        %get3A_303 = tpu.vector_load %arg12[%get3A_301, %get3A_302] {strides = array<i32>} : memref<640x32xf32, #tpu.memory_space<vmem>>, vector<1x16xf32>,
        %get3A_304 = vector.shape_cast %get3A_303 : vector<1x16xf32> to vector<16xf32>
        %add3A_305 = arith.addf %mul3A_298, %get3A_304 : vector<16xf32>
        %swap3A_306 = arith.index_cast %add3A_264 : i32 to index
        %swap3A_307 = arith.constant 16 : index
        %swap3A_308 = tpu.vector_load %arg13[%swap3A_306, %swap3A_307] {strides = array<i32>} : memref<320x32xf32, #tpu.memory_space<vmem>>, vector<1x16xf32>,
        %swap3A_309 = vector.shape_cast %swap3A_308 : vector<1x16xf32> to vector<16xf32>
        %swap3A_310 = vector.shape_cast %add3A_305 : vector<16xf32> to vector<1x16xf32>
        tpu.vector_store %arg13[%swap3A_306, %swap3A_307], %swap3A_310 {strides = array<i32>} : memref<320x32xf32, #tpu.memory_space<vmem>>, vector<1x16xf32>,
        %scan3A_311 = arith.constant 5 : i32
        %scan3A_312 = arith.addi %scan3A_54, %scan3A_311 : i32
        %mul3A_313 = arith.constant 1 : i32
        %mul3A_314 = arith.muli %scan3A_312, %mul3A_313 : i32
        %add3A_315 = arith.constant 0 : i32
        %add3A_316 = arith.addi %add3A_315, %mul3A_314 : i32
        %add3A_317 = arith.constant 320 : i32
        %add3A_318 = arith.addi %add3A_317, %add3A_316 : i32
        %get3A_319 = arith.index_cast %add3A_318 : i32 to index
        %get3A_320 = arith.constant 0 : index
        %get3A_321 = tpu.vector_load %arg11[%get3A_319, %get3A_320] {strides = array<i32>} : memref<640x32xf32, #tpu.memory_space<vmem>>, vector<1x16xf32>,
        %get3A_322 = vector.shape_cast %get3A_321 : vector<1x16xf32> to vector<16xf32>
        %get3A_323 = arith.index_cast %add3A_316 : i32 to index
        %get3A_324 = arith.constant 0 : index
        %get3A_325 = tpu.vector_load %arg13[%get3A_323, %get3A_324] {strides = array<i32>} : memref<320x32xf32, #tpu.memory_space<vmem>>, vector<1x16xf32>,
        %get3A_326 = vector.shape_cast %get3A_325 : vector<1x16xf32> to vector<16xf32>
        %mul3A_327 = arith.mulf %get3A_322, %get3A_326 : vector<16xf32>
        %add3A_328 = arith.constant 320 : i32
        %add3A_329 = arith.addi %add3A_328, %add3A_316 : i32
        %get3A_330 = arith.index_cast %add3A_329 : i32 to index
        %get3A_331 = arith.constant 0 : index
        %get3A_332 = tpu.vector_load %arg12[%get3A_330, %get3A_331] {strides = array<i32>} : memref<640x32xf32, #tpu.memory_space<vmem>>, vector<1x16xf32>,
        %get3A_333 = vector.shape_cast %get3A_332 : vector<1x16xf32> to vector<16xf32>
        %add3A_334 = arith.addf %mul3A_327, %get3A_333 : vector<16xf32>
        %swap3A_335 = arith.index_cast %add3A_316 : i32 to index
        %swap3A_336 = arith.constant 0 : index
        %swap3A_337 = tpu.vector_load %arg13[%swap3A_335, %swap3A_336] {strides = array<i32>} : memref<320x32xf32, #tpu.memory_space<vmem>>, vector<1x16xf32>,
        %swap3A_338 = vector.shape_cast %swap3A_337 : vector<1x16xf32> to vector<16xf32>
        %swap3A_339 = vector.shape_cast %add3A_334 : vector<16xf32> to vector<1x16xf32>
        tpu.vector_store %arg13[%swap3A_335, %swap3A_336], %swap3A_339 {strides = array<i32>} : memref<320x32xf32, #tpu.memory_space<vmem>>, vector<1x16xf32>,
        %add3A_340 = arith.constant 320 : i32
        %add3A_341 = arith.addi %add3A_340, %add3A_316 : i32
        %get3A_342 = arith.index_cast %add3A_341 : i32 to index
        %get3A_343 = arith.constant 16 : index
        %get3A_344 = tpu.vector_load %arg11[%get3A_342, %get3A_343] {strides = array<i32>} : memref<640x32xf32, #tpu.memory_space<vmem>>, vector<1x16xf32>,
        %get3A_345 = vector.shape_cast %get3A_344 : vector<1x16xf32> to vector<16xf32>
        %get3A_346 = arith.index_cast %add3A_316 : i32 to index
        %get3A_347 = arith.constant 16 : index
        %get3A_348 = tpu.vector_load %arg13[%get3A_346, %get3A_347] {strides = array<i32>} : memref<320x32xf32, #tpu.memory_space<vmem>>, vector<1x16xf32>,
        %get3A_349 = vector.shape_cast %get3A_348 : vector<1x16xf32> to vector<16xf32>
        %mul3A_350 = arith.mulf %get3A_345, %get3A_349 : vector<16xf32>
        %add3A_351 = arith.constant 320 : i32
        %add3A_352 = arith.addi %add3A_351, %add3A_316 : i32
        %get3A_353 = arith.index_cast %add3A_352 : i32 to index
        %get3A_354 = arith.constant 16 : index
        %get3A_355 = tpu.vector_load %arg12[%get3A_353, %get3A_354] {strides = array<i32>} : memref<640x32xf32, #tpu.memory_space<vmem>>, vector<1x16xf32>,
        %get3A_356 = vector.shape_cast %get3A_355 : vector<1x16xf32> to vector<16xf32>
        %add3A_357 = arith.addf %mul3A_350, %get3A_356 : vector<16xf32>
        %swap3A_358 = arith.index_cast %add3A_316 : i32 to index
        %swap3A_359 = arith.constant 16 : index
        %swap3A_360 = tpu.vector_load %arg13[%swap3A_358, %swap3A_359] {strides = array<i32>} : memref<320x32xf32, #tpu.memory_space<vmem>>, vector<1x16xf32>,
        %swap3A_361 = vector.shape_cast %swap3A_360 : vector<1x16xf32> to vector<16xf32>
        %swap3A_362 = vector.shape_cast %add3A_357 : vector<16xf32> to vector<1x16xf32>
        tpu.vector_store %arg13[%swap3A_358, %swap3A_359], %swap3A_362 {strides = array<i32>} : memref<320x32xf32, #tpu.memory_space<vmem>>, vector<1x16xf32>,
        %scan3A_363 = arith.constant 6 : i32
        %scan3A_364 = arith.addi %scan3A_54, %scan3A_363 : i32
        %mul3A_365 = arith.constant 1 : i32
        %mul3A_366 = arith.muli %scan3A_364, %mul3A_365 : i32
        %add3A_367 = arith.constant 0 : i32
        %add3A_368 = arith.addi %add3A_367, %mul3A_366 : i32
        %add3A_369 = arith.constant 320 : i32
        %add3A_370 = arith.addi %add3A_369, %add3A_368 : i32
        %get3A_371 = arith.index_cast %add3A_370 : i32 to index
        %get3A_372 = arith.constant 0 : index
        %get3A_373 = tpu.vector_load %arg11[%get3A_371, %get3A_372] {strides = array<i32>} : memref<640x32xf32, #tpu.memory_space<vmem>>, vector<1x16xf32>,
        %get3A_374 = vector.shape_cast %get3A_373 : vector<1x16xf32> to vector<16xf32>
        %get3A_375 = arith.index_cast %add3A_368 : i32 to index
        %get3A_376 = arith.constant 0 : index
        %get3A_377 = tpu.vector_load %arg13[%get3A_375, %get3A_376] {strides = array<i32>} : memref<320x32xf32, #tpu.memory_space<vmem>>, vector<1x16xf32>,
        %get3A_378 = vector.shape_cast %get3A_377 : vector<1x16xf32> to vector<16xf32>
        %mul3A_379 = arith.mulf %get3A_374, %get3A_378 : vector<16xf32>
        %add3A_380 = arith.constant 320 : i32
        %add3A_381 = arith.addi %add3A_380, %add3A_368 : i32
        %get3A_382 = arith.index_cast %add3A_381 : i32 to index
        %get3A_383 = arith.constant 0 : index
        %get3A_384 = tpu.vector_load %arg12[%get3A_382, %get3A_383] {strides = array<i32>} : memref<640x32xf32, #tpu.memory_space<vmem>>, vector<1x16xf32>,
        %get3A_385 = vector.shape_cast %get3A_384 : vector<1x16xf32> to vector<16xf32>
        %add3A_386 = arith.addf %mul3A_379, %get3A_385 : vector<16xf32>
        %swap3A_387 = arith.index_cast %add3A_368 : i32 to index
        %swap3A_388 = arith.constant 0 : index
        %swap3A_389 = tpu.vector_load %arg13[%swap3A_387, %swap3A_388] {strides = array<i32>} : memref<320x32xf32, #tpu.memory_space<vmem>>, vector<1x16xf32>,
        %swap3A_390 = vector.shape_cast %swap3A_389 : vector<1x16xf32> to vector<16xf32>
        %swap3A_391 = vector.shape_cast %add3A_386 : vector<16xf32> to vector<1x16xf32>
        tpu.vector_store %arg13[%swap3A_387, %swap3A_388], %swap3A_391 {strides = array<i32>} : memref<320x32xf32, #tpu.memory_space<vmem>>, vector<1x16xf32>,
        %add3A_392 = arith.constant 320 : i32
        %add3A_393 = arith.addi %add3A_392, %add3A_368 : i32
        %get3A_394 = arith.index_cast %add3A_393 : i32 to index
        %get3A_395 = arith.constant 16 : index
        %get3A_396 = tpu.vector_load %arg11[%get3A_394, %get3A_395] {strides = array<i32>} : memref<640x32xf32, #tpu.memory_space<vmem>>, vector<1x16xf32>,
        %get3A_397 = vector.shape_cast %get3A_396 : vector<1x16xf32> to vector<16xf32>
        %get3A_398 = arith.index_cast %add3A_368 : i32 to index
        %get3A_399 = arith.constant 16 : index
        %get3A_400 = tpu.vector_load %arg13[%get3A_398, %get3A_399] {strides = array<i32>} : memref<320x32xf32, #tpu.memory_space<vmem>>, vector<1x16xf32>,
        %get3A_401 = vector.shape_cast %get3A_400 : vector<1x16xf32> to vector<16xf32>
        %mul3A_402 = arith.mulf %get3A_397, %get3A_401 : vector<16xf32>
        %add3A_403 = arith.constant 320 : i32
        %add3A_404 = arith.addi %add3A_403, %add3A_368 : i32
        %get3A_405 = arith.index_cast %add3A_404 : i32 to index
        %get3A_406 = arith.constant 16 : index
        %get3A_407 = tpu.vector_load %arg12[%get3A_405, %get3A_406] {strides = array<i32>} : memref<640x32xf32, #tpu.memory_space<vmem>>, vector<1x16xf32>,
        %get3A_408 = vector.shape_cast %get3A_407 : vector<1x16xf32> to vector<16xf32>
        %add3A_409 = arith.addf %mul3A_402, %get3A_408 : vector<16xf32>
        %swap3A_410 = arith.index_cast %add3A_368 : i32 to index
        %swap3A_411 = arith.constant 16 : index
        %swap3A_412 = tpu.vector_load %arg13[%swap3A_410, %swap3A_411] {strides = array<i32>} : memref<320x32xf32, #tpu.memory_space<vmem>>, vector<1x16xf32>,
        %swap3A_413 = vector.shape_cast %swap3A_412 : vector<1x16xf32> to vector<16xf32>
        %swap3A_414 = vector.shape_cast %add3A_409 : vector<16xf32> to vector<1x16xf32>
        tpu.vector_store %arg13[%swap3A_410, %swap3A_411], %swap3A_414 {strides = array<i32>} : memref<320x32xf32, #tpu.memory_space<vmem>>, vector<1x16xf32>,
        %scan3A_415 = arith.constant 7 : i32
        %scan3A_416 = arith.addi %scan3A_54, %scan3A_415 : i32
        %mul3A_417 = arith.constant 1 : i32
        %mul3A_418 = arith.muli %scan3A_416, %mul3A_417 : i32
        %add3A_419 = arith.constant 0 : i32
        %add3A_420 = arith.addi %add3A_419, %mul3A_418 : i32
        %add3A_421 = arith.constant 320 : i32
        %add3A_422 = arith.addi %add3A_421, %add3A_420 : i32
        %get3A_423 = arith.index_cast %add3A_422 : i32 to index
        %get3A_424 = arith.constant 0 : index
        %get3A_425 = tpu.vector_load %arg11[%get3A_423, %get3A_424] {strides = array<i32>} : memref<640x32xf32, #tpu.memory_space<vmem>>, vector<1x16xf32>,
        %get3A_426 = vector.shape_cast %get3A_425 : vector<1x16xf32> to vector<16xf32>
        %get3A_427 = arith.index_cast %add3A_420 : i32 to index
        %get3A_428 = arith.constant 0 : index
        %get3A_429 = tpu.vector_load %arg13[%get3A_427, %get3A_428] {strides = array<i32>} : memref<320x32xf32, #tpu.memory_space<vmem>>, vector<1x16xf32>,
        %get3A_430 = vector.shape_cast %get3A_429 : vector<1x16xf32> to vector<16xf32>
        %mul3A_431 = arith.mulf %get3A_426, %get3A_430 : vector<16xf32>
        %add3A_432 = arith.constant 320 : i32
        %add3A_433 = arith.addi %add3A_432, %add3A_420 : i32
        %get3A_434 = arith.index_cast %add3A_433 : i32 to index
        %get3A_435 = arith.constant 0 : index
        %get3A_436 = tpu.vector_load %arg12[%get3A_434, %get3A_435] {strides = array<i32>} : memref<640x32xf32, #tpu.memory_space<vmem>>, vector<1x16xf32>,
        %get3A_437 = vector.shape_cast %get3A_436 : vector<1x16xf32> to vector<16xf32>
        %add3A_438 = arith.addf %mul3A_431, %get3A_437 : vector<16xf32>
        %swap3A_439 = arith.index_cast %add3A_420 : i32 to index
        %swap3A_440 = arith.constant 0 : index
        %swap3A_441 = tpu.vector_load %arg13[%swap3A_439, %swap3A_440] {strides = array<i32>} : memref<320x32xf32, #tpu.memory_space<vmem>>, vector<1x16xf32>,
        %swap3A_442 = vector.shape_cast %swap3A_441 : vector<1x16xf32> to vector<16xf32>
        %swap3A_443 = vector.shape_cast %add3A_438 : vector<16xf32> to vector<1x16xf32>
        tpu.vector_store %arg13[%swap3A_439, %swap3A_440], %swap3A_443 {strides = array<i32>} : memref<320x32xf32, #tpu.memory_space<vmem>>, vector<1x16xf32>,
        %add3A_444 = arith.constant 320 : i32
        %add3A_445 = arith.addi %add3A_444, %add3A_420 : i32
        %get3A_446 = arith.index_cast %add3A_445 : i32 to index
        %get3A_447 = arith.constant 16 : index
        %get3A_448 = tpu.vector_load %arg11[%get3A_446, %get3A_447] {strides = array<i32>} : memref<640x32xf32, #tpu.memory_space<vmem>>, vector<1x16xf32>,
        %get3A_449 = vector.shape_cast %get3A_448 : vector<1x16xf32> to vector<16xf32>
        %get3A_450 = arith.index_cast %add3A_420 : i32 to index
        %get3A_451 = arith.constant 16 : index
        %get3A_452 = tpu.vector_load %arg13[%get3A_450, %get3A_451] {strides = array<i32>} : memref<320x32xf32, #tpu.memory_space<vmem>>, vector<1x16xf32>,
        %get3A_453 = vector.shape_cast %get3A_452 : vector<1x16xf32> to vector<16xf32>
        %mul3A_454 = arith.mulf %get3A_449, %get3A_453 : vector<16xf32>
        %add3A_455 = arith.constant 320 : i32
        %add3A_456 = arith.addi %add3A_455, %add3A_420 : i32
        %get3A_457 = arith.index_cast %add3A_456 : i32 to index
        %get3A_458 = arith.constant 16 : index
        %get3A_459 = tpu.vector_load %arg12[%get3A_457, %get3A_458] {strides = array<i32>} : memref<640x32xf32, #tpu.memory_space<vmem>>, vector<1x16xf32>,
        %get3A_460 = vector.shape_cast %get3A_459 : vector<1x16xf32> to vector<16xf32>
        %add3A_461 = arith.addf %mul3A_454, %get3A_460 : vector<16xf32>
        %swap3A_462 = arith.index_cast %add3A_420 : i32 to index
        %swap3A_463 = arith.constant 16 : index
        %swap3A_464 = tpu.vector_load %arg13[%swap3A_462, %swap3A_463] {strides = array<i32>} : memref<320x32xf32, #tpu.memory_space<vmem>>, vector<1x16xf32>,
        %swap3A_465 = vector.shape_cast %swap3A_464 : vector<1x16xf32> to vector<16xf32>
        %swap3A_466 = vector.shape_cast %add3A_461 : vector<16xf32> to vector<1x16xf32>
        tpu.vector_store %arg13[%swap3A_462, %swap3A_463], %swap3A_466 {strides = array<i32>} : memref<320x32xf32, #tpu.memory_space<vmem>>, vector<1x16xf32>,
      }
      %scan3A_45 = arith.constant 320 : i32
      %add3A_46 = arith.constant 320 : i32
      %add3A_47 = arith.addi %mul3A_0, %add3A_46 : i32
      "tpu.region"() ({
        %run_scoped3A = tpu.sem_alloc : memref<!tpu.dma_semaphore, #tpu.memory_space<semaphore_mem>>
        %dma_start3A = arith.constant 0 : i32
        %dma_start3A_54 = tpu.memref_slice %arg17[%add3A_47, %dma_start3A] : memref<10240x32xf32, #tpu.memory_space<vmem_shared>> -> memref<320x32xf32, #tpu.memory_space<vmem_shared>>
        %dma_start3A_55 = arith.constant 0 : i32
        %dma_start3A_56 = tpu.memref_slice %arg17[%add3A_47, %dma_start3A_55] : memref<10240x32xf32, #tpu.memory_space<vmem_shared>> -> memref<320x32xf32, #tpu.memory_space<vmem_shared>>
        tpu.enqueue_dma source(%arg13 : memref<320x32xf32, #tpu.memory_space<vmem>>) target(%dma_start3A_56 : memref<320x32xf32, #tpu.memory_space<vmem_shared>>) target_semaphore(%run_scoped3A : memref<!tpu.dma_semaphore, #tpu.memory_space<semaphore_mem>>)
        %dma_wait3A = arith.constant 0 : i32
        %dma_wait3A_57 = tpu.memref_slice %arg17[%add3A_47, %dma_wait3A] : memref<10240x32xf32, #tpu.memory_space<vmem_shared>> -> memref<320x32xf32, #tpu.memory_space<vmem_shared>>
        %dma_wait3A_58 = arith.constant 0 : i32
        %dma_wait3A_59 = tpu.memref_slice %arg17[%add3A_47, %dma_wait3A_58] : memref<10240x32xf32, #tpu.memory_space<vmem_shared>> -> memref<320x32xf32, #tpu.memory_space<vmem_shared>>
        tpu.wait_dma2 semaphore(%run_scoped3A : memref<!tpu.dma_semaphore, #tpu.memory_space<semaphore_mem>>) src(%arg13 : memref<320x32xf32, #tpu.memory_space<vmem>>) dst(%dma_wait3A_59 : memref<320x32xf32, #tpu.memory_space<vmem_shared>>)
        tpu.yield
      }) : () -> ()
      %scan3A_48 = arith.constant 0 : i32
      %scan3A_49 = arith.constant 20 : i32
      %scan3A_50 = arith.addi %scan3A_48, %scan3A_49 : i32
      %scan3A_51 = arith.constant 1 : i32
      scf.for %scan3A_54 = %scan3A_48 to %scan3A_50 step %scan3A_51  : i32 {
        %mul3A_55 = arith.constant 1 : i32
        %mul3A_56 = arith.muli %scan3A_54, %mul3A_55 : i32
        %add3A_57 = arith.constant 0 : i32
        %add3A_58 = arith.addi %add3A_57, %mul3A_56 : i32
        %mul3A_59 = arith.constant 32 : i32
        %mul3A_60 = arith.muli %add3A_58, %mul3A_59 : i32
        %add3A_61 = arith.addi %mul3A_0, %mul3A_60 : i32
        "tpu.region"() ({
          %run_scoped3A = tpu.sem_alloc : memref<!tpu.dma_semaphore, #tpu.memory_space<semaphore_mem>>
          %dma_start3A = arith.constant 0 : i32
          %dma_start3A_62 = tpu.memref_slice %arg18[%add3A_61, %dma_start3A] : memref<10240x32xf32, #tpu.memory_space<vmem_shared>> -> memref<32x32xf32, #tpu.memory_space<vmem_shared>>
          %dma_start3A_63 = arith.constant 0 : i32
          %dma_start3A_64 = tpu.memref_slice %arg18[%add3A_61, %dma_start3A_63] : memref<10240x32xf32, #tpu.memory_space<vmem_shared>> -> memref<32x32xf32, #tpu.memory_space<vmem_shared>>
          tpu.enqueue_dma source(%arg14 : memref<32x32xf32, #tpu.memory_space<vmem>>) target(%dma_start3A_64 : memref<32x32xf32, #tpu.memory_space<vmem_shared>>) target_semaphore(%run_scoped3A : memref<!tpu.dma_semaphore, #tpu.memory_space<semaphore_mem>>)
          %dma_wait3A = arith.constant 0 : i32
          %dma_wait3A_65 = tpu.memref_slice %arg18[%add3A_61, %dma_wait3A] : memref<10240x32xf32, #tpu.memory_space<vmem_shared>> -> memref<32x32xf32, #tpu.memory_space<vmem_shared>>
          %dma_wait3A_66 = arith.constant 0 : i32
          %dma_wait3A_67 = tpu.memref_slice %arg18[%add3A_61, %dma_wait3A_66] : memref<10240x32xf32, #tpu.memory_space<vmem_shared>> -> memref<32x32xf32, #tpu.memory_space<vmem_shared>>
          tpu.wait_dma2 semaphore(%run_scoped3A : memref<!tpu.dma_semaphore, #tpu.memory_space<semaphore_mem>>) src(%arg14 : memref<32x32xf32, #tpu.memory_space<vmem>>) dst(%dma_wait3A_67 : memref<32x32xf32, #tpu.memory_space<vmem_shared>>)
          tpu.yield
        }) : () -> ()
      }
      %scan3A_52 = arith.constant 20 : i32
      %barrier3A_53 = arith.constant 0 : index
      tpu.barrier barrier_id(%barrier3A_53)
    }
    %scan3A_18 = arith.constant 10 : i32
    "tpu.region"() ({
      %run_scoped3A = tpu.sem_alloc : memref<!tpu.dma_semaphore, #tpu.memory_space<semaphore_mem>>
      %dma_start3A = arith.constant 0 : i32
      %dma_start3A_19 = tpu.memref_slice %arg7[%add3A, %dma_start3A] : memref<20480x32xf32, #tpu.memory_space<hbm>> -> memref<640x32xf32, #tpu.memory_space<hbm>>
      %dma_start3A_20 = arith.constant 0 : i32
      %dma_start3A_21 = tpu.memref_slice %arg17[%mul3A_0, %dma_start3A_20] : memref<10240x32xf32, #tpu.memory_space<vmem_shared>> -> memref<640x32xf32, #tpu.memory_space<vmem_shared>>
      tpu.enqueue_dma source(%dma_start3A_21 : memref<640x32xf32, #tpu.memory_space<vmem_shared>>) target(%dma_start3A_19 : memref<640x32xf32, #tpu.memory_space<hbm>>) target_semaphore(%run_scoped3A : memref<!tpu.dma_semaphore, #tpu.memory_space<semaphore_mem>>)
      %dma_wait3A = arith.constant 0 : i32
      %dma_wait3A_22 = tpu.memref_slice %arg7[%add3A, %dma_wait3A] : memref<20480x32xf32, #tpu.memory_space<hbm>> -> memref<640x32xf32, #tpu.memory_space<hbm>>
      %dma_wait3A_23 = arith.constant 0 : i32
      %dma_wait3A_24 = tpu.memref_slice %arg17[%mul3A_0, %dma_wait3A_23] : memref<10240x32xf32, #tpu.memory_space<vmem_shared>> -> memref<640x32xf32, #tpu.memory_space<vmem_shared>>
      tpu.wait_dma2 semaphore(%run_scoped3A : memref<!tpu.dma_semaphore, #tpu.memory_space<semaphore_mem>>) src(%dma_wait3A_24 : memref<640x32xf32, #tpu.memory_space<vmem_shared>>) dst(%dma_wait3A_22 : memref<640x32xf32, #tpu.memory_space<hbm>>)
      tpu.yield
    }) : () -> ()
    return
  }
}

#map = affine_map<(d0, d1) -> (0, 0, 0)>
#map1 = affine_map<(d0, d1) -> (0, 0)>
module attributes {stable_mosaic.version = 14 : i64} {
  func.func @_deg_body(%arg0: i32, %arg1: i32, %arg2: memref<32x80x128xi32, #tpu.memory_space<hbm>>, %arg3: memref<2x10240xf32, #tpu.memory_space<hbm>>, %arg4: memref<80x128xi32, #tpu.memory_space<vmem>>, %arg5: memref<128xf32, #tpu.memory_space<vmem>>, %arg6: memref<128xf32, #tpu.memory_space<vmem>>, %arg7: memref<10240xf32, #tpu.memory_space<vmem_shared>>) attributes {dimension_semantics = [#tpu.dimension_semantics<core_parallel>, #tpu.dimension_semantics<subcore_parallel>], iteration_bounds = array<i64: 2, 16>, scalar_prefetch = 0 : i64, scratch_operands = 4 : i64, tpu.core_type = #tpu.core_type<sc_vector_subcore>, window_params = [{transform_indices = #map}, {transform_indices = #map1}]} {
    %mul3A = arith.constant 16 : i32
    %mul3A_0 = arith.muli %arg0, %mul3A : i32
    %add3A = arith.addi %mul3A_0, %arg1 : i32
    %scan3A = arith.constant 0 : i32
    %scan3A_1 = arith.constant 8 : i32
    %scan3A_2 = arith.addi %scan3A, %scan3A_1 : i32
    %scan3A_3 = arith.constant 1 : i32
    scf.for %scan3A_18 = %scan3A to %scan3A_2 step %scan3A_3  : i32 {
      %mul3A_19 = arith.constant 1 : i32
      %mul3A_20 = arith.muli %scan3A_18, %mul3A_19 : i32
      %add3A_21 = arith.constant 0 : i32
      %add3A_22 = arith.addi %add3A_21, %mul3A_20 : i32
      %broadcast_in_dim3A = arith.constant 1.000000e+00 : f32
      %broadcast_in_dim3A_23 = vector.broadcast %broadcast_in_dim3A : f32 to vector<16xf32>
      %mul3A_24 = arith.constant 16 : i32
      %mul3A_25 = arith.muli %add3A_22, %mul3A_24 : i32
      %swap3A = arith.index_cast %mul3A_25 : i32 to index
      %swap3A_26 = tpu.vector_load %arg5[%swap3A] {strides = array<i32>} : memref<128xf32, #tpu.memory_space<vmem>>, vector<16xf32>,
      %swap3A_27 = vector.shape_cast %swap3A_26 : vector<16xf32> to vector<16xf32>
      %swap3A_28 = vector.shape_cast %broadcast_in_dim3A_23 : vector<16xf32> to vector<16xf32>
      tpu.vector_store %arg5[%swap3A], %swap3A_28 {strides = array<i32>} : memref<128xf32, #tpu.memory_space<vmem>>, vector<16xf32>,
      %broadcast_in_dim3A_29 = arith.constant 0.000000e+00 : f32
      %broadcast_in_dim3A_30 = vector.broadcast %broadcast_in_dim3A_29 : f32 to vector<16xf32>
      %mul3A_31 = arith.constant 16 : i32
      %mul3A_32 = arith.muli %add3A_22, %mul3A_31 : i32
      %swap3A_33 = arith.index_cast %mul3A_32 : i32 to index
      %swap3A_34 = tpu.vector_load %arg6[%swap3A_33] {strides = array<i32>} : memref<128xf32, #tpu.memory_space<vmem>>, vector<16xf32>,
      %swap3A_35 = vector.shape_cast %swap3A_34 : vector<16xf32> to vector<16xf32>
      %swap3A_36 = vector.shape_cast %broadcast_in_dim3A_30 : vector<16xf32> to vector<16xf32>
      tpu.vector_store %arg6[%swap3A_33], %swap3A_36 {strides = array<i32>} : memref<128xf32, #tpu.memory_space<vmem>>, vector<16xf32>,
    }
    %scan3A_4 = arith.constant 8 : i32
    %scan3A_5 = arith.constant 0 : i32
    %scan3A_6 = arith.constant 5 : i32
    %scan3A_7 = arith.addi %scan3A_5, %scan3A_6 : i32
    %scan3A_8 = arith.constant 1 : i32
    scf.for %scan3A_18 = %scan3A_5 to %scan3A_7 step %scan3A_8  : i32 {
      %mul3A_19 = arith.constant 1 : i32
      %mul3A_20 = arith.muli %scan3A_18, %mul3A_19 : i32
      %add3A_21 = arith.constant 0 : i32
      %add3A_22 = arith.addi %add3A_21, %mul3A_20 : i32
      %mul3A_23 = arith.constant 640 : i32
      %mul3A_24 = arith.muli %arg1, %mul3A_23 : i32
      %mul3A_25 = arith.constant 128 : i32
      %mul3A_26 = arith.muli %add3A_22, %mul3A_25 : i32
      %add3A_27 = arith.addi %mul3A_24, %mul3A_26 : i32
      "tpu.region"() ({
        %run_scoped3A = tpu.sem_alloc : memref<!tpu.dma_semaphore, #tpu.memory_space<semaphore_mem>>
        %dma_start3A = tpu.memref_slice %arg7[%add3A_27] : memref<10240xf32, #tpu.memory_space<vmem_shared>> -> memref<128xf32, #tpu.memory_space<vmem_shared>>
        %dma_start3A_28 = tpu.memref_slice %arg7[%add3A_27] : memref<10240xf32, #tpu.memory_space<vmem_shared>> -> memref<128xf32, #tpu.memory_space<vmem_shared>>
        tpu.enqueue_dma source(%arg6 : memref<128xf32, #tpu.memory_space<vmem>>) target(%dma_start3A_28 : memref<128xf32, #tpu.memory_space<vmem_shared>>) target_semaphore(%run_scoped3A : memref<!tpu.dma_semaphore, #tpu.memory_space<semaphore_mem>>)
        %dma_wait3A = tpu.memref_slice %arg7[%add3A_27] : memref<10240xf32, #tpu.memory_space<vmem_shared>> -> memref<128xf32, #tpu.memory_space<vmem_shared>>
        %dma_wait3A_29 = tpu.memref_slice %arg7[%add3A_27] : memref<10240xf32, #tpu.memory_space<vmem_shared>> -> memref<128xf32, #tpu.memory_space<vmem_shared>>
        tpu.wait_dma2 semaphore(%run_scoped3A : memref<!tpu.dma_semaphore, #tpu.memory_space<semaphore_mem>>) src(%arg6 : memref<128xf32, #tpu.memory_space<vmem>>) dst(%dma_wait3A_29 : memref<128xf32, #tpu.memory_space<vmem_shared>>)
        tpu.yield
      }) : () -> ()
    }
    %scan3A_9 = arith.constant 5 : i32
    "tpu.region"() ({
      %run_scoped3A = tpu.sem_alloc : memref<!tpu.dma_semaphore, #tpu.memory_space<semaphore_mem>>
      %dma_start3A = arith.constant 0 : i32
      %dma_start3A_18 = arith.constant 0 : i32
      %dma_start3A_19 = tpu.memref_slice %arg2[%add3A, %dma_start3A, %dma_start3A_18] : memref<32x80x128xi32, #tpu.memory_space<hbm>> -> memref<1x80x128xi32, #tpu.memory_space<hbm>>
      %dma_start3A_20 = tpu.memref_squeeze %dma_start3A_19 : memref<1x80x128xi32, #tpu.memory_space<hbm>> -> memref<80x128xi32, #tpu.memory_space<hbm>>
      %dma_start3A_21 = arith.constant 0 : i32
      %dma_start3A_22 = arith.constant 0 : i32
      %dma_start3A_23 = tpu.memref_slice %arg2[%add3A, %dma_start3A_21, %dma_start3A_22] : memref<32x80x128xi32, #tpu.memory_space<hbm>> -> memref<1x80x128xi32, #tpu.memory_space<hbm>>
      %dma_start3A_24 = tpu.memref_squeeze %dma_start3A_23 : memref<1x80x128xi32, #tpu.memory_space<hbm>> -> memref<80x128xi32, #tpu.memory_space<hbm>>
      tpu.enqueue_dma source(%dma_start3A_24 : memref<80x128xi32, #tpu.memory_space<hbm>>) target(%arg4 : memref<80x128xi32, #tpu.memory_space<vmem>>) target_semaphore(%run_scoped3A : memref<!tpu.dma_semaphore, #tpu.memory_space<semaphore_mem>>)
      %dma_wait3A = arith.constant 0 : i32
      %dma_wait3A_25 = arith.constant 0 : i32
      %dma_wait3A_26 = tpu.memref_slice %arg2[%add3A, %dma_wait3A, %dma_wait3A_25] : memref<32x80x128xi32, #tpu.memory_space<hbm>> -> memref<1x80x128xi32, #tpu.memory_space<hbm>>
      %dma_wait3A_27 = tpu.memref_squeeze %dma_wait3A_26 : memref<1x80x128xi32, #tpu.memory_space<hbm>> -> memref<80x128xi32, #tpu.memory_space<hbm>>
      %dma_wait3A_28 = arith.constant 0 : i32
      %dma_wait3A_29 = arith.constant 0 : i32
      %dma_wait3A_30 = tpu.memref_slice %arg2[%add3A, %dma_wait3A_28, %dma_wait3A_29] : memref<32x80x128xi32, #tpu.memory_space<hbm>> -> memref<1x80x128xi32, #tpu.memory_space<hbm>>
      %dma_wait3A_31 = tpu.memref_squeeze %dma_wait3A_30 : memref<1x80x128xi32, #tpu.memory_space<hbm>> -> memref<80x128xi32, #tpu.memory_space<hbm>>
      tpu.wait_dma2 semaphore(%run_scoped3A : memref<!tpu.dma_semaphore, #tpu.memory_space<semaphore_mem>>) src(%dma_wait3A_31 : memref<80x128xi32, #tpu.memory_space<hbm>>) dst(%arg4 : memref<80x128xi32, #tpu.memory_space<vmem>>)
      tpu.yield
    }) : () -> ()
    %barrier3A = arith.constant 0 : index
    tpu.barrier barrier_id(%barrier3A)
    %scan3A_10 = arith.constant 0 : i32
    %scan3A_11 = arith.constant 80 : i32
    %scan3A_12 = arith.addi %scan3A_10, %scan3A_11 : i32
    %scan3A_13 = arith.constant 1 : i32
    scf.for %scan3A_18 = %scan3A_10 to %scan3A_12 step %scan3A_13  : i32 {
      %mul3A_19 = arith.constant 1 : i32
      %mul3A_20 = arith.muli %scan3A_18, %mul3A_19 : i32
      %add3A_21 = arith.constant 0 : i32
      %add3A_22 = arith.addi %add3A_21, %mul3A_20 : i32
      "tpu.region"() ({
        %run_scoped3A = tpu.sem_alloc : memref<!tpu.dma_semaphore, #tpu.memory_space<semaphore_mem>>
        %dma_start3A = arith.constant 0 : i32
        %dma_start3A_23 = tpu.memref_slice %arg4[%add3A_22, %dma_start3A] : memref<80x128xi32, #tpu.memory_space<vmem>> -> memref<1x128xi32, #tpu.memory_space<vmem>>
        %dma_start3A_24 = tpu.memref_squeeze %dma_start3A_23 : memref<1x128xi32, #tpu.memory_space<vmem>> -> memref<128xi32, #tpu.memory_space<vmem>>
        %dma_start3A_25 = arith.constant 0 : i32
        %dma_start3A_26 = tpu.memref_slice %arg7[%dma_start3A_25] : memref<10240xf32, #tpu.memory_space<vmem_shared>> -> memref<10240xf32, #tpu.memory_space<vmem_shared>>
        tpu.enqueue_indirect_dma source(%arg5 : memref<128xf32, #tpu.memory_space<vmem>>) target(%dma_start3A_26 : memref<10240xf32, #tpu.memory_space<vmem_shared>>) offsets(%dma_start3A_24 : memref<128xi32, #tpu.memory_space<vmem>>) semaphore(%run_scoped3A : memref<!tpu.dma_semaphore, #tpu.memory_space<semaphore_mem>>) {add = true}
        %dma_wait3A = arith.constant 0 : i32
        %dma_wait3A_27 = tpu.memref_slice %arg4[%add3A_22, %dma_wait3A] : memref<80x128xi32, #tpu.memory_space<vmem>> -> memref<1x128xi32, #tpu.memory_space<vmem>>
        %dma_wait3A_28 = tpu.memref_squeeze %dma_wait3A_27 : memref<1x128xi32, #tpu.memory_space<vmem>> -> memref<128xi32, #tpu.memory_space<vmem>>
        %dma_wait3A_29 = arith.constant 0 : i32
        %dma_wait3A_30 = tpu.memref_slice %arg7[%dma_wait3A_29] : memref<10240xf32, #tpu.memory_space<vmem_shared>> -> memref<10240xf32, #tpu.memory_space<vmem_shared>>
        tpu.wait_indirect_dma semaphore(%run_scoped3A : memref<!tpu.dma_semaphore, #tpu.memory_space<semaphore_mem>>) src(%arg5 : memref<128xf32, #tpu.memory_space<vmem>>) dst(%dma_wait3A_30 : memref<10240xf32, #tpu.memory_space<vmem_shared>>)
        tpu.yield
      }) : () -> ()
    }
    %scan3A_14 = arith.constant 80 : i32
    %barrier3A_15 = arith.constant 0 : index
    tpu.barrier barrier_id(%barrier3A_15)
    %eq3A = arith.constant 0 : i32
    %eq3A_16 = arith.cmpi eq, %arg1, %eq3A : i32
    %convert_element_type3A = arith.extui %eq3A_16 : i1 to i32
    %cond3A = arith.constant 0 : i32
    %cond3A_17 = arith.cmpi ne, %convert_element_type3A, %cond3A : i32
    scf.if %cond3A_17 {
      "tpu.region"() ({
        %run_scoped3A = tpu.sem_alloc : memref<!tpu.dma_semaphore, #tpu.memory_space<semaphore_mem>>
        %dma_start3A = arith.constant 0 : i32
        %dma_start3A_18 = tpu.memref_slice %arg3[%arg0, %dma_start3A] : memref<2x10240xf32, #tpu.memory_space<hbm>> -> memref<1x10240xf32, #tpu.memory_space<hbm>>
        %dma_start3A_19 = tpu.memref_squeeze %dma_start3A_18 : memref<1x10240xf32, #tpu.memory_space<hbm>> -> memref<10240xf32, #tpu.memory_space<hbm>>
        tpu.enqueue_dma source(%arg7 : memref<10240xf32, #tpu.memory_space<vmem_shared>>) target(%dma_start3A_19 : memref<10240xf32, #tpu.memory_space<hbm>>) target_semaphore(%run_scoped3A : memref<!tpu.dma_semaphore, #tpu.memory_space<semaphore_mem>>)
        %dma_wait3A = arith.constant 0 : i32
        %dma_wait3A_20 = tpu.memref_slice %arg3[%arg0, %dma_wait3A] : memref<2x10240xf32, #tpu.memory_space<hbm>> -> memref<1x10240xf32, #tpu.memory_space<hbm>>
        %dma_wait3A_21 = tpu.memref_squeeze %dma_wait3A_20 : memref<1x10240xf32, #tpu.memory_space<hbm>> -> memref<10240xf32, #tpu.memory_space<hbm>>
        tpu.wait_dma2 semaphore(%run_scoped3A : memref<!tpu.dma_semaphore, #tpu.memory_space<semaphore_mem>>) src(%arg7 : memref<10240xf32, #tpu.memory_space<vmem_shared>>) dst(%dma_wait3A_21 : memref<10240xf32, #tpu.memory_space<hbm>>)
        tpu.yield
      }) : () -> ()
    } else {
    }
    return
  }
}

module attributes {stable_mosaic.version = 14 : i64} {
  func.func @_mlp_body(%arg0: i32, %arg1: memref<2000x128xf32, #tpu.memory_space<vmem>>, %arg2: memref<128x128xf32, #tpu.memory_space<vmem>>, %arg3: memref<1x128xf32, #tpu.memory_space<vmem>>, %arg4: memref<128x64xf32, #tpu.memory_space<vmem>>, %arg5: memref<1x64xf32, #tpu.memory_space<vmem>>, %arg6: memref<2000x128xf32, #tpu.memory_space<vmem>>, %arg7: memref<2000x64xf32, #tpu.memory_space<vmem>>) attributes {dimension_semantics = [#tpu.dimension_semantics<arbitrary>], iteration_bounds = array<i64: 5>, scalar_prefetch = 0 : i64, scratch_operands = 0 : i64, tpu.core_type = #tpu.core_type<tc>, window_params = [{transform_indices = @transform_0, window_bounds = array<i64: 2000, 128>}, {pipeline_mode = #tpu.pipeline_mode<synchronous>, transform_indices = @transform_1, window_bounds = array<i64: 128, 128>}, {pipeline_mode = #tpu.pipeline_mode<synchronous>, transform_indices = @transform_2, window_bounds = array<i64: 1, 128>}, {pipeline_mode = #tpu.pipeline_mode<synchronous>, transform_indices = @transform_3, window_bounds = array<i64: 128, 64>}, {pipeline_mode = #tpu.pipeline_mode<synchronous>, transform_indices = @transform_4, window_bounds = array<i64: 1, 64>}, {transform_indices = @transform_5, window_bounds = array<i64: 2000, 128>}, {transform_indices = @transform_6, window_bounds = array<i64: 2000, 64>}]} {
    %get3A = arith.constant 0 : index
    %get3A_0 = arith.constant 0 : index
    %get3A_1 = vector.load %arg1[%get3A, %get3A_0] : memref<2000x128xf32, #tpu.memory_space<vmem>>, vector<2000x128xf32>
    %get3A_2 = arith.constant 0 : index
    %get3A_3 = arith.constant 0 : index
    %get3A_4 = vector.load %arg2[%get3A_2, %get3A_3] : memref<128x128xf32, #tpu.memory_space<vmem>>, vector<128x128xf32>
    %dot_general3A = arith.constant dense<0.000000e+00> : vector<2000x128xf32>
    %dot_general3A_5 = tpu.matmul %get3A_1, %get3A_4, %dot_general3A {dimension_numbers = #tpu.dot_dimension_numbers<[1], [0], [0], [1], [0, 0, 1, 1], [], []>, transpose_lhs_hint = false} : vector<2000x128xf32>, vector<128x128xf32>, vector<2000x128xf32> -> vector<2000x128xf32>
    %get3A_6 = arith.constant 0 : index
    %get3A_7 = arith.constant 0 : index
    %get3A_8 = vector.load %arg3[%get3A_6, %get3A_7] : memref<1x128xf32, #tpu.memory_space<vmem>>, vector<1x128xf32>
    %add3A = vector.broadcast %get3A_8 : vector<1x128xf32> to vector<2000x128xf32>
    %add3A_9 = arith.addf %dot_general3A_5, %add3A : vector<2000x128xf32>
    %swap3A = arith.constant 0 : index
    %swap3A_10 = arith.constant 0 : index
    %swap3A_11 = vector.load %arg6[%swap3A, %swap3A_10] : memref<2000x128xf32, #tpu.memory_space<vmem>>, vector<2000x128xf32>
    tpu.vector_store %arg6[%swap3A, %swap3A_10], %add3A_9 {strides = array<i32>} : memref<2000x128xf32, #tpu.memory_space<vmem>>, vector<2000x128xf32>,
    %max3A = arith.constant 0.000000e+00 : f32
    %max3A_12 = vector.broadcast %max3A : f32 to vector<2000x128xf32>
    %max3A_13 = arith.maximumf %add3A_9, %max3A_12 : vector<2000x128xf32>
    %get3A_14 = arith.constant 0 : index
    %get3A_15 = arith.constant 0 : index
    %get3A_16 = vector.load %arg4[%get3A_14, %get3A_15] : memref<128x64xf32, #tpu.memory_space<vmem>>, vector<128x64xf32>
    %dot_general3A_17 = arith.constant dense<0.000000e+00> : vector<2000x64xf32>
    %dot_general3A_18 = tpu.matmul %max3A_13, %get3A_16, %dot_general3A_17 {dimension_numbers = #tpu.dot_dimension_numbers<[1], [0], [0], [1], [0, 0, 1, 1], [], []>, transpose_lhs_hint = false} : vector<2000x128xf32>, vector<128x64xf32>, vector<2000x64xf32> -> vector<2000x64xf32>
    %get3A_19 = arith.constant 0 : index
    %get3A_20 = arith.constant 0 : index
    %get3A_21 = vector.load %arg5[%get3A_19, %get3A_20] : memref<1x64xf32, #tpu.memory_space<vmem>>, vector<1x64xf32>
    %add3A_22 = vector.broadcast %get3A_21 : vector<1x64xf32> to vector<2000x64xf32>
    %add3A_23 = arith.addf %dot_general3A_18, %add3A_22 : vector<2000x64xf32>
    %swap3A_24 = arith.constant 0 : index
    %swap3A_25 = arith.constant 0 : index
    %swap3A_26 = vector.load %arg7[%swap3A_24, %swap3A_25] : memref<2000x64xf32, #tpu.memory_space<vmem>>, vector<2000x64xf32>
    tpu.vector_store %arg7[%swap3A_24, %swap3A_25], %add3A_23 {strides = array<i32>} : memref<2000x64xf32, #tpu.memory_space<vmem>>, vector<2000x64xf32>,
    return
  }
  func.func @transform_0(%arg0: i32) -> (i32, i32) {
    %c0_i32 = arith.constant 0 : i32
    %c0_i32_0 = arith.constant 0 : i32
    return %arg0, %c0_i32 : i32, i32
  }
  func.func @transform_1(%arg0: i32) -> (i32, i32) {
    %c0_i32 = arith.constant 0 : i32
    %c0_i32_0 = arith.constant 0 : i32
    %c0_i32_1 = arith.constant 0 : i32
    return %c0_i32, %c0_i32_0 : i32, i32
  }
  func.func @transform_2(%arg0: i32) -> (i32, i32) {
    %c0_i32 = arith.constant 0 : i32
    %c0_i32_0 = arith.constant 0 : i32
    %c0_i32_1 = arith.constant 0 : i32
    return %c0_i32, %c0_i32_0 : i32, i32
  }
  func.func @transform_3(%arg0: i32) -> (i32, i32) {
    %c0_i32 = arith.constant 0 : i32
    %c0_i32_0 = arith.constant 0 : i32
    %c0_i32_1 = arith.constant 0 : i32
    return %c0_i32, %c0_i32_0 : i32, i32
  }
  func.func @transform_4(%arg0: i32) -> (i32, i32) {
    %c0_i32 = arith.constant 0 : i32
    %c0_i32_0 = arith.constant 0 : i32
    %c0_i32_1 = arith.constant 0 : i32
    return %c0_i32, %c0_i32_0 : i32, i32
  }
  func.func @transform_5(%arg0: i32) -> (i32, i32) {
    %c0_i32 = arith.constant 0 : i32
    %c0_i32_0 = arith.constant 0 : i32
    return %arg0, %c0_i32 : i32, i32
  }
  func.func @transform_6(%arg0: i32) -> (i32, i32) {
    %c0_i32 = arith.constant 0 : i32
    %c0_i32_0 = arith.constant 0 : i32
    return %arg0, %c0_i32 : i32, i32
  }
}

module attributes {stable_mosaic.version = 14 : i64} {
  func.func @_prep_body(%arg0: i32, %arg1: memref<2560x1xf32, #tpu.memory_space<vmem>>, %arg2: memref<2560x64xf32, #tpu.memory_space<vmem>>, %arg3: memref<2560x32xf32, #tpu.memory_space<vmem>>, %arg4: memref<2x2560x32xf32, #tpu.memory_space<vmem>>, %arg5: memref<2x2560x32xf32, #tpu.memory_space<vmem>>, %arg6: memref<2x2560x32xf32, #tpu.memory_space<vmem>>) attributes {dimension_semantics = [#tpu.dimension_semantics<arbitrary>], iteration_bounds = array<i64: 4>, scalar_prefetch = 0 : i64, scratch_operands = 0 : i64, tpu.core_type = #tpu.core_type<tc>, window_params = [{transform_indices = @transform_0, window_bounds = array<i64: 2560, 1>}, {transform_indices = @transform_1, window_bounds = array<i64: 2560, 64>}, {transform_indices = @transform_2, window_bounds = array<i64: 2560, 32>}, {transform_indices = @transform_3, window_bounds = array<i64: 2, 2560, 32>}, {transform_indices = @transform_4, window_bounds = array<i64: 2, 2560, 32>}, {transform_indices = @transform_5, window_bounds = array<i64: 2, 2560, 32>}]} {
    %mul3A = arith.constant 2560 : i32
    %mul3A_0 = arith.muli %arg0, %mul3A : i32
    %iota3A = tpu.iota {dimensions = array<i32: 0>} : vector<2560x1xi32>
    %add3A = vector.broadcast %mul3A_0 : i32 to vector<2560x1xi32>
    %add3A_1 = arith.addi %add3A, %iota3A : vector<2560x1xi32>
    %lt3A = arith.constant 10000 : i32
    %lt3A_2 = vector.broadcast %lt3A : i32 to vector<2560x1xi32>
    %lt3A_3 = arith.cmpi slt, %add3A_1, %lt3A_2 : vector<2560x1xi32>
    %get3A = arith.constant 0 : index
    %get3A_4 = arith.constant 0 : index
    %get3A_5 = vector.load %arg1[%get3A, %get3A_4] : memref<2560x1xf32, #tpu.memory_space<vmem>>, vector<2560x1xf32>
    %max3A = arith.constant 1.000000e+00 : f32
    %max3A_6 = vector.broadcast %max3A : f32 to vector<2560x1xf32>
    %max3A_7 = arith.maximumf %get3A_5, %max3A_6 : vector<2560x1xf32>
    %rsqrt3A = math.rsqrt %max3A_7 : vector<2560x1xf32>
    %jit3A = arith.constant 0.000000e+00 : f32
    %broadcast_in_dim3A = vector.broadcast %jit3A : f32 to vector<2560x1xf32>
    %select_n3A = arith.select %lt3A_3, %rsqrt3A, %broadcast_in_dim3A : vector<2560x1xi1>, vector<2560x1xf32>
    %sqrt3A = math.sqrt %max3A_7 : vector<2560x1xf32>
    %jit3A_8 = arith.constant 0.000000e+00 : f32
    %broadcast_in_dim3A_9 = vector.broadcast %jit3A_8 : f32 to vector<2560x1xf32>
    %select_n3A_10 = arith.select %lt3A_3, %sqrt3A, %broadcast_in_dim3A_9 : vector<2560x1xi1>, vector<2560x1xf32>
    %get3A_11 = arith.constant 0 : index
    %get3A_12 = arith.constant 0 : index
    %get3A_13 = vector.load %arg2[%get3A_11, %get3A_12] : memref<2560x64xf32, #tpu.memory_space<vmem>>, vector<2560x64xf32>
    %slice3A = vector.extract_strided_slice %get3A_13 {offsets = [0, 0], sizes = [2560, 32], strides = [1, 1]} : vector<2560x64xf32> to vector<2560x32xf32>
    %mul3A_14 = vector.broadcast %select_n3A : vector<2560x1xf32> to vector<2560x32xf32>
    %mul3A_15 = arith.mulf %mul3A_14, %slice3A : vector<2560x32xf32>
    %slice3A_16 = vector.extract_strided_slice %get3A_13 {offsets = [0, 32], sizes = [2560, 32], strides = [1, 1]} : vector<2560x64xf32> to vector<2560x32xf32>
    %mul3A_17 = vector.broadcast %select_n3A : vector<2560x1xf32> to vector<2560x32xf32>
    %mul3A_18 = arith.mulf %mul3A_17, %slice3A_16 : vector<2560x32xf32>
    %swap3A = arith.constant 0 : index
    %swap3A_19 = arith.constant 0 : index
    %swap3A_20 = arith.constant 0 : index
    %swap3A_21 = vector.load %arg4[%swap3A, %swap3A_19, %swap3A_20] : memref<2x2560x32xf32, #tpu.memory_space<vmem>>, vector<1x2560x32xf32>
    %swap3A_22 = vector.shape_cast %swap3A_21 : vector<1x2560x32xf32> to vector<2560x32xf32>
    %swap3A_23 = vector.shape_cast %mul3A_15 : vector<2560x32xf32> to vector<1x2560x32xf32>
    tpu.vector_store %arg4[%swap3A, %swap3A_19, %swap3A_20], %swap3A_23 {strides = array<i32>} : memref<2x2560x32xf32, #tpu.memory_space<vmem>>, vector<1x2560x32xf32>,
    %swap3A_24 = arith.constant 1 : index
    %swap3A_25 = arith.constant 0 : index
    %swap3A_26 = arith.constant 0 : index
    %swap3A_27 = vector.load %arg4[%swap3A_24, %swap3A_25, %swap3A_26] : memref<2x2560x32xf32, #tpu.memory_space<vmem>>, vector<1x2560x32xf32>
    %swap3A_28 = vector.shape_cast %swap3A_27 : vector<1x2560x32xf32> to vector<2560x32xf32>
    %swap3A_29 = vector.shape_cast %mul3A_18 : vector<2560x32xf32> to vector<1x2560x32xf32>
    tpu.vector_store %arg4[%swap3A_24, %swap3A_25, %swap3A_26], %swap3A_29 {strides = array<i32>} : memref<2x2560x32xf32, #tpu.memory_space<vmem>>, vector<1x2560x32xf32>,
    %mul3A_30 = arith.constant 1.000000e-01 : f32
    %mul3A_31 = vector.broadcast %mul3A_30 : f32 to vector<2560x32xf32>
    %mul3A_32 = arith.mulf %mul3A_31, %mul3A_15 : vector<2560x32xf32>
    %swap3A_33 = arith.constant 0 : index
    %swap3A_34 = arith.constant 0 : index
    %swap3A_35 = arith.constant 0 : index
    %swap3A_36 = vector.load %arg5[%swap3A_33, %swap3A_34, %swap3A_35] : memref<2x2560x32xf32, #tpu.memory_space<vmem>>, vector<1x2560x32xf32>
    %swap3A_37 = vector.shape_cast %swap3A_36 : vector<1x2560x32xf32> to vector<2560x32xf32>
    %swap3A_38 = vector.shape_cast %mul3A_32 : vector<2560x32xf32> to vector<1x2560x32xf32>
    tpu.vector_store %arg5[%swap3A_33, %swap3A_34, %swap3A_35], %swap3A_38 {strides = array<i32>} : memref<2x2560x32xf32, #tpu.memory_space<vmem>>, vector<1x2560x32xf32>,
    %mul3A_39 = arith.constant 1.000000e-01 : f32
    %mul3A_40 = vector.broadcast %mul3A_39 : f32 to vector<2560x32xf32>
    %mul3A_41 = arith.mulf %mul3A_40, %mul3A_18 : vector<2560x32xf32>
    %swap3A_42 = arith.constant 1 : index
    %swap3A_43 = arith.constant 0 : index
    %swap3A_44 = arith.constant 0 : index
    %swap3A_45 = vector.load %arg5[%swap3A_42, %swap3A_43, %swap3A_44] : memref<2x2560x32xf32, #tpu.memory_space<vmem>>, vector<1x2560x32xf32>
    %swap3A_46 = vector.shape_cast %swap3A_45 : vector<1x2560x32xf32> to vector<2560x32xf32>
    %swap3A_47 = vector.shape_cast %mul3A_41 : vector<2560x32xf32> to vector<1x2560x32xf32>
    tpu.vector_store %arg5[%swap3A_42, %swap3A_43, %swap3A_44], %swap3A_47 {strides = array<i32>} : memref<2x2560x32xf32, #tpu.memory_space<vmem>>, vector<1x2560x32xf32>,
    %broadcast_in_dim3A_48 = arith.constant 1.000000e+00 : f32
    %broadcast_in_dim3A_49 = vector.broadcast %broadcast_in_dim3A_48 : f32 to vector<1x32xf32>
    %mul3A_50 = arith.constant 0.899999976 : f32
    %mul3A_51 = vector.broadcast %mul3A_50 : f32 to vector<2560x1xf32>
    %mul3A_52 = arith.mulf %mul3A_51, %select_n3A : vector<2560x1xf32>
    %mul3A_53 = arith.mulf %mul3A_52, %select_n3A : vector<2560x1xf32>
    %mul3A_54 = vector.broadcast %mul3A_53 : vector<2560x1xf32> to vector<2560x32xf32>
    %mul3A_55 = vector.broadcast %broadcast_in_dim3A_49 : vector<1x32xf32> to vector<2560x32xf32>
    %mul3A_56 = arith.mulf %mul3A_54, %mul3A_55 : vector<2560x32xf32>
    %swap3A_57 = arith.constant 0 : index
    %swap3A_58 = arith.constant 0 : index
    %swap3A_59 = vector.load %arg3[%swap3A_57, %swap3A_58] : memref<2560x32xf32, #tpu.memory_space<vmem>>, vector<2560x32xf32>
    tpu.vector_store %arg3[%swap3A_57, %swap3A_58], %mul3A_56 {strides = array<i32>} : memref<2560x32xf32, #tpu.memory_space<vmem>>, vector<2560x32xf32>,
    %mul3A_60 = vector.broadcast %select_n3A_10 : vector<2560x1xf32> to vector<2560x32xf32>
    %mul3A_61 = vector.broadcast %broadcast_in_dim3A_49 : vector<1x32xf32> to vector<2560x32xf32>
    %mul3A_62 = arith.mulf %mul3A_60, %mul3A_61 : vector<2560x32xf32>
    %swap3A_63 = arith.constant 0 : index
    %swap3A_64 = arith.constant 0 : index
    %swap3A_65 = arith.constant 0 : index
    %swap3A_66 = vector.load %arg6[%swap3A_63, %swap3A_64, %swap3A_65] : memref<2x2560x32xf32, #tpu.memory_space<vmem>>, vector<1x2560x32xf32>
    %swap3A_67 = vector.shape_cast %swap3A_66 : vector<1x2560x32xf32> to vector<2560x32xf32>
    %swap3A_68 = vector.shape_cast %mul3A_62 : vector<2560x32xf32> to vector<1x2560x32xf32>
    tpu.vector_store %arg6[%swap3A_63, %swap3A_64, %swap3A_65], %swap3A_68 {strides = array<i32>} : memref<2x2560x32xf32, #tpu.memory_space<vmem>>, vector<1x2560x32xf32>,
    %mul3A_69 = vector.broadcast %select_n3A_10 : vector<2560x1xf32> to vector<2560x32xf32>
    %mul3A_70 = vector.broadcast %broadcast_in_dim3A_49 : vector<1x32xf32> to vector<2560x32xf32>
    %mul3A_71 = arith.mulf %mul3A_69, %mul3A_70 : vector<2560x32xf32>
    %swap3A_72 = arith.constant 1 : index
    %swap3A_73 = arith.constant 0 : index
    %swap3A_74 = arith.constant 0 : index
    %swap3A_75 = vector.load %arg6[%swap3A_72, %swap3A_73, %swap3A_74] : memref<2x2560x32xf32, #tpu.memory_space<vmem>>, vector<1x2560x32xf32>
    %swap3A_76 = vector.shape_cast %swap3A_75 : vector<1x2560x32xf32> to vector<2560x32xf32>
    %swap3A_77 = vector.shape_cast %mul3A_71 : vector<2560x32xf32> to vector<1x2560x32xf32>
    tpu.vector_store %arg6[%swap3A_72, %swap3A_73, %swap3A_74], %swap3A_77 {strides = array<i32>} : memref<2x2560x32xf32, #tpu.memory_space<vmem>>, vector<1x2560x32xf32>,
    return
  }
  func.func @transform_0(%arg0: i32) -> (i32, i32) {
    %c0_i32 = arith.constant 0 : i32
    %c0_i32_0 = arith.constant 0 : i32
    return %arg0, %c0_i32 : i32, i32
  }
  func.func @transform_1(%arg0: i32) -> (i32, i32) {
    %c0_i32 = arith.constant 0 : i32
    %c0_i32_0 = arith.constant 0 : i32
    return %arg0, %c0_i32 : i32, i32
  }
  func.func @transform_2(%arg0: i32) -> (i32, i32) {
    %c0_i32 = arith.constant 0 : i32
    %c0_i32_0 = arith.constant 0 : i32
    return %arg0, %c0_i32 : i32, i32
  }
  func.func @transform_3(%arg0: i32) -> (i32, i32, i32) {
    %c0_i32 = arith.constant 0 : i32
    %c0_i32_0 = arith.constant 0 : i32
    %c0_i32_1 = arith.constant 0 : i32
    return %c0_i32, %arg0, %c0_i32_0 : i32, i32, i32
  }
  func.func @transform_4(%arg0: i32) -> (i32, i32, i32) {
    %c0_i32 = arith.constant 0 : i32
    %c0_i32_0 = arith.constant 0 : i32
    %c0_i32_1 = arith.constant 0 : i32
    return %c0_i32, %arg0, %c0_i32_0 : i32, i32, i32
  }
  func.func @transform_5(%arg0: i32) -> (i32, i32, i32) {
    %c0_i32 = arith.constant 0 : i32
    %c0_i32_0 = arith.constant 0 : i32
    %c0_i32_1 = arith.constant 0 : i32
    return %c0_i32, %arg0, %c0_i32_0 : i32, i32, i32
  }
}

module attributes {stable_mosaic.version = 14 : i64} {
  func.func @_final_body(%arg0: i32, %arg1: memref<2x2000x32xf32, #tpu.memory_space<vmem>>, %arg2: memref<2x2000x32xf32, #tpu.memory_space<vmem>>, %arg3: memref<2000x64xf32, #tpu.memory_space<vmem>>) attributes {dimension_semantics = [#tpu.dimension_semantics<arbitrary>], iteration_bounds = array<i64: 5>, scalar_prefetch = 0 : i64, scratch_operands = 0 : i64, tpu.core_type = #tpu.core_type<tc>, window_params = [{transform_indices = @transform_0, window_bounds = array<i64: 2, 2000, 32>}, {transform_indices = @transform_1, window_bounds = array<i64: 2, 2000, 32>}, {transform_indices = @transform_2, window_bounds = array<i64: 2000, 64>}]} {
    %get3A = arith.constant 0 : index
    %get3A_0 = arith.constant 0 : index
    %get3A_1 = arith.constant 0 : index
    %get3A_2 = vector.load %arg1[%get3A, %get3A_0, %get3A_1] : memref<2x2000x32xf32, #tpu.memory_space<vmem>>, vector<1x2000x32xf32>
    %get3A_3 = vector.shape_cast %get3A_2 : vector<1x2000x32xf32> to vector<2000x32xf32>
    %get3A_4 = arith.constant 0 : index
    %get3A_5 = arith.constant 0 : index
    %get3A_6 = arith.constant 0 : index
    %get3A_7 = vector.load %arg2[%get3A_4, %get3A_5, %get3A_6] : memref<2x2000x32xf32, #tpu.memory_space<vmem>>, vector<1x2000x32xf32>
    %get3A_8 = vector.shape_cast %get3A_7 : vector<1x2000x32xf32> to vector<2000x32xf32>
    %mul3A = arith.mulf %get3A_3, %get3A_8 : vector<2000x32xf32>
    %get3A_9 = arith.constant 1 : index
    %get3A_10 = arith.constant 0 : index
    %get3A_11 = arith.constant 0 : index
    %get3A_12 = vector.load %arg1[%get3A_9, %get3A_10, %get3A_11] : memref<2x2000x32xf32, #tpu.memory_space<vmem>>, vector<1x2000x32xf32>
    %get3A_13 = vector.shape_cast %get3A_12 : vector<1x2000x32xf32> to vector<2000x32xf32>
    %get3A_14 = arith.constant 1 : index
    %get3A_15 = arith.constant 0 : index
    %get3A_16 = arith.constant 0 : index
    %get3A_17 = vector.load %arg2[%get3A_14, %get3A_15, %get3A_16] : memref<2x2000x32xf32, #tpu.memory_space<vmem>>, vector<1x2000x32xf32>
    %get3A_18 = vector.shape_cast %get3A_17 : vector<1x2000x32xf32> to vector<2000x32xf32>
    %mul3A_19 = arith.mulf %get3A_13, %get3A_18 : vector<2000x32xf32>
    %concatenate3A = tpu.concatenate %mul3A, %mul3A_19 in 1 : vector<2000x32xf32>, vector<2000x32xf32> -> vector<2000x64xf32>
    %swap3A = arith.constant 0 : index
    %swap3A_20 = arith.constant 0 : index
    %swap3A_21 = vector.load %arg3[%swap3A, %swap3A_20] : memref<2000x64xf32, #tpu.memory_space<vmem>>, vector<2000x64xf32>
    tpu.vector_store %arg3[%swap3A, %swap3A_20], %concatenate3A {strides = array<i32>} : memref<2000x64xf32, #tpu.memory_space<vmem>>, vector<2000x64xf32>,
    return
  }
  func.func @transform_0(%arg0: i32) -> (i32, i32, i32) {
    %c0_i32 = arith.constant 0 : i32
    %c0_i32_0 = arith.constant 0 : i32
    %c0_i32_1 = arith.constant 0 : i32
    return %c0_i32, %arg0, %c0_i32_0 : i32, i32, i32
  }
  func.func @transform_1(%arg0: i32) -> (i32, i32, i32) {
    %c0_i32 = arith.constant 0 : i32
    %c0_i32_0 = arith.constant 0 : i32
    %c0_i32_1 = arith.constant 0 : i32
    return %c0_i32, %arg0, %c0_i32_0 : i32, i32, i32
  }
  func.func @transform_2(%arg0: i32) -> (i32, i32) {
    %c0_i32 = arith.constant 0 : i32
    %c0_i32_0 = arith.constant 0 : i32
    return %arg0, %c0_i32 : i32, i32
  }
}

</mosaic_0001>

<sc_bundles>
// kernel: kernel.10.cloned.1.call-start
scs
__scs_entry_jumppad:
0x0: {  	(pc) =	sbr.rel $0x88, $3  }
0x1: {  	(tag) =	ssettag $0x0;
	lr =	simm.s32 $0x1  }
0x2: {  	[smem:$0x3F9B] =	sst lr;
	_ =	strace $0xD0000000  }
0x3: {  	_ = 	snop  }
0x4: {  	_ = 	snop  }
0x5: {  	_ = 	snop  }
0x6: {  	_ = 	snop  }
0x7: {  	_ = 	snop  }
__scs_overlays_trampoline_lowered:
0x8: {  	[smem:$0x3FAA] =	sst s0  }
0x9: {  	[smem:$0x3FAB] =	sst s1  }
0xa: {  	[smem:$0x3FAC] =	sst s2  }
0xb: {  	[smem:$0x3FAD] =	sst s3  }
0xc: {  	[smem:$0x3FAE] =	sst s4  }
0xd: {  	[smem:$0x3FAF] =	sst s5  }
0xe: {  	[smem:$0x3FB0] =	sst s6  }
0xf: {  	[smem:$0x3FB1] =	sst s7  }
0x10: {  	[smem:$0x3FB2] =	sst s8  }
0x11: {  	[smem:$0x3FB3] =	sst s9;
	s0 =	simm.s32 @!p0 $0x0  }
0x12: {  	s1 =	sld [smem:$0x3F99];
	s0 =	simm.s32 @p0 $0x1  }
0x13: {  	[smem:$0x3FB4] =	sst s0;
	s0 =	simm.s32 @!p1 $0x0  }
0x14: {  	s2 =	sld [smem:$0x3F98];
	s0 =	simm.s32 @p1 $0x1  }
0x15: {  	[smem:$0x3FB5] =	sst s0;
	s0 =	simm.s32 @!p2 $0x0  }
0x16: {  	s3 =	sld [smem:$0x3FDB];
	s0 =	simm.s32 @p2 $0x1  }
0x17: {  	s4 =	simm.s32 $0x1BF5;
	[smem:$0x3FB7] =	sst s0  }
0x18: {  	s0 =	sld [smem:$0x3F9A];
	_ =	swait.ge [sflag:s4], $0x0  }
0x19: {  	s7 =	sld [smem:$0x3F9B]  }
0x1a: {  	s8 =	sadd.s32 $0xFFFFE003, lr  }
0x1b: {  	s9 =	sadd.s32 $0xFFFFFEF7, lr;
	s5 =	simm.s32 $0xFFFFFFFF;
	p2 =	slt.u32 s8, $0xFFFFF086  }
0x1c: {  	p1 =	slt.u32 s9, $0xF7A;
	s5 =	simm.s32 @!p2 $0x0  }
0x1d: {  	s5 =	simm.s32 @p1 $0x1;
	p0 =	seq.s32 s7, s2  }
0x1e: {  	s7 =	smul.u32 @!p0 $0xF7A, s2;
	p2 =	seq.s32 @!p0 s5, $0x0  }
0x1f: {  	s9 =	smul.u32 $0xF7A, s1;
	s8 =	simm.s32 @!p0 $0x1BF5;
	p2 =	por !p2, p0  }
0x20: {  	[sflag:s8] =	ssyncset.s32 @!p0 $0xFFFFF086;
	s6 =	sadd.s32 @!p0 s3, s7;
	s7 =	simm.s32 @!p0 $0x108  }
0x21: {  	s3 =	sadd.s32 s3, s9;
	s6 =	sadd.s32 @!p0 $0x88, s6;
	s7 =	simm.s32 @p2 $0x1082  }
0x22: {  	[simem:s7], [sflag:s8] =	dma.local @!p0 [hbm:s6], $0xF7A  }
0x23: {  	s9 =	sor.u32 $0xD0000000, s2;
	s6 =	simm.s32 $0x108;
	_ =	swait.ge @!p0 [sflag:s8], $0x0  }
0x24: {  	s3 =	sadd.s32 $0x88, s3;
	s6 =	simm.s32 @!p1 $0x1082;
	[sflag:s4] =	ssyncset.s32 $0xFFFFF086  }
0x25: {  	[simem:s6], [sflag:s4] =	dma.local [hbm:s3], $0xF7A  }
0x26: {  	[smem:$0x3F9B] =	sst s1;
	(tag) =	ssettag s2;
	_ =	strace s9  }
0x27: {  	s1 =	sld [smem:$0x3FAB]  }
0x28: {  	s2 =	sld [smem:$0x3FAC]  }
0x29: {  	s4 =	sld [smem:$0x3FAE]  }
0x2a: {  	p0 =	seq.s32 s5, $0x0;
	s5 =	sld [smem:$0x3FAF]  }
0x2b: {  	s6 =	sld [smem:$0x3FB0]  }
0x2c: {  	s7 =	sld [smem:$0x3FB1]  }
0x2d: {  	s3 =	simm.s32 $0x108;
	s8 =	sld [smem:$0x3FB2]  }
0x2e: {  	s3 =	simm.s32 @!p0 $0x1082;
	s9 =	sld [smem:$0x3FB3]  }
0x2f: {  	lr =	sadd.s32 s0, s3;
	s0 =	sld [smem:$0x3FAA]  }
0x30: {  	s3 =	sld [smem:$0x3FAD]  }
0x31: {  	[smem:$0x3FB6] =	sst s10  }
0x32: {  	s10 =	sld [smem:$0x3FB4];
	_ =	sdelay $0x3  }
0x33: {  	p0 =	seq.s32 s10, $0x1;
	s10 =	sld [smem:$0x3FB6];
	_ =	sdelay $0x3  }
0x34: {  	[smem:$0x3FB6] =	sst s10  }
0x35: {  	s10 =	sld [smem:$0x3FB5];
	_ =	sdelay $0x3  }
0x36: {  	p1 =	seq.s32 s10, $0x1;
	s10 =	sld [smem:$0x3FB6];
	_ =	sdelay $0x3  }
0x37: {  	[smem:$0x3FB6] =	sst s10  }
0x38: {  	s10 =	sld [smem:$0x3FB7]  }
0x39: {  	_ = 	snop;
	(pc) =	sbr.ind lr, $3  }
0x3a: {  	_ = 	snop  }
0x3b: {  	_ = 	snop  }
0x3c: {  	p2 =	seq.s32 s10, $0x1;
	s10 =	sld [smem:$0x3FB6]  }
0x3d: {  	_ =	shalt  }
0x3e: {  	_ =	shalt  }
0x3f: {  	_ =	shalt  }
0x40: {  	_ =	shalt  }
0x41: {  	_ =	shalt  }
0x42: {  	_ =	shalt  }
0x43: {  	_ =	shalt  }
0x44: {  	_ =	shalt  }
0x45: {  	_ =	shalt  }
0x46: {  	_ =	shalt  }
0x47: {  	_ =	shalt  }
0x48: {  	_ =	shalt  }
0x49: {  	_ =	shalt  }
0x4a: {  	_ =	shalt  }
0x4b: {  	_ =	shalt  }
0x4c: {  	_ =	shalt  }
0x4d: {  	_ =	shalt  }
0x4e: {  	_ =	shalt  }
0x4f: {  	_ =	shalt  }
0x50: {  	_ =	shalt  }
0x51: {  	_ =	shalt  }
0x52: {  	_ =	shalt  }
0x53: {  	_ =	shalt  }
0x54: {  	_ =	shalt  }
0x55: {  	_ =	shalt  }
0x56: {  	_ =	shalt  }
0x57: {  	_ =	shalt  }
0x58: {  	_ =	shalt  }
0x59: {  	_ =	shalt  }
0x5a: {  	_ =	shalt  }
0x5b: {  	_ =	shalt  }
0x5c: {  	_ =	shalt  }
0x5d: {  	_ =	shalt  }
0x5e: {  	_ =	shalt  }
0x5f: {  	_ =	shalt  }
0x60: {  	_ =	shalt  }
0x61: {  	_ =	shalt  }
0x62: {  	_ =	shalt  }
0x63: {  	_ =	shalt  }
0x64: {  	_ =	shalt  }
0x65: {  	_ =	shalt  }
0x66: {  	_ =	shalt  }
0x67: {  	_ =	shalt  }
0x68: {  	_ =	shalt  }
0x69: {  	_ =	shalt  }
0x6a: {  	_ =	shalt  }
0x6b: {  	_ =	shalt  }
0x6c: {  	_ =	shalt  }
0x6d: {  	_ =	shalt  }
0x6e: {  	_ =	shalt  }
0x6f: {  	_ =	shalt  }
0x70: {  	_ =	shalt  }
0x71: {  	_ =	shalt  }
0x72: {  	_ =	shalt  }
0x73: {  	_ =	shalt  }
0x74: {  	_ =	shalt  }
0x75: {  	_ =	shalt  }
0x76: {  	_ =	shalt  }
0x77: {  	_ =	shalt  }
0x78: {  	_ =	shalt  }
0x79: {  	_ =	shalt  }
0x7a: {  	_ =	shalt  }
0x7b: {  	_ =	shalt  }
0x7c: {  	_ =	shalt  }
0x7d: {  	_ =	shalt  }
0x7e: {  	_ =	shalt  }
0x7f: {  	_ =	shalt  }
0x80: {  	_ =	shalt  }
0x81: {  	_ =	shalt  }
0x82: {  	_ =	shalt  }
0x83: {  	_ =	shalt  }
0x84: {  	_ =	shalt  }
0x85: {  	_ =	shalt  }
0x86: {  	_ =	shalt  }
0x87: {  	_ =	shalt  }
.Lfunc_end0:
.L_simem_size_0:
called_computation.1_lowered:
.L_overlay_start_0:
0x88: {  	s2 =	sld [smem:$0x3FD9]  }
0x89: {  	s3 =	sld [smem:$0x3FFE];
	_ =	sdelay $0x1  }
0x8a: {  	s1 =	srdreg.scid  }
0x8b: {  	s0 =	sand.u32 $0x1, s1  }
0x8c: {  	s14 =	sshll.u32 s0, $0xA;
	s2 =	sadd.s32 s3, s2  }
0x8d: {  	s2 =	sadd.s32 s2, s14  }
0x8e: {  	[smem:$0x3FC2] =	sst s2  }
0x8f: {  	_ = 	snop  }
0x90: {  	s2 =	sld [smem:$0x3FD0];
	_ =	sdelay $0x2  }
0x91: {  	s15 =	simm.s32 $0xA;
	s4 =	simm.s32 $0x10  }
0x92: {  	[smem:s4], [sflag:s15] =	dma.local [hbm:s2], $0x1  }
0x93: {  	_ =	swait.eq [sflag:s15], $0x1  }
0x94: {  	[sflag:s15] =	ssyncset.done $0x0  }
0x95: {  	[sflag:s15] =	ssyncadd.s32 $0xFFFFFFFF  }
0x96: {  	s16 =	sld [smem:$0x11];
	(tm) =	ssettm $0x1  }
0x97: {  	s17 =	sld [smem:$0x3FFB];
	_ =	sdelay $0x3  }
0x98: {  	_ =	strace s17  }
0x99: {  	s3 =	sld [smem:$0x3FFC];
	_ =	sdelay $0x3  }
0x9a: {  	_ =	strace s3  }
0x9b: {  	s3 =	sld [smem:$0x3FFD];
	_ =	sdelay $0x3  }
0x9c: {  	_ =	strace s3  }
0x9d: {  	_ =	strace $0x8FFFFFFF  }
0x9e: {  	s18 =	sld [smem:$0x3FDB];
	_ =	sdelay $0x1  }
0x9f: {  	s19 =	simm.s32 $_scs_section_size  }
0xa0: {  	s5 =	simm.s32 $_size__tile_overlayer_lowered;
	s6 =	simm.s32 $_tile_overlayer_lowered  }
0xa1: {  	s22 =	simm.s32 $0x1BFF;
	s21 =	sshll.u32 s6, $0x1;
	s3 =	sadd.s32 s19, s18  }
0xa2: {  	s7 =	simm.s32 $0x0;
	s20 =	sshll.u32 s5, $0x1;
	s5 =	sadd.s32 s21, s3  }
0xa3: {  	[timem:s7], [sflag:s22] =	dma.local [hbm:s5], s20  }
0xa4: {  	_ =	swait.ge [sflag:s22], s20  }
0xa5: {  	s4 =	ssub.s32 $0x0, s20;
	[sflag:s22] =	ssyncset.done $0x0  }
0xa6: {  	[sflag:s22] =	ssyncadd.s32 s4;
	_ =	sdelay $0x1  }
0xa7: {  	s23 =	simm.s32 $0x1B8B  }
0xa8: {  	_ =	swait.ge [sflag:s23], $0x1  }
0xa9: {  	[sflag:s23] =	ssyncset.done $0x0  }
0xaa: {  	s25 =	simm.s32 $0x1B8E;
	s24 =	sld [smem:$0x3FFE];
	[sflag:s23] =	ssyncadd.s32 $0xFFFFFFFF  }
0xab: {  	s26 =	simm.s32 $execute0_lowered;
	[smem:$0x3FD2] =	sst s25  }
0xac: {  	s5 =	sshll.u32 s26, $0x1;
	_ =	strace $0x80000049;
	[dreg:$0x1] =	wrdreg $0xFFFFFFFF  }
0xad: {  	s28 =	simm.s32 $_size_execute0_lowered;
	s3 =	sadd.s32 s3, s5;
	[dreg:$0x0] =	wrdreg $0x0  }
0xae: {  	s5 =	sshll.u32 s28, $0x1;
	[dreg:$0x2] =	wrdreg s3  }
0xaf: {  	[dreg:$0x3] =	wrdreg s5  }
0xb0: {  	[dreg:$0x4] =	wrdreg $0xC0  }
0xb1: {  	_ =	task [dreg:s7], $0x5FFFF  }
0xb2: {  	[dreg:$0x1] =	wrdreg $0xFFFFFFFF  }
0xb3: {  	[dreg:$0x0] =	wrdreg $0x60  }
0xb4: {  	[dreg:$0x2] =	wrdreg s16  }
0xb5: {  	[dreg:$0x3] =	wrdreg s24  }
0xb6: {  	[dreg:$0x4] =	wrdreg $0x134000  }
0xb7: {  	[dreg:$0x5] =	wrdreg $0x184000  }
0xb8: {  	[dreg:$0x6] =	wrdreg $0x9  }
0xb9: {  	_ =	task.clear_ibuf [dreg:s7], $0x7FFFF;
	_ =	strace $0x90000049  }
0xba: {  	s29 =	simm.s32 $0x9;
	_ =	strace $0x8000004B  }
0xbb: {  	_ =	swait.ge [sflag:s29], $0x1  }
0xbc: {  	[sflag:s29] =	ssyncadd.s32 $0xFFFFFFFF  }
0xbd: {  	_ =	strace $0x9000004B  }
0xbe: {  	_ =	sfence  }
0xbf: {  	s30 =	sld [smem:$0x0];
	_ =	sdelay $0x2  }
0xc0: {  	s31 =	sshll.u32 s1, $0xD;
	s1 =	sshrl.u32 s1, $0x2  }
0xc1: {  	s3 =	sand.u32 $0x4000, s31;
	s1 =	sadd.s32 s1, s30  }
0xc2: {  	s0 =	sor.u32 s3, s0;
	s1 =	sshll.u32 s1, $0x11  }
0xc3: {  	s0 =	sor.u32 s1, s0  }
0xc4: {  	s0 =	sadd.s32 $0x8F2B, s0  }
0xc5: {  	[sflag:s0] =	ssyncadd.remote.s32 $0x1  }
0xc6: {  	_ =	sfence.sel $0xFFFF  }
0xc7: {  	[dreg:$0x0] =	wrdreg $0xFFFFFFFF;
	(pc) =	sbr.abs _section_cstart, $3  }
0xc8: {  	[dreg:$0x1] =	wrdreg $0xFFFFFFFF  }
0xc9: {  	_ =	task.clear_ibuf [dreg:s7], $0x2FFFF;
	_ =	strace $0x9FFFFFFF  }
0xca: {  	(tm) =	ssettm $0x7FFFFFFF  }
0xcb: {  	_ =	shalt  }
tec
execute0_lowered:
.L_overlay_start_1:
0x0: {  	(tag) =	ssettag $0x1  }
0x1: {  	s0 =	rddreg [dreg:$0x1]  }
0x2: {  	s3 =	rddreg [dreg:$0x2]  }
0x3: {  	s4 =	rddreg [dreg:$0x3];
	s8 =	stileid.u32  }
0x4: {  	s2 =	srdreg.scid;
	s6 =	simm.s32 $0x0;
	s13 =	simm.s32 $0x2800  }
0x5: {  	s15 =	simm.s32 $0x3800;
	s17 =	simm.s32 $0x4000;
	s1 =	smul.u32 $0x5000, s8  }
0x6: {  	s5 =	smul.u32 $0x280, s8;
	[smem:$0x7FF] =	sst s6;
	s7 =	sadd.s32 $0x1600, s0  }
0x7: {  	s25 =	smul.u32 $0x14000, s8;
	_ =	strace $0x8000004A;
	[dreg:$0x8] =	wrdreg s7  }
0x8: {  	s2 =	sand.u32 $0x1, s2;
	s26 =	smul.u32 $0x140, s8;
	[dreg:$0x5] =	wrdreg s13  }
0x9: {  	s21 =	smul.u32 $0x2800, s2;
	s2 =	ssub.s32 $0x2, s2;
	[dreg:$0x6] =	wrdreg s15  }
0xa: {  	[dreg:$0x7] =	wrdreg s17;
	s22 =	sshrl.u32 s1, $0x3;
	s24 =	sshrl.u32 s2, $0x1  }
0xb: {  	[dreg:$0x9] =	wrdreg s26;
	s29 =	sadd.s32 s1, s3;
	s31 =	sadd.s32 s1, s4  }
0xc: {  	s1 =	sadd.s32 $0x2800, s1;
	s5 =	sadd.s32 s5, s21;
	[dreg:$0xc] =	wrdreg s29  }
0xd: {  	s23 =	sadd.s32 s22, s0;
	[dreg:$0xf] =	wrdreg s31;
	s7 =	sadd.s32 s1, s4  }
0xe: {  	s2 =	ssub.s32 s2, s24;
	s1 =	sadd.s32 s1, s3;
	[dreg:$0x10] =	wrdreg s7  }
0xf: {  	s5 =	sshll.u32 s5, $0x2;
	s6 =	sadd.s32 $0x1F600, s23;
	[dreg:$0x11] =	wrdreg s1  }
0x10: {  	s8 =	smax.u32 s2, $0x1;
	s0 =	sadd.s32 s5, s0;
	[dreg:$0xa] =	wrdreg s6  }
0x11: {  	[dreg:$0x13] =	wrdreg s8;
	s28 =	sadd.s32 $0xB600, s0  }
0x12: {  	s30 =	sadd.s32 $0xFB600, s0;
	[dreg:$0xb] =	wrdreg s28  }
0x13: {  	s5 =	sshrl.u32 s25, $0x2;
	s0 =	sadd.s32 $0x29600, s0;
	[dreg:$0xd] =	wrdreg s30  }
0x14: {  	s5 =	sadd.s32 s5, s4;
	[dreg:$0x12] =	wrdreg s0  }
0x15: {  	s9 =	sadd.s32 $0x400, s5;
	[dreg:$0xe] =	wrdreg s5  }
0x16: {  	s10 =	sadd.s32 $0x800, s5;
	[dreg:$0x14] =	wrdreg s9  }
0x17: {  	s11 =	sadd.s32 $0xC00, s5;
	[dreg:$0x15] =	wrdreg s10  }
0x18: {  	s12 =	sadd.s32 $0x1000, s5;
	[dreg:$0x16] =	wrdreg s11  }
0x19: {  	s14 =	sadd.s32 $0x1400, s5;
	[dreg:$0x17] =	wrdreg s12  }
0x1a: {  	s16 =	sadd.s32 $0x1800, s5;
	[dreg:$0x18] =	wrdreg s14  }
0x1b: {  	s18 =	sadd.s32 $0x1C00, s5;
	[dreg:$0x19] =	wrdreg s16  }
0x1c: {  	s19 =	sadd.s32 $0x2000, s5;
	[dreg:$0x1a] =	wrdreg s18  }
0x1d: {  	s20 =	sadd.s32 $0x2400, s5;
	[dreg:$0x1b] =	wrdreg s19  }
0x1e: {  	s21 =	sadd.s32 $0x2800, s5;
	[dreg:$0x1c] =	wrdreg s20  }
0x1f: {  	s22 =	sadd.s32 $0x2C00, s5;
	[dreg:$0x1d] =	wrdreg s21  }
0x20: {  	s23 =	sadd.s32 $0x3000, s5;
	[dreg:$0x1e] =	wrdreg s22  }
0x21: {  	s24 =	sadd.s32 $0x3400, s5;
	[dreg:$0x1f] =	wrdreg s23  }
0x22: {  	s25 =	sadd.s32 $0x3800, s5;
	[smem:$0x7F7] =	sst s24  }
0x23: {  	s26 =	sadd.s32 $0x3C00, s5;
	[smem:$0x7F8] =	sst s25  }
0x24: {  	s28 =	sadd.s32 $0x4000, s5;
	[smem:$0x7F9] =	sst s26  }
0x25: {  	s29 =	sadd.s32 $0x4400, s5;
	[smem:$0x7FA] =	sst s28  }
0x26: {  	s30 =	sadd.s32 $0x4800, s5;
	[smem:$0x7FB] =	sst s29  }
0x27: {  	s15 =	simm.s32 $0x4800;
	s31 =	sadd.s32 $0x4C00, s5;
	[smem:$0x7FC] =	sst s30  }
0x28: {  	s1 =	simm.s32 $0x0;
	s5 =	simm.s32 $0x11;
	[smem:$0x7FD] =	sst s31  }
0x29: {  	s14 =	simm.s32 $0x40;
	s10 =	simm.s32 $0x1;
	s18 =	simm.s32 $0x5800  }
0x2a: {  	v0 =	vimm.f32 $0.0e+00;
	s19 =	simm.s32 $0x3;
	s20 =	simm.s32 $0x6000;
	s21 =	simm.s32 $0x4  }
.LBB2_1:
0x2b: {  	[smem:$0x7F4] =	sst s1  }
0x2c: {  	s0 =	simm.s32 $0x0;
	s22 =	rddreg [dreg:$0xa];
	s2 =	simm.s32 $0x6800  }
0x2d: {  	[tilespmem:s2], [sflag:$0x11] =	stream.linear.gather [hbm4b:s22+s0], $0x5000, $0x38;
	[tilespmem:$0x1D400] =	vst v63  }
0x2e: {  	_ =	swait.ge [sflag:s5], $0x5000  }
0x2f: {  	[sflag:s5] =	ssyncset.done $0x0  }
0x30: {  	s24 =	simm.s32 $0xB800;
	s23 =	rddreg [dreg:$0xb];
	[sflag:s5] =	ssyncadd.s32 $0xFFFFB000  }
0x31: {  	[tilespmem:s24], [sflag:$0x11] =	stream.linear.gather [hbm4b:s23+s0], $0x5000, $0x38;
	[tilespmem:$0x1D400] =	vst v63  }
0x32: {  	s25 =	stileid.u32;
	_ =	swait.ge [sflag:s5], $0x5000  }
0x33: {  	s0 =	sshll.u32 s25, $0x6;
	s28 =	rddreg [dreg:$0xc]  }
0x34: {  	s26 =	sor.u32 $0x1C11, s0;
	s30 =	rddreg [dreg:$0xd]  }
0x35: {  	[sflag:s5] =	ssyncset.done $0x0;
	[smem:$0x7F5] =	sst s26;
	s29 =	sshrl.u32 s28, $0x3  }
0x36: {  	[sflag:s5] =	ssyncadd.s32 $0xFFFFB000;
	[smem:$0x7F6] =	sst s29  }
0x37: {  	[spmem:s29], [sflag:s26] =	dma.local [hbm:s30], $0xA00  }
0x38: {  	_ =	swait.ge [sflag:s5], $0xA00  }
0x39: {  	[sflag:s5] =	ssyncset.done $0x0  }
0x3a: {  	[sflag:s5] =	ssyncadd.s32 $0xFFFFF600  }
0x3b: {  	[tilespmem:$0x13000] =	vst v0  }
0x3c: {  	[tilespmem:$0x13010] =	vst v0  }
0x3d: {  	[tilespmem:$0x13020] =	vst v0  }
0x3e: {  	[tilespmem:$0x13030] =	vst v0  }
0x3f: {  	[tilespmem:$0x13040] =	vst v0  }
0x40: {  	[tilespmem:$0x13050] =	vst v0  }
0x41: {  	[tilespmem:$0x13060] =	vst v0  }
0x42: {  	[tilespmem:$0x13070] =	vst v0  }
0x43: {  	[tilespmem:$0x13080] =	vst v0  }
0x44: {  	[tilespmem:$0x13090] =	vst v0  }
0x45: {  	[tilespmem:$0x130A0] =	vst v0  }
0x46: {  	[tilespmem:$0x130B0] =	vst v0  }
0x47: {  	[tilespmem:$0x130C0] =	vst v0  }
0x48: {  	[tilespmem:$0x130D0] =	vst v0  }
0x49: {  	[tilespmem:$0x130E0] =	vst v0  }
0x4a: {  	[tilespmem:$0x130F0] =	vst v0  }
0x4b: {  	[tilespmem:$0x13100] =	vst v0  }
0x4c: {  	[tilespmem:$0x13110] =	vst v0  }
0x4d: {  	[tilespmem:$0x13120] =	vst v0  }
0x4e: {  	[tilespmem:$0x13130] =	vst v0  }
0x4f: {  	[tilespmem:$0x13140] =	vst v0  }
0x50: {  	[tilespmem:$0x13150] =	vst v0  }
0x51: {  	[tilespmem:$0x13160] =	vst v0  }
0x52: {  	[tilespmem:$0x13170] =	vst v0  }
0x53: {  	[tilespmem:$0x13180] =	vst v0  }
0x54: {  	[tilespmem:$0x13190] =	vst v0  }
0x55: {  	[tilespmem:$0x131A0] =	vst v0  }
0x56: {  	[tilespmem:$0x131B0] =	vst v0  }
0x57: {  	[tilespmem:$0x131C0] =	vst v0  }
0x58: {  	[tilespmem:$0x131D0] =	vst v0  }
0x59: {  	[tilespmem:$0x131E0] =	vst v0  }
0x5a: {  	[tilespmem:$0x131F0] =	vst v0  }
0x5b: {  	[tilespmem:$0x13200] =	vst v0  }
0x5c: {  	[tilespmem:$0x13210] =	vst v0  }
0x5d: {  	[tilespmem:$0x13220] =	vst v0  }
0x5e: {  	[tilespmem:$0x13230] =	vst v0  }
0x5f: {  	[tilespmem:$0x13240] =	vst v0  }
0x60: {  	[tilespmem:$0x13250] =	vst v0  }
0x61: {  	[tilespmem:$0x13260] =	vst v0  }
0x62: {  	[tilespmem:$0x13270] =	vst v0  }
0x63: {  	[tilespmem:$0x13280] =	vst v0  }
0x64: {  	[tilespmem:$0x13290] =	vst v0  }
0x65: {  	[tilespmem:$0x132A0] =	vst v0  }
0x66: {  	[tilespmem:$0x132B0] =	vst v0  }
0x67: {  	[tilespmem:$0x132C0] =	vst v0  }
0x68: {  	[tilespmem:$0x132D0] =	vst v0  }
0x69: {  	[tilespmem:$0x132E0] =	vst v0  }
0x6a: {  	[tilespmem:$0x132F0] =	vst v0  }
0x6b: {  	[tilespmem:$0x13300] =	vst v0  }
0x6c: {  	[tilespmem:$0x13310] =	vst v0  }
0x6d: {  	[tilespmem:$0x13320] =	vst v0  }
0x6e: {  	[tilespmem:$0x13330] =	vst v0  }
0x6f: {  	[tilespmem:$0x13340] =	vst v0  }
0x70: {  	[tilespmem:$0x13350] =	vst v0  }
0x71: {  	[tilespmem:$0x13360] =	vst v0  }
0x72: {  	[tilespmem:$0x13370] =	vst v0  }
0x73: {  	[tilespmem:$0x13380] =	vst v0  }
0x74: {  	[tilespmem:$0x13390] =	vst v0  }
0x75: {  	[tilespmem:$0x133A0] =	vst v0  }
0x76: {  	[tilespmem:$0x133B0] =	vst v0  }
0x77: {  	[tilespmem:$0x133C0] =	vst v0  }
0x78: {  	[tilespmem:$0x133D0] =	vst v0  }
0x79: {  	[tilespmem:$0x133E0] =	vst v0  }
0x7a: {  	s1 =	simm.s32 $0x13000;
	s31 =	rddreg [dreg:$0xe];
	[tilespmem:$0x133F0] =	vst v0  }
0x7b: {  	[spmem:s31] =	stream.linear.scatter [tilespmem:s1], [sflag:$0x11], $0x400, $0x38;
	[tilespmem:$0x1D400] =	vst v63  }
0x7c: {  	_ =	swait.ge [sflag:s5], $0x400  }
0x7d: {  	[sflag:s5] =	ssyncset.done $0x0  }
0x7e: {  	s2 =	rddreg [dreg:$0x14];
	[sflag:s5] =	ssyncadd.s32 $0xFFFFFC00  }
0x7f: {  	[spmem:s2] =	stream.linear.scatter [tilespmem:s1], [sflag:$0x11], $0x400, $0x38;
	[tilespmem:$0x1D400] =	vst v63  }
0x80: {  	_ =	swait.ge [sflag:s5], $0x400  }
0x81: {  	[sflag:s5] =	ssyncset.done $0x0  }
0x82: {  	s6 =	rddreg [dreg:$0x15];
	[sflag:s5] =	ssyncadd.s32 $0xFFFFFC00  }
0x83: {  	[spmem:s6] =	stream.linear.scatter [tilespmem:s1], [sflag:$0x11], $0x400, $0x38;
	[tilespmem:$0x1D400] =	vst v63  }
0x84: {  	_ =	swait.ge [sflag:s5], $0x400  }
0x85: {  	[sflag:s5] =	ssyncset.done $0x0  }
0x86: {  	s7 =	rddreg [dreg:$0x16];
	[sflag:s5] =	ssyncadd.s32 $0xFFFFFC00  }
0x87: {  	[spmem:s7] =	stream.linear.scatter [tilespmem:s1], [sflag:$0x11], $0x400, $0x38;
	[tilespmem:$0x1D400] =	vst v63  }
0x88: {  	_ =	swait.ge [sflag:s5], $0x400  }
0x89: {  	[sflag:s5] =	ssyncset.done $0x0  }
0x8a: {  	s8 =	rddreg [dreg:$0x17];
	[sflag:s5] =	ssyncadd.s32 $0xFFFFFC00  }
0x8b: {  	[spmem:s8] =	stream.linear.scatter [tilespmem:s1], [sflag:$0x11], $0x400, $0x38;
	[tilespmem:$0x1D400] =	vst v63  }
0x8c: {  	_ =	swait.ge [sflag:s5], $0x400  }
0x8d: {  	[sflag:s5] =	ssyncset.done $0x0  }
0x8e: {  	s9 =	rddreg [dreg:$0x18];
	[sflag:s5] =	ssyncadd.s32 $0xFFFFFC00  }
0x8f: {  	[spmem:s9] =	stream.linear.scatter [tilespmem:s1], [sflag:$0x11], $0x400, $0x38;
	[tilespmem:$0x1D400] =	vst v63  }
0x90: {  	_ =	swait.ge [sflag:s5], $0x400  }
0x91: {  	[sflag:s5] =	ssyncset.done $0x0  }
0x92: {  	s11 =	rddreg [dreg:$0x19];
	[sflag:s5] =	ssyncadd.s32 $0xFFFFFC00  }
0x93: {  	[spmem:s11] =	stream.linear.scatter [tilespmem:s1], [sflag:$0x11], $0x400, $0x38;
	[tilespmem:$0x1D400] =	vst v63  }
0x94: {  	_ =	swait.ge [sflag:s5], $0x400  }
0x95: {  	[sflag:s5] =	ssyncset.done $0x0  }
0x96: {  	s12 =	rddreg [dreg:$0x1a];
	[sflag:s5] =	ssyncadd.s32 $0xFFFFFC00  }
0x97: {  	[spmem:s12] =	stream.linear.scatter [tilespmem:s1], [sflag:$0x11], $0x400, $0x38;
	[tilespmem:$0x1D400] =	vst v63  }
0x98: {  	_ =	swait.ge [sflag:s5], $0x400  }
0x99: {  	[sflag:s5] =	ssyncset.done $0x0  }
0x9a: {  	s13 =	rddreg [dreg:$0x1b];
	[sflag:s5] =	ssyncadd.s32 $0xFFFFFC00  }
0x9b: {  	[spmem:s13] =	stream.linear.scatter [tilespmem:s1], [sflag:$0x11], $0x400, $0x38;
	[tilespmem:$0x1D400] =	vst v63  }
0x9c: {  	_ =	swait.ge [sflag:s5], $0x400  }
0x9d: {  	[sflag:s5] =	ssyncset.done $0x0  }
0x9e: {  	s16 =	rddreg [dreg:$0x1c];
	[sflag:s5] =	ssyncadd.s32 $0xFFFFFC00  }
0x9f: {  	[spmem:s16] =	stream.linear.scatter [tilespmem:s1], [sflag:$0x11], $0x400, $0x38;
	[tilespmem:$0x1D400] =	vst v63  }
0xa0: {  	_ =	swait.ge [sflag:s5], $0x400  }
0xa1: {  	[sflag:s5] =	ssyncset.done $0x0  }
0xa2: {  	s17 =	rddreg [dreg:$0x1d];
	[sflag:s5] =	ssyncadd.s32 $0xFFFFFC00  }
0xa3: {  	[spmem:s17] =	stream.linear.scatter [tilespmem:s1], [sflag:$0x11], $0x400, $0x38;
	[tilespmem:$0x1D400] =	vst v63  }
0xa4: {  	_ =	swait.ge [sflag:s5], $0x400  }
0xa5: {  	[sflag:s5] =	ssyncset.done $0x0  }
0xa6: {  	s22 =	rddreg [dreg:$0x1e];
	[sflag:s5] =	ssyncadd.s32 $0xFFFFFC00  }
0xa7: {  	[spmem:s22] =	stream.linear.scatter [tilespmem:s1], [sflag:$0x11], $0x400, $0x38;
	[tilespmem:$0x1D400] =	vst v63  }
0xa8: {  	_ =	swait.ge [sflag:s5], $0x400  }
0xa9: {  	[sflag:s5] =	ssyncset.done $0x0  }
0xaa: {  	s23 =	rddreg [dreg:$0x1f];
	[sflag:s5] =	ssyncadd.s32 $0xFFFFFC00  }
0xab: {  	[spmem:s23] =	stream.linear.scatter [tilespmem:s1], [sflag:$0x11], $0x400, $0x38;
	[tilespmem:$0x1D400] =	vst v63  }
0xac: {  	_ =	swait.ge [sflag:s5], $0x400  }
0xad: {  	s24 =	sld [smem:$0x7F7]  }
0xae: {  	[sflag:s5] =	ssyncset.done $0x0  }
0xaf: {  	[sflag:s5] =	ssyncadd.s32 $0xFFFFFC00  }
0xb0: {  	[spmem:s24] =	stream.linear.scatter [tilespmem:s1], [sflag:$0x11], $0x400, $0x38;
	[tilespmem:$0x1D400] =	vst v63  }
0xb1: {  	_ =	swait.ge [sflag:s5], $0x400  }
0xb2: {  	s25 =	sld [smem:$0x7F8]  }
0xb3: {  	[sflag:s5] =	ssyncset.done $0x0  }
0xb4: {  	[sflag:s5] =	ssyncadd.s32 $0xFFFFFC00  }
0xb5: {  	[spmem:s25] =	stream.linear.scatter [tilespmem:s1], [sflag:$0x11], $0x400, $0x38;
	[tilespmem:$0x1D400] =	vst v63  }
0xb6: {  	_ =	swait.ge [sflag:s5], $0x400  }
0xb7: {  	s26 =	sld [smem:$0x7F9]  }
0xb8: {  	[sflag:s5] =	ssyncset.done $0x0  }
0xb9: {  	[sflag:s5] =	ssyncadd.s32 $0xFFFFFC00  }
0xba: {  	[spmem:s26] =	stream.linear.scatter [tilespmem:s1], [sflag:$0x11], $0x400, $0x38;
	[tilespmem:$0x1D400] =	vst v63  }
0xbb: {  	_ =	swait.ge [sflag:s5], $0x400  }
0xbc: {  	s28 =	sld [smem:$0x7FA]  }
0xbd: {  	[sflag:s5] =	ssyncset.done $0x0  }
0xbe: {  	[sflag:s5] =	ssyncadd.s32 $0xFFFFFC00  }
0xbf: {  	[spmem:s28] =	stream.linear.scatter [tilespmem:s1], [sflag:$0x11], $0x400, $0x38;
	[tilespmem:$0x1D400] =	vst v63  }
0xc0: {  	_ =	swait.ge [sflag:s5], $0x400  }
0xc1: {  	s29 =	sld [smem:$0x7FB]  }
0xc2: {  	[sflag:s5] =	ssyncset.done $0x0  }
0xc3: {  	[sflag:s5] =	ssyncadd.s32 $0xFFFFFC00  }
0xc4: {  	[spmem:s29] =	stream.linear.scatter [tilespmem:s1], [sflag:$0x11], $0x400, $0x38;
	[tilespmem:$0x1D400] =	vst v63  }
0xc5: {  	_ =	swait.ge [sflag:s5], $0x400  }
0xc6: {  	s30 =	sld [smem:$0x7FC]  }
0xc7: {  	[sflag:s5] =	ssyncset.done $0x0  }
0xc8: {  	[sflag:s5] =	ssyncadd.s32 $0xFFFFFC00  }
0xc9: {  	[spmem:s30] =	stream.linear.scatter [tilespmem:s1], [sflag:$0x11], $0x400, $0x38;
	[tilespmem:$0x1D400] =	vst v63  }
0xca: {  	_ =	swait.ge [sflag:s5], $0x400  }
0xcb: {  	s31 =	sld [smem:$0x7FD]  }
0xcc: {  	[sflag:s5] =	ssyncset.done $0x0  }
0xcd: {  	[sflag:s5] =	ssyncadd.s32 $0xFFFFFC00  }
0xce: {  	[spmem:s31] =	stream.linear.scatter [tilespmem:s1], [sflag:$0x11], $0x400, $0x38;
	[tilespmem:$0x1D400] =	vst v63  }
0xcf: {  	_ =	swait.ge [sflag:s5], $0x400  }
0xd0: {  	[sflag:s5] =	ssyncset.done $0x0  }
0xd1: {  	[sflag:s5] =	ssyncadd.s32 $0xFFFFFC00  }
0xd2: {  	s0 =	simm.s32 $0x0;
	[bflag:$0x0] =	sbarrier.arrive $0xFFFF  }
.LBB2_2:
0xd3: {  	[smem:$0x7F3] =	sst s0;
	s1 =	simm.s32 $0x0  }
.LBB2_3:
0xd4: {  	s0 =	smul.u32 $0x50, s1  }
0xd5: {  	s17 =	rddreg [dreg:$0x9]  }
0xd6: {  	s0 =	sadd.s32 s17, s0  }
0xd7: {  	s22 =	rddreg [dreg:$0x0];
	s0 =	sshll.u32 s0, $0x3  }
0xd8: {  	[smem:$0x7F2] =	sst s1;
	s6 =	simm.s32 $0x0;
	s2 =	sadd.s32 s22, s0  }
0xd9: {  	[tilespmem:s6], [sflag:$0x11] =	stream.linear.gather [hbm4b:s2+s6], $0x1400, $0x38;
	[tilespmem:$0x1D400] =	vst v63  }
0xda: {  	_ =	swait.ge [sflag:s5], $0x1400  }
0xdb: {  	[sflag:s5] =	ssyncset.done $0x0;
	s23 =	rddreg [dreg:$0x8]  }
0xdc: {  	s24 =	simm.s32 $0x1400;
	[sflag:s5] =	ssyncadd.s32 $0xFFFFEC00;
	s0 =	sadd.s32 s23, s0  }
0xdd: {  	[tilespmem:s24], [sflag:$0x11] =	stream.linear.gather [hbm4b:s0+s6], $0x1400, $0x38;
	[tilespmem:$0x1D400] =	vst v63  }
0xde: {  	p0 =	por $0x0, $0x0;
	_ =	swait.ge [sflag:s5], $0x1400  }
0xdf: {  	p1 =	por p0, p0;
	[sflag:s5] =	ssyncset.done $0x0  }
0xe0: {  	s0 =	simm.s32 @p1 $0x9;
	[sflag:s5] =	ssyncadd.s32 $0xFFFFEC00  }
0xe1: {  	_ =	swait.ge @p1 [sflag:s0], $0x800  }
0xe2: {  	s2 =	simm.s32 @p1 $0x2800;
	s6 =	simm.s32 @p1 $0x40;
	[sflag:s0] =	ssyncset.done @p1 $0x0  }
0xe3: {  	s5 =	simm.s32 @p1 $0x5;
	[sflag:s0] =	ssyncadd.s32 @p1 $0xFFFFF800;
	s0 =	simm.s32 @p1 $0x0  }
0xe4: {  	[tilespmem:s2], [sflag:$0x1] =	stream.indirect.gather @p1 [spmem:s3], $0x20, s0, s6, $0xb8;
	[tilespmem:$0x1D400] =	vst v63  }
0xe5: {  	_ =	swait.ge @p1 [sflag:s5], $0x800  }
0xe6: {  	s0 =	simm.s32 @p1 $0xA;
	[sflag:s5] =	ssyncset.done @p1 $0x0  }
0xe7: {  	s2 =	simm.s32 @p1 $0x1300;
	[sflag:s5] =	ssyncadd.s32 @p1 $0xFFFFF800;
	s5 =	simm.s32 @p1 $0x4800  }
0xe8: {  	[spmem:s4] =	stream.indirect.scatter.add.f32 @p1 [tilespmem:s5], [sflag:$0xD], $0x20, s2, s6, $0xb8;
	[tilespmem:$0x1D400] =	vst v63  }
0xe9: {  	_ =	swait.ge @p1 [sflag:s0], $0x800  }
0xea: {  	s2 =	simm.s32 @p1 $0x40;
	[sflag:s0] =	ssyncset.done @p1 $0x0  }
0xeb: {  	s5 =	simm.s32 @p1 $0x6;
	[sflag:s0] =	ssyncadd.s32 @p1 $0xFFFFF800;
	s0 =	simm.s32 @p1 $0x3000  }
0xec: {  	[tilespmem:s0], [sflag:$0x2] =	stream.indirect.gather @p1 [spmem:s3], $0x20, s2, s6, $0xb8;
	[tilespmem:$0x1D400] =	vst v63  }
0xed: {  	_ =	swait.ge @p1 [sflag:s5], $0x800  }
0xee: {  	s0 =	simm.s32 @p1 $0x1340;
	[sflag:s5] =	ssyncset.done @p1 $0x0  }
0xef: {  	s2 =	simm.s32 @p1 $0x5000;
	[sflag:s5] =	ssyncadd.s32 @p1 $0xFFFFF800;
	s5 =	simm.s32 @p1 $0xB  }
0xf0: {  	[spmem:s4] =	stream.indirect.scatter.add.f32 @p1 [tilespmem:s2], [sflag:$0xE], $0x20, s0, s6, $0xb8;
	[tilespmem:$0x1D400] =	vst v63  }
0xf1: {  	_ =	swait.ge @p1 [sflag:s5], $0x800  }
0xf2: {  	s0 =	simm.s32 @p1 $0x80;
	[sflag:s5] =	ssyncset.done @p1 $0x0  }
0xf3: {  	s2 =	simm.s32 @p1 $0x3800;
	[sflag:s5] =	ssyncadd.s32 @p1 $0xFFFFF800;
	s5 =	simm.s32 @p1 $0x7  }
0xf4: {  	[tilespmem:s2], [sflag:$0x3] =	stream.indirect.gather @p1 [spmem:s3], $0x20, s0, s6, $0xb8;
	[tilespmem:$0x1D400] =	vst v63  }
0xf5: {  	_ =	swait.ge @p1 [sflag:s5], $0x800  }
0xf6: {  	s0 =	simm.s32 @p1 $0x1380;
	[sflag:s5] =	ssyncset.done @p1 $0x0  }
0xf7: {  	s2 =	simm.s32 @p1 $0x5800;
	[sflag:s5] =	ssyncadd.s32 @p1 $0xFFFFF800;
	s5 =	simm.s32 @p1 $0xC  }
0xf8: {  	[spmem:s4] =	stream.indirect.scatter.add.f32 @p1 [tilespmem:s2], [sflag:$0xF], $0x20, s0, s6, $0xb8;
	[tilespmem:$0x1D400] =	vst v63  }
0xf9: {  	_ =	swait.ge @p1 [sflag:s5], $0x800  }
0xfa: {  	s0 =	simm.s32 @p1 $0xC0;
	[sflag:s5] =	ssyncset.done @p1 $0x0  }
0xfb: {  	s2 =	simm.s32 @p1 $0x4000;
	[sflag:s5] =	ssyncadd.s32 @p1 $0xFFFFF800;
	s5 =	simm.s32 @p1 $0x8  }
0xfc: {  	[tilespmem:s2], [sflag:$0x4] =	stream.indirect.gather @p1 [spmem:s3], $0x20, s0, s6, $0xb8;
	[tilespmem:$0x1D400] =	vst v63  }
0xfd: {  	_ =	swait.ge @p1 [sflag:s5], $0x800  }
0xfe: {  	s0 =	simm.s32 @p1 $0x13C0;
	[sflag:s5] =	ssyncset.done @p1 $0x0  }
0xff: {  	s2 =	simm.s32 @p1 $0x6000;
	[sflag:s5] =	ssyncadd.s32 @p1 $0xFFFFF800;
	s5 =	simm.s32 @p1 $0xD  }
0x100: {  	[spmem:s4] =	stream.indirect.scatter.add.f32 @p1 [tilespmem:s2], [sflag:$0x10], $0x20, s0, s6, $0xb8;
	[tilespmem:$0x1D400] =	vst v63  }
0x101: {  	_ =	swait.ge @p1 [sflag:s5], $0x800  }
0x102: {  	s0 =	simm.s32 @!p1 $0x2800;
	[sflag:s5] =	ssyncset.done @p1 $0x0  }
0x103: {  	s2 =	simm.s32 @!p1 $0x40;
	[sflag:s5] =	ssyncadd.s32 @p1 $0xFFFFF800;
	s5 =	simm.s32 @!p1 $0x0  }
0x104: {  	[tilespmem:s0], [sflag:$0x1] =	stream.indirect.gather @!p1 [spmem:s3], $0x20, s5, s2, $0xb8;
	[tilespmem:$0x1D400] =	vst v63  }
0x105: {  	s0 =	simm.s32 $0x0;
	s5 =	simm.s32 @!p1 $0x3000  }
0x106: {  	[tilespmem:s5], [sflag:$0x2] =	stream.indirect.gather @!p1 [spmem:s3], $0x20, s2, s2, $0xb8;
	[tilespmem:$0x1D400] =	vst v63  }
0x107: {  	s6 =	simm.s32 @!p1 $0x3800;
	s0 =	simm.s32 @!p0 $0x0;
	s5 =	simm.s32 @!p1 $0x80  }
0x108: {  	[tilespmem:s6], [sflag:$0x3] =	stream.indirect.gather @!p1 [spmem:s3], $0x20, s5, s2, $0xb8;
	[tilespmem:$0x1D400] =	vst v63  }
0x109: {  	s0 =	sshra.s32 s0, $0x2;
	s5 =	simm.s32 @!p1 $0xC0;
	s6 =	simm.s32 @!p1 $0x4000  }
0x10a: {  	[tilespmem:s6], [sflag:$0x4] =	stream.indirect.gather @!p1 [spmem:s3], $0x20, s5, s2, $0xb8;
	[tilespmem:$0x1D400] =	vst v63  }
0x10b: {  	p2 =	por $0x1, $0x1;
	s25 =	sadd.s32 $0x100, s0  }
0x10c: {  	[tilespmem:s15], [sflag:$0x5] =	stream.indirect.gather [spmem:s3], $0x20, s25, s14, $0xb8;
	[tilespmem:$0x1D400] =	vst v63  }
0x10d: {  	s8 =	simm.s32 @p2 $0x2;
	s2 =	simm.s32 $0x0;
	_ =	swait.ge [sflag:s10], $0x800  }
0x10e: {  	s7 =	sadd.s32 @p2 $0x140, s0;
	s2 =	simm.s32 @!p0 $0x0;
	[sflag:s10] =	ssyncset.done $0x0  }
0x10f: {  	s2 =	sadd.s32 $0x1400, s2;
	s26 =	rddreg [dreg:$0x5];
	[sflag:s10] =	ssyncadd.s32 $0xFFFFF800  }
0x110: {  	[spmem:s4] =	stream.indirect.scatter.add.f32 [tilespmem:s26], [sflag:$0x9], $0x20, s2, s14, $0xb8;
	[tilespmem:$0x1D400] =	vst v63  }
0x111: {  	s6 =	simm.s32 @p0 $0x40;
	s5 =	simm.s32 @p2 $0x5000;
	s2 =	simm.s32 @p2 $0x40  }
0x112: {  	[tilespmem:s5], [sflag:$0x6] =	stream.indirect.gather @p2 [spmem:s3], $0x20, s7, s2, $0xb8;
	[tilespmem:$0x1D400] =	vst v63  }
0x113: {  	s6 =	simm.s32 @!p1 $0x40;
	_ =	swait.ge @p2 [sflag:s8], $0x800  }
0x114: {  	s5 =	sadd.s32 @p2 $0x1400, s6;
	[sflag:s8] =	ssyncset.done @p2 $0x0  }
0x115: {  	s7 =	simm.s32 @p2 $0x3000;
	[sflag:s8] =	ssyncadd.s32 @p2 $0xFFFFF800;
	s8 =	simm.s32 @!p2 $0xE  }
0x116: {  	[spmem:s4] =	stream.indirect.scatter.add.f32 @p2 [tilespmem:s7], [sflag:$0xA], $0x20, s5, s2, $0xb8;
	[tilespmem:$0x1D400] =	vst v63  }
0x117: {  	_ =	swait.ge @!p2 [sflag:s8], $0x800  }
0x118: {  	s2 =	sadd.s32 @!p2 $0x140, s0;
	s5 =	simm.s32 @!p2 $0x40;
	[sflag:s8] =	ssyncset.done @!p2 $0x0  }
0x119: {  	s7 =	simm.s32 @!p2 $0x5000;
	[sflag:s8] =	ssyncadd.s32 @!p2 $0xFFFFF800;
	s8 =	simm.s32 @!p2 $0x2  }
0x11a: {  	[tilespmem:s7], [sflag:$0x6] =	stream.indirect.gather @!p2 [spmem:s3], $0x20, s2, s5, $0xb8;
	[tilespmem:$0x1D400] =	vst v63  }
0x11b: {  	s29 =	simm.s32 $0x800;
	_ =	swait.ge @!p2 [sflag:s8], $0x800  }
0x11c: {  	s31 =	simm.s32 $0x200;
	s2 =	sadd.s32 @!p2 $0x1400, s6;
	[sflag:s8] =	ssyncset.done @!p2 $0x0  }
0x11d: {  	s6 =	simm.s32 @!p2 $0x3000;
	s7 =	simm.s32 @!p2 $0xF;
	[sflag:s8] =	ssyncadd.s32 @!p2 $0xFFFFF800  }
0x11e: {  	[spmem:s4] =	stream.indirect.scatter.add.f32 @!p2 [tilespmem:s6], [sflag:$0xA], $0x20, s2, s5, $0xb8;
	[tilespmem:$0x1D400] =	vst v63  }
0x11f: {  	s12 =	simm.s32 @!p2 $0x10;
	s22 =	simm.s32 $0x400;
	_ =	swait.ge @!p2 [sflag:s7], $0x800  }
0x120: {  	s28 =	sadd.s32 $0x180, s0;
	s0 =	sadd.s32 $0x1C0, s0;
	[sflag:s7] =	ssyncset.done @!p2 $0x0  }
0x121: {  	s2 =	simm.s32 @p0 $0x80;
	s5 =	simm.s32 @p0 $0xC0;
	[sflag:s7] =	ssyncadd.s32 @!p2 $0xFFFFF800  }
0x122: {  	[tilespmem:s18], [sflag:$0x7] =	stream.indirect.gather [spmem:s3], $0x20, s28, s14, $0xb8;
	[tilespmem:$0x1D400] =	vst v63  }
0x123: {  	s6 =	simm.s32 $0x800;
	s2 =	simm.s32 @!p0 $0x80;
	_ =	swait.ge [sflag:s19], $0x800  }
0x124: {  	s5 =	simm.s32 @!p0 $0xC0;
	p0 =	por $0x1, $0x1;
	[sflag:s19] =	ssyncset.done $0x0  }
0x125: {  	s2 =	sadd.s32 $0x1400, s2;
	s30 =	rddreg [dreg:$0x6];
	[sflag:s19] =	ssyncadd.s32 $0xFFFFF800  }
0x126: {  	[spmem:s4] =	stream.indirect.scatter.add.f32 [tilespmem:s30], [sflag:$0xB], $0x20, s2, s14, $0xb8;
	[tilespmem:$0x1D400] =	vst v63  }
0x127: {  	s6 =	simm.s32 @!p0 $0x0;
	s31 =	simm.s32 @!p0 $0x0;
	_ =	swait.ge @!p2 [sflag:s12], $0x800  }
0x128: {  	s26 =	simm.s32 @p0 $0x240;
	s25 =	simm.s32 @p0 $0x280;
	[sflag:s12] =	ssyncset.done @!p2 $0x0  }
0x129: {  	s5 =	sadd.s32 $0x1400, s5;
	s7 =	simm.s32 $0x1000;
	[sflag:s12] =	ssyncadd.s32 @!p2 $0xFFFFF800  }
0x12a: {  	[tilespmem:s20], [sflag:$0x8] =	stream.indirect.gather [spmem:s3], $0x20, s0, s14, $0xb8;
	[tilespmem:$0x1D400] =	vst v63  }
0x12b: {  	s23 =	sshra.s32 s6, $0x2;
	s6 =	simm.s32 @p0 $0x2C0;
	_ =	swait.ge [sflag:s21], $0x800  }
0x12c: {  	s25 =	simm.s32 @!p0 $0x80;
	s6 =	simm.s32 @!p0 $0xC0;
	[sflag:s21] =	ssyncset.done $0x0  }
0x12d: {  	p0 =	por p0, p0;
	s2 =	rddreg [dreg:$0x7];
	[sflag:s21] =	ssyncadd.s32 $0xFFFFF800  }
.LBB2_4:
0x12e: {  	s8 =	simm.s32 @p0 $0x9  }
0x12f: {  	[spmem:s4] =	stream.indirect.scatter.add.f32 [tilespmem:s2], [sflag:$0xC], $0x20, s5, s14, $0xb8;
	[tilespmem:$0x1D400] =	vst v63  }
0x130: {  	_ =	swait.ge @p0 [sflag:s8], $0x800  }
0x131: {  	s2 =	simm.s32 @p0 $0x2800;
	s28 =	simm.s32 @p0 $0x5;
	[sflag:s8] =	ssyncset.done @p0 $0x0  }
0x132: {  	s30 =	sshra.s32 @p0 s29, $0x2;
	[sflag:s8] =	ssyncadd.s32 @p0 $0xFFFFF800;
	s8 =	simm.s32 @p0 $0x40  }
0x133: {  	[tilespmem:s2], [sflag:$0x1] =	stream.indirect.gather @p0 [spmem:s3], $0x20, s30, s8, $0xb8;
	[tilespmem:$0x1D400] =	vst v63  }
0x134: {  	p1 =	sne.s32 s7, $0x0;
	s0 =	smov.u32 s7;
	_ =	swait.ge @p0 [sflag:s28], $0x800  }
0x135: {  	s24 =	smov.u32 s6;
	s6 =	simm.s32 @p0 $0xA;
	[sflag:s28] =	ssyncset.done @p0 $0x0  }
0x136: {  	s2 =	sadd.s32 @p0 $0x1300, s30;
	[sflag:s28] =	ssyncadd.s32 @p0 $0xFFFFF800;
	s28 =	simm.s32 @p0 $0x4800  }
0x137: {  	[spmem:s4] =	stream.indirect.scatter.add.f32 @p0 [tilespmem:s28], [sflag:$0xD], $0x20, s2, s8, $0xb8;
	[tilespmem:$0x1D400] =	vst v63  }
0x138: {  	s13 =	simm.s32 @p0 $0x6;
	s5 =	smov.u32 s0;
	_ =	swait.ge @p0 [sflag:s6], $0x800  }
0x139: {  	s11 =	sadd.s32 @p0 $0x40, s30;
	s5 =	simm.s32 @!p1 $0x0;
	[sflag:s6] =	ssyncset.done @p0 $0x0  }
0x13a: {  	s28 =	sshra.s32 s5, $0x2;
	s5 =	simm.s32 @p0 $0x3000;
	[sflag:s6] =	ssyncadd.s32 @p0 $0xFFFFF800  }
0x13b: {  	[tilespmem:s5], [sflag:$0x2] =	stream.indirect.gather @p0 [spmem:s3], $0x20, s11, s8, $0xb8;
	[tilespmem:$0x1D400] =	vst v63  }
0x13c: {  	_ =	swait.ge @p0 [sflag:s13], $0x800  }
0x13d: {  	s9 =	sadd.s32 @p0 $0x1340, s30;
	[sflag:s13] =	ssyncset.done @p0 $0x0  }
0x13e: {  	s11 =	simm.s32 @p0 $0x5000;
	[sflag:s13] =	ssyncadd.s32 @p0 $0xFFFFF800;
	s13 =	simm.s32 @p0 $0xB  }
0x13f: {  	[spmem:s4] =	stream.indirect.scatter.add.f32 @p0 [tilespmem:s11], [sflag:$0xE], $0x20, s9, s8, $0xb8;
	[tilespmem:$0x1D400] =	vst v63  }
0x140: {  	_ =	swait.ge @p0 [sflag:s13], $0x800  }
0x141: {  	s1 =	sadd.s32 @p0 $0x80, s30;
	[sflag:s13] =	ssyncset.done @p0 $0x0  }
0x142: {  	s9 =	simm.s32 @p0 $0x3800;
	s11 =	simm.s32 @p0 $0x7;
	[sflag:s13] =	ssyncadd.s32 @p0 $0xFFFFF800  }
0x143: {  	[tilespmem:s9], [sflag:$0x3] =	stream.indirect.gather @p0 [spmem:s3], $0x20, s1, s8, $0xb8;
	[tilespmem:$0x1D400] =	vst v63  }
0x144: {  	_ =	swait.ge @p0 [sflag:s11], $0x800  }
0x145: {  	s17 =	sadd.s32 @p0 $0x1380, s30;
	[sflag:s11] =	ssyncset.done @p0 $0x0  }
0x146: {  	s1 =	simm.s32 @p0 $0x5800;
	s9 =	simm.s32 @p0 $0xC;
	[sflag:s11] =	ssyncadd.s32 @p0 $0xFFFFF800  }
0x147: {  	[spmem:s4] =	stream.indirect.scatter.add.f32 @p0 [tilespmem:s1], [sflag:$0xF], $0x20, s17, s8, $0xb8;
	[tilespmem:$0x1D400] =	vst v63  }
0x148: {  	_ =	swait.ge @p0 [sflag:s9], $0x800  }
0x149: {  	s16 =	sadd.s32 @p0 $0xC0, s30;
	[sflag:s9] =	ssyncset.done @p0 $0x0  }
0x14a: {  	s1 =	simm.s32 @p0 $0x4000;
	[sflag:s9] =	ssyncadd.s32 @p0 $0xFFFFF800;
	s9 =	simm.s32 @p0 $0x8  }
0x14b: {  	[tilespmem:s1], [sflag:$0x4] =	stream.indirect.gather @p0 [spmem:s3], $0x20, s16, s8, $0xb8;
	[tilespmem:$0x1D400] =	vst v63  }
0x14c: {  	_ =	swait.ge @p0 [sflag:s9], $0x800  }
0x14d: {  	s12 =	sadd.s32 @p0 $0x13C0, s30;
	[sflag:s9] =	ssyncset.done @p0 $0x0  }
0x14e: {  	s1 =	simm.s32 @p0 $0x6000;
	[sflag:s9] =	ssyncadd.s32 @p0 $0xFFFFF800;
	s9 =	simm.s32 @p0 $0xD  }
0x14f: {  	[spmem:s4] =	stream.indirect.scatter.add.f32 @p0 [tilespmem:s1], [sflag:$0x10], $0x20, s12, s8, $0xb8;
	[tilespmem:$0x1D400] =	vst v63  }
0x150: {  	_ =	swait.ge @p0 [sflag:s9], $0x800  }
0x151: {  	s1 =	simm.s32 @!p0 $0x2800;
	[sflag:s9] =	ssyncset.done @p0 $0x0  }
0x152: {  	s8 =	simm.s32 @!p0 $0x40;
	[sflag:s9] =	ssyncadd.s32 @p0 $0xFFFFF800;
	s9 =	simm.s32 @!p0 $0x0  }
0x153: {  	[tilespmem:s1], [sflag:$0x1] =	stream.indirect.gather @!p0 [spmem:s3], $0x20, s9, s8, $0xb8;
	[tilespmem:$0x1D400] =	vst v63  }
0x154: {  	s1 =	simm.s32 @!p0 $0x3000  }
0x155: {  	[tilespmem:s1], [sflag:$0x2] =	stream.indirect.gather @!p0 [spmem:s3], $0x20, s8, s8, $0xb8;
	[tilespmem:$0x1D400] =	vst v63  }
0x156: {  	s9 =	simm.s32 @!p0 $0x3800;
	s1 =	simm.s32 @!p0 $0x80  }
0x157: {  	[tilespmem:s9], [sflag:$0x3] =	stream.indirect.gather @!p0 [spmem:s3], $0x20, s1, s8, $0xb8;
	[tilespmem:$0x1D400] =	vst v63  }
0x158: {  	p3 =	seq.s32 s29, $0x0;
	s1 =	simm.s32 @!p0 $0xC0;
	s9 =	simm.s32 @!p0 $0x4000  }
0x159: {  	[tilespmem:s9], [sflag:$0x4] =	stream.indirect.gather @!p0 [spmem:s3], $0x20, s1, s8, $0xb8;
	[tilespmem:$0x1D400] =	vst v63  }
0x15a: {  	s29 =	smov.u32 s0;
	s0 =	smov.u32 s26;
	s13 =	sadd.s32 $0x100, s23  }
0x15b: {  	[tilespmem:s15], [sflag:$0x5] =	stream.indirect.gather [spmem:s3], $0x20, s13, s14, $0xb8;
	[tilespmem:$0x1D400] =	vst v63  }
0x15c: {  	s0 =	simm.s32 @!p0 $0x40;
	_ =	swait.ge [sflag:s10], $0x800  }
0x15d: {  	s2 =	smov.u32 s22;
	s11 =	simm.s32 @p3 $0x40;
	[sflag:s10] =	ssyncset.done $0x0  }
0x15e: {  	s17 =	sadd.s32 $0x1400, s31;
	s16 =	rddreg [dreg:$0x5];
	[sflag:s10] =	ssyncadd.s32 $0xFFFFF800  }
0x15f: {  	[spmem:s4] =	stream.indirect.scatter.add.f32 [tilespmem:s16], [sflag:$0x9], $0x20, s17, s14, $0xb8;
	[tilespmem:$0x1D400] =	vst v63  }
0x160: {  	s12 =	simm.s32 @p3 $0x5000;
	s9 =	sadd.s32 @p3 $0x140, s23;
	s1 =	simm.s32 @p3 $0x2  }
0x161: {  	[tilespmem:s12], [sflag:$0x6] =	stream.indirect.gather @p3 [spmem:s3], $0x20, s9, s11, $0xb8;
	[tilespmem:$0x1D400] =	vst v63  }
0x162: {  	s2 =	simm.s32 @!p1 $0x0;
	s5 =	sadd.s32 @p1 $0x40, s22;
	_ =	swait.ge @p3 [sflag:s1], $0x800  }
0x163: {  	s31 =	smov.u32 s2;
	s2 =	sadd.s32 @p3 $0x1400, s0;
	[sflag:s1] =	ssyncset.done @p3 $0x0  }
0x164: {  	s9 =	simm.s32 @p3 $0x3000;
	[sflag:s1] =	ssyncadd.s32 @p3 $0xFFFFF800;
	s1 =	simm.s32 @!p3 $0xE  }
0x165: {  	[spmem:s4] =	stream.indirect.scatter.add.f32 @p3 [tilespmem:s9], [sflag:$0xA], $0x20, s2, s11, $0xb8;
	[tilespmem:$0x1D400] =	vst v63  }
0x166: {  	s26 =	smov.u32 s5;
	_ =	swait.ge @!p3 [sflag:s1], $0x800  }
0x167: {  	s5 =	simm.s32 @!p3 $0x5000;
	s8 =	sadd.s32 @!p3 $0x140, s23;
	[sflag:s1] =	ssyncset.done @!p3 $0x0  }
0x168: {  	s2 =	simm.s32 @!p3 $0x40;
	[sflag:s1] =	ssyncadd.s32 @!p3 $0xFFFFF800;
	s1 =	simm.s32 @!p3 $0x2  }
0x169: {  	[tilespmem:s5], [sflag:$0x6] =	stream.indirect.gather @!p3 [spmem:s3], $0x20, s8, s2, $0xb8;
	[tilespmem:$0x1D400] =	vst v63  }
0x16a: {  	_ =	swait.ge @!p3 [sflag:s1], $0x800  }
0x16b: {  	s0 =	sadd.s32 @!p3 $0x1400, s0;
	[sflag:s1] =	ssyncset.done @!p3 $0x0  }
0x16c: {  	s5 =	simm.s32 @!p3 $0x3000;
	[sflag:s1] =	ssyncadd.s32 @!p3 $0xFFFFF800;
	s1 =	simm.s32 @!p3 $0xF  }
0x16d: {  	[spmem:s4] =	stream.indirect.scatter.add.f32 @!p3 [tilespmem:s5], [sflag:$0xA], $0x20, s0, s2, $0xb8;
	[tilespmem:$0x1D400] =	vst v63  }
0x16e: {  	_ =	swait.ge @!p3 [sflag:s1], $0x800  }
0x16f: {  	[sflag:s1] =	ssyncset.done @!p3 $0x0  }
0x170: {  	s13 =	sadd.s32 $0x180, s23;
	[sflag:s1] =	ssyncadd.s32 @!p3 $0xFFFFF800  }
0x171: {  	[tilespmem:s18], [sflag:$0x7] =	stream.indirect.gather [spmem:s3], $0x20, s13, s14, $0xb8;
	[tilespmem:$0x1D400] =	vst v63  }
0x172: {  	s7 =	sadd.s32 $0x800, s7;
	_ =	swait.ge [sflag:s19], $0x800  }
0x173: {  	s30 =	sadd.s32 @p1 $0x80, s22;
	s17 =	sadd.s32 $0x1400, s25;
	[sflag:s19] =	ssyncset.done $0x0  }
0x174: {  	s2 =	simm.s32 @!p3 $0x10;
	s16 =	rddreg [dreg:$0x6];
	[sflag:s19] =	ssyncadd.s32 $0xFFFFF800  }
0x175: {  	[spmem:s4] =	stream.indirect.scatter.add.f32 [tilespmem:s16], [sflag:$0xB], $0x20, s17, s14, $0xb8;
	[tilespmem:$0x1D400] =	vst v63  }
0x176: {  	p2 =	sne.s32 s7, $0x5000;
	s30 =	simm.s32 @!p1 $0x80;
	_ =	swait.ge @!p3 [sflag:s2], $0x800  }
0x177: {  	s6 =	sadd.s32 @p1 $0xC0, s22;
	s25 =	smov.u32 s30;
	[sflag:s2] =	ssyncset.done @!p3 $0x0  }
.Ltmp0:
0x178: {  	s30 =	sadd.s32 $0x1C0, s23;
	[sflag:s2] =	ssyncadd.s32 @!p3 $0xFFFFF800;
	(pc) =	sbr.rel @p2 .LBB2_4-.Ltmp0, $4  }
0x179: {  	[tilespmem:s20], [sflag:$0x8] =	stream.indirect.gather [spmem:s3], $0x20, s30, s14, $0xb8;
	[tilespmem:$0x1D400] =	vst v63  }
0x17a: {  	s6 =	simm.s32 @!p1 $0xC0;
	s22 =	sadd.s32 $0x200, s22;
	_ =	swait.ge [sflag:s21], $0x800  }
0x17b: {  	p0 =	por p1, p1;
	s23 =	smov.u32 s28;
	[sflag:s21] =	ssyncset.done $0x0  }
0x17c: {  	s5 =	sadd.s32 $0x1400, s24;
	s2 =	rddreg [dreg:$0x7];
	[sflag:s21] =	ssyncadd.s32 $0xFFFFF800  }
0x17d: {  	s0 =	simm.s32 @p0 $0x9  }
0x17e: {  	[spmem:s4] =	stream.indirect.scatter.add.f32 [tilespmem:s2], [sflag:$0xC], $0x20, s5, s14, $0xb8;
	[tilespmem:$0x1D400] =	vst v63  }
0x17f: {  	_ =	swait.ge @p0 [sflag:s0], $0x800  }
0x180: {  	s1 =	simm.s32 @p0 $0x2800;
	s2 =	simm.s32 @p0 $0x5;
	[sflag:s0] =	ssyncset.done @p0 $0x0  }
0x181: {  	s5 =	simm.s32 @p0 $0x40;
	[sflag:s0] =	ssyncadd.s32 @p0 $0xFFFFF800;
	s0 =	sshra.s32 @p0 s29, $0x2  }
0x182: {  	[tilespmem:s1], [sflag:$0x1] =	stream.indirect.gather @p0 [spmem:s3], $0x20, s0, s5, $0xb8;
	[tilespmem:$0x1D400] =	vst v63  }
0x183: {  	_ =	swait.ge @p0 [sflag:s2], $0x800  }
0x184: {  	[sflag:s2] =	ssyncset.done @p0 $0x0  }
0x185: {  	s1 =	sadd.s32 @p0 $0x1300, s0;
	[sflag:s2] =	ssyncadd.s32 @p0 $0xFFFFF800;
	s2 =	simm.s32 @p0 $0x4800  }
0x186: {  	[spmem:s4] =	stream.indirect.scatter.add.f32 @p0 [tilespmem:s2], [sflag:$0xD], $0x20, s1, s5, $0xb8;
	[tilespmem:$0x1D400] =	vst v63  }
0x187: {  	s1 =	simm.s32 @p0 $0xA  }
0x188: {  	_ =	swait.ge @p0 [sflag:s1], $0x800  }
0x189: {  	[sflag:s1] =	ssyncset.done @p0 $0x0  }
0x18a: {  	s2 =	sadd.s32 @p0 $0x40, s0;
	[sflag:s1] =	ssyncadd.s32 @p0 $0xFFFFF800;
	s1 =	simm.s32 @p0 $0x3000  }
0x18b: {  	[tilespmem:s1], [sflag:$0x2] =	stream.indirect.gather @p0 [spmem:s3], $0x20, s2, s5, $0xb8;
	[tilespmem:$0x1D400] =	vst v63  }
0x18c: {  	s1 =	simm.s32 @p0 $0x6  }
0x18d: {  	_ =	swait.ge @p0 [sflag:s1], $0x800  }
0x18e: {  	[sflag:s1] =	ssyncset.done @p0 $0x0  }
0x18f: {  	s2 =	sadd.s32 @p0 $0x1340, s0;
	[sflag:s1] =	ssyncadd.s32 @p0 $0xFFFFF800;
	s1 =	simm.s32 @p0 $0x5000  }
0x190: {  	[spmem:s4] =	stream.indirect.scatter.add.f32 @p0 [tilespmem:s1], [sflag:$0xE], $0x20, s2, s5, $0xb8;
	[tilespmem:$0x1D400] =	vst v63  }
0x191: {  	s1 =	simm.s32 @p0 $0xB  }
0x192: {  	_ =	swait.ge @p0 [sflag:s1], $0x800  }
0x193: {  	[sflag:s1] =	ssyncset.done @p0 $0x0  }
0x194: {  	s2 =	sadd.s32 @p0 $0x80, s0;
	[sflag:s1] =	ssyncadd.s32 @p0 $0xFFFFF800;
	s1 =	simm.s32 @p0 $0x3800  }
0x195: {  	[tilespmem:s1], [sflag:$0x3] =	stream.indirect.gather @p0 [spmem:s3], $0x20, s2, s5, $0xb8;
	[tilespmem:$0x1D400] =	vst v63  }
0x196: {  	s1 =	simm.s32 @p0 $0x7  }
0x197: {  	_ =	swait.ge @p0 [sflag:s1], $0x800  }
0x198: {  	[sflag:s1] =	ssyncset.done @p0 $0x0  }
0x199: {  	s2 =	sadd.s32 @p0 $0x1380, s0;
	[sflag:s1] =	ssyncadd.s32 @p0 $0xFFFFF800;
	s1 =	simm.s32 @p0 $0x5800  }
0x19a: {  	[spmem:s4] =	stream.indirect.scatter.add.f32 @p0 [tilespmem:s1], [sflag:$0xF], $0x20, s2, s5, $0xb8;
	[tilespmem:$0x1D400] =	vst v63  }
0x19b: {  	s1 =	simm.s32 @p0 $0xC  }
0x19c: {  	_ =	swait.ge @p0 [sflag:s1], $0x800  }
0x19d: {  	[sflag:s1] =	ssyncset.done @p0 $0x0  }
0x19e: {  	s2 =	sadd.s32 @p0 $0xC0, s0;
	[sflag:s1] =	ssyncadd.s32 @p0 $0xFFFFF800;
	s1 =	simm.s32 @p0 $0x4000  }
0x19f: {  	[tilespmem:s1], [sflag:$0x4] =	stream.indirect.gather @p0 [spmem:s3], $0x20, s2, s5, $0xb8;
	[tilespmem:$0x1D400] =	vst v63  }
0x1a0: {  	s1 =	simm.s32 @p0 $0x8  }
0x1a1: {  	_ =	swait.ge @p0 [sflag:s1], $0x800  }
0x1a2: {  	[sflag:s1] =	ssyncset.done @p0 $0x0  }
0x1a3: {  	s0 =	sadd.s32 @p0 $0x13C0, s0;
	[sflag:s1] =	ssyncadd.s32 @p0 $0xFFFFF800;
	s1 =	simm.s32 @p0 $0x6000  }
0x1a4: {  	[spmem:s4] =	stream.indirect.scatter.add.f32 @p0 [tilespmem:s1], [sflag:$0x10], $0x20, s0, s5, $0xb8;
	[tilespmem:$0x1D400] =	vst v63  }
0x1a5: {  	s0 =	simm.s32 @p0 $0xD  }
0x1a6: {  	_ =	swait.ge @p0 [sflag:s0], $0x800  }
0x1a7: {  	s2 =	simm.s32 @!p0 $0x0;
	[sflag:s0] =	ssyncset.done @p0 $0x0  }
0x1a8: {  	s1 =	simm.s32 @!p0 $0x2800;
	[sflag:s0] =	ssyncadd.s32 @p0 $0xFFFFF800;
	s0 =	simm.s32 @!p0 $0x40  }
0x1a9: {  	[tilespmem:s1], [sflag:$0x1] =	stream.indirect.gather @!p0 [spmem:s3], $0x20, s2, s0, $0xb8;
	[tilespmem:$0x1D400] =	vst v63  }
0x1aa: {  	s1 =	simm.s32 @!p0 $0x3000  }
0x1ab: {  	[tilespmem:s1], [sflag:$0x2] =	stream.indirect.gather @!p0 [spmem:s3], $0x20, s0, s0, $0xb8;
	[tilespmem:$0x1D400] =	vst v63  }
0x1ac: {  	s2 =	simm.s32 @!p0 $0x3800;
	s1 =	simm.s32 @!p0 $0x80  }
0x1ad: {  	[tilespmem:s2], [sflag:$0x3] =	stream.indirect.gather @!p0 [spmem:s3], $0x20, s1, s0, $0xb8;
	[tilespmem:$0x1D400] =	vst v63  }
0x1ae: {  	s1 =	simm.s32 @!p0 $0xC0;
	s2 =	simm.s32 @!p0 $0x4000  }
0x1af: {  	[tilespmem:s2], [sflag:$0x4] =	stream.indirect.gather @!p0 [spmem:s3], $0x20, s1, s0, $0xb8;
	[tilespmem:$0x1D400] =	vst v63  }
0x1b0: {  	s22 =	sadd.s32 $0x100, s23  }
0x1b1: {  	[tilespmem:s15], [sflag:$0x5] =	stream.indirect.gather [spmem:s3], $0x20, s22, s14, $0xb8;
	[tilespmem:$0x1D400] =	vst v63  }
0x1b2: {  	_ =	swait.ge [sflag:s10], $0x800  }
0x1b3: {  	p1 =	seq.s32 s29, $0x0;
	[sflag:s10] =	ssyncset.done $0x0  }
0x1b4: {  	s28 =	sadd.s32 $0x1400, s31;
	s24 =	rddreg [dreg:$0x5];
	[sflag:s10] =	ssyncadd.s32 $0xFFFFF800  }
0x1b5: {  	[spmem:s4] =	stream.indirect.scatter.add.f32 [tilespmem:s24], [sflag:$0x9], $0x20, s28, s14, $0xb8;
	[tilespmem:$0x1D400] =	vst v63  }
0x1b6: {  	s0 =	sadd.s32 @p1 $0x140, s23;
	s1 =	simm.s32 @p1 $0x40;
	s2 =	simm.s32 @p1 $0x5000  }
0x1b7: {  	[tilespmem:s2], [sflag:$0x6] =	stream.indirect.gather @p1 [spmem:s3], $0x20, s0, s1, $0xb8;
	[tilespmem:$0x1D400] =	vst v63  }
0x1b8: {  	s0 =	simm.s32 @p1 $0x2  }
0x1b9: {  	_ =	swait.ge @p1 [sflag:s0], $0x800  }
0x1ba: {  	s26 =	simm.s32 @!p0 $0x40;
	[sflag:s0] =	ssyncset.done @p1 $0x0  }
0x1bb: {  	s2 =	sadd.s32 @p1 $0x1400, s26;
	[sflag:s0] =	ssyncadd.s32 @p1 $0xFFFFF800;
	s0 =	simm.s32 @p1 $0x3000  }
0x1bc: {  	[spmem:s4] =	stream.indirect.scatter.add.f32 @p1 [tilespmem:s0], [sflag:$0xA], $0x20, s2, s1, $0xb8;
	[tilespmem:$0x1D400] =	vst v63  }
0x1bd: {  	s0 =	simm.s32 @!p1 $0xE  }
0x1be: {  	_ =	swait.ge @!p1 [sflag:s0], $0x800  }
0x1bf: {  	s1 =	sadd.s32 @!p1 $0x140, s23;
	[sflag:s0] =	ssyncset.done @!p1 $0x0  }
0x1c0: {  	s2 =	simm.s32 @!p1 $0x40;
	[sflag:s0] =	ssyncadd.s32 @!p1 $0xFFFFF800;
	s0 =	simm.s32 @!p1 $0x5000  }
0x1c1: {  	[tilespmem:s0], [sflag:$0x6] =	stream.indirect.gather @!p1 [spmem:s3], $0x20, s1, s2, $0xb8;
	[tilespmem:$0x1D400] =	vst v63  }
0x1c2: {  	s0 =	simm.s32 @!p1 $0x2  }
0x1c3: {  	_ =	swait.ge @!p1 [sflag:s0], $0x800  }
0x1c4: {  	[sflag:s0] =	ssyncset.done @!p1 $0x0  }
0x1c5: {  	s1 =	sadd.s32 @!p1 $0x1400, s26;
	[sflag:s0] =	ssyncadd.s32 @!p1 $0xFFFFF800;
	s0 =	simm.s32 @!p1 $0x3000  }
0x1c6: {  	[spmem:s4] =	stream.indirect.scatter.add.f32 @!p1 [tilespmem:s0], [sflag:$0xA], $0x20, s1, s2, $0xb8;
	[tilespmem:$0x1D400] =	vst v63  }
0x1c7: {  	s0 =	simm.s32 @!p1 $0xF  }
0x1c8: {  	_ =	swait.ge @!p1 [sflag:s0], $0x800  }
0x1c9: {  	[sflag:s0] =	ssyncset.done @!p1 $0x0  }
0x1ca: {  	s29 =	sadd.s32 $0x180, s23;
	[sflag:s0] =	ssyncadd.s32 @!p1 $0xFFFFF800  }
0x1cb: {  	[tilespmem:s18], [sflag:$0x7] =	stream.indirect.gather [spmem:s3], $0x20, s29, s14, $0xb8;
	[tilespmem:$0x1D400] =	vst v63  }
0x1cc: {  	_ =	swait.ge [sflag:s19], $0x800  }
0x1cd: {  	s31 =	sadd.s32 $0x1400, s25;
	[sflag:s19] =	ssyncset.done $0x0  }
0x1ce: {  	s0 =	simm.s32 @!p1 $0x10;
	s30 =	rddreg [dreg:$0x6];
	[sflag:s19] =	ssyncadd.s32 $0xFFFFF800  }
0x1cf: {  	[spmem:s4] =	stream.indirect.scatter.add.f32 [tilespmem:s30], [sflag:$0xB], $0x20, s31, s14, $0xb8;
	[tilespmem:$0x1D400] =	vst v63  }
0x1d0: {  	_ =	swait.ge @!p1 [sflag:s0], $0x800  }
0x1d1: {  	[sflag:s0] =	ssyncset.done @!p1 $0x0  }
0x1d2: {  	s1 =	sadd.s32 $0x1C0, s23;
	[sflag:s0] =	ssyncadd.s32 @!p1 $0xFFFFF800  }
0x1d3: {  	[tilespmem:s20], [sflag:$0x8] =	stream.indirect.gather [spmem:s3], $0x20, s1, s14, $0xb8;
	[tilespmem:$0x1D400] =	vst v63  }
0x1d4: {  	_ =	swait.ge [sflag:s21], $0x800  }
0x1d5: {  	s5 =	sadd.s32 $0x1400, s6;
	[sflag:s21] =	ssyncset.done $0x0  }
0x1d6: {  	s6 =	simm.s32 $0x5;
	s2 =	rddreg [dreg:$0x7];
	[sflag:s21] =	ssyncadd.s32 $0xFFFFF800  }
0x1d7: {  	[spmem:s4] =	stream.indirect.scatter.add.f32 [tilespmem:s2], [sflag:$0xC], $0x20, s5, s14, $0xb8;
	[tilespmem:$0x1D400] =	vst v63  }
0x1d8: {  	_ =	swait.ge [sflag:s6], $0x800  }
0x1d9: {  	[sflag:s6] =	ssyncset.done $0x0  }
0x1da: {  	s7 =	simm.s32 $0x2700;
	s8 =	simm.s32 $0x6;
	[sflag:s6] =	ssyncadd.s32 $0xFFFFF800  }
0x1db: {  	[spmem:s4] =	stream.indirect.scatter.add.f32 [tilespmem:s15], [sflag:$0xD], $0x20, s7, s14, $0xb8;
	[tilespmem:$0x1D400] =	vst v63  }
0x1dc: {  	_ =	swait.ge [sflag:s8], $0x800  }
0x1dd: {  	s9 =	simm.s32 $0x2740;
	[sflag:s8] =	ssyncset.done $0x0  }
0x1de: {  	s11 =	simm.s32 $0x5000;
	s12 =	simm.s32 $0x7;
	[sflag:s8] =	ssyncadd.s32 $0xFFFFF800  }
0x1df: {  	[spmem:s4] =	stream.indirect.scatter.add.f32 [tilespmem:s11], [sflag:$0xE], $0x20, s9, s14, $0xb8;
	[tilespmem:$0x1D400] =	vst v63  }
0x1e0: {  	_ =	swait.ge [sflag:s12], $0x800  }
0x1e1: {  	[sflag:s12] =	ssyncset.done $0x0  }
0x1e2: {  	s13 =	simm.s32 $0x2780;
	s16 =	simm.s32 $0x8;
	[sflag:s12] =	ssyncadd.s32 $0xFFFFF800  }
0x1e3: {  	[spmem:s4] =	stream.indirect.scatter.add.f32 [tilespmem:s18], [sflag:$0xF], $0x20, s13, s14, $0xb8;
	[tilespmem:$0x1D400] =	vst v63  }
0x1e4: {  	_ =	swait.ge [sflag:s16], $0x800  }
0x1e5: {  	[sflag:s16] =	ssyncset.done $0x0  }
0x1e6: {  	s17 =	simm.s32 $0x27C0;
	s22 =	simm.s32 $0x9;
	[sflag:s16] =	ssyncadd.s32 $0xFFFFF800  }
0x1e7: {  	[spmem:s4] =	stream.indirect.scatter.add.f32 [tilespmem:s20], [sflag:$0x10], $0x20, s17, s14, $0xb8;
	[tilespmem:$0x1D400] =	vst v63  }
0x1e8: {  	_ =	swait.ge [sflag:s22], $0x800  }
0x1e9: {  	[sflag:s22] =	ssyncset.done $0x0  }
0x1ea: {  	s23 =	simm.s32 $0xA;
	[sflag:s22] =	ssyncadd.s32 $0xFFFFF800  }
0x1eb: {  	_ =	swait.ge [sflag:s23], $0x800  }
0x1ec: {  	[sflag:s23] =	ssyncset.done $0x0  }
0x1ed: {  	s24 =	simm.s32 $0xB;
	[sflag:s23] =	ssyncadd.s32 $0xFFFFF800  }
0x1ee: {  	_ =	swait.ge [sflag:s24], $0x800  }
0x1ef: {  	[sflag:s24] =	ssyncset.done $0x0  }
0x1f0: {  	s25 =	simm.s32 $0xC;
	[sflag:s24] =	ssyncadd.s32 $0xFFFFF800  }
0x1f1: {  	_ =	swait.ge [sflag:s25], $0x800  }
0x1f2: {  	[sflag:s25] =	ssyncset.done $0x0  }
0x1f3: {  	s26 =	simm.s32 $0xD;
	[sflag:s25] =	ssyncadd.s32 $0xFFFFF800  }
0x1f4: {  	_ =	swait.ge [sflag:s26], $0x800  }
0x1f5: {  	[sflag:s26] =	ssyncset.done $0x0  }
0x1f6: {  	s28 =	simm.s32 $0xE;
	[sflag:s26] =	ssyncadd.s32 $0xFFFFF800  }
0x1f7: {  	_ =	swait.ge [sflag:s28], $0x800  }
0x1f8: {  	[sflag:s28] =	ssyncset.done $0x0  }
0x1f9: {  	s29 =	simm.s32 $0xF;
	[sflag:s28] =	ssyncadd.s32 $0xFFFFF800  }
0x1fa: {  	_ =	swait.ge [sflag:s29], $0x800  }
0x1fb: {  	[sflag:s29] =	ssyncset.done $0x0  }
0x1fc: {  	s30 =	simm.s32 $0x10;
	[sflag:s29] =	ssyncadd.s32 $0xFFFFF800  }
0x1fd: {  	_ =	swait.ge [sflag:s30], $0x800  }
0x1fe: {  	s31 =	sld [smem:$0x7F2];
	_ =	sdelay $0x2  }
0x1ff: {  	s1 =	sadd.s32 $0x1, s31  }
0x200: {  	p0 =	sne.s32 s1, $0x4  }
.Ltmp1:
0x201: {  	_ = 	snop;
	(pc) =	sbr.rel @p0 .LBB2_3-.Ltmp1, $3  }
0x202: {  	_ =	sdelay $0x1  }
0x203: {  	[sflag:s30] =	ssyncset.done $0x0  }
0x204: {  	s5 =	simm.s32 $0x11;
	[sflag:s30] =	ssyncadd.s32 $0xFFFFF800  }
0x205: {  	[bflag:$0x0] =	sbarrier.arrive $0xFFFF  }
0x206: {  	s2 =	simm.s32 $0x10800;
	s0 =	rddreg [dreg:$0xf]  }
0x207: {  	[tilespmem:s2], [sflag:$0x11] =	stream.linear.gather [spmem:s0], $0x2800, $0x38;
	[tilespmem:$0x1D400] =	vst v63  }
0x208: {  	_ =	swait.ge [sflag:s5], $0x2800  }
0x209: {  	[sflag:s5] =	ssyncset.done $0x0  }
0x20a: {  	s23 =	simm.s32 $0x10880;
	[sflag:s5] =	ssyncadd.s32 $0xFFFFD800  }
0x20b: {  	s1 =	simm.s32 $0x6880;
	v1 =	vld [tilespmem:s23+$0xFFFFFF80]  }
0x20c: {  	v2 =	vld [tilespmem:s1+$0xFFFFFF80]  }
0x20d: {  	s13 =	simm.s32 $0xB880  }
0x20e: {  	v3 =	vld [tilespmem:s13+$0xFFFFFF80];
	_ =	sdelay $0x2  }
0x20f: {  	v1 =	vmul.f32 v1, v2;
	_ =	sdelay $0x1  }
0x210: {  	v1 =	vadd.f32 v3, v1;
	_ =	sdelay $0x1  }
0x211: {  	[tilespmem:s23+$0xFFFFFF80] =	vst v1;
	v1 =	vld [tilespmem:s23+$0xFFFFFF90]  }
0x212: {  	v2 =	vld [tilespmem:s1+$0xFFFFFF90];
	_ =	sdelay $0x1  }
0x213: {  	v3 =	vld [tilespmem:s13+$0xFFFFFF90];
	_ =	sdelay $0x2  }
0x214: {  	v1 =	vmul.f32 v1, v2;
	_ =	sdelay $0x1  }
0x215: {  	v1 =	vadd.f32 v3, v1;
	_ =	sdelay $0x1  }
0x216: {  	[tilespmem:s23+$0xFFFFFF90] =	vst v1;
	v1 =	vld [tilespmem:s23+$0xFFFFFFA0]  }
0x217: {  	v2 =	vld [tilespmem:s1+$0xFFFFFFA0];
	_ =	sdelay $0x1  }
0x218: {  	v3 =	vld [tilespmem:s13+$0xFFFFFFA0];
	_ =	sdelay $0x2  }
0x219: {  	v1 =	vmul.f32 v1, v2;
	_ =	sdelay $0x1  }
0x21a: {  	v1 =	vadd.f32 v3, v1;
	_ =	sdelay $0x1  }
0x21b: {  	[tilespmem:s23+$0xFFFFFFA0] =	vst v1;
	v1 =	vld [tilespmem:s23+$0xFFFFFFB0]  }
0x21c: {  	v2 =	vld [tilespmem:s1+$0xFFFFFFB0];
	_ =	sdelay $0x1  }
0x21d: {  	v3 =	vld [tilespmem:s13+$0xFFFFFFB0];
	_ =	sdelay $0x2  }
0x21e: {  	v1 =	vmul.f32 v1, v2;
	_ =	sdelay $0x1  }
0x21f: {  	v1 =	vadd.f32 v3, v1;
	_ =	sdelay $0x1  }
0x220: {  	[tilespmem:s23+$0xFFFFFFB0] =	vst v1;
	v1 =	vld [tilespmem:s23+$0xFFFFFFC0]  }
0x221: {  	v2 =	vld [tilespmem:s1+$0xFFFFFFC0];
	_ =	sdelay $0x1  }
0x222: {  	v3 =	vld [tilespmem:s13+$0xFFFFFFC0];
	_ =	sdelay $0x2  }
0x223: {  	v1 =	vmul.f32 v1, v2;
	_ =	sdelay $0x1  }
0x224: {  	v1 =	vadd.f32 v3, v1;
	_ =	sdelay $0x1  }
0x225: {  	[tilespmem:s23+$0xFFFFFFC0] =	vst v1;
	v1 =	vld [tilespmem:s23+$0xFFFFFFD0]  }
0x226: {  	v2 =	vld [tilespmem:s1+$0xFFFFFFD0];
	_ =	sdelay $0x1  }
0x227: {  	v3 =	vld [tilespmem:s13+$0xFFFFFFD0];
	_ =	sdelay $0x2  }
0x228: {  	v1 =	vmul.f32 v1, v2;
	_ =	sdelay $0x1  }
0x229: {  	v1 =	vadd.f32 v3, v1;
	_ =	sdelay $0x1  }
0x22a: {  	[tilespmem:s23+$0xFFFFFFD0] =	vst v1;
	v1 =	vld [tilespmem:s23+$0xFFFFFFE0]  }
0x22b: {  	v2 =	vld [tilespmem:s1+$0xFFFFFFE0];
	_ =	sdelay $0x1  }
0x22c: {  	v3 =	vld [tilespmem:s13+$0xFFFFFFE0];
	_ =	sdelay $0x2  }
0x22d: {  	v1 =	vmul.f32 v1, v2;
	_ =	sdelay $0x1  }
0x22e: {  	v1 =	vadd.f32 v3, v1;
	_ =	sdelay $0x1  }
0x22f: {  	[tilespmem:s23+$0xFFFFFFE0] =	vst v1;
	v1 =	vld [tilespmem:s23+$0xFFFFFFF0]  }
0x230: {  	v2 =	vld [tilespmem:s1+$0xFFFFFFF0];
	_ =	sdelay $0x1  }
0x231: {  	v3 =	vld [tilespmem:s13+$0xFFFFFFF0];
	_ =	sdelay $0x2  }
0x232: {  	v1 =	vmul.f32 v1, v2;
	_ =	sdelay $0x1  }
0x233: {  	v1 =	vadd.f32 v3, v1;
	_ =	sdelay $0x1  }
0x234: {  	[tilespmem:s23+$0xFFFFFFF0] =	vst v1;
	v1 =	vld [tilespmem:s23+$0x0]  }
0x235: {  	v2 =	vld [tilespmem:s1+$0x0];
	_ =	sdelay $0x1  }
0x236: {  	v3 =	vld [tilespmem:s13+$0x0];
	_ =	sdelay $0x2  }
0x237: {  	v1 =	vmul.f32 v1, v2;
	_ =	sdelay $0x1  }
0x238: {  	v1 =	vadd.f32 v3, v1;
	_ =	sdelay $0x1  }
0x239: {  	[tilespmem:s23+$0x0] =	vst v1;
	v1 =	vld [tilespmem:s23+$0x10]  }
0x23a: {  	v2 =	vld [tilespmem:s1+$0x10];
	_ =	sdelay $0x1  }
0x23b: {  	v3 =	vld [tilespmem:s13+$0x10];
	_ =	sdelay $0x2  }
0x23c: {  	v1 =	vmul.f32 v1, v2;
	_ =	sdelay $0x1  }
0x23d: {  	v1 =	vadd.f32 v3, v1;
	_ =	sdelay $0x1  }
0x23e: {  	[tilespmem:s23+$0x10] =	vst v1;
	v1 =	vld [tilespmem:s23+$0x20]  }
0x23f: {  	v2 =	vld [tilespmem:s1+$0x20];
	_ =	sdelay $0x1  }
0x240: {  	v3 =	vld [tilespmem:s13+$0x20];
	_ =	sdelay $0x2  }
0x241: {  	v1 =	vmul.f32 v1, v2;
	_ =	sdelay $0x1  }
0x242: {  	v1 =	vadd.f32 v3, v1;
	_ =	sdelay $0x1  }
0x243: {  	[tilespmem:s23+$0x20] =	vst v1;
	v1 =	vld [tilespmem:s23+$0x30]  }
0x244: {  	v2 =	vld [tilespmem:s1+$0x30];
	_ =	sdelay $0x1  }
0x245: {  	v3 =	vld [tilespmem:s13+$0x30];
	_ =	sdelay $0x2  }
0x246: {  	v1 =	vmul.f32 v1, v2;
	_ =	sdelay $0x1  }
0x247: {  	v1 =	vadd.f32 v3, v1;
	_ =	sdelay $0x1  }
0x248: {  	[tilespmem:s23+$0x30] =	vst v1;
	v1 =	vld [tilespmem:s23+$0x40]  }
0x249: {  	v2 =	vld [tilespmem:s1+$0x40];
	_ =	sdelay $0x1  }
0x24a: {  	v3 =	vld [tilespmem:s13+$0x40];
	_ =	sdelay $0x2  }
0x24b: {  	v1 =	vmul.f32 v1, v2;
	_ =	sdelay $0x1  }
0x24c: {  	v1 =	vadd.f32 v3, v1;
	_ =	sdelay $0x1  }
0x24d: {  	[tilespmem:s23+$0x40] =	vst v1;
	v1 =	vld [tilespmem:s23+$0x50]  }
0x24e: {  	v2 =	vld [tilespmem:s1+$0x50];
	_ =	sdelay $0x1  }
0x24f: {  	v3 =	vld [tilespmem:s13+$0x50];
	_ =	sdelay $0x2  }
0x250: {  	v1 =	vmul.f32 v1, v2;
	_ =	sdelay $0x1  }
0x251: {  	v1 =	vadd.f32 v3, v1;
	_ =	sdelay $0x1  }
0x252: {  	[tilespmem:s23+$0x50] =	vst v1;
	v1 =	vld [tilespmem:s23+$0x60]  }
0x253: {  	v2 =	vld [tilespmem:s1+$0x60];
	_ =	sdelay $0x1  }
0x254: {  	v3 =	vld [tilespmem:s13+$0x60];
	_ =	sdelay $0x2  }
0x255: {  	v1 =	vmul.f32 v1, v2;
	_ =	sdelay $0x1  }
0x256: {  	v1 =	vadd.f32 v3, v1;
	_ =	sdelay $0x1  }
0x257: {  	[tilespmem:s23+$0x60] =	vst v1;
	v1 =	vld [tilespmem:s23+$0x70]  }
0x258: {  	v2 =	vld [tilespmem:s1+$0x70];
	_ =	sdelay $0x1  }
0x259: {  	v3 =	vld [tilespmem:s13+$0x70];
	_ =	sdelay $0x2  }
0x25a: {  	v1 =	vmul.f32 v1, v2;
	_ =	sdelay $0x1  }
0x25b: {  	v1 =	vadd.f32 v3, v1  }
0x25c: {  	s6 =	simm.s32 $0x0;
	s7 =	simm.s32 $0x10980  }
.LBB2_7:
0x25d: {  	v2 =	vld [tilespmem:s7+$0xFFFFFF80];
	s6 =	sadd.s32 $0x8, s6;
	[tilespmem:s23+$0x70] =	vst v1;
	s1 =	sadd.s32 $0x100, s1;
	s13 =	sadd.s32 $0x100, s13  }
0x25e: {  	s23 =	smov.u32 s7;
	v1 =	vld [tilespmem:s1+$0xFFFFFF80];
	p0 =	slt.u32 s6, $0x138;
	_ =	sdelay $0x1  }
0x25f: {  	v3 =	vld [tilespmem:s13+$0xFFFFFF80];
	_ =	sdelay $0x2  }
0x260: {  	v1 =	vmul.f32 v2, v1;
	_ =	sdelay $0x1  }
0x261: {  	v1 =	vadd.f32 v3, v1;
	_ =	sdelay $0x1  }
0x262: {  	[tilespmem:s7+$0xFFFFFF80] =	vst v1;
	v1 =	vld [tilespmem:s7+$0xFFFFFF90]  }
0x263: {  	v2 =	vld [tilespmem:s1+$0xFFFFFF90];
	_ =	sdelay $0x1  }
0x264: {  	v3 =	vld [tilespmem:s13+$0xFFFFFF90];
	_ =	sdelay $0x2  }
0x265: {  	v1 =	vmul.f32 v1, v2;
	_ =	sdelay $0x1  }
0x266: {  	v1 =	vadd.f32 v3, v1;
	_ =	sdelay $0x1  }
0x267: {  	[tilespmem:s7+$0xFFFFFF90] =	vst v1;
	v1 =	vld [tilespmem:s7+$0xFFFFFFA0]  }
0x268: {  	v2 =	vld [tilespmem:s1+$0xFFFFFFA0];
	_ =	sdelay $0x1  }
0x269: {  	v3 =	vld [tilespmem:s13+$0xFFFFFFA0];
	_ =	sdelay $0x2  }
0x26a: {  	v1 =	vmul.f32 v1, v2;
	_ =	sdelay $0x1  }
0x26b: {  	v1 =	vadd.f32 v3, v1;
	_ =	sdelay $0x1  }
0x26c: {  	[tilespmem:s7+$0xFFFFFFA0] =	vst v1;
	v1 =	vld [tilespmem:s7+$0xFFFFFFB0]  }
0x26d: {  	v2 =	vld [tilespmem:s1+$0xFFFFFFB0];
	_ =	sdelay $0x1  }
0x26e: {  	v3 =	vld [tilespmem:s13+$0xFFFFFFB0];
	_ =	sdelay $0x2  }
0x26f: {  	v1 =	vmul.f32 v1, v2;
	_ =	sdelay $0x1  }
0x270: {  	v1 =	vadd.f32 v3, v1;
	_ =	sdelay $0x1  }
0x271: {  	[tilespmem:s7+$0xFFFFFFB0] =	vst v1;
	v1 =	vld [tilespmem:s7+$0xFFFFFFC0]  }
0x272: {  	v2 =	vld [tilespmem:s1+$0xFFFFFFC0];
	_ =	sdelay $0x1  }
0x273: {  	v3 =	vld [tilespmem:s13+$0xFFFFFFC0];
	_ =	sdelay $0x2  }
0x274: {  	v1 =	vmul.f32 v1, v2;
	_ =	sdelay $0x1  }
0x275: {  	v1 =	vadd.f32 v3, v1;
	_ =	sdelay $0x1  }
0x276: {  	[tilespmem:s7+$0xFFFFFFC0] =	vst v1;
	v1 =	vld [tilespmem:s7+$0xFFFFFFD0]  }
0x277: {  	v2 =	vld [tilespmem:s1+$0xFFFFFFD0];
	_ =	sdelay $0x1  }
0x278: {  	v3 =	vld [tilespmem:s13+$0xFFFFFFD0];
	_ =	sdelay $0x2  }
0x279: {  	v1 =	vmul.f32 v1, v2;
	_ =	sdelay $0x1  }
0x27a: {  	v1 =	vadd.f32 v3, v1;
	_ =	sdelay $0x1  }
0x27b: {  	[tilespmem:s7+$0xFFFFFFD0] =	vst v1;
	v1 =	vld [tilespmem:s7+$0xFFFFFFE0]  }
0x27c: {  	v2 =	vld [tilespmem:s1+$0xFFFFFFE0];
	_ =	sdelay $0x1  }
0x27d: {  	v3 =	vld [tilespmem:s13+$0xFFFFFFE0];
	_ =	sdelay $0x2  }
0x27e: {  	v1 =	vmul.f32 v1, v2;
	_ =	sdelay $0x1  }
0x27f: {  	v1 =	vadd.f32 v3, v1;
	_ =	sdelay $0x1  }
0x280: {  	[tilespmem:s7+$0xFFFFFFE0] =	vst v1;
	v1 =	vld [tilespmem:s7+$0xFFFFFFF0]  }
0x281: {  	v2 =	vld [tilespmem:s1+$0xFFFFFFF0];
	_ =	sdelay $0x1  }
0x282: {  	v3 =	vld [tilespmem:s13+$0xFFFFFFF0];
	_ =	sdelay $0x2  }
0x283: {  	v1 =	vmul.f32 v1, v2;
	_ =	sdelay $0x1  }
0x284: {  	v1 =	vadd.f32 v3, v1;
	_ =	sdelay $0x1  }
0x285: {  	[tilespmem:s7+$0xFFFFFFF0] =	vst v1;
	v1 =	vld [tilespmem:s7+$0x0]  }
0x286: {  	v2 =	vld [tilespmem:s1+$0x0];
	_ =	sdelay $0x1  }
0x287: {  	v3 =	vld [tilespmem:s13+$0x0];
	_ =	sdelay $0x2  }
0x288: {  	v1 =	vmul.f32 v1, v2;
	_ =	sdelay $0x1  }
0x289: {  	v1 =	vadd.f32 v3, v1;
	_ =	sdelay $0x1  }
0x28a: {  	[tilespmem:s7+$0x0] =	vst v1;
	v1 =	vld [tilespmem:s7+$0x10]  }
0x28b: {  	v2 =	vld [tilespmem:s1+$0x10]  }
0x28c: {  	v3 =	vld [tilespmem:s13+$0x10];
	_ =	sdelay $0x3  }
0x28d: {  	v1 =	vmul.f32 v1, v2;
	_ =	sdelay $0x1  }
0x28e: {  	v1 =	vadd.f32 v3, v1;
	_ =	sdelay $0x1  }
0x28f: {  	[tilespmem:s7+$0x10] =	vst v1;
	v1 =	vld [tilespmem:s7+$0x20]  }
0x290: {  	v2 =	vld [tilespmem:s1+$0x20]  }
0x291: {  	v3 =	vld [tilespmem:s13+$0x20];
	_ =	sdelay $0x3  }
0x292: {  	v1 =	vmul.f32 v1, v2;
	_ =	sdelay $0x1  }
0x293: {  	v1 =	vadd.f32 v3, v1;
	_ =	sdelay $0x1  }
0x294: {  	[tilespmem:s7+$0x20] =	vst v1;
	v1 =	vld [tilespmem:s7+$0x30]  }
0x295: {  	v2 =	vld [tilespmem:s1+$0x30]  }
0x296: {  	v3 =	vld [tilespmem:s13+$0x30];
	_ =	sdelay $0x3  }
0x297: {  	v1 =	vmul.f32 v1, v2;
	_ =	sdelay $0x1  }
0x298: {  	v1 =	vadd.f32 v3, v1;
	_ =	sdelay $0x1  }
0x299: {  	[tilespmem:s7+$0x30] =	vst v1;
	v1 =	vld [tilespmem:s7+$0x40]  }
0x29a: {  	v2 =	vld [tilespmem:s1+$0x40]  }
0x29b: {  	v3 =	vld [tilespmem:s13+$0x40];
	_ =	sdelay $0x3  }
0x29c: {  	v1 =	vmul.f32 v1, v2;
	_ =	sdelay $0x1  }
0x29d: {  	v1 =	vadd.f32 v3, v1;
	_ =	sdelay $0x1  }
0x29e: {  	[tilespmem:s7+$0x40] =	vst v1;
	v1 =	vld [tilespmem:s7+$0x50]  }
0x29f: {  	v2 =	vld [tilespmem:s1+$0x50]  }
0x2a0: {  	v3 =	vld [tilespmem:s13+$0x50];
	_ =	sdelay $0x3  }
0x2a1: {  	v1 =	vmul.f32 v1, v2;
	_ =	sdelay $0x1  }
0x2a2: {  	v1 =	vadd.f32 v3, v1;
	_ =	sdelay $0x1  }
0x2a3: {  	[tilespmem:s7+$0x50] =	vst v1;
	v1 =	vld [tilespmem:s7+$0x60]  }
0x2a4: {  	v2 =	vld [tilespmem:s1+$0x60]  }
0x2a5: {  	v3 =	vld [tilespmem:s13+$0x60];
	_ =	sdelay $0x3  }
0x2a6: {  	v1 =	vmul.f32 v1, v2;
	_ =	sdelay $0x1  }
0x2a7: {  	v1 =	vadd.f32 v3, v1;
	_ =	sdelay $0x1  }
0x2a8: {  	[tilespmem:s7+$0x60] =	vst v1;
	v1 =	vld [tilespmem:s7+$0x70]  }
0x2a9: {  	v2 =	vld [tilespmem:s1+$0x70]  }
0x2aa: {  	v3 =	vld [tilespmem:s13+$0x70];
	_ =	sdelay $0x2  }
.Ltmp2:
0x2ab: {  	(pc) =	sbr.rel @p0 .LBB2_7-.Ltmp2, $3  }
0x2ac: {  	v1 =	vmul.f32 v1, v2;
	_ =	sdelay $0x1  }
0x2ad: {  	v1 =	vadd.f32 v3, v1  }
0x2ae: {  	s7 =	sadd.s32 $0x100, s7  }
0x2af: {  	[tilespmem:s23+$0x70] =	vst v1;
	s0 =	rddreg [dreg:$0xc]  }
0x2b0: {  	[spmem:s0] =	stream.linear.scatter [tilespmem:s2], [sflag:$0x11], $0x2800, $0x38;
	[tilespmem:$0x1D400] =	vst v63  }
0x2b1: {  	_ =	swait.ge [sflag:s5], $0x2800  }
0x2b2: {  	[sflag:s5] =	ssyncset.done $0x0  }
0x2b3: {  	s31 =	rddreg [dreg:$0x10];
	[sflag:s5] =	ssyncadd.s32 $0xFFFFD800  }
0x2b4: {  	[tilespmem:s2], [sflag:$0x11] =	stream.linear.gather [spmem:s31], $0x2800, $0x38;
	[tilespmem:$0x1D400] =	vst v63  }
0x2b5: {  	_ =	swait.ge [sflag:s5], $0x2800  }
0x2b6: {  	[sflag:s5] =	ssyncset.done $0x0  }
0x2b7: {  	s23 =	simm.s32 $0x10880;
	[sflag:s5] =	ssyncadd.s32 $0xFFFFD800  }
0x2b8: {  	s1 =	simm.s32 $0x90F0;
	v1 =	vld [tilespmem:s23+$0xFFFFFF80]  }
0x2b9: {  	v2 =	vld [tilespmem:s1+$0xFFFFFF10]  }
0x2ba: {  	s13 =	simm.s32 $0xE0F0  }
0x2bb: {  	v3 =	vld [tilespmem:s13+$0xFFFFFF10];
	_ =	sdelay $0x2  }
0x2bc: {  	v1 =	vmul.f32 v1, v2;
	_ =	sdelay $0x1  }
0x2bd: {  	v1 =	vadd.f32 v3, v1;
	_ =	sdelay $0x1  }
0x2be: {  	[tilespmem:s23+$0xFFFFFF80] =	vst v1;
	v1 =	vld [tilespmem:s23+$0xFFFFFF90]  }
0x2bf: {  	v2 =	vld [tilespmem:s1+$0xFFFFFF20];
	_ =	sdelay $0x1  }
0x2c0: {  	v3 =	vld [tilespmem:s13+$0xFFFFFF20];
	_ =	sdelay $0x2  }
0x2c1: {  	v1 =	vmul.f32 v1, v2;
	_ =	sdelay $0x1  }
0x2c2: {  	v1 =	vadd.f32 v3, v1;
	_ =	sdelay $0x1  }
0x2c3: {  	[tilespmem:s23+$0xFFFFFF90] =	vst v1;
	v1 =	vld [tilespmem:s23+$0xFFFFFFA0]  }
0x2c4: {  	v2 =	vld [tilespmem:s1+$0xFFFFFF30];
	_ =	sdelay $0x1  }
0x2c5: {  	v3 =	vld [tilespmem:s13+$0xFFFFFF30];
	_ =	sdelay $0x2  }
0x2c6: {  	v1 =	vmul.f32 v1, v2;
	_ =	sdelay $0x1  }
0x2c7: {  	v1 =	vadd.f32 v3, v1;
	_ =	sdelay $0x1  }
0x2c8: {  	[tilespmem:s23+$0xFFFFFFA0] =	vst v1;
	v1 =	vld [tilespmem:s23+$0xFFFFFFB0]  }
0x2c9: {  	v2 =	vld [tilespmem:s1+$0xFFFFFF40];
	_ =	sdelay $0x1  }
0x2ca: {  	v3 =	vld [tilespmem:s13+$0xFFFFFF40];
	_ =	sdelay $0x2  }
0x2cb: {  	v1 =	vmul.f32 v1, v2;
	_ =	sdelay $0x1  }
0x2cc: {  	v1 =	vadd.f32 v3, v1;
	_ =	sdelay $0x1  }
0x2cd: {  	[tilespmem:s23+$0xFFFFFFB0] =	vst v1;
	v1 =	vld [tilespmem:s23+$0xFFFFFFC0]  }
0x2ce: {  	v2 =	vld [tilespmem:s1+$0xFFFFFF50];
	_ =	sdelay $0x1  }
0x2cf: {  	v3 =	vld [tilespmem:s13+$0xFFFFFF50];
	_ =	sdelay $0x2  }
0x2d0: {  	v1 =	vmul.f32 v1, v2;
	_ =	sdelay $0x1  }
0x2d1: {  	v1 =	vadd.f32 v3, v1;
	_ =	sdelay $0x1  }
0x2d2: {  	[tilespmem:s23+$0xFFFFFFC0] =	vst v1;
	v1 =	vld [tilespmem:s23+$0xFFFFFFD0]  }
0x2d3: {  	v2 =	vld [tilespmem:s1+$0xFFFFFF60];
	_ =	sdelay $0x1  }
0x2d4: {  	v3 =	vld [tilespmem:s13+$0xFFFFFF60];
	_ =	sdelay $0x2  }
0x2d5: {  	v1 =	vmul.f32 v1, v2;
	_ =	sdelay $0x1  }
0x2d6: {  	v1 =	vadd.f32 v3, v1;
	_ =	sdelay $0x1  }
0x2d7: {  	[tilespmem:s23+$0xFFFFFFD0] =	vst v1;
	v1 =	vld [tilespmem:s23+$0xFFFFFFE0]  }
0x2d8: {  	v2 =	vld [tilespmem:s1+$0xFFFFFF70];
	_ =	sdelay $0x1  }
0x2d9: {  	v3 =	vld [tilespmem:s13+$0xFFFFFF70];
	_ =	sdelay $0x2  }
0x2da: {  	v1 =	vmul.f32 v1, v2;
	_ =	sdelay $0x1  }
0x2db: {  	v1 =	vadd.f32 v3, v1;
	_ =	sdelay $0x1  }
0x2dc: {  	[tilespmem:s23+$0xFFFFFFE0] =	vst v1;
	v1 =	vld [tilespmem:s23+$0xFFFFFFF0]  }
0x2dd: {  	v2 =	vld [tilespmem:s1+$0xFFFFFF80];
	_ =	sdelay $0x1  }
0x2de: {  	v3 =	vld [tilespmem:s13+$0xFFFFFF80];
	_ =	sdelay $0x2  }
0x2df: {  	v1 =	vmul.f32 v1, v2;
	_ =	sdelay $0x1  }
0x2e0: {  	v1 =	vadd.f32 v3, v1;
	_ =	sdelay $0x1  }
0x2e1: {  	[tilespmem:s23+$0xFFFFFFF0] =	vst v1;
	v1 =	vld [tilespmem:s23+$0x0]  }
0x2e2: {  	v2 =	vld [tilespmem:s1+$0xFFFFFF90];
	_ =	sdelay $0x1  }
0x2e3: {  	v3 =	vld [tilespmem:s13+$0xFFFFFF90];
	_ =	sdelay $0x2  }
0x2e4: {  	v1 =	vmul.f32 v1, v2;
	_ =	sdelay $0x1  }
0x2e5: {  	v1 =	vadd.f32 v3, v1;
	_ =	sdelay $0x1  }
0x2e6: {  	[tilespmem:s23+$0x0] =	vst v1;
	v1 =	vld [tilespmem:s23+$0x10]  }
0x2e7: {  	v2 =	vld [tilespmem:s1+$0xFFFFFFA0];
	_ =	sdelay $0x1  }
0x2e8: {  	v3 =	vld [tilespmem:s13+$0xFFFFFFA0];
	_ =	sdelay $0x2  }
0x2e9: {  	v1 =	vmul.f32 v1, v2;
	_ =	sdelay $0x1  }
0x2ea: {  	v1 =	vadd.f32 v3, v1;
	_ =	sdelay $0x1  }
0x2eb: {  	[tilespmem:s23+$0x10] =	vst v1;
	v1 =	vld [tilespmem:s23+$0x20]  }
0x2ec: {  	v2 =	vld [tilespmem:s1+$0xFFFFFFB0];
	_ =	sdelay $0x1  }
0x2ed: {  	v3 =	vld [tilespmem:s13+$0xFFFFFFB0];
	_ =	sdelay $0x2  }
0x2ee: {  	v1 =	vmul.f32 v1, v2;
	_ =	sdelay $0x1  }
0x2ef: {  	v1 =	vadd.f32 v3, v1;
	_ =	sdelay $0x1  }
0x2f0: {  	[tilespmem:s23+$0x20] =	vst v1;
	v1 =	vld [tilespmem:s23+$0x30]  }
0x2f1: {  	v2 =	vld [tilespmem:s1+$0xFFFFFFC0];
	_ =	sdelay $0x1  }
0x2f2: {  	v3 =	vld [tilespmem:s13+$0xFFFFFFC0];
	_ =	sdelay $0x2  }
0x2f3: {  	v1 =	vmul.f32 v1, v2;
	_ =	sdelay $0x1  }
0x2f4: {  	v1 =	vadd.f32 v3, v1;
	_ =	sdelay $0x1  }
0x2f5: {  	[tilespmem:s23+$0x30] =	vst v1;
	v1 =	vld [tilespmem:s23+$0x40]  }
0x2f6: {  	v2 =	vld [tilespmem:s1+$0xFFFFFFD0];
	_ =	sdelay $0x1  }
0x2f7: {  	v3 =	vld [tilespmem:s13+$0xFFFFFFD0];
	_ =	sdelay $0x2  }
0x2f8: {  	v1 =	vmul.f32 v1, v2;
	_ =	sdelay $0x1  }
0x2f9: {  	v1 =	vadd.f32 v3, v1;
	_ =	sdelay $0x1  }
0x2fa: {  	[tilespmem:s23+$0x40] =	vst v1;
	v1 =	vld [tilespmem:s23+$0x50]  }
0x2fb: {  	v2 =	vld [tilespmem:s1+$0xFFFFFFE0];
	_ =	sdelay $0x1  }
0x2fc: {  	v3 =	vld [tilespmem:s13+$0xFFFFFFE0];
	_ =	sdelay $0x2  }
0x2fd: {  	v1 =	vmul.f32 v1, v2;
	_ =	sdelay $0x1  }
0x2fe: {  	v1 =	vadd.f32 v3, v1;
	_ =	sdelay $0x1  }
0x2ff: {  	[tilespmem:s23+$0x50] =	vst v1;
	v1 =	vld [tilespmem:s23+$0x60]  }
0x300: {  	v2 =	vld [tilespmem:s1+$0xFFFFFFF0];
	_ =	sdelay $0x1  }
0x301: {  	v3 =	vld [tilespmem:s13+$0xFFFFFFF0];
	_ =	sdelay $0x2  }
0x302: {  	v1 =	vmul.f32 v1, v2;
	_ =	sdelay $0x1  }
0x303: {  	v1 =	vadd.f32 v3, v1;
	_ =	sdelay $0x1  }
0x304: {  	[tilespmem:s23+$0x60] =	vst v1;
	v1 =	vld [tilespmem:s23+$0x70]  }
0x305: {  	v2 =	vld [tilespmem:s1+$0x0];
	_ =	sdelay $0x1  }
0x306: {  	v3 =	vld [tilespmem:s13+$0x0];
	_ =	sdelay $0x2  }
0x307: {  	v1 =	vmul.f32 v1, v2;
	_ =	sdelay $0x1  }
0x308: {  	v1 =	vadd.f32 v3, v1  }
0x309: {  	s6 =	simm.s32 $0x0;
	s7 =	simm.s32 $0x10980  }
.LBB2_9:
0x30a: {  	v2 =	vld [tilespmem:s7+$0xFFFFFF80];
	s6 =	sadd.s32 $0x8, s6;
	[tilespmem:s23+$0x70] =	vst v1;
	s1 =	sadd.s32 $0x100, s1;
	s13 =	sadd.s32 $0x100, s13  }
0x30b: {  	s23 =	smov.u32 s7;
	v1 =	vld [tilespmem:s1+$0xFFFFFF10];
	p0 =	slt.u32 s6, $0x138;
	_ =	sdelay $0x1  }
0x30c: {  	v3 =	vld [tilespmem:s13+$0xFFFFFF10];
	_ =	sdelay $0x2  }
0x30d: {  	v1 =	vmul.f32 v2, v1;
	_ =	sdelay $0x1  }
0x30e: {  	v1 =	vadd.f32 v3, v1;
	_ =	sdelay $0x1  }
0x30f: {  	[tilespmem:s7+$0xFFFFFF80] =	vst v1;
	v1 =	vld [tilespmem:s7+$0xFFFFFF90]  }
0x310: {  	v2 =	vld [tilespmem:s1+$0xFFFFFF20];
	_ =	sdelay $0x1  }
0x311: {  	v3 =	vld [tilespmem:s13+$0xFFFFFF20];
	_ =	sdelay $0x2  }
0x312: {  	v1 =	vmul.f32 v1, v2;
	_ =	sdelay $0x1  }
0x313: {  	v1 =	vadd.f32 v3, v1;
	_ =	sdelay $0x1  }
0x314: {  	[tilespmem:s7+$0xFFFFFF90] =	vst v1;
	v1 =	vld [tilespmem:s7+$0xFFFFFFA0]  }
0x315: {  	v2 =	vld [tilespmem:s1+$0xFFFFFF30];
	_ =	sdelay $0x1  }
0x316: {  	v3 =	vld [tilespmem:s13+$0xFFFFFF30];
	_ =	sdelay $0x2  }
0x317: {  	v1 =	vmul.f32 v1, v2;
	_ =	sdelay $0x1  }
0x318: {  	v1 =	vadd.f32 v3, v1;
	_ =	sdelay $0x1  }
0x319: {  	[tilespmem:s7+$0xFFFFFFA0] =	vst v1;
	v1 =	vld [tilespmem:s7+$0xFFFFFFB0]  }
0x31a: {  	v2 =	vld [tilespmem:s1+$0xFFFFFF40];
	_ =	sdelay $0x1  }
0x31b: {  	v3 =	vld [tilespmem:s13+$0xFFFFFF40];
	_ =	sdelay $0x2  }
0x31c: {  	v1 =	vmul.f32 v1, v2;
	_ =	sdelay $0x1  }
0x31d: {  	v1 =	vadd.f32 v3, v1;
	_ =	sdelay $0x1  }
0x31e: {  	[tilespmem:s7+$0xFFFFFFB0] =	vst v1;
	v1 =	vld [tilespmem:s7+$0xFFFFFFC0]  }
0x31f: {  	v2 =	vld [tilespmem:s1+$0xFFFFFF50];
	_ =	sdelay $0x1  }
0x320: {  	v3 =	vld [tilespmem:s13+$0xFFFFFF50];
	_ =	sdelay $0x2  }
0x321: {  	v1 =	vmul.f32 v1, v2;
	_ =	sdelay $0x1  }
0x322: {  	v1 =	vadd.f32 v3, v1;
	_ =	sdelay $0x1  }
0x323: {  	[tilespmem:s7+$0xFFFFFFC0] =	vst v1;
	v1 =	vld [tilespmem:s7+$0xFFFFFFD0]  }
0x324: {  	v2 =	vld [tilespmem:s1+$0xFFFFFF60];
	_ =	sdelay $0x1  }
0x325: {  	v3 =	vld [tilespmem:s13+$0xFFFFFF60];
	_ =	sdelay $0x2  }
0x326: {  	v1 =	vmul.f32 v1, v2;
	_ =	sdelay $0x1  }
0x327: {  	v1 =	vadd.f32 v3, v1;
	_ =	sdelay $0x1  }
0x328: {  	[tilespmem:s7+$0xFFFFFFD0] =	vst v1;
	v1 =	vld [tilespmem:s7+$0xFFFFFFE0]  }
0x329: {  	v2 =	vld [tilespmem:s1+$0xFFFFFF70];
	_ =	sdelay $0x1  }
0x32a: {  	v3 =	vld [tilespmem:s13+$0xFFFFFF70];
	_ =	sdelay $0x2  }
0x32b: {  	v1 =	vmul.f32 v1, v2;
	_ =	sdelay $0x1  }
0x32c: {  	v1 =	vadd.f32 v3, v1;
	_ =	sdelay $0x1  }
0x32d: {  	[tilespmem:s7+$0xFFFFFFE0] =	vst v1;
	v1 =	vld [tilespmem:s7+$0xFFFFFFF0]  }
0x32e: {  	v2 =	vld [tilespmem:s1+$0xFFFFFF80];
	_ =	sdelay $0x1  }
0x32f: {  	v3 =	vld [tilespmem:s13+$0xFFFFFF80];
	_ =	sdelay $0x2  }
0x330: {  	v1 =	vmul.f32 v1, v2;
	_ =	sdelay $0x1  }
0x331: {  	v1 =	vadd.f32 v3, v1;
	_ =	sdelay $0x1  }
0x332: {  	[tilespmem:s7+$0xFFFFFFF0] =	vst v1;
	v1 =	vld [tilespmem:s7+$0x0]  }
0x333: {  	v2 =	vld [tilespmem:s1+$0xFFFFFF90];
	_ =	sdelay $0x1  }
0x334: {  	v3 =	vld [tilespmem:s13+$0xFFFFFF90];
	_ =	sdelay $0x2  }
0x335: {  	v1 =	vmul.f32 v1, v2;
	_ =	sdelay $0x1  }
0x336: {  	v1 =	vadd.f32 v3, v1;
	_ =	sdelay $0x1  }
0x337: {  	[tilespmem:s7+$0x0] =	vst v1;
	v1 =	vld [tilespmem:s7+$0x10]  }
0x338: {  	v2 =	vld [tilespmem:s1+$0xFFFFFFA0]  }
0x339: {  	v3 =	vld [tilespmem:s13+$0xFFFFFFA0];
	_ =	sdelay $0x3  }
0x33a: {  	v1 =	vmul.f32 v1, v2;
	_ =	sdelay $0x1  }
0x33b: {  	v1 =	vadd.f32 v3, v1;
	_ =	sdelay $0x1  }
0x33c: {  	[tilespmem:s7+$0x10] =	vst v1;
	v1 =	vld [tilespmem:s7+$0x20]  }
0x33d: {  	v2 =	vld [tilespmem:s1+$0xFFFFFFB0]  }
0x33e: {  	v3 =	vld [tilespmem:s13+$0xFFFFFFB0];
	_ =	sdelay $0x3  }
0x33f: {  	v1 =	vmul.f32 v1, v2;
	_ =	sdelay $0x1  }
0x340: {  	v1 =	vadd.f32 v3, v1;
	_ =	sdelay $0x1  }
0x341: {  	[tilespmem:s7+$0x20] =	vst v1;
	v1 =	vld [tilespmem:s7+$0x30]  }
0x342: {  	v2 =	vld [tilespmem:s1+$0xFFFFFFC0]  }
0x343: {  	v3 =	vld [tilespmem:s13+$0xFFFFFFC0];
	_ =	sdelay $0x3  }
0x344: {  	v1 =	vmul.f32 v1, v2;
	_ =	sdelay $0x1  }
0x345: {  	v1 =	vadd.f32 v3, v1;
	_ =	sdelay $0x1  }
0x346: {  	[tilespmem:s7+$0x30] =	vst v1;
	v1 =	vld [tilespmem:s7+$0x40]  }
0x347: {  	v2 =	vld [tilespmem:s1+$0xFFFFFFD0]  }
0x348: {  	v3 =	vld [tilespmem:s13+$0xFFFFFFD0];
	_ =	sdelay $0x3  }
0x349: {  	v1 =	vmul.f32 v1, v2;
	_ =	sdelay $0x1  }
0x34a: {  	v1 =	vadd.f32 v3, v1;
	_ =	sdelay $0x1  }
0x34b: {  	[tilespmem:s7+$0x40] =	vst v1;
	v1 =	vld [tilespmem:s7+$0x50]  }
0x34c: {  	v2 =	vld [tilespmem:s1+$0xFFFFFFE0]  }
0x34d: {  	v3 =	vld [tilespmem:s13+$0xFFFFFFE0];
	_ =	sdelay $0x3  }
0x34e: {  	v1 =	vmul.f32 v1, v2;
	_ =	sdelay $0x1  }
0x34f: {  	v1 =	vadd.f32 v3, v1;
	_ =	sdelay $0x1  }
0x350: {  	[tilespmem:s7+$0x50] =	vst v1;
	v1 =	vld [tilespmem:s7+$0x60]  }
0x351: {  	v2 =	vld [tilespmem:s1+$0xFFFFFFF0]  }
0x352: {  	v3 =	vld [tilespmem:s13+$0xFFFFFFF0];
	_ =	sdelay $0x3  }
0x353: {  	v1 =	vmul.f32 v1, v2;
	_ =	sdelay $0x1  }
0x354: {  	v1 =	vadd.f32 v3, v1;
	_ =	sdelay $0x1  }
0x355: {  	[tilespmem:s7+$0x60] =	vst v1;
	v1 =	vld [tilespmem:s7+$0x70]  }
0x356: {  	v2 =	vld [tilespmem:s1+$0x0]  }
0x357: {  	v3 =	vld [tilespmem:s13+$0x0];
	_ =	sdelay $0x2  }
.Ltmp3:
0x358: {  	(pc) =	sbr.rel @p0 .LBB2_9-.Ltmp3, $3  }
0x359: {  	v1 =	vmul.f32 v1, v2;
	_ =	sdelay $0x1  }
0x35a: {  	v1 =	vadd.f32 v3, v1  }
0x35b: {  	s7 =	sadd.s32 $0x100, s7  }
0x35c: {  	[tilespmem:s23+$0x70] =	vst v1;
	s0 =	rddreg [dreg:$0x11]  }
0x35d: {  	[spmem:s0] =	stream.linear.scatter [tilespmem:s2], [sflag:$0x11], $0x2800, $0x38;
	[tilespmem:$0x1D400] =	vst v63  }
0x35e: {  	_ =	swait.ge [sflag:s5], $0x2800  }
0x35f: {  	[sflag:s5] =	ssyncset.done $0x0  }
0x360: {  	s1 =	simm.s32 $0x13000;
	s30 =	rddreg [dreg:$0xe];
	[sflag:s5] =	ssyncadd.s32 $0xFFFFD800  }
0x361: {  	[spmem:s30] =	stream.linear.scatter [tilespmem:s1], [sflag:$0x11], $0x400, $0x38;
	[tilespmem:$0x1D400] =	vst v63  }
0x362: {  	_ =	swait.ge [sflag:s5], $0x400  }
0x363: {  	[sflag:s5] =	ssyncset.done $0x0  }
0x364: {  	s31 =	rddreg [dreg:$0x14];
	[sflag:s5] =	ssyncadd.s32 $0xFFFFFC00  }
0x365: {  	[spmem:s31] =	stream.linear.scatter [tilespmem:s1], [sflag:$0x11], $0x400, $0x38;
	[tilespmem:$0x1D400] =	vst v63  }
0x366: {  	_ =	swait.ge [sflag:s5], $0x400  }
0x367: {  	[sflag:s5] =	ssyncset.done $0x0  }
0x368: {  	s2 =	rddreg [dreg:$0x15];
	[sflag:s5] =	ssyncadd.s32 $0xFFFFFC00  }
0x369: {  	[spmem:s2] =	stream.linear.scatter [tilespmem:s1], [sflag:$0x11], $0x400, $0x38;
	[tilespmem:$0x1D400] =	vst v63  }
0x36a: {  	_ =	swait.ge [sflag:s5], $0x400  }
0x36b: {  	[sflag:s5] =	ssyncset.done $0x0  }
0x36c: {  	s6 =	rddreg [dreg:$0x16];
	[sflag:s5] =	ssyncadd.s32 $0xFFFFFC00  }
0x36d: {  	[spmem:s6] =	stream.linear.scatter [tilespmem:s1], [sflag:$0x11], $0x400, $0x38;
	[tilespmem:$0x1D400] =	vst v63  }
0x36e: {  	_ =	swait.ge [sflag:s5], $0x400  }
0x36f: {  	[sflag:s5] =	ssyncset.done $0x0  }
0x370: {  	s7 =	rddreg [dreg:$0x17];
	[sflag:s5] =	ssyncadd.s32 $0xFFFFFC00  }
0x371: {  	[spmem:s7] =	stream.linear.scatter [tilespmem:s1], [sflag:$0x11], $0x400, $0x38;
	[tilespmem:$0x1D400] =	vst v63  }
0x372: {  	_ =	swait.ge [sflag:s5], $0x400  }
0x373: {  	[sflag:s5] =	ssyncset.done $0x0  }
0x374: {  	s8 =	rddreg [dreg:$0x18];
	[sflag:s5] =	ssyncadd.s32 $0xFFFFFC00  }
0x375: {  	[spmem:s8] =	stream.linear.scatter [tilespmem:s1], [sflag:$0x11], $0x400, $0x38;
	[tilespmem:$0x1D400] =	vst v63  }
0x376: {  	_ =	swait.ge [sflag:s5], $0x400  }
0x377: {  	[sflag:s5] =	ssyncset.done $0x0  }
0x378: {  	s9 =	rddreg [dreg:$0x19];
	[sflag:s5] =	ssyncadd.s32 $0xFFFFFC00  }
0x379: {  	[spmem:s9] =	stream.linear.scatter [tilespmem:s1], [sflag:$0x11], $0x400, $0x38;
	[tilespmem:$0x1D400] =	vst v63  }
0x37a: {  	_ =	swait.ge [sflag:s5], $0x400  }
0x37b: {  	[sflag:s5] =	ssyncset.done $0x0  }
0x37c: {  	s11 =	rddreg [dreg:$0x1a];
	[sflag:s5] =	ssyncadd.s32 $0xFFFFFC00  }
0x37d: {  	[spmem:s11] =	stream.linear.scatter [tilespmem:s1], [sflag:$0x11], $0x400, $0x38;
	[tilespmem:$0x1D400] =	vst v63  }
0x37e: {  	_ =	swait.ge [sflag:s5], $0x400  }
0x37f: {  	[sflag:s5] =	ssyncset.done $0x0  }
0x380: {  	s12 =	rddreg [dreg:$0x1b];
	[sflag:s5] =	ssyncadd.s32 $0xFFFFFC00  }
0x381: {  	[spmem:s12] =	stream.linear.scatter [tilespmem:s1], [sflag:$0x11], $0x400, $0x38;
	[tilespmem:$0x1D400] =	vst v63  }
0x382: {  	_ =	swait.ge [sflag:s5], $0x400  }
0x383: {  	[sflag:s5] =	ssyncset.done $0x0  }
0x384: {  	s13 =	rddreg [dreg:$0x1c];
	[sflag:s5] =	ssyncadd.s32 $0xFFFFFC00  }
0x385: {  	[spmem:s13] =	stream.linear.scatter [tilespmem:s1], [sflag:$0x11], $0x400, $0x38;
	[tilespmem:$0x1D400] =	vst v63  }
0x386: {  	_ =	swait.ge [sflag:s5], $0x400  }
0x387: {  	[sflag:s5] =	ssyncset.done $0x0  }
0x388: {  	s16 =	rddreg [dreg:$0x1d];
	[sflag:s5] =	ssyncadd.s32 $0xFFFFFC00  }
0x389: {  	[spmem:s16] =	stream.linear.scatter [tilespmem:s1], [sflag:$0x11], $0x400, $0x38;
	[tilespmem:$0x1D400] =	vst v63  }
0x38a: {  	_ =	swait.ge [sflag:s5], $0x400  }
0x38b: {  	[sflag:s5] =	ssyncset.done $0x0  }
0x38c: {  	s17 =	rddreg [dreg:$0x1e];
	[sflag:s5] =	ssyncadd.s32 $0xFFFFFC00  }
0x38d: {  	[spmem:s17] =	stream.linear.scatter [tilespmem:s1], [sflag:$0x11], $0x400, $0x38;
	[tilespmem:$0x1D400] =	vst v63  }
0x38e: {  	_ =	swait.ge [sflag:s5], $0x400  }
0x38f: {  	[sflag:s5] =	ssyncset.done $0x0  }
0x390: {  	s22 =	rddreg [dreg:$0x1f];
	[sflag:s5] =	ssyncadd.s32 $0xFFFFFC00  }
0x391: {  	[spmem:s22] =	stream.linear.scatter [tilespmem:s1], [sflag:$0x11], $0x400, $0x38;
	[tilespmem:$0x1D400] =	vst v63  }
0x392: {  	_ =	swait.ge [sflag:s5], $0x400  }
0x393: {  	s23 =	sld [smem:$0x7F7]  }
0x394: {  	[sflag:s5] =	ssyncset.done $0x0  }
0x395: {  	[sflag:s5] =	ssyncadd.s32 $0xFFFFFC00  }
0x396: {  	[spmem:s23] =	stream.linear.scatter [tilespmem:s1], [sflag:$0x11], $0x400, $0x38;
	[tilespmem:$0x1D400] =	vst v63  }
0x397: {  	_ =	swait.ge [sflag:s5], $0x400  }
0x398: {  	s24 =	sld [smem:$0x7F8]  }
0x399: {  	[sflag:s5] =	ssyncset.done $0x0  }
0x39a: {  	[sflag:s5] =	ssyncadd.s32 $0xFFFFFC00  }
0x39b: {  	[spmem:s24] =	stream.linear.scatter [tilespmem:s1], [sflag:$0x11], $0x400, $0x38;
	[tilespmem:$0x1D400] =	vst v63  }
0x39c: {  	_ =	swait.ge [sflag:s5], $0x400  }
0x39d: {  	s25 =	sld [smem:$0x7F9]  }
0x39e: {  	[sflag:s5] =	ssyncset.done $0x0  }
0x39f: {  	[sflag:s5] =	ssyncadd.s32 $0xFFFFFC00  }
0x3a0: {  	[spmem:s25] =	stream.linear.scatter [tilespmem:s1], [sflag:$0x11], $0x400, $0x38;
	[tilespmem:$0x1D400] =	vst v63  }
0x3a1: {  	_ =	swait.ge [sflag:s5], $0x400  }
0x3a2: {  	s26 =	sld [smem:$0x7FA]  }
0x3a3: {  	[sflag:s5] =	ssyncset.done $0x0  }
0x3a4: {  	[sflag:s5] =	ssyncadd.s32 $0xFFFFFC00  }
0x3a5: {  	[spmem:s26] =	stream.linear.scatter [tilespmem:s1], [sflag:$0x11], $0x400, $0x38;
	[tilespmem:$0x1D400] =	vst v63  }
0x3a6: {  	_ =	swait.ge [sflag:s5], $0x400  }
0x3a7: {  	s28 =	sld [smem:$0x7FB]  }
0x3a8: {  	[sflag:s5] =	ssyncset.done $0x0  }
0x3a9: {  	[sflag:s5] =	ssyncadd.s32 $0xFFFFFC00  }
0x3aa: {  	[spmem:s28] =	stream.linear.scatter [tilespmem:s1], [sflag:$0x11], $0x400, $0x38;
	[tilespmem:$0x1D400] =	vst v63  }
0x3ab: {  	_ =	swait.ge [sflag:s5], $0x400  }
0x3ac: {  	s29 =	sld [smem:$0x7FC]  }
0x3ad: {  	[sflag:s5] =	ssyncset.done $0x0  }
0x3ae: {  	[sflag:s5] =	ssyncadd.s32 $0xFFFFFC00  }
0x3af: {  	[spmem:s29] =	stream.linear.scatter [tilespmem:s1], [sflag:$0x11], $0x400, $0x38;
	[tilespmem:$0x1D400] =	vst v63  }
0x3b0: {  	_ =	swait.ge [sflag:s5], $0x400  }
0x3b1: {  	s30 =	sld [smem:$0x7FD]  }
0x3b2: {  	[sflag:s5] =	ssyncset.done $0x0  }
0x3b3: {  	[sflag:s5] =	ssyncadd.s32 $0xFFFFFC00  }
0x3b4: {  	[spmem:s30] =	stream.linear.scatter [tilespmem:s1], [sflag:$0x11], $0x400, $0x38;
	[tilespmem:$0x1D400] =	vst v63  }
0x3b5: {  	_ =	swait.ge [sflag:s5], $0x400  }
0x3b6: {  	s31 =	sld [smem:$0x7F3];
	_ =	sdelay $0x2  }
0x3b7: {  	s0 =	sadd.s32 $0x1, s31  }
0x3b8: {  	p0 =	sne.s32 s0, $0xA  }
.Ltmp4:
0x3b9: {  	_ = 	snop;
	(pc) =	sbr.rel @p0 .LBB2_2-.Ltmp4, $3  }
0x3ba: {  	[sflag:s5] =	ssyncset.done $0x0  }
0x3bb: {  	[sflag:s5] =	ssyncadd.s32 $0xFFFFFC00  }
0x3bc: {  	[bflag:$0x0] =	sbarrier.arrive $0xFFFF;
	_ =	sdelay $0x1  }
0x3bd: {  	s1 =	sld [smem:$0x7F5]  }
0x3be: {  	s2 =	sld [smem:$0x7F6];
	_ =	sdelay $0x1  }
0x3bf: {  	s0 =	rddreg [dreg:$0x12]  }
0x3c0: {  	[hbm:s0], [sflag:s1] =	dma.local [spmem:s2], $0xA00  }
0x3c1: {  	_ =	swait.ge [sflag:s5], $0xA00  }
0x3c2: {  	s30 =	sld [smem:$0x7F4];
	_ =	sdelay $0x2  }
0x3c3: {  	s31 =	rddreg [dreg:$0x13];
	s1 =	sadd.s32 $0x1, s30  }
0x3c4: {  	p0 =	sne.s32 s1, s31  }
.Ltmp5:
0x3c5: {  	_ = 	snop;
	(pc) =	sbr.rel @p0 .LBB2_1-.Ltmp5, $3  }
0x3c6: {  	_ =	sdelay $0x1  }
0x3c7: {  	[sflag:s5] =	ssyncset.done $0x0  }
0x3c8: {  	[sflag:s5] =	ssyncadd.s32 $0xFFFFF600  }
0x3c9: {  	_ =	sfence.sel $0x180000  }
0x3ca: {  	[bflag:$0x0] =	sbarrier.arrive $0xFFFF  }
0x3cb: {  	_ =	strace $0x9000004A  }
0x3cc: {  	s0 =	stileid.u32;
	[bflag:$0x2] =	sbarrier.arrive $0xFFFF  }
0x3cd: {  	p0 =	sne.s32 s0, $0x0;
	s0 =	rddreg [dreg:$0x4]  }
0x3ce: {  	s0 =	sadd.s32 @!p0 $0x100000, s0  }
0x3cf: {  	[sflag:s0] =	ssyncadd.tile.s32 @!p0 $0x1;
	_ =	shalt  }
.Lfunc_end2:
_tile_overlayer_lowered:
.L_overlay_start_2:
0x3d0: {  	(tag) =	ssettag $0x2  }
0x3d1: {  	s0 =	rddreg [dreg:$0x0];
	s2 =	stileid.u32  }
0x3d2: {  	s1 =	rddreg [dreg:$0x1];
	p0 =	sne.s32 s2, $0x0  }
0x3d3: {  	s3 =	rddreg [dreg:$0x2];
	[bflag:$0x3] =	sbarrier.arrive $0xFFFF;
	s2 =	simm.s32 @!p0 $0x1C11  }
0x3d4: {  	[timem:s3], [sflag:s2] =	dma.local @!p0 [hbm:s0], s1  }
0x3d5: {  	s0 =	simm.s32 @!p0 $0x11  }
0x3d6: {  	_ =	swait.ge @!p0 [sflag:s0], s1  }
0x3d7: {  	s1 =	ssub.s32 @!p0 $0x0, s1;
	[sflag:s0] =	ssyncset.done @!p0 $0x0  }
0x3d8: {  	[sflag:s0] =	ssyncadd.s32 @!p0 s1  }
0x3d9: {  	[bflag:$0x3] =	sbarrier.arrive $0xFFFF  }
0x3da: {  	_ =	shalt  }

// kernel: kernel.7.cloned.1.call-start
scs
__scs_entry_jumppad:
0x0: {  	(pc) =	sbr.rel $0x88, $3  }
0x1: {  	(tag) =	ssettag $0x0;
	lr =	simm.s32 $0x1  }
0x2: {  	[smem:$0x3F9B] =	sst lr;
	_ =	strace $0xD0000000  }
0x3: {  	_ = 	snop  }
0x4: {  	_ = 	snop  }
0x5: {  	_ = 	snop  }
0x6: {  	_ = 	snop  }
0x7: {  	_ = 	snop  }
__scs_overlays_trampoline_lowered:
0x8: {  	[smem:$0x3FAA] =	sst s0  }
0x9: {  	[smem:$0x3FAB] =	sst s1  }
0xa: {  	[smem:$0x3FAC] =	sst s2  }
0xb: {  	[smem:$0x3FAD] =	sst s3  }
0xc: {  	[smem:$0x3FAE] =	sst s4  }
0xd: {  	[smem:$0x3FAF] =	sst s5  }
0xe: {  	[smem:$0x3FB0] =	sst s6  }
0xf: {  	[smem:$0x3FB1] =	sst s7  }
0x10: {  	[smem:$0x3FB2] =	sst s8  }
0x11: {  	[smem:$0x3FB3] =	sst s9;
	s0 =	simm.s32 @!p0 $0x0  }
0x12: {  	s1 =	sld [smem:$0x3F99];
	s0 =	simm.s32 @p0 $0x1  }
0x13: {  	[smem:$0x3FB4] =	sst s0;
	s0 =	simm.s32 @!p1 $0x0  }
0x14: {  	s2 =	sld [smem:$0x3F98];
	s0 =	simm.s32 @p1 $0x1  }
0x15: {  	[smem:$0x3FB5] =	sst s0;
	s0 =	simm.s32 @!p2 $0x0  }
0x16: {  	s3 =	sld [smem:$0x3FDB];
	s0 =	simm.s32 @p2 $0x1  }
0x17: {  	s4 =	simm.s32 $0x1BF5;
	[smem:$0x3FB7] =	sst s0  }
0x18: {  	s0 =	sld [smem:$0x3F9A];
	_ =	swait.ge [sflag:s4], $0x0  }
0x19: {  	s7 =	sld [smem:$0x3F9B]  }
0x1a: {  	s8 =	sadd.s32 $0xFFFFE003, lr  }
0x1b: {  	s9 =	sadd.s32 $0xFFFFFEF7, lr;
	s5 =	simm.s32 $0xFFFFFFFF;
	p2 =	slt.u32 s8, $0xFFFFF086  }
0x1c: {  	p1 =	slt.u32 s9, $0xF7A;
	s5 =	simm.s32 @!p2 $0x0  }
0x1d: {  	s5 =	simm.s32 @p1 $0x1;
	p0 =	seq.s32 s7, s2  }
0x1e: {  	s7 =	smul.u32 @!p0 $0xF7A, s2;
	p2 =	seq.s32 @!p0 s5, $0x0  }
0x1f: {  	s9 =	smul.u32 $0xF7A, s1;
	s8 =	simm.s32 @!p0 $0x1BF5;
	p2 =	por !p2, p0  }
0x20: {  	[sflag:s8] =	ssyncset.s32 @!p0 $0xFFFFF086;
	s6 =	sadd.s32 @!p0 s3, s7;
	s7 =	simm.s32 @!p0 $0x108  }
0x21: {  	s3 =	sadd.s32 s3, s9;
	s6 =	sadd.s32 @!p0 $0x88, s6;
	s7 =	simm.s32 @p2 $0x1082  }
0x22: {  	[simem:s7], [sflag:s8] =	dma.local @!p0 [hbm:s6], $0xF7A  }
0x23: {  	s9 =	sor.u32 $0xD0000000, s2;
	s6 =	simm.s32 $0x108;
	_ =	swait.ge @!p0 [sflag:s8], $0x0  }
0x24: {  	s3 =	sadd.s32 $0x88, s3;
	s6 =	simm.s32 @!p1 $0x1082;
	[sflag:s4] =	ssyncset.s32 $0xFFFFF086  }
0x25: {  	[simem:s6], [sflag:s4] =	dma.local [hbm:s3], $0xF7A  }
0x26: {  	[smem:$0x3F9B] =	sst s1;
	(tag) =	ssettag s2;
	_ =	strace s9  }
0x27: {  	s1 =	sld [smem:$0x3FAB]  }
0x28: {  	s2 =	sld [smem:$0x3FAC]  }
0x29: {  	s4 =	sld [smem:$0x3FAE]  }
0x2a: {  	p0 =	seq.s32 s5, $0x0;
	s5 =	sld [smem:$0x3FAF]  }
0x2b: {  	s6 =	sld [smem:$0x3FB0]  }
0x2c: {  	s7 =	sld [smem:$0x3FB1]  }
0x2d: {  	s3 =	simm.s32 $0x108;
	s8 =	sld [smem:$0x3FB2]  }
0x2e: {  	s3 =	simm.s32 @!p0 $0x1082;
	s9 =	sld [smem:$0x3FB3]  }
0x2f: {  	lr =	sadd.s32 s0, s3;
	s0 =	sld [smem:$0x3FAA]  }
0x30: {  	s3 =	sld [smem:$0x3FAD]  }
0x31: {  	[smem:$0x3FB6] =	sst s10  }
0x32: {  	s10 =	sld [smem:$0x3FB4];
	_ =	sdelay $0x3  }
0x33: {  	p0 =	seq.s32 s10, $0x1;
	s10 =	sld [smem:$0x3FB6];
	_ =	sdelay $0x3  }
0x34: {  	[smem:$0x3FB6] =	sst s10  }
0x35: {  	s10 =	sld [smem:$0x3FB5];
	_ =	sdelay $0x3  }
0x36: {  	p1 =	seq.s32 s10, $0x1;
	s10 =	sld [smem:$0x3FB6];
	_ =	sdelay $0x3  }
0x37: {  	[smem:$0x3FB6] =	sst s10  }
0x38: {  	s10 =	sld [smem:$0x3FB7]  }
0x39: {  	_ = 	snop;
	(pc) =	sbr.ind lr, $3  }
0x3a: {  	_ = 	snop  }
0x3b: {  	_ = 	snop  }
0x3c: {  	p2 =	seq.s32 s10, $0x1;
	s10 =	sld [smem:$0x3FB6]  }
0x3d: {  	_ =	shalt  }
0x3e: {  	_ =	shalt  }
0x3f: {  	_ =	shalt  }
0x40: {  	_ =	shalt  }
0x41: {  	_ =	shalt  }
0x42: {  	_ =	shalt  }
0x43: {  	_ =	shalt  }
0x44: {  	_ =	shalt  }
0x45: {  	_ =	shalt  }
0x46: {  	_ =	shalt  }
0x47: {  	_ =	shalt  }
0x48: {  	_ =	shalt  }
0x49: {  	_ =	shalt  }
0x4a: {  	_ =	shalt  }
0x4b: {  	_ =	shalt  }
0x4c: {  	_ =	shalt  }
0x4d: {  	_ =	shalt  }
0x4e: {  	_ =	shalt  }
0x4f: {  	_ =	shalt  }
0x50: {  	_ =	shalt  }
0x51: {  	_ =	shalt  }
0x52: {  	_ =	shalt  }
0x53: {  	_ =	shalt  }
0x54: {  	_ =	shalt  }
0x55: {  	_ =	shalt  }
0x56: {  	_ =	shalt  }
0x57: {  	_ =	shalt  }
0x58: {  	_ =	shalt  }
0x59: {  	_ =	shalt  }
0x5a: {  	_ =	shalt  }
0x5b: {  	_ =	shalt  }
0x5c: {  	_ =	shalt  }
0x5d: {  	_ =	shalt  }
0x5e: {  	_ =	shalt  }
0x5f: {  	_ =	shalt  }
0x60: {  	_ =	shalt  }
0x61: {  	_ =	shalt  }
0x62: {  	_ =	shalt  }
0x63: {  	_ =	shalt  }
0x64: {  	_ =	shalt  }
0x65: {  	_ =	shalt  }
0x66: {  	_ =	shalt  }
0x67: {  	_ =	shalt  }
0x68: {  	_ =	shalt  }
0x69: {  	_ =	shalt  }
0x6a: {  	_ =	shalt  }
0x6b: {  	_ =	shalt  }
0x6c: {  	_ =	shalt  }
0x6d: {  	_ =	shalt  }
0x6e: {  	_ =	shalt  }
0x6f: {  	_ =	shalt  }
0x70: {  	_ =	shalt  }
0x71: {  	_ =	shalt  }
0x72: {  	_ =	shalt  }
0x73: {  	_ =	shalt  }
0x74: {  	_ =	shalt  }
0x75: {  	_ =	shalt  }
0x76: {  	_ =	shalt  }
0x77: {  	_ =	shalt  }
0x78: {  	_ =	shalt  }
0x79: {  	_ =	shalt  }
0x7a: {  	_ =	shalt  }
0x7b: {  	_ =	shalt  }
0x7c: {  	_ =	shalt  }
0x7d: {  	_ =	shalt  }
0x7e: {  	_ =	shalt  }
0x7f: {  	_ =	shalt  }
0x80: {  	_ =	shalt  }
0x81: {  	_ =	shalt  }
0x82: {  	_ =	shalt  }
0x83: {  	_ =	shalt  }
0x84: {  	_ =	shalt  }
0x85: {  	_ =	shalt  }
0x86: {  	_ =	shalt  }
0x87: {  	_ =	shalt  }
.Lfunc_end0:
.L_simem_size_0:
called_computation_lowered:
.L_overlay_start_0:
0x88: {  	s2 =	sld [smem:$0x3FD9]  }
0x89: {  	s3 =	sld [smem:$0x3FFE];
	_ =	sdelay $0x1  }
0x8a: {  	s1 =	srdreg.scid  }
0x8b: {  	s0 =	sand.u32 $0x1, s1  }
0x8c: {  	s16 =	sshll.u32 s0, $0xA;
	s2 =	sadd.s32 s3, s2  }
0x8d: {  	s2 =	sadd.s32 s2, s16  }
0x8e: {  	[smem:$0x3FC2] =	sst s2  }
0x8f: {  	_ = 	snop  }
0x90: {  	(tm) =	ssettm $0x1  }
0x91: {  	s17 =	sld [smem:$0x3FFB];
	_ =	sdelay $0x3  }
0x92: {  	_ =	strace s17  }
0x93: {  	s2 =	sld [smem:$0x3FFC];
	_ =	sdelay $0x3  }
0x94: {  	_ =	strace s2  }
0x95: {  	s2 =	sld [smem:$0x3FFD];
	_ =	sdelay $0x3  }
0x96: {  	_ =	strace s2  }
0x97: {  	_ =	strace $0x8FFFFFFF  }
0x98: {  	s18 =	sld [smem:$0x3FDB];
	_ =	sdelay $0x1  }
0x99: {  	s19 =	simm.s32 $_scs_section_size  }
0x9a: {  	s4 =	simm.s32 $_size__tile_overlayer_lowered;
	s5 =	simm.s32 $_tile_overlayer_lowered  }
0x9b: {  	s22 =	simm.s32 $0x1BFF;
	s21 =	sshll.u32 s5, $0x1;
	s2 =	sadd.s32 s19, s18  }
0x9c: {  	s6 =	simm.s32 $0x0;
	s20 =	sshll.u32 s4, $0x1;
	s4 =	sadd.s32 s21, s2  }
0x9d: {  	[timem:s6], [sflag:s22] =	dma.local [hbm:s4], s20  }
0x9e: {  	_ =	swait.ge [sflag:s22], s20  }
0x9f: {  	s3 =	ssub.s32 $0x0, s20;
	[sflag:s22] =	ssyncset.done $0x0  }
0xa0: {  	[sflag:s22] =	ssyncadd.s32 s3;
	_ =	sdelay $0x1  }
0xa1: {  	s23 =	simm.s32 $0x1B8B  }
0xa2: {  	_ =	swait.ge [sflag:s23], $0x1  }
0xa3: {  	[sflag:s23] =	ssyncset.done $0x0  }
0xa4: {  	s25 =	simm.s32 $0x1B8E;
	s24 =	sld [smem:$0x3FFE];
	[sflag:s23] =	ssyncadd.s32 $0xFFFFFFFF  }
0xa5: {  	s26 =	simm.s32 $execute0_lowered;
	[smem:$0x3FD2] =	sst s25  }
0xa6: {  	s4 =	sshll.u32 s26, $0x1;
	_ =	strace $0x80000046;
	[dreg:$0x1] =	wrdreg $0xFFFFFFFF  }
0xa7: {  	s28 =	simm.s32 $_size_execute0_lowered;
	s2 =	sadd.s32 s2, s4;
	[dreg:$0x0] =	wrdreg $0x0  }
0xa8: {  	s4 =	sshll.u32 s28, $0x1;
	[dreg:$0x2] =	wrdreg s2  }
0xa9: {  	[dreg:$0x3] =	wrdreg s4  }
0xaa: {  	[dreg:$0x4] =	wrdreg $0xC0  }
0xab: {  	_ =	task [dreg:s6], $0x5FFFF  }
0xac: {  	[dreg:$0x1] =	wrdreg $0xFFFFFFFF  }
0xad: {  	[dreg:$0x0] =	wrdreg $0x60  }
0xae: {  	[dreg:$0x2] =	wrdreg s24  }
0xaf: {  	[dreg:$0x3] =	wrdreg $0x29000  }
0xb0: {  	[dreg:$0x4] =	wrdreg $0x9  }
0xb1: {  	_ =	task.clear_ibuf [dreg:s6], $0x5FFFF;
	_ =	strace $0x90000046  }
0xb2: {  	s29 =	simm.s32 $0x9;
	_ =	strace $0x80000048  }
0xb3: {  	_ =	swait.ge [sflag:s29], $0x1  }
0xb4: {  	[sflag:s29] =	ssyncadd.s32 $0xFFFFFFFF  }
0xb5: {  	_ =	strace $0x90000048  }
0xb6: {  	_ =	sfence  }
0xb7: {  	s30 =	sld [smem:$0x0];
	_ =	sdelay $0x2  }
0xb8: {  	s31 =	sshll.u32 s1, $0xD;
	s1 =	sshrl.u32 s1, $0x2  }
0xb9: {  	s3 =	sand.u32 $0x4000, s31;
	s1 =	sadd.s32 s1, s30  }
0xba: {  	s0 =	sor.u32 s3, s0;
	s1 =	sshll.u32 s1, $0x11  }
0xbb: {  	s0 =	sor.u32 s1, s0  }
0xbc: {  	s0 =	sadd.s32 $0x8F2B, s0  }
0xbd: {  	[sflag:s0] =	ssyncadd.remote.s32 $0x1  }
0xbe: {  	_ =	sfence.sel $0xFFFF  }
0xbf: {  	[dreg:$0x0] =	wrdreg $0xFFFFFFFF;
	(pc) =	sbr.abs _section_cstart, $3  }
0xc0: {  	[dreg:$0x1] =	wrdreg $0xFFFFFFFF  }
0xc1: {  	_ =	task.clear_ibuf [dreg:s6], $0x2FFFF;
	_ =	strace $0x9FFFFFFF  }
0xc2: {  	(tm) =	ssettm $0x7FFFFFFF  }
0xc3: {  	_ =	shalt  }
tec
execute0_lowered:
.L_overlay_start_1:
0x0: {  	(tag) =	ssettag $0x1  }
0x1: {  	s0 =	srdreg.scid;
	s4 =	rddreg [dreg:$0x0]  }
0x2: {  	s14 =	stileid.u32;
	s1 =	rddreg [dreg:$0x1]  }
0x3: {  	s2 =	simm.s32 $0x0;
	s11 =	simm.s32 $0x2880;
	s12 =	simm.s32 $0x1  }
0x4: {  	s13 =	simm.s32 $0x80;
	s3 =	sand.u32 $0x1, s0;
	s0 =	rddreg [dreg:$0x2]  }
0x5: {  	s16 =	simm.s32 $0x0;
	[smem:$0x7FF] =	sst s2;
	s5 =	sshll.u32 s3, $0x4  }
0x6: {  	s7 =	smul.u32 $0xA00, s14;
	p0 =	sne.s32 s14, $0x0;
	s6 =	sor.u32 s14, s5  }
0x7: {  	s3 =	ssub.s32 $0x2, s3;
	_ =	strace $0x80000047;
	s6 =	smul.u32 $0x500, s6  }
0x8: {  	s15 =	sshrl.u32 @!p0 s1, $0x3;
	s8 =	sshrl.u32 s3, $0x1;
	s31 =	sshrl.u32 s7, $0x2  }
0x9: {  	s14 =	simm.s32 $0x2800;
	s8 =	ssub.s32 s3, s8;
	s6 =	sadd.s32 s6, s4  }
0xa: {  	s4 =	sadd.s32 s5, s4;
	s5 =	sadd.s32 s31, s1;
	s3 =	sadd.s32 $0x1600, s6  }
0xb: {  	s4 =	sadd.s32 $0xB600, s4;
	s6 =	smax.u32 s8, $0x1;
	s7 =	sadd.s32 $0x80, s5  }
0xc: {  	v0 =	vimm.f32 $1.000000000e+00;
	v1 =	vimm.f32 $0.0e+00;
	s8 =	sadd.s32 $0x100, s5;
	s9 =	sadd.s32 $0x180, s5;
	s10 =	sadd.s32 $0x200, s5  }
.LBB2_1:
0xd: {  	[tilespmem:$0x2800] =	vst v0  }
0xe: {  	[tilespmem:$0x2880] =	vst v1  }
0xf: {  	[tilespmem:$0x2810] =	vst v0  }
0x10: {  	[tilespmem:$0x2890] =	vst v1  }
0x11: {  	[tilespmem:$0x2820] =	vst v0  }
0x12: {  	[tilespmem:$0x28A0] =	vst v1  }
0x13: {  	[tilespmem:$0x2830] =	vst v0  }
0x14: {  	[tilespmem:$0x28B0] =	vst v1  }
0x15: {  	[tilespmem:$0x2840] =	vst v0  }
0x16: {  	[tilespmem:$0x28C0] =	vst v1  }
0x17: {  	[tilespmem:$0x2850] =	vst v0  }
0x18: {  	[tilespmem:$0x28D0] =	vst v1  }
0x19: {  	[tilespmem:$0x2860] =	vst v0  }
0x1a: {  	[tilespmem:$0x28E0] =	vst v1  }
0x1b: {  	[tilespmem:$0x2870] =	vst v0  }
0x1c: {  	[tilespmem:$0x28F0] =	vst v1  }
0x1d: {  	[spmem:s5] =	stream.linear.scatter [tilespmem:s11], [sflag:$0x1], $0x80, $0x38;
	[tilespmem:$0x2B80] =	vst v63  }
0x1e: {  	_ =	swait.ge [sflag:s12], $0x80  }
0x1f: {  	[sflag:s12] =	ssyncset.done $0x0  }
0x20: {  	[sflag:s12] =	ssyncadd.s32 $0xFFFFFF80  }
0x21: {  	[spmem:s7] =	stream.linear.scatter [tilespmem:s11], [sflag:$0x1], $0x80, $0x38;
	[tilespmem:$0x2B80] =	vst v63  }
0x22: {  	_ =	swait.ge [sflag:s12], $0x80  }
0x23: {  	[sflag:s12] =	ssyncset.done $0x0  }
0x24: {  	[sflag:s12] =	ssyncadd.s32 $0xFFFFFF80  }
0x25: {  	[spmem:s8] =	stream.linear.scatter [tilespmem:s11], [sflag:$0x1], $0x80, $0x38;
	[tilespmem:$0x2B80] =	vst v63  }
0x26: {  	_ =	swait.ge [sflag:s12], $0x80  }
0x27: {  	[sflag:s12] =	ssyncset.done $0x0  }
0x28: {  	[sflag:s12] =	ssyncadd.s32 $0xFFFFFF80  }
0x29: {  	[spmem:s9] =	stream.linear.scatter [tilespmem:s11], [sflag:$0x1], $0x80, $0x38;
	[tilespmem:$0x2B80] =	vst v63  }
0x2a: {  	_ =	swait.ge [sflag:s12], $0x80  }
0x2b: {  	[sflag:s12] =	ssyncset.done $0x0  }
0x2c: {  	[sflag:s12] =	ssyncadd.s32 $0xFFFFFF80  }
0x2d: {  	[spmem:s10] =	stream.linear.scatter [tilespmem:s11], [sflag:$0x1], $0x80, $0x38;
	[tilespmem:$0x2B80] =	vst v63  }
0x2e: {  	_ =	swait.ge [sflag:s12], $0x80  }
0x2f: {  	[sflag:s12] =	ssyncset.done $0x0  }
0x30: {  	[sflag:s12] =	ssyncadd.s32 $0xFFFFFF80  }
0x31: {  	[tilespmem:s2], [sflag:$0x1] =	stream.linear.gather [hbm4b:s3+s2], $0x2800, $0x38;
	[tilespmem:$0x2B80] =	vst v63  }
0x32: {  	_ =	swait.ge [sflag:s12], $0x2800  }
0x33: {  	[sflag:s12] =	ssyncset.done $0x0  }
0x34: {  	[sflag:s12] =	ssyncadd.s32 $0xFFFFD800  }
0x35: {  	s17 =	simm.s32 $0x0;
	[bflag:$0x0] =	sbarrier.arrive $0xFFFF  }
0x36: {  	[spmem:s1] =	stream.indirect.scatter.add.f32 [tilespmem:s14], [sflag:$0x1], $0x1, s17, s13, $0xb8;
	[tilespmem:$0x2B80] =	vst v63  }
0x37: {  	_ =	swait.ge [sflag:s12], $0x80  }
0x38: {  	s17 =	simm.s32 $0x200;
	[sflag:s12] =	ssyncset.done $0x0  }
.LBB2_2:
0x39: {  	s18 =	sshra.s32 s17, $0x2;
	[sflag:s12] =	ssyncadd.s32 $0xFFFFFF80;
	p1 =	sne.s32 s17, $0x9E00  }
0x3a: {  	[spmem:s1] =	stream.indirect.scatter.add.f32 [tilespmem:s14], [sflag:$0x1], $0x1, s18, s13, $0xb8;
	[tilespmem:$0x2B80] =	vst v63  }
.Ltmp0:
0x3b: {  	_ = 	snop;
	(pc) =	sbr.rel @p1 .LBB2_2-.Ltmp0, $4  }
0x3c: {  	_ = 	snop  }
0x3d: {  	s17 =	sadd.s32 $0x200, s17  }
0x3e: {  	_ =	swait.ge [sflag:s12], $0x80  }
0x3f: {  	[sflag:s12] =	ssyncset.done $0x0  }
0x40: {  	[sflag:s12] =	ssyncadd.s32 $0xFFFFFF80;
	s17 =	simm.s32 @!p0 $0x1;
	s16 =	sadd.s32 $0x1, s16  }
0x41: {  	s18 =	simm.s32 @!p0 $0x20;
	s19 =	simm.s32 @!p0 $0x10;
	p1 =	sne.s32 s16, s6  }
.Ltmp1:
0x42: {  	s20 =	simm.s32 @!p0 $0x1C01;
	[bflag:$0x0] =	sbarrier.arrive $0xFFFF;
	(pc) =	sbr.rel @p1 .LBB2_1-.Ltmp1, $4  }
0x43: {  	[hbm:s4@s18], [sflag:s20] =	dma.strided @!p0 [spmem:s15@s19], $0x500, s17, $0x10   }
0x44: {  	_ =	swait.ge @!p0 [sflag:s17], $0x500  }
0x45: {  	[sflag:s17] =	ssyncset.done @!p0 $0x0  }
0x46: {  	[sflag:s17] =	ssyncadd.s32 @!p0 $0xFFFFFB00  }
0x47: {  	_ =	sfence.sel $0x180000  }
0x48: {  	[bflag:$0x0] =	sbarrier.arrive $0xFFFF  }
0x49: {  	_ =	strace $0x90000047  }
0x4a: {  	s0 =	sadd.s32 @!p0 $0x100000, s0;
	[bflag:$0x2] =	sbarrier.arrive $0xFFFF  }
0x4b: {  	[sflag:s0] =	ssyncadd.tile.s32 @!p0 $0x1;
	_ =	shalt  }
.Lfunc_end2:
_tile_overlayer_lowered:
.L_overlay_start_2:
0x4c: {  	(tag) =	ssettag $0x2  }
0x4d: {  	s0 =	rddreg [dreg:$0x0];
	s2 =	stileid.u32  }
0x4e: {  	s1 =	rddreg [dreg:$0x1];
	p0 =	sne.s32 s2, $0x0  }
0x4f: {  	s3 =	rddreg [dreg:$0x2];
	[bflag:$0x3] =	sbarrier.arrive $0xFFFF;
	s2 =	simm.s32 @!p0 $0x1C01  }
0x50: {  	[timem:s3], [sflag:s2] =	dma.local @!p0 [hbm:s0], s1  }
0x51: {  	s0 =	simm.s32 @!p0 $0x1  }
0x52: {  	_ =	swait.ge @!p0 [sflag:s0], s1  }
0x53: {  	s1 =	ssub.s32 @!p0 $0x0, s1;
	[sflag:s0] =	ssyncset.done @!p0 $0x0  }
0x54: {  	[sflag:s0] =	ssyncadd.s32 @!p0 s1  }
0x55: {  	[bflag:$0x3] =	sbarrier.arrive $0xFFFF  }
0x56: {  	_ =	shalt  }

</sc_bundles>
